<compile_context>
chip_gen: v7x
topology: tpu7x:2x2x1
jax: 0.10.2.dev20260603
libtpu: 0.0.44.dev20260713+nightly
codegen_flags: <defaults>
</compile_context>

<pallas_src>
import functools

import jax
import jax.numpy as jnp
from jax import lax
from jax.experimental import pallas as pl
from jax.experimental.pallas import tpu as pltpu
from jax.experimental.pallas import tpu_sc as plsc

_NC = 2
_NS = 16
_NW = _NC * _NS


def _build(B, F, V, D):
    N = B * F
    CHUNK = 128
    TW = N // _NW
    MEGA = 8
    n_mega = TW // (MEGA * CHUNK)
    assert TW % (MEGA * CHUNK) == 0

    mesh = plsc.VectorSubcoreMesh(core_axis_name="c", subcore_axis_name="s")

    @functools.partial(
        pl.kernel,
        out_type=jax.ShapeDtypeStruct((N, D), jnp.float32),
        mesh=mesh,
        compiler_params=pltpu.CompilerParams(use_tc_tiling_on_sc=False),
        scratch_types=[
            pltpu.VMEM((TW,), jnp.int32),
            pltpu.VMEM((MEGA * CHUNK, D), jnp.float32),
            pltpu.VMEM((MEGA * CHUNK, D), jnp.float32),
            pltpu.SemaphoreType.DMA,
            pltpu.SemaphoreType.DMA,
            pltpu.SemaphoreType.DMA,
        ],
    )
    def k(idx_hbm, tab_hbm, out_hbm, idx_v, r0, r1, gs0, gs1, osem):
        wid = lax.axis_index("s") * _NC + lax.axis_index("c")
        base = wid * TW
        rows = (r0, r1)
        gsems = (gs0, gs1)
        pend_g = [None, None]
        pend_o = [None, None]

        pltpu.sync_copy(idx_hbm.at[pl.ds(base, TW)], idx_v)

        def issue(m):
            pb = m & 1
            pend_g[pb] = [
                pltpu.async_copy(
                    tab_hbm.at[idx_v.at[pl.ds((m * MEGA + j) * CHUNK, CHUNK)]],
                    rows[pb].at[pl.ds(j * CHUNK, CHUNK)],
                    gsems[pb],
                )
                for j in range(MEGA)
            ]

        issue(0)
        for m in range(n_mega):
            pb = m & 1
            if m + 1 < n_mega:
                if pend_o[1 - pb] is not None:
                    pend_o[1 - pb].wait()
                    pend_o[1 - pb] = None
                issue(m + 1)
            for c in pend_g[pb]:
                c.wait()
            pend_o[pb] = pltpu.async_copy(
                rows[pb],
                out_hbm.at[pl.ds(base + m * MEGA * CHUNK, MEGA * CHUNK)],
                osem,
            )
        for h in pend_o:
            if h is not None:
                h.wait()

    return k


def kernel(indices, tables):
    B, F = indices.shape
    _, V, D = tables.shape
    adj = (indices + jnp.arange(F, dtype=indices.dtype)[None, :] * V).reshape(-1)
    tab_flat = tables.reshape(F * V, D)
    out = _build(B, F, V, D)(adj, tab_flat)
    return out.reshape(B, F * D)

# --- scband reference (transcript-rebuilt; emitter-appended) ---
"""Pipeline reference for scband-tokenizer-91147795956020 (READ-ONLY COPY).

The authoritative reference and input builder live on the scoring server;
editing this copy changes nothing except your own understanding.
"""

import jax, jax.numpy as jnp
import numpy as np

NUM_FIELDS = 26
VOCAB = 100000
DIM = 16
BATCH = 16384


def setup_inputs(seed: int = 0) -> dict:
    key = jax.random.key(seed)
    k1, k2 = jax.random.split(key)
    # One index column per sparse field: Dict[str, Tensor(B,)] flattened into [B, F]
    indices = jax.random.randint(k1, (BATCH, NUM_FIELDS), 0, VOCAB, dtype=jnp.int32)
    # Per-field nn.Embedding weight tables stacked: [F, vocab, dim]
    tables = jax.random.normal(k2, (NUM_FIELDS, VOCAB, DIM), dtype=jnp.float32) * 0.01
    return {"indices": indices, "tables": tables}


def reference(indices, tables):
    # Tokenizer.look_up: per-field embedding gather (B,) -> (B, d) for each SparseField
    embs = []
    for f in range(NUM_FIELDS):
        e = jnp.take(tables[f], indices[:, f], axis=0)  # (B, DIM)
        embs.append(e)
    # Tokenizer.flatten_cat: List[(B, d)] -> (B, F*d)
    flat = [e.reshape(e.shape[0], -1) for e in embs]
    return jnp.concatenate(flat, axis=1)

if __name__ == "__main__":
    import jax
    _d = setup_inputs()
    print(jax.jit(kernel)(*tuple(_d.values())))

</pallas_src>

<mosaic_0001>
#map = affine_map<(d0, d1) -> (0)>
#map1 = affine_map<(d0, d1) -> (0, 0)>
module attributes {stable_mosaic.version = 14 : i64} {
  func.func @k(%arg0: i32, %arg1: i32, %arg2: memref<425984xi32, #tpu.memory_space<hbm>>, %arg3: memref<2600000x16xf32, #tpu.memory_space<hbm>>, %arg4: memref<425984x16xf32, #tpu.memory_space<hbm>>, %arg5: memref<13312xi32, #tpu.memory_space<vmem>>, %arg6: memref<1024x16xf32, #tpu.memory_space<vmem>>, %arg7: memref<1024x16xf32, #tpu.memory_space<vmem>>, %arg8: memref<!tpu.dma_semaphore, #tpu.memory_space<semaphore_mem>>, %arg9: memref<!tpu.dma_semaphore, #tpu.memory_space<semaphore_mem>>, %arg10: memref<!tpu.dma_semaphore, #tpu.memory_space<semaphore_mem>>) attributes {dimension_semantics = [#tpu.dimension_semantics<core_parallel>, #tpu.dimension_semantics<subcore_parallel>], iteration_bounds = array<i64: 2, 16>, scalar_prefetch = 0 : i64, scratch_operands = 6 : i64, tpu.core_type = #tpu.core_type<sc_vector_subcore>, window_params = [{transform_indices = #map}, {transform_indices = #map1}, {transform_indices = #map1}]} {
    %mul3A = arith.constant 2 : i32
    %mul3A_0 = arith.muli %arg1, %mul3A : i32
    %add3A = arith.addi %mul3A_0, %arg0 : i32
    %mul3A_1 = arith.constant 13312 : i32
    %mul3A_2 = arith.muli %add3A, %mul3A_1 : i32
    "tpu.region"() ({
      %run_scoped3A = tpu.sem_alloc : memref<!tpu.dma_semaphore, #tpu.memory_space<semaphore_mem>>
      %dma_start3A_1795 = tpu.memref_slice %arg2[%mul3A_2] : memref<425984xi32, #tpu.memory_space<hbm>> -> memref<13312xi32, #tpu.memory_space<hbm>>
      %dma_start3A_1796 = tpu.memref_slice %arg2[%mul3A_2] : memref<425984xi32, #tpu.memory_space<hbm>> -> memref<13312xi32, #tpu.memory_space<hbm>>
      tpu.enqueue_dma source(%dma_start3A_1796 : memref<13312xi32, #tpu.memory_space<hbm>>) target(%arg5 : memref<13312xi32, #tpu.memory_space<vmem>>) target_semaphore(%run_scoped3A : memref<!tpu.dma_semaphore, #tpu.memory_space<semaphore_mem>>)
      %dma_wait3A_1797 = tpu.memref_slice %arg2[%mul3A_2] : memref<425984xi32, #tpu.memory_space<hbm>> -> memref<13312xi32, #tpu.memory_space<hbm>>
      %dma_wait3A_1798 = tpu.memref_slice %arg2[%mul3A_2] : memref<425984xi32, #tpu.memory_space<hbm>> -> memref<13312xi32, #tpu.memory_space<hbm>>
      tpu.wait_dma2 semaphore(%run_scoped3A : memref<!tpu.dma_semaphore, #tpu.memory_space<semaphore_mem>>) src(%dma_wait3A_1798 : memref<13312xi32, #tpu.memory_space<hbm>>) dst(%arg5 : memref<13312xi32, #tpu.memory_space<vmem>>)
      tpu.yield
    }) : () -> ()
    %dma_start3A = arith.constant 0 : i32
    %dma_start3A_3 = arith.constant 0 : i32
    %dma_start3A_4 = tpu.memref_slice %arg6[%dma_start3A, %dma_start3A_3] : memref<1024x16xf32, #tpu.memory_space<vmem>> -> memref<128x16xf32, #tpu.memory_space<vmem>>
    %dma_start3A_5 = arith.constant 0 : i32
    %dma_start3A_6 = tpu.memref_slice %arg5[%dma_start3A_5] : memref<13312xi32, #tpu.memory_space<vmem>> -> memref<128xi32, #tpu.memory_space<vmem>>
    %dma_start3A_7 = arith.constant 0 : i32
    %dma_start3A_8 = arith.constant 0 : i32
    %dma_start3A_9 = tpu.memref_slice %arg3[%dma_start3A_7, %dma_start3A_8] : memref<2600000x16xf32, #tpu.memory_space<hbm>> -> memref<2600000x16xf32, #tpu.memory_space<hbm>>
    tpu.enqueue_indirect_dma source(%dma_start3A_9 : memref<2600000x16xf32, #tpu.memory_space<hbm>>) target(%dma_start3A_4 : memref<128x16xf32, #tpu.memory_space<vmem>>) offsets(%dma_start3A_6 : memref<128xi32, #tpu.memory_space<vmem>>) semaphore(%arg8 : memref<!tpu.dma_semaphore, #tpu.memory_space<semaphore_mem>>)
    %dma_start3A_10 = arith.constant 128 : i32
    %dma_start3A_11 = arith.constant 0 : i32
    %dma_start3A_12 = tpu.memref_slice %arg6[%dma_start3A_10, %dma_start3A_11] : memref<1024x16xf32, #tpu.memory_space<vmem>> -> memref<128x16xf32, #tpu.memory_space<vmem>>
    %dma_start3A_13 = arith.constant 128 : i32
    %dma_start3A_14 = tpu.memref_slice %arg5[%dma_start3A_13] : memref<13312xi32, #tpu.memory_space<vmem>> -> memref<128xi32, #tpu.memory_space<vmem>>
    %dma_start3A_15 = arith.constant 0 : i32
    %dma_start3A_16 = arith.constant 0 : i32
    %dma_start3A_17 = tpu.memref_slice %arg3[%dma_start3A_15, %dma_start3A_16] : memref<2600000x16xf32, #tpu.memory_space<hbm>> -> memref<2600000x16xf32, #tpu.memory_space<hbm>>
    tpu.enqueue_indirect_dma source(%dma_start3A_17 : memref<2600000x16xf32, #tpu.memory_space<hbm>>) target(%dma_start3A_12 : memref<128x16xf32, #tpu.memory_space<vmem>>) offsets(%dma_start3A_14 : memref<128xi32, #tpu.memory_space<vmem>>) semaphore(%arg8 : memref<!tpu.dma_semaphore, #tpu.memory_space<semaphore_mem>>)
    %dma_start3A_18 = arith.constant 256 : i32
    %dma_start3A_19 = arith.constant 0 : i32
    %dma_start3A_20 = tpu.memref_slice %arg6[%dma_start3A_18, %dma_start3A_19] : memref<1024x16xf32, #tpu.memory_space<vmem>> -> memref<128x16xf32, #tpu.memory_space<vmem>>
    %dma_start3A_21 = arith.constant 256 : i32
    %dma_start3A_22 = tpu.memref_slice %arg5[%dma_start3A_21] : memref<13312xi32, #tpu.memory_space<vmem>> -> memref<128xi32, #tpu.memory_space<vmem>>
    %dma_start3A_23 = arith.constant 0 : i32
    %dma_start3A_24 = arith.constant 0 : i32
    %dma_start3A_25 = tpu.memref_slice %arg3[%dma_start3A_23, %dma_start3A_24] : memref<2600000x16xf32, #tpu.memory_space<hbm>> -> memref<2600000x16xf32, #tpu.memory_space<hbm>>
    tpu.enqueue_indirect_dma source(%dma_start3A_25 : memref<2600000x16xf32, #tpu.memory_space<hbm>>) target(%dma_start3A_20 : memref<128x16xf32, #tpu.memory_space<vmem>>) offsets(%dma_start3A_22 : memref<128xi32, #tpu.memory_space<vmem>>) semaphore(%arg8 : memref<!tpu.dma_semaphore, #tpu.memory_space<semaphore_mem>>)
    %dma_start3A_26 = arith.constant 384 : i32
    %dma_start3A_27 = arith.constant 0 : i32
    %dma_start3A_28 = tpu.memref_slice %arg6[%dma_start3A_26, %dma_start3A_27] : memref<1024x16xf32, #tpu.memory_space<vmem>> -> memref<128x16xf32, #tpu.memory_space<vmem>>
    %dma_start3A_29 = arith.constant 384 : i32
    %dma_start3A_30 = tpu.memref_slice %arg5[%dma_start3A_29] : memref<13312xi32, #tpu.memory_space<vmem>> -> memref<128xi32, #tpu.memory_space<vmem>>
    %dma_start3A_31 = arith.constant 0 : i32
    %dma_start3A_32 = arith.constant 0 : i32
    %dma_start3A_33 = tpu.memref_slice %arg3[%dma_start3A_31, %dma_start3A_32] : memref<2600000x16xf32, #tpu.memory_space<hbm>> -> memref<2600000x16xf32, #tpu.memory_space<hbm>>
    tpu.enqueue_indirect_dma source(%dma_start3A_33 : memref<2600000x16xf32, #tpu.memory_space<hbm>>) target(%dma_start3A_28 : memref<128x16xf32, #tpu.memory_space<vmem>>) offsets(%dma_start3A_30 : memref<128xi32, #tpu.memory_space<vmem>>) semaphore(%arg8 : memref<!tpu.dma_semaphore, #tpu.memory_space<semaphore_mem>>)
    %dma_start3A_34 = arith.constant 512 : i32
    %dma_start3A_35 = arith.constant 0 : i32
    %dma_start3A_36 = tpu.memref_slice %arg6[%dma_start3A_34, %dma_start3A_35] : memref<1024x16xf32, #tpu.memory_space<vmem>> -> memref<128x16xf32, #tpu.memory_space<vmem>>
    %dma_start3A_37 = arith.constant 512 : i32
    %dma_start3A_38 = tpu.memref_slice %arg5[%dma_start3A_37] : memref<13312xi32, #tpu.memory_space<vmem>> -> memref<128xi32, #tpu.memory_space<vmem>>
    %dma_start3A_39 = arith.constant 0 : i32
    %dma_start3A_40 = arith.constant 0 : i32
    %dma_start3A_41 = tpu.memref_slice %arg3[%dma_start3A_39, %dma_start3A_40] : memref<2600000x16xf32, #tpu.memory_space<hbm>> -> memref<2600000x16xf32, #tpu.memory_space<hbm>>
    tpu.enqueue_indirect_dma source(%dma_start3A_41 : memref<2600000x16xf32, #tpu.memory_space<hbm>>) target(%dma_start3A_36 : memref<128x16xf32, #tpu.memory_space<vmem>>) offsets(%dma_start3A_38 : memref<128xi32, #tpu.memory_space<vmem>>) semaphore(%arg8 : memref<!tpu.dma_semaphore, #tpu.memory_space<semaphore_mem>>)
    %dma_start3A_42 = arith.constant 640 : i32
    %dma_start3A_43 = arith.constant 0 : i32
    %dma_start3A_44 = tpu.memref_slice %arg6[%dma_start3A_42, %dma_start3A_43] : memref<1024x16xf32, #tpu.memory_space<vmem>> -> memref<128x16xf32, #tpu.memory_space<vmem>>
    %dma_start3A_45 = arith.constant 640 : i32
    %dma_start3A_46 = tpu.memref_slice %arg5[%dma_start3A_45] : memref<13312xi32, #tpu.memory_space<vmem>> -> memref<128xi32, #tpu.memory_space<vmem>>
    %dma_start3A_47 = arith.constant 0 : i32
    %dma_start3A_48 = arith.constant 0 : i32
    %dma_start3A_49 = tpu.memref_slice %arg3[%dma_start3A_47, %dma_start3A_48] : memref<2600000x16xf32, #tpu.memory_space<hbm>> -> memref<2600000x16xf32, #tpu.memory_space<hbm>>
    tpu.enqueue_indirect_dma source(%dma_start3A_49 : memref<2600000x16xf32, #tpu.memory_space<hbm>>) target(%dma_start3A_44 : memref<128x16xf32, #tpu.memory_space<vmem>>) offsets(%dma_start3A_46 : memref<128xi32, #tpu.memory_space<vmem>>) semaphore(%arg8 : memref<!tpu.dma_semaphore, #tpu.memory_space<semaphore_mem>>)
    %dma_start3A_50 = arith.constant 768 : i32
    %dma_start3A_51 = arith.constant 0 : i32
    %dma_start3A_52 = tpu.memref_slice %arg6[%dma_start3A_50, %dma_start3A_51] : memref<1024x16xf32, #tpu.memory_space<vmem>> -> memref<128x16xf32, #tpu.memory_space<vmem>>
    %dma_start3A_53 = arith.constant 768 : i32
    %dma_start3A_54 = tpu.memref_slice %arg5[%dma_start3A_53] : memref<13312xi32, #tpu.memory_space<vmem>> -> memref<128xi32, #tpu.memory_space<vmem>>
    %dma_start3A_55 = arith.constant 0 : i32
    %dma_start3A_56 = arith.constant 0 : i32
    %dma_start3A_57 = tpu.memref_slice %arg3[%dma_start3A_55, %dma_start3A_56] : memref<2600000x16xf32, #tpu.memory_space<hbm>> -> memref<2600000x16xf32, #tpu.memory_space<hbm>>
    tpu.enqueue_indirect_dma source(%dma_start3A_57 : memref<2600000x16xf32, #tpu.memory_space<hbm>>) target(%dma_start3A_52 : memref<128x16xf32, #tpu.memory_space<vmem>>) offsets(%dma_start3A_54 : memref<128xi32, #tpu.memory_space<vmem>>) semaphore(%arg8 : memref<!tpu.dma_semaphore, #tpu.memory_space<semaphore_mem>>)
    %dma_start3A_58 = arith.constant 896 : i32
    %dma_start3A_59 = arith.constant 0 : i32
    %dma_start3A_60 = tpu.memref_slice %arg6[%dma_start3A_58, %dma_start3A_59] : memref<1024x16xf32, #tpu.memory_space<vmem>> -> memref<128x16xf32, #tpu.memory_space<vmem>>
    %dma_start3A_61 = arith.constant 896 : i32
    %dma_start3A_62 = tpu.memref_slice %arg5[%dma_start3A_61] : memref<13312xi32, #tpu.memory_space<vmem>> -> memref<128xi32, #tpu.memory_space<vmem>>
    %dma_start3A_63 = arith.constant 0 : i32
    %dma_start3A_64 = arith.constant 0 : i32
    %dma_start3A_65 = tpu.memref_slice %arg3[%dma_start3A_63, %dma_start3A_64] : memref<2600000x16xf32, #tpu.memory_space<hbm>> -> memref<2600000x16xf32, #tpu.memory_space<hbm>>
    tpu.enqueue_indirect_dma source(%dma_start3A_65 : memref<2600000x16xf32, #tpu.memory_space<hbm>>) target(%dma_start3A_60 : memref<128x16xf32, #tpu.memory_space<vmem>>) offsets(%dma_start3A_62 : memref<128xi32, #tpu.memory_space<vmem>>) semaphore(%arg8 : memref<!tpu.dma_semaphore, #tpu.memory_space<semaphore_mem>>)
    %dma_start3A_66 = arith.constant 0 : i32
    %dma_start3A_67 = arith.constant 0 : i32
    %dma_start3A_68 = tpu.memref_slice %arg7[%dma_start3A_66, %dma_start3A_67] : memref<1024x16xf32, #tpu.memory_space<vmem>> -> memref<128x16xf32, #tpu.memory_space<vmem>>
    %dma_start3A_69 = arith.constant 1024 : i32
    %dma_start3A_70 = tpu.memref_slice %arg5[%dma_start3A_69] : memref<13312xi32, #tpu.memory_space<vmem>> -> memref<128xi32, #tpu.memory_space<vmem>>
    %dma_start3A_71 = arith.constant 0 : i32
    %dma_start3A_72 = arith.constant 0 : i32
    %dma_start3A_73 = tpu.memref_slice %arg3[%dma_start3A_71, %dma_start3A_72] : memref<2600000x16xf32, #tpu.memory_space<hbm>> -> memref<2600000x16xf32, #tpu.memory_space<hbm>>
    tpu.enqueue_indirect_dma source(%dma_start3A_73 : memref<2600000x16xf32, #tpu.memory_space<hbm>>) target(%dma_start3A_68 : memref<128x16xf32, #tpu.memory_space<vmem>>) offsets(%dma_start3A_70 : memref<128xi32, #tpu.memory_space<vmem>>) semaphore(%arg9 : memref<!tpu.dma_semaphore, #tpu.memory_space<semaphore_mem>>)
    %dma_start3A_74 = arith.constant 128 : i32
    %dma_start3A_75 = arith.constant 0 : i32
    %dma_start3A_76 = tpu.memref_slice %arg7[%dma_start3A_74, %dma_start3A_75] : memref<1024x16xf32, #tpu.memory_space<vmem>> -> memref<128x16xf32, #tpu.memory_space<vmem>>
    %dma_start3A_77 = arith.constant 1152 : i32
    %dma_start3A_78 = tpu.memref_slice %arg5[%dma_start3A_77] : memref<13312xi32, #tpu.memory_space<vmem>> -> memref<128xi32, #tpu.memory_space<vmem>>
    %dma_start3A_79 = arith.constant 0 : i32
    %dma_start3A_80 = arith.constant 0 : i32
    %dma_start3A_81 = tpu.memref_slice %arg3[%dma_start3A_79, %dma_start3A_80] : memref<2600000x16xf32, #tpu.memory_space<hbm>> -> memref<2600000x16xf32, #tpu.memory_space<hbm>>
    tpu.enqueue_indirect_dma source(%dma_start3A_81 : memref<2600000x16xf32, #tpu.memory_space<hbm>>) target(%dma_start3A_76 : memref<128x16xf32, #tpu.memory_space<vmem>>) offsets(%dma_start3A_78 : memref<128xi32, #tpu.memory_space<vmem>>) semaphore(%arg9 : memref<!tpu.dma_semaphore, #tpu.memory_space<semaphore_mem>>)
    %dma_start3A_82 = arith.constant 256 : i32
    %dma_start3A_83 = arith.constant 0 : i32
    %dma_start3A_84 = tpu.memref_slice %arg7[%dma_start3A_82, %dma_start3A_83] : memref<1024x16xf32, #tpu.memory_space<vmem>> -> memref<128x16xf32, #tpu.memory_space<vmem>>
    %dma_start3A_85 = arith.constant 1280 : i32
    %dma_start3A_86 = tpu.memref_slice %arg5[%dma_start3A_85] : memref<13312xi32, #tpu.memory_space<vmem>> -> memref<128xi32, #tpu.memory_space<vmem>>
    %dma_start3A_87 = arith.constant 0 : i32
    %dma_start3A_88 = arith.constant 0 : i32
    %dma_start3A_89 = tpu.memref_slice %arg3[%dma_start3A_87, %dma_start3A_88] : memref<2600000x16xf32, #tpu.memory_space<hbm>> -> memref<2600000x16xf32, #tpu.memory_space<hbm>>
    tpu.enqueue_indirect_dma source(%dma_start3A_89 : memref<2600000x16xf32, #tpu.memory_space<hbm>>) target(%dma_start3A_84 : memref<128x16xf32, #tpu.memory_space<vmem>>) offsets(%dma_start3A_86 : memref<128xi32, #tpu.memory_space<vmem>>) semaphore(%arg9 : memref<!tpu.dma_semaphore, #tpu.memory_space<semaphore_mem>>)
    %dma_start3A_90 = arith.constant 384 : i32
    %dma_start3A_91 = arith.constant 0 : i32
    %dma_start3A_92 = tpu.memref_slice %arg7[%dma_start3A_90, %dma_start3A_91] : memref<1024x16xf32, #tpu.memory_space<vmem>> -> memref<128x16xf32, #tpu.memory_space<vmem>>
    %dma_start3A_93 = arith.constant 1408 : i32
    %dma_start3A_94 = tpu.memref_slice %arg5[%dma_start3A_93] : memref<13312xi32, #tpu.memory_space<vmem>> -> memref<128xi32, #tpu.memory_space<vmem>>
    %dma_start3A_95 = arith.constant 0 : i32
    %dma_start3A_96 = arith.constant 0 : i32
    %dma_start3A_97 = tpu.memref_slice %arg3[%dma_start3A_95, %dma_start3A_96] : memref<2600000x16xf32, #tpu.memory_space<hbm>> -> memref<2600000x16xf32, #tpu.memory_space<hbm>>
    tpu.enqueue_indirect_dma source(%dma_start3A_97 : memref<2600000x16xf32, #tpu.memory_space<hbm>>) target(%dma_start3A_92 : memref<128x16xf32, #tpu.memory_space<vmem>>) offsets(%dma_start3A_94 : memref<128xi32, #tpu.memory_space<vmem>>) semaphore(%arg9 : memref<!tpu.dma_semaphore, #tpu.memory_space<semaphore_mem>>)
    %dma_start3A_98 = arith.constant 512 : i32
    %dma_start3A_99 = arith.constant 0 : i32
    %dma_start3A_100 = tpu.memref_slice %arg7[%dma_start3A_98, %dma_start3A_99] : memref<1024x16xf32, #tpu.memory_space<vmem>> -> memref<128x16xf32, #tpu.memory_space<vmem>>
    %dma_start3A_101 = arith.constant 1536 : i32
    %dma_start3A_102 = tpu.memref_slice %arg5[%dma_start3A_101] : memref<13312xi32, #tpu.memory_space<vmem>> -> memref<128xi32, #tpu.memory_space<vmem>>
    %dma_start3A_103 = arith.constant 0 : i32
    %dma_start3A_104 = arith.constant 0 : i32
    %dma_start3A_105 = tpu.memref_slice %arg3[%dma_start3A_103, %dma_start3A_104] : memref<2600000x16xf32, #tpu.memory_space<hbm>> -> memref<2600000x16xf32, #tpu.memory_space<hbm>>
    tpu.enqueue_indirect_dma source(%dma_start3A_105 : memref<2600000x16xf32, #tpu.memory_space<hbm>>) target(%dma_start3A_100 : memref<128x16xf32, #tpu.memory_space<vmem>>) offsets(%dma_start3A_102 : memref<128xi32, #tpu.memory_space<vmem>>) semaphore(%arg9 : memref<!tpu.dma_semaphore, #tpu.memory_space<semaphore_mem>>)
    %dma_start3A_106 = arith.constant 640 : i32
    %dma_start3A_107 = arith.constant 0 : i32
    %dma_start3A_108 = tpu.memref_slice %arg7[%dma_start3A_106, %dma_start3A_107] : memref<1024x16xf32, #tpu.memory_space<vmem>> -> memref<128x16xf32, #tpu.memory_space<vmem>>
    %dma_start3A_109 = arith.constant 1664 : i32
    %dma_start3A_110 = tpu.memref_slice %arg5[%dma_start3A_109] : memref<13312xi32, #tpu.memory_space<vmem>> -> memref<128xi32, #tpu.memory_space<vmem>>
    %dma_start3A_111 = arith.constant 0 : i32
    %dma_start3A_112 = arith.constant 0 : i32
    %dma_start3A_113 = tpu.memref_slice %arg3[%dma_start3A_111, %dma_start3A_112] : memref<2600000x16xf32, #tpu.memory_space<hbm>> -> memref<2600000x16xf32, #tpu.memory_space<hbm>>
    tpu.enqueue_indirect_dma source(%dma_start3A_113 : memref<2600000x16xf32, #tpu.memory_space<hbm>>) target(%dma_start3A_108 : memref<128x16xf32, #tpu.memory_space<vmem>>) offsets(%dma_start3A_110 : memref<128xi32, #tpu.memory_space<vmem>>) semaphore(%arg9 : memref<!tpu.dma_semaphore, #tpu.memory_space<semaphore_mem>>)
    %dma_start3A_114 = arith.constant 768 : i32
    %dma_start3A_115 = arith.constant 0 : i32
    %dma_start3A_116 = tpu.memref_slice %arg7[%dma_start3A_114, %dma_start3A_115] : memref<1024x16xf32, #tpu.memory_space<vmem>> -> memref<128x16xf32, #tpu.memory_space<vmem>>
    %dma_start3A_117 = arith.constant 1792 : i32
    %dma_start3A_118 = tpu.memref_slice %arg5[%dma_start3A_117] : memref<13312xi32, #tpu.memory_space<vmem>> -> memref<128xi32, #tpu.memory_space<vmem>>
    %dma_start3A_119 = arith.constant 0 : i32
    %dma_start3A_120 = arith.constant 0 : i32
    %dma_start3A_121 = tpu.memref_slice %arg3[%dma_start3A_119, %dma_start3A_120] : memref<2600000x16xf32, #tpu.memory_space<hbm>> -> memref<2600000x16xf32, #tpu.memory_space<hbm>>
    tpu.enqueue_indirect_dma source(%dma_start3A_121 : memref<2600000x16xf32, #tpu.memory_space<hbm>>) target(%dma_start3A_116 : memref<128x16xf32, #tpu.memory_space<vmem>>) offsets(%dma_start3A_118 : memref<128xi32, #tpu.memory_space<vmem>>) semaphore(%arg9 : memref<!tpu.dma_semaphore, #tpu.memory_space<semaphore_mem>>)
    %dma_start3A_122 = arith.constant 896 : i32
    %dma_start3A_123 = arith.constant 0 : i32
    %dma_start3A_124 = tpu.memref_slice %arg7[%dma_start3A_122, %dma_start3A_123] : memref<1024x16xf32, #tpu.memory_space<vmem>> -> memref<128x16xf32, #tpu.memory_space<vmem>>
    %dma_start3A_125 = arith.constant 1920 : i32
    %dma_start3A_126 = tpu.memref_slice %arg5[%dma_start3A_125] : memref<13312xi32, #tpu.memory_space<vmem>> -> memref<128xi32, #tpu.memory_space<vmem>>
    %dma_start3A_127 = arith.constant 0 : i32
    %dma_start3A_128 = arith.constant 0 : i32
    %dma_start3A_129 = tpu.memref_slice %arg3[%dma_start3A_127, %dma_start3A_128] : memref<2600000x16xf32, #tpu.memory_space<hbm>> -> memref<2600000x16xf32, #tpu.memory_space<hbm>>
    tpu.enqueue_indirect_dma source(%dma_start3A_129 : memref<2600000x16xf32, #tpu.memory_space<hbm>>) target(%dma_start3A_124 : memref<128x16xf32, #tpu.memory_space<vmem>>) offsets(%dma_start3A_126 : memref<128xi32, #tpu.memory_space<vmem>>) semaphore(%arg9 : memref<!tpu.dma_semaphore, #tpu.memory_space<semaphore_mem>>)
    %dma_wait3A = arith.constant 0 : i32
    %dma_wait3A_130 = arith.constant 0 : i32
    %dma_wait3A_131 = tpu.memref_slice %arg6[%dma_wait3A, %dma_wait3A_130] : memref<1024x16xf32, #tpu.memory_space<vmem>> -> memref<128x16xf32, #tpu.memory_space<vmem>>
    %dma_wait3A_132 = arith.constant 0 : i32
    %dma_wait3A_133 = tpu.memref_slice %arg5[%dma_wait3A_132] : memref<13312xi32, #tpu.memory_space<vmem>> -> memref<128xi32, #tpu.memory_space<vmem>>
    %dma_wait3A_134 = arith.constant 0 : i32
    %dma_wait3A_135 = arith.constant 0 : i32
    %dma_wait3A_136 = tpu.memref_slice %arg3[%dma_wait3A_134, %dma_wait3A_135] : memref<2600000x16xf32, #tpu.memory_space<hbm>> -> memref<2600000x16xf32, #tpu.memory_space<hbm>>
    tpu.wait_indirect_dma semaphore(%arg8 : memref<!tpu.dma_semaphore, #tpu.memory_space<semaphore_mem>>) src(%dma_wait3A_136 : memref<2600000x16xf32, #tpu.memory_space<hbm>>) dst(%dma_wait3A_131 : memref<128x16xf32, #tpu.memory_space<vmem>>)
    %dma_wait3A_137 = arith.constant 128 : i32
    %dma_wait3A_138 = arith.constant 0 : i32
    %dma_wait3A_139 = tpu.memref_slice %arg6[%dma_wait3A_137, %dma_wait3A_138] : memref<1024x16xf32, #tpu.memory_space<vmem>> -> memref<128x16xf32, #tpu.memory_space<vmem>>
    %dma_wait3A_140 = arith.constant 128 : i32
    %dma_wait3A_141 = tpu.memref_slice %arg5[%dma_wait3A_140] : memref<13312xi32, #tpu.memory_space<vmem>> -> memref<128xi32, #tpu.memory_space<vmem>>
    %dma_wait3A_142 = arith.constant 0 : i32
    %dma_wait3A_143 = arith.constant 0 : i32
    %dma_wait3A_144 = tpu.memref_slice %arg3[%dma_wait3A_142, %dma_wait3A_143] : memref<2600000x16xf32, #tpu.memory_space<hbm>> -> memref<2600000x16xf32, #tpu.memory_space<hbm>>
    tpu.wait_indirect_dma semaphore(%arg8 : memref<!tpu.dma_semaphore, #tpu.memory_space<semaphore_mem>>) src(%dma_wait3A_144 : memref<2600000x16xf32, #tpu.memory_space<hbm>>) dst(%dma_wait3A_139 : memref<128x16xf32, #tpu.memory_space<vmem>>)
    %dma_wait3A_145 = arith.constant 256 : i32
    %dma_wait3A_146 = arith.constant 0 : i32
    %dma_wait3A_147 = tpu.memref_slice %arg6[%dma_wait3A_145, %dma_wait3A_146] : memref<1024x16xf32, #tpu.memory_space<vmem>> -> memref<128x16xf32, #tpu.memory_space<vmem>>
    %dma_wait3A_148 = arith.constant 256 : i32
    %dma_wait3A_149 = tpu.memref_slice %arg5[%dma_wait3A_148] : memref<13312xi32, #tpu.memory_space<vmem>> -> memref<128xi32, #tpu.memory_space<vmem>>
    %dma_wait3A_150 = arith.constant 0 : i32
    %dma_wait3A_151 = arith.constant 0 : i32
    %dma_wait3A_152 = tpu.memref_slice %arg3[%dma_wait3A_150, %dma_wait3A_151] : memref<2600000x16xf32, #tpu.memory_space<hbm>> -> memref<2600000x16xf32, #tpu.memory_space<hbm>>
    tpu.wait_indirect_dma semaphore(%arg8 : memref<!tpu.dma_semaphore, #tpu.memory_space<semaphore_mem>>) src(%dma_wait3A_152 : memref<2600000x16xf32, #tpu.memory_space<hbm>>) dst(%dma_wait3A_147 : memref<128x16xf32, #tpu.memory_space<vmem>>)
    %dma_wait3A_153 = arith.constant 384 : i32
    %dma_wait3A_154 = arith.constant 0 : i32
    %dma_wait3A_155 = tpu.memref_slice %arg6[%dma_wait3A_153, %dma_wait3A_154] : memref<1024x16xf32, #tpu.memory_space<vmem>> -> memref<128x16xf32, #tpu.memory_space<vmem>>
    %dma_wait3A_156 = arith.constant 384 : i32
    %dma_wait3A_157 = tpu.memref_slice %arg5[%dma_wait3A_156] : memref<13312xi32, #tpu.memory_space<vmem>> -> memref<128xi32, #tpu.memory_space<vmem>>
    %dma_wait3A_158 = arith.constant 0 : i32
    %dma_wait3A_159 = arith.constant 0 : i32
    %dma_wait3A_160 = tpu.memref_slice %arg3[%dma_wait3A_158, %dma_wait3A_159] : memref<2600000x16xf32, #tpu.memory_space<hbm>> -> memref<2600000x16xf32, #tpu.memory_space<hbm>>
    tpu.wait_indirect_dma semaphore(%arg8 : memref<!tpu.dma_semaphore, #tpu.memory_space<semaphore_mem>>) src(%dma_wait3A_160 : memref<2600000x16xf32, #tpu.memory_space<hbm>>) dst(%dma_wait3A_155 : memref<128x16xf32, #tpu.memory_space<vmem>>)
    %dma_wait3A_161 = arith.constant 512 : i32
    %dma_wait3A_162 = arith.constant 0 : i32
    %dma_wait3A_163 = tpu.memref_slice %arg6[%dma_wait3A_161, %dma_wait3A_162] : memref<1024x16xf32, #tpu.memory_space<vmem>> -> memref<128x16xf32, #tpu.memory_space<vmem>>
    %dma_wait3A_164 = arith.constant 512 : i32
    %dma_wait3A_165 = tpu.memref_slice %arg5[%dma_wait3A_164] : memref<13312xi32, #tpu.memory_space<vmem>> -> memref<128xi32, #tpu.memory_space<vmem>>
    %dma_wait3A_166 = arith.constant 0 : i32
    %dma_wait3A_167 = arith.constant 0 : i32
    %dma_wait3A_168 = tpu.memref_slice %arg3[%dma_wait3A_166, %dma_wait3A_167] : memref<2600000x16xf32, #tpu.memory_space<hbm>> -> memref<2600000x16xf32, #tpu.memory_space<hbm>>
    tpu.wait_indirect_dma semaphore(%arg8 : memref<!tpu.dma_semaphore, #tpu.memory_space<semaphore_mem>>) src(%dma_wait3A_168 : memref<2600000x16xf32, #tpu.memory_space<hbm>>) dst(%dma_wait3A_163 : memref<128x16xf32, #tpu.memory_space<vmem>>)
    %dma_wait3A_169 = arith.constant 640 : i32
    %dma_wait3A_170 = arith.constant 0 : i32
    %dma_wait3A_171 = tpu.memref_slice %arg6[%dma_wait3A_169, %dma_wait3A_170] : memref<1024x16xf32, #tpu.memory_space<vmem>> -> memref<128x16xf32, #tpu.memory_space<vmem>>
    %dma_wait3A_172 = arith.constant 640 : i32
    %dma_wait3A_173 = tpu.memref_slice %arg5[%dma_wait3A_172] : memref<13312xi32, #tpu.memory_space<vmem>> -> memref<128xi32, #tpu.memory_space<vmem>>
    %dma_wait3A_174 = arith.constant 0 : i32
    %dma_wait3A_175 = arith.constant 0 : i32
    %dma_wait3A_176 = tpu.memref_slice %arg3[%dma_wait3A_174, %dma_wait3A_175] : memref<2600000x16xf32, #tpu.memory_space<hbm>> -> memref<2600000x16xf32, #tpu.memory_space<hbm>>
    tpu.wait_indirect_dma semaphore(%arg8 : memref<!tpu.dma_semaphore, #tpu.memory_space<semaphore_mem>>) src(%dma_wait3A_176 : memref<2600000x16xf32, #tpu.memory_space<hbm>>) dst(%dma_wait3A_171 : memref<128x16xf32, #tpu.memory_space<vmem>>)
    %dma_wait3A_177 = arith.constant 768 : i32
    %dma_wait3A_178 = arith.constant 0 : i32
    %dma_wait3A_179 = tpu.memref_slice %arg6[%dma_wait3A_177, %dma_wait3A_178] : memref<1024x16xf32, #tpu.memory_space<vmem>> -> memref<128x16xf32, #tpu.memory_space<vmem>>
    %dma_wait3A_180 = arith.constant 768 : i32
    %dma_wait3A_181 = tpu.memref_slice %arg5[%dma_wait3A_180] : memref<13312xi32, #tpu.memory_space<vmem>> -> memref<128xi32, #tpu.memory_space<vmem>>
    %dma_wait3A_182 = arith.constant 0 : i32
    %dma_wait3A_183 = arith.constant 0 : i32
    %dma_wait3A_184 = tpu.memref_slice %arg3[%dma_wait3A_182, %dma_wait3A_183] : memref<2600000x16xf32, #tpu.memory_space<hbm>> -> memref<2600000x16xf32, #tpu.memory_space<hbm>>
    tpu.wait_indirect_dma semaphore(%arg8 : memref<!tpu.dma_semaphore, #tpu.memory_space<semaphore_mem>>) src(%dma_wait3A_184 : memref<2600000x16xf32, #tpu.memory_space<hbm>>) dst(%dma_wait3A_179 : memref<128x16xf32, #tpu.memory_space<vmem>>)
    %dma_wait3A_185 = arith.constant 896 : i32
    %dma_wait3A_186 = arith.constant 0 : i32
    %dma_wait3A_187 = tpu.memref_slice %arg6[%dma_wait3A_185, %dma_wait3A_186] : memref<1024x16xf32, #tpu.memory_space<vmem>> -> memref<128x16xf32, #tpu.memory_space<vmem>>
    %dma_wait3A_188 = arith.constant 896 : i32
    %dma_wait3A_189 = tpu.memref_slice %arg5[%dma_wait3A_188] : memref<13312xi32, #tpu.memory_space<vmem>> -> memref<128xi32, #tpu.memory_space<vmem>>
    %dma_wait3A_190 = arith.constant 0 : i32
    %dma_wait3A_191 = arith.constant 0 : i32
    %dma_wait3A_192 = tpu.memref_slice %arg3[%dma_wait3A_190, %dma_wait3A_191] : memref<2600000x16xf32, #tpu.memory_space<hbm>> -> memref<2600000x16xf32, #tpu.memory_space<hbm>>
    tpu.wait_indirect_dma semaphore(%arg8 : memref<!tpu.dma_semaphore, #tpu.memory_space<semaphore_mem>>) src(%dma_wait3A_192 : memref<2600000x16xf32, #tpu.memory_space<hbm>>) dst(%dma_wait3A_187 : memref<128x16xf32, #tpu.memory_space<vmem>>)
    %add3A_193 = arith.constant 0 : i32
    %add3A_194 = arith.addi %mul3A_2, %add3A_193 : i32
    %dma_start3A_195 = arith.constant 0 : i32
    %dma_start3A_196 = tpu.memref_slice %arg4[%add3A_194, %dma_start3A_195] : memref<425984x16xf32, #tpu.memory_space<hbm>> -> memref<1024x16xf32, #tpu.memory_space<hbm>>
    %dma_start3A_197 = arith.constant 0 : i32
    %dma_start3A_198 = tpu.memref_slice %arg4[%add3A_194, %dma_start3A_197] : memref<425984x16xf32, #tpu.memory_space<hbm>> -> memref<1024x16xf32, #tpu.memory_space<hbm>>
    tpu.enqueue_dma source(%arg6 : memref<1024x16xf32, #tpu.memory_space<vmem>>) target(%dma_start3A_198 : memref<1024x16xf32, #tpu.memory_space<hbm>>) target_semaphore(%arg10 : memref<!tpu.dma_semaphore, #tpu.memory_space<semaphore_mem>>)
    %dma_wait3A_199 = arith.constant 0 : i32
    %dma_wait3A_200 = tpu.memref_slice %arg4[%add3A_194, %dma_wait3A_199] : memref<425984x16xf32, #tpu.memory_space<hbm>> -> memref<1024x16xf32, #tpu.memory_space<hbm>>
    %dma_wait3A_201 = arith.constant 0 : i32
    %dma_wait3A_202 = tpu.memref_slice %arg4[%add3A_194, %dma_wait3A_201] : memref<425984x16xf32, #tpu.memory_space<hbm>> -> memref<1024x16xf32, #tpu.memory_space<hbm>>
    tpu.wait_dma2 semaphore(%arg10 : memref<!tpu.dma_semaphore, #tpu.memory_space<semaphore_mem>>) src(%arg6 : memref<1024x16xf32, #tpu.memory_space<vmem>>) dst(%dma_wait3A_202 : memref<1024x16xf32, #tpu.memory_space<hbm>>)
    %dma_start3A_203 = arith.constant 0 : i32
    %dma_start3A_204 = arith.constant 0 : i32
    %dma_start3A_205 = tpu.memref_slice %arg6[%dma_start3A_203, %dma_start3A_204] : memref<1024x16xf32, #tpu.memory_space<vmem>> -> memref<128x16xf32, #tpu.memory_space<vmem>>
    %dma_start3A_206 = arith.constant 2048 : i32
    %dma_start3A_207 = tpu.memref_slice %arg5[%dma_start3A_206] : memref<13312xi32, #tpu.memory_space<vmem>> -> memref<128xi32, #tpu.memory_space<vmem>>
    %dma_start3A_208 = arith.constant 0 : i32
    %dma_start3A_209 = arith.constant 0 : i32
    %dma_start3A_210 = tpu.memref_slice %arg3[%dma_start3A_208, %dma_start3A_209] : memref<2600000x16xf32, #tpu.memory_space<hbm>> -> memref<2600000x16xf32, #tpu.memory_space<hbm>>
    tpu.enqueue_indirect_dma source(%dma_start3A_210 : memref<2600000x16xf32, #tpu.memory_space<hbm>>) target(%dma_start3A_205 : memref<128x16xf32, #tpu.memory_space<vmem>>) offsets(%dma_start3A_207 : memref<128xi32, #tpu.memory_space<vmem>>) semaphore(%arg8 : memref<!tpu.dma_semaphore, #tpu.memory_space<semaphore_mem>>)
    %dma_start3A_211 = arith.constant 128 : i32
    %dma_start3A_212 = arith.constant 0 : i32
    %dma_start3A_213 = tpu.memref_slice %arg6[%dma_start3A_211, %dma_start3A_212] : memref<1024x16xf32, #tpu.memory_space<vmem>> -> memref<128x16xf32, #tpu.memory_space<vmem>>
    %dma_start3A_214 = arith.constant 2176 : i32
    %dma_start3A_215 = tpu.memref_slice %arg5[%dma_start3A_214] : memref<13312xi32, #tpu.memory_space<vmem>> -> memref<128xi32, #tpu.memory_space<vmem>>
    %dma_start3A_216 = arith.constant 0 : i32
    %dma_start3A_217 = arith.constant 0 : i32
    %dma_start3A_218 = tpu.memref_slice %arg3[%dma_start3A_216, %dma_start3A_217] : memref<2600000x16xf32, #tpu.memory_space<hbm>> -> memref<2600000x16xf32, #tpu.memory_space<hbm>>
    tpu.enqueue_indirect_dma source(%dma_start3A_218 : memref<2600000x16xf32, #tpu.memory_space<hbm>>) target(%dma_start3A_213 : memref<128x16xf32, #tpu.memory_space<vmem>>) offsets(%dma_start3A_215 : memref<128xi32, #tpu.memory_space<vmem>>) semaphore(%arg8 : memref<!tpu.dma_semaphore, #tpu.memory_space<semaphore_mem>>)
    %dma_start3A_219 = arith.constant 256 : i32
    %dma_start3A_220 = arith.constant 0 : i32
    %dma_start3A_221 = tpu.memref_slice %arg6[%dma_start3A_219, %dma_start3A_220] : memref<1024x16xf32, #tpu.memory_space<vmem>> -> memref<128x16xf32, #tpu.memory_space<vmem>>
    %dma_start3A_222 = arith.constant 2304 : i32
    %dma_start3A_223 = tpu.memref_slice %arg5[%dma_start3A_222] : memref<13312xi32, #tpu.memory_space<vmem>> -> memref<128xi32, #tpu.memory_space<vmem>>
    %dma_start3A_224 = arith.constant 0 : i32
    %dma_start3A_225 = arith.constant 0 : i32
    %dma_start3A_226 = tpu.memref_slice %arg3[%dma_start3A_224, %dma_start3A_225] : memref<2600000x16xf32, #tpu.memory_space<hbm>> -> memref<2600000x16xf32, #tpu.memory_space<hbm>>
    tpu.enqueue_indirect_dma source(%dma_start3A_226 : memref<2600000x16xf32, #tpu.memory_space<hbm>>) target(%dma_start3A_221 : memref<128x16xf32, #tpu.memory_space<vmem>>) offsets(%dma_start3A_223 : memref<128xi32, #tpu.memory_space<vmem>>) semaphore(%arg8 : memref<!tpu.dma_semaphore, #tpu.memory_space<semaphore_mem>>)
    %dma_start3A_227 = arith.constant 384 : i32
    %dma_start3A_228 = arith.constant 0 : i32
    %dma_start3A_229 = tpu.memref_slice %arg6[%dma_start3A_227, %dma_start3A_228] : memref<1024x16xf32, #tpu.memory_space<vmem>> -> memref<128x16xf32, #tpu.memory_space<vmem>>
    %dma_start3A_230 = arith.constant 2432 : i32
    %dma_start3A_231 = tpu.memref_slice %arg5[%dma_start3A_230] : memref<13312xi32, #tpu.memory_space<vmem>> -> memref<128xi32, #tpu.memory_space<vmem>>
    %dma_start3A_232 = arith.constant 0 : i32
    %dma_start3A_233 = arith.constant 0 : i32
    %dma_start3A_234 = tpu.memref_slice %arg3[%dma_start3A_232, %dma_start3A_233] : memref<2600000x16xf32, #tpu.memory_space<hbm>> -> memref<2600000x16xf32, #tpu.memory_space<hbm>>
    tpu.enqueue_indirect_dma source(%dma_start3A_234 : memref<2600000x16xf32, #tpu.memory_space<hbm>>) target(%dma_start3A_229 : memref<128x16xf32, #tpu.memory_space<vmem>>) offsets(%dma_start3A_231 : memref<128xi32, #tpu.memory_space<vmem>>) semaphore(%arg8 : memref<!tpu.dma_semaphore, #tpu.memory_space<semaphore_mem>>)
    %dma_start3A_235 = arith.constant 512 : i32
    %dma_start3A_236 = arith.constant 0 : i32
    %dma_start3A_237 = tpu.memref_slice %arg6[%dma_start3A_235, %dma_start3A_236] : memref<1024x16xf32, #tpu.memory_space<vmem>> -> memref<128x16xf32, #tpu.memory_space<vmem>>
    %dma_start3A_238 = arith.constant 2560 : i32
    %dma_start3A_239 = tpu.memref_slice %arg5[%dma_start3A_238] : memref<13312xi32, #tpu.memory_space<vmem>> -> memref<128xi32, #tpu.memory_space<vmem>>
    %dma_start3A_240 = arith.constant 0 : i32
    %dma_start3A_241 = arith.constant 0 : i32
    %dma_start3A_242 = tpu.memref_slice %arg3[%dma_start3A_240, %dma_start3A_241] : memref<2600000x16xf32, #tpu.memory_space<hbm>> -> memref<2600000x16xf32, #tpu.memory_space<hbm>>
    tpu.enqueue_indirect_dma source(%dma_start3A_242 : memref<2600000x16xf32, #tpu.memory_space<hbm>>) target(%dma_start3A_237 : memref<128x16xf32, #tpu.memory_space<vmem>>) offsets(%dma_start3A_239 : memref<128xi32, #tpu.memory_space<vmem>>) semaphore(%arg8 : memref<!tpu.dma_semaphore, #tpu.memory_space<semaphore_mem>>)
    %dma_start3A_243 = arith.constant 640 : i32
    %dma_start3A_244 = arith.constant 0 : i32
    %dma_start3A_245 = tpu.memref_slice %arg6[%dma_start3A_243, %dma_start3A_244] : memref<1024x16xf32, #tpu.memory_space<vmem>> -> memref<128x16xf32, #tpu.memory_space<vmem>>
    %dma_start3A_246 = arith.constant 2688 : i32
    %dma_start3A_247 = tpu.memref_slice %arg5[%dma_start3A_246] : memref<13312xi32, #tpu.memory_space<vmem>> -> memref<128xi32, #tpu.memory_space<vmem>>
    %dma_start3A_248 = arith.constant 0 : i32
    %dma_start3A_249 = arith.constant 0 : i32
    %dma_start3A_250 = tpu.memref_slice %arg3[%dma_start3A_248, %dma_start3A_249] : memref<2600000x16xf32, #tpu.memory_space<hbm>> -> memref<2600000x16xf32, #tpu.memory_space<hbm>>
    tpu.enqueue_indirect_dma source(%dma_start3A_250 : memref<2600000x16xf32, #tpu.memory_space<hbm>>) target(%dma_start3A_245 : memref<128x16xf32, #tpu.memory_space<vmem>>) offsets(%dma_start3A_247 : memref<128xi32, #tpu.memory_space<vmem>>) semaphore(%arg8 : memref<!tpu.dma_semaphore, #tpu.memory_space<semaphore_mem>>)
    %dma_start3A_251 = arith.constant 768 : i32
    %dma_start3A_252 = arith.constant 0 : i32
    %dma_start3A_253 = tpu.memref_slice %arg6[%dma_start3A_251, %dma_start3A_252] : memref<1024x16xf32, #tpu.memory_space<vmem>> -> memref<128x16xf32, #tpu.memory_space<vmem>>
    %dma_start3A_254 = arith.constant 2816 : i32
    %dma_start3A_255 = tpu.memref_slice %arg5[%dma_start3A_254] : memref<13312xi32, #tpu.memory_space<vmem>> -> memref<128xi32, #tpu.memory_space<vmem>>
    %dma_start3A_256 = arith.constant 0 : i32
    %dma_start3A_257 = arith.constant 0 : i32
    %dma_start3A_258 = tpu.memref_slice %arg3[%dma_start3A_256, %dma_start3A_257] : memref<2600000x16xf32, #tpu.memory_space<hbm>> -> memref<2600000x16xf32, #tpu.memory_space<hbm>>
    tpu.enqueue_indirect_dma source(%dma_start3A_258 : memref<2600000x16xf32, #tpu.memory_space<hbm>>) target(%dma_start3A_253 : memref<128x16xf32, #tpu.memory_space<vmem>>) offsets(%dma_start3A_255 : memref<128xi32, #tpu.memory_space<vmem>>) semaphore(%arg8 : memref<!tpu.dma_semaphore, #tpu.memory_space<semaphore_mem>>)
    %dma_start3A_259 = arith.constant 896 : i32
    %dma_start3A_260 = arith.constant 0 : i32
    %dma_start3A_261 = tpu.memref_slice %arg6[%dma_start3A_259, %dma_start3A_260] : memref<1024x16xf32, #tpu.memory_space<vmem>> -> memref<128x16xf32, #tpu.memory_space<vmem>>
    %dma_start3A_262 = arith.constant 2944 : i32
    %dma_start3A_263 = tpu.memref_slice %arg5[%dma_start3A_262] : memref<13312xi32, #tpu.memory_space<vmem>> -> memref<128xi32, #tpu.memory_space<vmem>>
    %dma_start3A_264 = arith.constant 0 : i32
    %dma_start3A_265 = arith.constant 0 : i32
    %dma_start3A_266 = tpu.memref_slice %arg3[%dma_start3A_264, %dma_start3A_265] : memref<2600000x16xf32, #tpu.memory_space<hbm>> -> memref<2600000x16xf32, #tpu.memory_space<hbm>>
    tpu.enqueue_indirect_dma source(%dma_start3A_266 : memref<2600000x16xf32, #tpu.memory_space<hbm>>) target(%dma_start3A_261 : memref<128x16xf32, #tpu.memory_space<vmem>>) offsets(%dma_start3A_263 : memref<128xi32, #tpu.memory_space<vmem>>) semaphore(%arg8 : memref<!tpu.dma_semaphore, #tpu.memory_space<semaphore_mem>>)
    %dma_wait3A_267 = arith.constant 0 : i32
    %dma_wait3A_268 = arith.constant 0 : i32
    %dma_wait3A_269 = tpu.memref_slice %arg7[%dma_wait3A_267, %dma_wait3A_268] : memref<1024x16xf32, #tpu.memory_space<vmem>> -> memref<128x16xf32, #tpu.memory_space<vmem>>
    %dma_wait3A_270 = arith.constant 1024 : i32
    %dma_wait3A_271 = tpu.memref_slice %arg5[%dma_wait3A_270] : memref<13312xi32, #tpu.memory_space<vmem>> -> memref<128xi32, #tpu.memory_space<vmem>>
    %dma_wait3A_272 = arith.constant 0 : i32
    %dma_wait3A_273 = arith.constant 0 : i32
    %dma_wait3A_274 = tpu.memref_slice %arg3[%dma_wait3A_272, %dma_wait3A_273] : memref<2600000x16xf32, #tpu.memory_space<hbm>> -> memref<2600000x16xf32, #tpu.memory_space<hbm>>
    tpu.wait_indirect_dma semaphore(%arg9 : memref<!tpu.dma_semaphore, #tpu.memory_space<semaphore_mem>>) src(%dma_wait3A_274 : memref<2600000x16xf32, #tpu.memory_space<hbm>>) dst(%dma_wait3A_269 : memref<128x16xf32, #tpu.memory_space<vmem>>)
    %dma_wait3A_275 = arith.constant 128 : i32
    %dma_wait3A_276 = arith.constant 0 : i32
    %dma_wait3A_277 = tpu.memref_slice %arg7[%dma_wait3A_275, %dma_wait3A_276] : memref<1024x16xf32, #tpu.memory_space<vmem>> -> memref<128x16xf32, #tpu.memory_space<vmem>>
    %dma_wait3A_278 = arith.constant 1152 : i32
    %dma_wait3A_279 = tpu.memref_slice %arg5[%dma_wait3A_278] : memref<13312xi32, #tpu.memory_space<vmem>> -> memref<128xi32, #tpu.memory_space<vmem>>
    %dma_wait3A_280 = arith.constant 0 : i32
    %dma_wait3A_281 = arith.constant 0 : i32
    %dma_wait3A_282 = tpu.memref_slice %arg3[%dma_wait3A_280, %dma_wait3A_281] : memref<2600000x16xf32, #tpu.memory_space<hbm>> -> memref<2600000x16xf32, #tpu.memory_space<hbm>>
    tpu.wait_indirect_dma semaphore(%arg9 : memref<!tpu.dma_semaphore, #tpu.memory_space<semaphore_mem>>) src(%dma_wait3A_282 : memref<2600000x16xf32, #tpu.memory_space<hbm>>) dst(%dma_wait3A_277 : memref<128x16xf32, #tpu.memory_space<vmem>>)
    %dma_wait3A_283 = arith.constant 256 : i32
    %dma_wait3A_284 = arith.constant 0 : i32
    %dma_wait3A_285 = tpu.memref_slice %arg7[%dma_wait3A_283, %dma_wait3A_284] : memref<1024x16xf32, #tpu.memory_space<vmem>> -> memref<128x16xf32, #tpu.memory_space<vmem>>
    %dma_wait3A_286 = arith.constant 1280 : i32
    %dma_wait3A_287 = tpu.memref_slice %arg5[%dma_wait3A_286] : memref<13312xi32, #tpu.memory_space<vmem>> -> memref<128xi32, #tpu.memory_space<vmem>>
    %dma_wait3A_288 = arith.constant 0 : i32
    %dma_wait3A_289 = arith.constant 0 : i32
    %dma_wait3A_290 = tpu.memref_slice %arg3[%dma_wait3A_288, %dma_wait3A_289] : memref<2600000x16xf32, #tpu.memory_space<hbm>> -> memref<2600000x16xf32, #tpu.memory_space<hbm>>
    tpu.wait_indirect_dma semaphore(%arg9 : memref<!tpu.dma_semaphore, #tpu.memory_space<semaphore_mem>>) src(%dma_wait3A_290 : memref<2600000x16xf32, #tpu.memory_space<hbm>>) dst(%dma_wait3A_285 : memref<128x16xf32, #tpu.memory_space<vmem>>)
    %dma_wait3A_291 = arith.constant 384 : i32
    %dma_wait3A_292 = arith.constant 0 : i32
    %dma_wait3A_293 = tpu.memref_slice %arg7[%dma_wait3A_291, %dma_wait3A_292] : memref<1024x16xf32, #tpu.memory_space<vmem>> -> memref<128x16xf32, #tpu.memory_space<vmem>>
    %dma_wait3A_294 = arith.constant 1408 : i32
    %dma_wait3A_295 = tpu.memref_slice %arg5[%dma_wait3A_294] : memref<13312xi32, #tpu.memory_space<vmem>> -> memref<128xi32, #tpu.memory_space<vmem>>
    %dma_wait3A_296 = arith.constant 0 : i32
    %dma_wait3A_297 = arith.constant 0 : i32
    %dma_wait3A_298 = tpu.memref_slice %arg3[%dma_wait3A_296, %dma_wait3A_297] : memref<2600000x16xf32, #tpu.memory_space<hbm>> -> memref<2600000x16xf32, #tpu.memory_space<hbm>>
    tpu.wait_indirect_dma semaphore(%arg9 : memref<!tpu.dma_semaphore, #tpu.memory_space<semaphore_mem>>) src(%dma_wait3A_298 : memref<2600000x16xf32, #tpu.memory_space<hbm>>) dst(%dma_wait3A_293 : memref<128x16xf32, #tpu.memory_space<vmem>>)
    %dma_wait3A_299 = arith.constant 512 : i32
    %dma_wait3A_300 = arith.constant 0 : i32
    %dma_wait3A_301 = tpu.memref_slice %arg7[%dma_wait3A_299, %dma_wait3A_300] : memref<1024x16xf32, #tpu.memory_space<vmem>> -> memref<128x16xf32, #tpu.memory_space<vmem>>
    %dma_wait3A_302 = arith.constant 1536 : i32
    %dma_wait3A_303 = tpu.memref_slice %arg5[%dma_wait3A_302] : memref<13312xi32, #tpu.memory_space<vmem>> -> memref<128xi32, #tpu.memory_space<vmem>>
    %dma_wait3A_304 = arith.constant 0 : i32
    %dma_wait3A_305 = arith.constant 0 : i32
    %dma_wait3A_306 = tpu.memref_slice %arg3[%dma_wait3A_304, %dma_wait3A_305] : memref<2600000x16xf32, #tpu.memory_space<hbm>> -> memref<2600000x16xf32, #tpu.memory_space<hbm>>
    tpu.wait_indirect_dma semaphore(%arg9 : memref<!tpu.dma_semaphore, #tpu.memory_space<semaphore_mem>>) src(%dma_wait3A_306 : memref<2600000x16xf32, #tpu.memory_space<hbm>>) dst(%dma_wait3A_301 : memref<128x16xf32, #tpu.memory_space<vmem>>)
    %dma_wait3A_307 = arith.constant 640 : i32
    %dma_wait3A_308 = arith.constant 0 : i32
    %dma_wait3A_309 = tpu.memref_slice %arg7[%dma_wait3A_307, %dma_wait3A_308] : memref<1024x16xf32, #tpu.memory_space<vmem>> -> memref<128x16xf32, #tpu.memory_space<vmem>>
    %dma_wait3A_310 = arith.constant 1664 : i32
    %dma_wait3A_311 = tpu.memref_slice %arg5[%dma_wait3A_310] : memref<13312xi32, #tpu.memory_space<vmem>> -> memref<128xi32, #tpu.memory_space<vmem>>
    %dma_wait3A_312 = arith.constant 0 : i32
    %dma_wait3A_313 = arith.constant 0 : i32
    %dma_wait3A_314 = tpu.memref_slice %arg3[%dma_wait3A_312, %dma_wait3A_313] : memref<2600000x16xf32, #tpu.memory_space<hbm>> -> memref<2600000x16xf32, #tpu.memory_space<hbm>>
    tpu.wait_indirect_dma semaphore(%arg9 : memref<!tpu.dma_semaphore, #tpu.memory_space<semaphore_mem>>) src(%dma_wait3A_314 : memref<2600000x16xf32, #tpu.memory_space<hbm>>) dst(%dma_wait3A_309 : memref<128x16xf32, #tpu.memory_space<vmem>>)
    %dma_wait3A_315 = arith.constant 768 : i32
    %dma_wait3A_316 = arith.constant 0 : i32
    %dma_wait3A_317 = tpu.memref_slice %arg7[%dma_wait3A_315, %dma_wait3A_316] : memref<1024x16xf32, #tpu.memory_space<vmem>> -> memref<128x16xf32, #tpu.memory_space<vmem>>
    %dma_wait3A_318 = arith.constant 1792 : i32
    %dma_wait3A_319 = tpu.memref_slice %arg5[%dma_wait3A_318] : memref<13312xi32, #tpu.memory_space<vmem>> -> memref<128xi32, #tpu.memory_space<vmem>>
    %dma_wait3A_320 = arith.constant 0 : i32
    %dma_wait3A_321 = arith.constant 0 : i32
    %dma_wait3A_322 = tpu.memref_slice %arg3[%dma_wait3A_320, %dma_wait3A_321] : memref<2600000x16xf32, #tpu.memory_space<hbm>> -> memref<2600000x16xf32, #tpu.memory_space<hbm>>
    tpu.wait_indirect_dma semaphore(%arg9 : memref<!tpu.dma_semaphore, #tpu.memory_space<semaphore_mem>>) src(%dma_wait3A_322 : memref<2600000x16xf32, #tpu.memory_space<hbm>>) dst(%dma_wait3A_317 : memref<128x16xf32, #tpu.memory_space<vmem>>)
    %dma_wait3A_323 = arith.constant 896 : i32
    %dma_wait3A_324 = arith.constant 0 : i32
    %dma_wait3A_325 = tpu.memref_slice %arg7[%dma_wait3A_323, %dma_wait3A_324] : memref<1024x16xf32, #tpu.memory_space<vmem>> -> memref<128x16xf32, #tpu.memory_space<vmem>>
    %dma_wait3A_326 = arith.constant 1920 : i32
    %dma_wait3A_327 = tpu.memref_slice %arg5[%dma_wait3A_326] : memref<13312xi32, #tpu.memory_space<vmem>> -> memref<128xi32, #tpu.memory_space<vmem>>
    %dma_wait3A_328 = arith.constant 0 : i32
    %dma_wait3A_329 = arith.constant 0 : i32
    %dma_wait3A_330 = tpu.memref_slice %arg3[%dma_wait3A_328, %dma_wait3A_329] : memref<2600000x16xf32, #tpu.memory_space<hbm>> -> memref<2600000x16xf32, #tpu.memory_space<hbm>>
    tpu.wait_indirect_dma semaphore(%arg9 : memref<!tpu.dma_semaphore, #tpu.memory_space<semaphore_mem>>) src(%dma_wait3A_330 : memref<2600000x16xf32, #tpu.memory_space<hbm>>) dst(%dma_wait3A_325 : memref<128x16xf32, #tpu.memory_space<vmem>>)
    %add3A_331 = arith.constant 1024 : i32
    %add3A_332 = arith.addi %mul3A_2, %add3A_331 : i32
    %dma_start3A_333 = arith.constant 0 : i32
    %dma_start3A_334 = tpu.memref_slice %arg4[%add3A_332, %dma_start3A_333] : memref<425984x16xf32, #tpu.memory_space<hbm>> -> memref<1024x16xf32, #tpu.memory_space<hbm>>
    %dma_start3A_335 = arith.constant 0 : i32
    %dma_start3A_336 = tpu.memref_slice %arg4[%add3A_332, %dma_start3A_335] : memref<425984x16xf32, #tpu.memory_space<hbm>> -> memref<1024x16xf32, #tpu.memory_space<hbm>>
    tpu.enqueue_dma source(%arg7 : memref<1024x16xf32, #tpu.memory_space<vmem>>) target(%dma_start3A_336 : memref<1024x16xf32, #tpu.memory_space<hbm>>) target_semaphore(%arg10 : memref<!tpu.dma_semaphore, #tpu.memory_space<semaphore_mem>>)
    %dma_wait3A_337 = arith.constant 0 : i32
    %dma_wait3A_338 = tpu.memref_slice %arg4[%add3A_332, %dma_wait3A_337] : memref<425984x16xf32, #tpu.memory_space<hbm>> -> memref<1024x16xf32, #tpu.memory_space<hbm>>
    %dma_wait3A_339 = arith.constant 0 : i32
    %dma_wait3A_340 = tpu.memref_slice %arg4[%add3A_332, %dma_wait3A_339] : memref<425984x16xf32, #tpu.memory_space<hbm>> -> memref<1024x16xf32, #tpu.memory_space<hbm>>
    tpu.wait_dma2 semaphore(%arg10 : memref<!tpu.dma_semaphore, #tpu.memory_space<semaphore_mem>>) src(%arg7 : memref<1024x16xf32, #tpu.memory_space<vmem>>) dst(%dma_wait3A_340 : memref<1024x16xf32, #tpu.memory_space<hbm>>)
    %dma_start3A_341 = arith.constant 0 : i32
    %dma_start3A_342 = arith.constant 0 : i32
    %dma_start3A_343 = tpu.memref_slice %arg7[%dma_start3A_341, %dma_start3A_342] : memref<1024x16xf32, #tpu.memory_space<vmem>> -> memref<128x16xf32, #tpu.memory_space<vmem>>
    %dma_start3A_344 = arith.constant 3072 : i32
    %dma_start3A_345 = tpu.memref_slice %arg5[%dma_start3A_344] : memref<13312xi32, #tpu.memory_space<vmem>> -> memref<128xi32, #tpu.memory_space<vmem>>
    %dma_start3A_346 = arith.constant 0 : i32
    %dma_start3A_347 = arith.constant 0 : i32
    %dma_start3A_348 = tpu.memref_slice %arg3[%dma_start3A_346, %dma_start3A_347] : memref<2600000x16xf32, #tpu.memory_space<hbm>> -> memref<2600000x16xf32, #tpu.memory_space<hbm>>
    tpu.enqueue_indirect_dma source(%dma_start3A_348 : memref<2600000x16xf32, #tpu.memory_space<hbm>>) target(%dma_start3A_343 : memref<128x16xf32, #tpu.memory_space<vmem>>) offsets(%dma_start3A_345 : memref<128xi32, #tpu.memory_space<vmem>>) semaphore(%arg9 : memref<!tpu.dma_semaphore, #tpu.memory_space<semaphore_mem>>)
    %dma_start3A_349 = arith.constant 128 : i32
    %dma_start3A_350 = arith.constant 0 : i32
    %dma_start3A_351 = tpu.memref_slice %arg7[%dma_start3A_349, %dma_start3A_350] : memref<1024x16xf32, #tpu.memory_space<vmem>> -> memref<128x16xf32, #tpu.memory_space<vmem>>
    %dma_start3A_352 = arith.constant 3200 : i32
    %dma_start3A_353 = tpu.memref_slice %arg5[%dma_start3A_352] : memref<13312xi32, #tpu.memory_space<vmem>> -> memref<128xi32, #tpu.memory_space<vmem>>
    %dma_start3A_354 = arith.constant 0 : i32
    %dma_start3A_355 = arith.constant 0 : i32
    %dma_start3A_356 = tpu.memref_slice %arg3[%dma_start3A_354, %dma_start3A_355] : memref<2600000x16xf32, #tpu.memory_space<hbm>> -> memref<2600000x16xf32, #tpu.memory_space<hbm>>
    tpu.enqueue_indirect_dma source(%dma_start3A_356 : memref<2600000x16xf32, #tpu.memory_space<hbm>>) target(%dma_start3A_351 : memref<128x16xf32, #tpu.memory_space<vmem>>) offsets(%dma_start3A_353 : memref<128xi32, #tpu.memory_space<vmem>>) semaphore(%arg9 : memref<!tpu.dma_semaphore, #tpu.memory_space<semaphore_mem>>)
    %dma_start3A_357 = arith.constant 256 : i32
    %dma_start3A_358 = arith.constant 0 : i32
    %dma_start3A_359 = tpu.memref_slice %arg7[%dma_start3A_357, %dma_start3A_358] : memref<1024x16xf32, #tpu.memory_space<vmem>> -> memref<128x16xf32, #tpu.memory_space<vmem>>
    %dma_start3A_360 = arith.constant 3328 : i32
    %dma_start3A_361 = tpu.memref_slice %arg5[%dma_start3A_360] : memref<13312xi32, #tpu.memory_space<vmem>> -> memref<128xi32, #tpu.memory_space<vmem>>
    %dma_start3A_362 = arith.constant 0 : i32
    %dma_start3A_363 = arith.constant 0 : i32
    %dma_start3A_364 = tpu.memref_slice %arg3[%dma_start3A_362, %dma_start3A_363] : memref<2600000x16xf32, #tpu.memory_space<hbm>> -> memref<2600000x16xf32, #tpu.memory_space<hbm>>
    tpu.enqueue_indirect_dma source(%dma_start3A_364 : memref<2600000x16xf32, #tpu.memory_space<hbm>>) target(%dma_start3A_359 : memref<128x16xf32, #tpu.memory_space<vmem>>) offsets(%dma_start3A_361 : memref<128xi32, #tpu.memory_space<vmem>>) semaphore(%arg9 : memref<!tpu.dma_semaphore, #tpu.memory_space<semaphore_mem>>)
    %dma_start3A_365 = arith.constant 384 : i32
    %dma_start3A_366 = arith.constant 0 : i32
    %dma_start3A_367 = tpu.memref_slice %arg7[%dma_start3A_365, %dma_start3A_366] : memref<1024x16xf32, #tpu.memory_space<vmem>> -> memref<128x16xf32, #tpu.memory_space<vmem>>
    %dma_start3A_368 = arith.constant 3456 : i32
    %dma_start3A_369 = tpu.memref_slice %arg5[%dma_start3A_368] : memref<13312xi32, #tpu.memory_space<vmem>> -> memref<128xi32, #tpu.memory_space<vmem>>
    %dma_start3A_370 = arith.constant 0 : i32
    %dma_start3A_371 = arith.constant 0 : i32
    %dma_start3A_372 = tpu.memref_slice %arg3[%dma_start3A_370, %dma_start3A_371] : memref<2600000x16xf32, #tpu.memory_space<hbm>> -> memref<2600000x16xf32, #tpu.memory_space<hbm>>
    tpu.enqueue_indirect_dma source(%dma_start3A_372 : memref<2600000x16xf32, #tpu.memory_space<hbm>>) target(%dma_start3A_367 : memref<128x16xf32, #tpu.memory_space<vmem>>) offsets(%dma_start3A_369 : memref<128xi32, #tpu.memory_space<vmem>>) semaphore(%arg9 : memref<!tpu.dma_semaphore, #tpu.memory_space<semaphore_mem>>)
    %dma_start3A_373 = arith.constant 512 : i32
    %dma_start3A_374 = arith.constant 0 : i32
    %dma_start3A_375 = tpu.memref_slice %arg7[%dma_start3A_373, %dma_start3A_374] : memref<1024x16xf32, #tpu.memory_space<vmem>> -> memref<128x16xf32, #tpu.memory_space<vmem>>
    %dma_start3A_376 = arith.constant 3584 : i32
    %dma_start3A_377 = tpu.memref_slice %arg5[%dma_start3A_376] : memref<13312xi32, #tpu.memory_space<vmem>> -> memref<128xi32, #tpu.memory_space<vmem>>
    %dma_start3A_378 = arith.constant 0 : i32
    %dma_start3A_379 = arith.constant 0 : i32
    %dma_start3A_380 = tpu.memref_slice %arg3[%dma_start3A_378, %dma_start3A_379] : memref<2600000x16xf32, #tpu.memory_space<hbm>> -> memref<2600000x16xf32, #tpu.memory_space<hbm>>
    tpu.enqueue_indirect_dma source(%dma_start3A_380 : memref<2600000x16xf32, #tpu.memory_space<hbm>>) target(%dma_start3A_375 : memref<128x16xf32, #tpu.memory_space<vmem>>) offsets(%dma_start3A_377 : memref<128xi32, #tpu.memory_space<vmem>>) semaphore(%arg9 : memref<!tpu.dma_semaphore, #tpu.memory_space<semaphore_mem>>)
    %dma_start3A_381 = arith.constant 640 : i32
    %dma_start3A_382 = arith.constant 0 : i32
    %dma_start3A_383 = tpu.memref_slice %arg7[%dma_start3A_381, %dma_start3A_382] : memref<1024x16xf32, #tpu.memory_space<vmem>> -> memref<128x16xf32, #tpu.memory_space<vmem>>
    %dma_start3A_384 = arith.constant 3712 : i32
    %dma_start3A_385 = tpu.memref_slice %arg5[%dma_start3A_384] : memref<13312xi32, #tpu.memory_space<vmem>> -> memref<128xi32, #tpu.memory_space<vmem>>
    %dma_start3A_386 = arith.constant 0 : i32
    %dma_start3A_387 = arith.constant 0 : i32
    %dma_start3A_388 = tpu.memref_slice %arg3[%dma_start3A_386, %dma_start3A_387] : memref<2600000x16xf32, #tpu.memory_space<hbm>> -> memref<2600000x16xf32, #tpu.memory_space<hbm>>
    tpu.enqueue_indirect_dma source(%dma_start3A_388 : memref<2600000x16xf32, #tpu.memory_space<hbm>>) target(%dma_start3A_383 : memref<128x16xf32, #tpu.memory_space<vmem>>) offsets(%dma_start3A_385 : memref<128xi32, #tpu.memory_space<vmem>>) semaphore(%arg9 : memref<!tpu.dma_semaphore, #tpu.memory_space<semaphore_mem>>)
    %dma_start3A_389 = arith.constant 768 : i32
    %dma_start3A_390 = arith.constant 0 : i32
    %dma_start3A_391 = tpu.memref_slice %arg7[%dma_start3A_389, %dma_start3A_390] : memref<1024x16xf32, #tpu.memory_space<vmem>> -> memref<128x16xf32, #tpu.memory_space<vmem>>
    %dma_start3A_392 = arith.constant 3840 : i32
    %dma_start3A_393 = tpu.memref_slice %arg5[%dma_start3A_392] : memref<13312xi32, #tpu.memory_space<vmem>> -> memref<128xi32, #tpu.memory_space<vmem>>
    %dma_start3A_394 = arith.constant 0 : i32
    %dma_start3A_395 = arith.constant 0 : i32
    %dma_start3A_396 = tpu.memref_slice %arg3[%dma_start3A_394, %dma_start3A_395] : memref<2600000x16xf32, #tpu.memory_space<hbm>> -> memref<2600000x16xf32, #tpu.memory_space<hbm>>
    tpu.enqueue_indirect_dma source(%dma_start3A_396 : memref<2600000x16xf32, #tpu.memory_space<hbm>>) target(%dma_start3A_391 : memref<128x16xf32, #tpu.memory_space<vmem>>) offsets(%dma_start3A_393 : memref<128xi32, #tpu.memory_space<vmem>>) semaphore(%arg9 : memref<!tpu.dma_semaphore, #tpu.memory_space<semaphore_mem>>)
    %dma_start3A_397 = arith.constant 896 : i32
    %dma_start3A_398 = arith.constant 0 : i32
    %dma_start3A_399 = tpu.memref_slice %arg7[%dma_start3A_397, %dma_start3A_398] : memref<1024x16xf32, #tpu.memory_space<vmem>> -> memref<128x16xf32, #tpu.memory_space<vmem>>
    %dma_start3A_400 = arith.constant 3968 : i32
    %dma_start3A_401 = tpu.memref_slice %arg5[%dma_start3A_400] : memref<13312xi32, #tpu.memory_space<vmem>> -> memref<128xi32, #tpu.memory_space<vmem>>
    %dma_start3A_402 = arith.constant 0 : i32
    %dma_start3A_403 = arith.constant 0 : i32
    %dma_start3A_404 = tpu.memref_slice %arg3[%dma_start3A_402, %dma_start3A_403] : memref<2600000x16xf32, #tpu.memory_space<hbm>> -> memref<2600000x16xf32, #tpu.memory_space<hbm>>
    tpu.enqueue_indirect_dma source(%dma_start3A_404 : memref<2600000x16xf32, #tpu.memory_space<hbm>>) target(%dma_start3A_399 : memref<128x16xf32, #tpu.memory_space<vmem>>) offsets(%dma_start3A_401 : memref<128xi32, #tpu.memory_space<vmem>>) semaphore(%arg9 : memref<!tpu.dma_semaphore, #tpu.memory_space<semaphore_mem>>)
    %dma_wait3A_405 = arith.constant 0 : i32
    %dma_wait3A_406 = arith.constant 0 : i32
    %dma_wait3A_407 = tpu.memref_slice %arg6[%dma_wait3A_405, %dma_wait3A_406] : memref<1024x16xf32, #tpu.memory_space<vmem>> -> memref<128x16xf32, #tpu.memory_space<vmem>>
    %dma_wait3A_408 = arith.constant 2048 : i32
    %dma_wait3A_409 = tpu.memref_slice %arg5[%dma_wait3A_408] : memref<13312xi32, #tpu.memory_space<vmem>> -> memref<128xi32, #tpu.memory_space<vmem>>
    %dma_wait3A_410 = arith.constant 0 : i32
    %dma_wait3A_411 = arith.constant 0 : i32
    %dma_wait3A_412 = tpu.memref_slice %arg3[%dma_wait3A_410, %dma_wait3A_411] : memref<2600000x16xf32, #tpu.memory_space<hbm>> -> memref<2600000x16xf32, #tpu.memory_space<hbm>>
    tpu.wait_indirect_dma semaphore(%arg8 : memref<!tpu.dma_semaphore, #tpu.memory_space<semaphore_mem>>) src(%dma_wait3A_412 : memref<2600000x16xf32, #tpu.memory_space<hbm>>) dst(%dma_wait3A_407 : memref<128x16xf32, #tpu.memory_space<vmem>>)
    %dma_wait3A_413 = arith.constant 128 : i32
    %dma_wait3A_414 = arith.constant 0 : i32
    %dma_wait3A_415 = tpu.memref_slice %arg6[%dma_wait3A_413, %dma_wait3A_414] : memref<1024x16xf32, #tpu.memory_space<vmem>> -> memref<128x16xf32, #tpu.memory_space<vmem>>
    %dma_wait3A_416 = arith.constant 2176 : i32
    %dma_wait3A_417 = tpu.memref_slice %arg5[%dma_wait3A_416] : memref<13312xi32, #tpu.memory_space<vmem>> -> memref<128xi32, #tpu.memory_space<vmem>>
    %dma_wait3A_418 = arith.constant 0 : i32
    %dma_wait3A_419 = arith.constant 0 : i32
    %dma_wait3A_420 = tpu.memref_slice %arg3[%dma_wait3A_418, %dma_wait3A_419] : memref<2600000x16xf32, #tpu.memory_space<hbm>> -> memref<2600000x16xf32, #tpu.memory_space<hbm>>
    tpu.wait_indirect_dma semaphore(%arg8 : memref<!tpu.dma_semaphore, #tpu.memory_space<semaphore_mem>>) src(%dma_wait3A_420 : memref<2600000x16xf32, #tpu.memory_space<hbm>>) dst(%dma_wait3A_415 : memref<128x16xf32, #tpu.memory_space<vmem>>)
    %dma_wait3A_421 = arith.constant 256 : i32
    %dma_wait3A_422 = arith.constant 0 : i32
    %dma_wait3A_423 = tpu.memref_slice %arg6[%dma_wait3A_421, %dma_wait3A_422] : memref<1024x16xf32, #tpu.memory_space<vmem>> -> memref<128x16xf32, #tpu.memory_space<vmem>>
    %dma_wait3A_424 = arith.constant 2304 : i32
    %dma_wait3A_425 = tpu.memref_slice %arg5[%dma_wait3A_424] : memref<13312xi32, #tpu.memory_space<vmem>> -> memref<128xi32, #tpu.memory_space<vmem>>
    %dma_wait3A_426 = arith.constant 0 : i32
    %dma_wait3A_427 = arith.constant 0 : i32
    %dma_wait3A_428 = tpu.memref_slice %arg3[%dma_wait3A_426, %dma_wait3A_427] : memref<2600000x16xf32, #tpu.memory_space<hbm>> -> memref<2600000x16xf32, #tpu.memory_space<hbm>>
    tpu.wait_indirect_dma semaphore(%arg8 : memref<!tpu.dma_semaphore, #tpu.memory_space<semaphore_mem>>) src(%dma_wait3A_428 : memref<2600000x16xf32, #tpu.memory_space<hbm>>) dst(%dma_wait3A_423 : memref<128x16xf32, #tpu.memory_space<vmem>>)
    %dma_wait3A_429 = arith.constant 384 : i32
    %dma_wait3A_430 = arith.constant 0 : i32
    %dma_wait3A_431 = tpu.memref_slice %arg6[%dma_wait3A_429, %dma_wait3A_430] : memref<1024x16xf32, #tpu.memory_space<vmem>> -> memref<128x16xf32, #tpu.memory_space<vmem>>
    %dma_wait3A_432 = arith.constant 2432 : i32
    %dma_wait3A_433 = tpu.memref_slice %arg5[%dma_wait3A_432] : memref<13312xi32, #tpu.memory_space<vmem>> -> memref<128xi32, #tpu.memory_space<vmem>>
    %dma_wait3A_434 = arith.constant 0 : i32
    %dma_wait3A_435 = arith.constant 0 : i32
    %dma_wait3A_436 = tpu.memref_slice %arg3[%dma_wait3A_434, %dma_wait3A_435] : memref<2600000x16xf32, #tpu.memory_space<hbm>> -> memref<2600000x16xf32, #tpu.memory_space<hbm>>
    tpu.wait_indirect_dma semaphore(%arg8 : memref<!tpu.dma_semaphore, #tpu.memory_space<semaphore_mem>>) src(%dma_wait3A_436 : memref<2600000x16xf32, #tpu.memory_space<hbm>>) dst(%dma_wait3A_431 : memref<128x16xf32, #tpu.memory_space<vmem>>)
    %dma_wait3A_437 = arith.constant 512 : i32
    %dma_wait3A_438 = arith.constant 0 : i32
    %dma_wait3A_439 = tpu.memref_slice %arg6[%dma_wait3A_437, %dma_wait3A_438] : memref<1024x16xf32, #tpu.memory_space<vmem>> -> memref<128x16xf32, #tpu.memory_space<vmem>>
    %dma_wait3A_440 = arith.constant 2560 : i32
    %dma_wait3A_441 = tpu.memref_slice %arg5[%dma_wait3A_440] : memref<13312xi32, #tpu.memory_space<vmem>> -> memref<128xi32, #tpu.memory_space<vmem>>
    %dma_wait3A_442 = arith.constant 0 : i32
    %dma_wait3A_443 = arith.constant 0 : i32
    %dma_wait3A_444 = tpu.memref_slice %arg3[%dma_wait3A_442, %dma_wait3A_443] : memref<2600000x16xf32, #tpu.memory_space<hbm>> -> memref<2600000x16xf32, #tpu.memory_space<hbm>>
    tpu.wait_indirect_dma semaphore(%arg8 : memref<!tpu.dma_semaphore, #tpu.memory_space<semaphore_mem>>) src(%dma_wait3A_444 : memref<2600000x16xf32, #tpu.memory_space<hbm>>) dst(%dma_wait3A_439 : memref<128x16xf32, #tpu.memory_space<vmem>>)
    %dma_wait3A_445 = arith.constant 640 : i32
    %dma_wait3A_446 = arith.constant 0 : i32
    %dma_wait3A_447 = tpu.memref_slice %arg6[%dma_wait3A_445, %dma_wait3A_446] : memref<1024x16xf32, #tpu.memory_space<vmem>> -> memref<128x16xf32, #tpu.memory_space<vmem>>
    %dma_wait3A_448 = arith.constant 2688 : i32
    %dma_wait3A_449 = tpu.memref_slice %arg5[%dma_wait3A_448] : memref<13312xi32, #tpu.memory_space<vmem>> -> memref<128xi32, #tpu.memory_space<vmem>>
    %dma_wait3A_450 = arith.constant 0 : i32
    %dma_wait3A_451 = arith.constant 0 : i32
    %dma_wait3A_452 = tpu.memref_slice %arg3[%dma_wait3A_450, %dma_wait3A_451] : memref<2600000x16xf32, #tpu.memory_space<hbm>> -> memref<2600000x16xf32, #tpu.memory_space<hbm>>
    tpu.wait_indirect_dma semaphore(%arg8 : memref<!tpu.dma_semaphore, #tpu.memory_space<semaphore_mem>>) src(%dma_wait3A_452 : memref<2600000x16xf32, #tpu.memory_space<hbm>>) dst(%dma_wait3A_447 : memref<128x16xf32, #tpu.memory_space<vmem>>)
    %dma_wait3A_453 = arith.constant 768 : i32
    %dma_wait3A_454 = arith.constant 0 : i32
    %dma_wait3A_455 = tpu.memref_slice %arg6[%dma_wait3A_453, %dma_wait3A_454] : memref<1024x16xf32, #tpu.memory_space<vmem>> -> memref<128x16xf32, #tpu.memory_space<vmem>>
    %dma_wait3A_456 = arith.constant 2816 : i32
    %dma_wait3A_457 = tpu.memref_slice %arg5[%dma_wait3A_456] : memref<13312xi32, #tpu.memory_space<vmem>> -> memref<128xi32, #tpu.memory_space<vmem>>
    %dma_wait3A_458 = arith.constant 0 : i32
    %dma_wait3A_459 = arith.constant 0 : i32
    %dma_wait3A_460 = tpu.memref_slice %arg3[%dma_wait3A_458, %dma_wait3A_459] : memref<2600000x16xf32, #tpu.memory_space<hbm>> -> memref<2600000x16xf32, #tpu.memory_space<hbm>>
    tpu.wait_indirect_dma semaphore(%arg8 : memref<!tpu.dma_semaphore, #tpu.memory_space<semaphore_mem>>) src(%dma_wait3A_460 : memref<2600000x16xf32, #tpu.memory_space<hbm>>) dst(%dma_wait3A_455 : memref<128x16xf32, #tpu.memory_space<vmem>>)
    %dma_wait3A_461 = arith.constant 896 : i32
    %dma_wait3A_462 = arith.constant 0 : i32
    %dma_wait3A_463 = tpu.memref_slice %arg6[%dma_wait3A_461, %dma_wait3A_462] : memref<1024x16xf32, #tpu.memory_space<vmem>> -> memref<128x16xf32, #tpu.memory_space<vmem>>
    %dma_wait3A_464 = arith.constant 2944 : i32
    %dma_wait3A_465 = tpu.memref_slice %arg5[%dma_wait3A_464] : memref<13312xi32, #tpu.memory_space<vmem>> -> memref<128xi32, #tpu.memory_space<vmem>>
    %dma_wait3A_466 = arith.constant 0 : i32
    %dma_wait3A_467 = arith.constant 0 : i32
    %dma_wait3A_468 = tpu.memref_slice %arg3[%dma_wait3A_466, %dma_wait3A_467] : memref<2600000x16xf32, #tpu.memory_space<hbm>> -> memref<2600000x16xf32, #tpu.memory_space<hbm>>
    tpu.wait_indirect_dma semaphore(%arg8 : memref<!tpu.dma_semaphore, #tpu.memory_space<semaphore_mem>>) src(%dma_wait3A_468 : memref<2600000x16xf32, #tpu.memory_space<hbm>>) dst(%dma_wait3A_463 : memref<128x16xf32, #tpu.memory_space<vmem>>)
    %add3A_469 = arith.constant 2048 : i32
    %add3A_470 = arith.addi %mul3A_2, %add3A_469 : i32
    %dma_start3A_471 = arith.constant 0 : i32
    %dma_start3A_472 = tpu.memref_slice %arg4[%add3A_470, %dma_start3A_471] : memref<425984x16xf32, #tpu.memory_space<hbm>> -> memref<1024x16xf32, #tpu.memory_space<hbm>>
    %dma_start3A_473 = arith.constant 0 : i32
    %dma_start3A_474 = tpu.memref_slice %arg4[%add3A_470, %dma_start3A_473] : memref<425984x16xf32, #tpu.memory_space<hbm>> -> memref<1024x16xf32, #tpu.memory_space<hbm>>
    tpu.enqueue_dma source(%arg6 : memref<1024x16xf32, #tpu.memory_space<vmem>>) target(%dma_start3A_474 : memref<1024x16xf32, #tpu.memory_space<hbm>>) target_semaphore(%arg10 : memref<!tpu.dma_semaphore, #tpu.memory_space<semaphore_mem>>)
    %dma_wait3A_475 = arith.constant 0 : i32
    %dma_wait3A_476 = tpu.memref_slice %arg4[%add3A_470, %dma_wait3A_475] : memref<425984x16xf32, #tpu.memory_space<hbm>> -> memref<1024x16xf32, #tpu.memory_space<hbm>>
    %dma_wait3A_477 = arith.constant 0 : i32
    %dma_wait3A_478 = tpu.memref_slice %arg4[%add3A_470, %dma_wait3A_477] : memref<425984x16xf32, #tpu.memory_space<hbm>> -> memref<1024x16xf32, #tpu.memory_space<hbm>>
    tpu.wait_dma2 semaphore(%arg10 : memref<!tpu.dma_semaphore, #tpu.memory_space<semaphore_mem>>) src(%arg6 : memref<1024x16xf32, #tpu.memory_space<vmem>>) dst(%dma_wait3A_478 : memref<1024x16xf32, #tpu.memory_space<hbm>>)
    %dma_start3A_479 = arith.constant 0 : i32
    %dma_start3A_480 = arith.constant 0 : i32
    %dma_start3A_481 = tpu.memref_slice %arg6[%dma_start3A_479, %dma_start3A_480] : memref<1024x16xf32, #tpu.memory_space<vmem>> -> memref<128x16xf32, #tpu.memory_space<vmem>>
    %dma_start3A_482 = arith.constant 4096 : i32
    %dma_start3A_483 = tpu.memref_slice %arg5[%dma_start3A_482] : memref<13312xi32, #tpu.memory_space<vmem>> -> memref<128xi32, #tpu.memory_space<vmem>>
    %dma_start3A_484 = arith.constant 0 : i32
    %dma_start3A_485 = arith.constant 0 : i32
    %dma_start3A_486 = tpu.memref_slice %arg3[%dma_start3A_484, %dma_start3A_485] : memref<2600000x16xf32, #tpu.memory_space<hbm>> -> memref<2600000x16xf32, #tpu.memory_space<hbm>>
    tpu.enqueue_indirect_dma source(%dma_start3A_486 : memref<2600000x16xf32, #tpu.memory_space<hbm>>) target(%dma_start3A_481 : memref<128x16xf32, #tpu.memory_space<vmem>>) offsets(%dma_start3A_483 : memref<128xi32, #tpu.memory_space<vmem>>) semaphore(%arg8 : memref<!tpu.dma_semaphore, #tpu.memory_space<semaphore_mem>>)
    %dma_start3A_487 = arith.constant 128 : i32
    %dma_start3A_488 = arith.constant 0 : i32
    %dma_start3A_489 = tpu.memref_slice %arg6[%dma_start3A_487, %dma_start3A_488] : memref<1024x16xf32, #tpu.memory_space<vmem>> -> memref<128x16xf32, #tpu.memory_space<vmem>>
    %dma_start3A_490 = arith.constant 4224 : i32
    %dma_start3A_491 = tpu.memref_slice %arg5[%dma_start3A_490] : memref<13312xi32, #tpu.memory_space<vmem>> -> memref<128xi32, #tpu.memory_space<vmem>>
    %dma_start3A_492 = arith.constant 0 : i32
    %dma_start3A_493 = arith.constant 0 : i32
    %dma_start3A_494 = tpu.memref_slice %arg3[%dma_start3A_492, %dma_start3A_493] : memref<2600000x16xf32, #tpu.memory_space<hbm>> -> memref<2600000x16xf32, #tpu.memory_space<hbm>>
    tpu.enqueue_indirect_dma source(%dma_start3A_494 : memref<2600000x16xf32, #tpu.memory_space<hbm>>) target(%dma_start3A_489 : memref<128x16xf32, #tpu.memory_space<vmem>>) offsets(%dma_start3A_491 : memref<128xi32, #tpu.memory_space<vmem>>) semaphore(%arg8 : memref<!tpu.dma_semaphore, #tpu.memory_space<semaphore_mem>>)
    %dma_start3A_495 = arith.constant 256 : i32
    %dma_start3A_496 = arith.constant 0 : i32
    %dma_start3A_497 = tpu.memref_slice %arg6[%dma_start3A_495, %dma_start3A_496] : memref<1024x16xf32, #tpu.memory_space<vmem>> -> memref<128x16xf32, #tpu.memory_space<vmem>>
    %dma_start3A_498 = arith.constant 4352 : i32
    %dma_start3A_499 = tpu.memref_slice %arg5[%dma_start3A_498] : memref<13312xi32, #tpu.memory_space<vmem>> -> memref<128xi32, #tpu.memory_space<vmem>>
    %dma_start3A_500 = arith.constant 0 : i32
    %dma_start3A_501 = arith.constant 0 : i32
    %dma_start3A_502 = tpu.memref_slice %arg3[%dma_start3A_500, %dma_start3A_501] : memref<2600000x16xf32, #tpu.memory_space<hbm>> -> memref<2600000x16xf32, #tpu.memory_space<hbm>>
    tpu.enqueue_indirect_dma source(%dma_start3A_502 : memref<2600000x16xf32, #tpu.memory_space<hbm>>) target(%dma_start3A_497 : memref<128x16xf32, #tpu.memory_space<vmem>>) offsets(%dma_start3A_499 : memref<128xi32, #tpu.memory_space<vmem>>) semaphore(%arg8 : memref<!tpu.dma_semaphore, #tpu.memory_space<semaphore_mem>>)
    %dma_start3A_503 = arith.constant 384 : i32
    %dma_start3A_504 = arith.constant 0 : i32
    %dma_start3A_505 = tpu.memref_slice %arg6[%dma_start3A_503, %dma_start3A_504] : memref<1024x16xf32, #tpu.memory_space<vmem>> -> memref<128x16xf32, #tpu.memory_space<vmem>>
    %dma_start3A_506 = arith.constant 4480 : i32
    %dma_start3A_507 = tpu.memref_slice %arg5[%dma_start3A_506] : memref<13312xi32, #tpu.memory_space<vmem>> -> memref<128xi32, #tpu.memory_space<vmem>>
    %dma_start3A_508 = arith.constant 0 : i32
    %dma_start3A_509 = arith.constant 0 : i32
    %dma_start3A_510 = tpu.memref_slice %arg3[%dma_start3A_508, %dma_start3A_509] : memref<2600000x16xf32, #tpu.memory_space<hbm>> -> memref<2600000x16xf32, #tpu.memory_space<hbm>>
    tpu.enqueue_indirect_dma source(%dma_start3A_510 : memref<2600000x16xf32, #tpu.memory_space<hbm>>) target(%dma_start3A_505 : memref<128x16xf32, #tpu.memory_space<vmem>>) offsets(%dma_start3A_507 : memref<128xi32, #tpu.memory_space<vmem>>) semaphore(%arg8 : memref<!tpu.dma_semaphore, #tpu.memory_space<semaphore_mem>>)
    %dma_start3A_511 = arith.constant 512 : i32
    %dma_start3A_512 = arith.constant 0 : i32
    %dma_start3A_513 = tpu.memref_slice %arg6[%dma_start3A_511, %dma_start3A_512] : memref<1024x16xf32, #tpu.memory_space<vmem>> -> memref<128x16xf32, #tpu.memory_space<vmem>>
    %dma_start3A_514 = arith.constant 4608 : i32
    %dma_start3A_515 = tpu.memref_slice %arg5[%dma_start3A_514] : memref<13312xi32, #tpu.memory_space<vmem>> -> memref<128xi32, #tpu.memory_space<vmem>>
    %dma_start3A_516 = arith.constant 0 : i32
    %dma_start3A_517 = arith.constant 0 : i32
    %dma_start3A_518 = tpu.memref_slice %arg3[%dma_start3A_516, %dma_start3A_517] : memref<2600000x16xf32, #tpu.memory_space<hbm>> -> memref<2600000x16xf32, #tpu.memory_space<hbm>>
    tpu.enqueue_indirect_dma source(%dma_start3A_518 : memref<2600000x16xf32, #tpu.memory_space<hbm>>) target(%dma_start3A_513 : memref<128x16xf32, #tpu.memory_space<vmem>>) offsets(%dma_start3A_515 : memref<128xi32, #tpu.memory_space<vmem>>) semaphore(%arg8 : memref<!tpu.dma_semaphore, #tpu.memory_space<semaphore_mem>>)
    %dma_start3A_519 = arith.constant 640 : i32
    %dma_start3A_520 = arith.constant 0 : i32
    %dma_start3A_521 = tpu.memref_slice %arg6[%dma_start3A_519, %dma_start3A_520] : memref<1024x16xf32, #tpu.memory_space<vmem>> -> memref<128x16xf32, #tpu.memory_space<vmem>>
    %dma_start3A_522 = arith.constant 4736 : i32
    %dma_start3A_523 = tpu.memref_slice %arg5[%dma_start3A_522] : memref<13312xi32, #tpu.memory_space<vmem>> -> memref<128xi32, #tpu.memory_space<vmem>>
    %dma_start3A_524 = arith.constant 0 : i32
    %dma_start3A_525 = arith.constant 0 : i32
    %dma_start3A_526 = tpu.memref_slice %arg3[%dma_start3A_524, %dma_start3A_525] : memref<2600000x16xf32, #tpu.memory_space<hbm>> -> memref<2600000x16xf32, #tpu.memory_space<hbm>>
    tpu.enqueue_indirect_dma source(%dma_start3A_526 : memref<2600000x16xf32, #tpu.memory_space<hbm>>) target(%dma_start3A_521 : memref<128x16xf32, #tpu.memory_space<vmem>>) offsets(%dma_start3A_523 : memref<128xi32, #tpu.memory_space<vmem>>) semaphore(%arg8 : memref<!tpu.dma_semaphore, #tpu.memory_space<semaphore_mem>>)
    %dma_start3A_527 = arith.constant 768 : i32
    %dma_start3A_528 = arith.constant 0 : i32
    %dma_start3A_529 = tpu.memref_slice %arg6[%dma_start3A_527, %dma_start3A_528] : memref<1024x16xf32, #tpu.memory_space<vmem>> -> memref<128x16xf32, #tpu.memory_space<vmem>>
    %dma_start3A_530 = arith.constant 4864 : i32
    %dma_start3A_531 = tpu.memref_slice %arg5[%dma_start3A_530] : memref<13312xi32, #tpu.memory_space<vmem>> -> memref<128xi32, #tpu.memory_space<vmem>>
    %dma_start3A_532 = arith.constant 0 : i32
    %dma_start3A_533 = arith.constant 0 : i32
    %dma_start3A_534 = tpu.memref_slice %arg3[%dma_start3A_532, %dma_start3A_533] : memref<2600000x16xf32, #tpu.memory_space<hbm>> -> memref<2600000x16xf32, #tpu.memory_space<hbm>>
    tpu.enqueue_indirect_dma source(%dma_start3A_534 : memref<2600000x16xf32, #tpu.memory_space<hbm>>) target(%dma_start3A_529 : memref<128x16xf32, #tpu.memory_space<vmem>>) offsets(%dma_start3A_531 : memref<128xi32, #tpu.memory_space<vmem>>) semaphore(%arg8 : memref<!tpu.dma_semaphore, #tpu.memory_space<semaphore_mem>>)
    %dma_start3A_535 = arith.constant 896 : i32
    %dma_start3A_536 = arith.constant 0 : i32
    %dma_start3A_537 = tpu.memref_slice %arg6[%dma_start3A_535, %dma_start3A_536] : memref<1024x16xf32, #tpu.memory_space<vmem>> -> memref<128x16xf32, #tpu.memory_space<vmem>>
    %dma_start3A_538 = arith.constant 4992 : i32
    %dma_start3A_539 = tpu.memref_slice %arg5[%dma_start3A_538] : memref<13312xi32, #tpu.memory_space<vmem>> -> memref<128xi32, #tpu.memory_space<vmem>>
    %dma_start3A_540 = arith.constant 0 : i32
    %dma_start3A_541 = arith.constant 0 : i32
    %dma_start3A_542 = tpu.memref_slice %arg3[%dma_start3A_540, %dma_start3A_541] : memref<2600000x16xf32, #tpu.memory_space<hbm>> -> memref<2600000x16xf32, #tpu.memory_space<hbm>>
    tpu.enqueue_indirect_dma source(%dma_start3A_542 : memref<2600000x16xf32, #tpu.memory_space<hbm>>) target(%dma_start3A_537 : memref<128x16xf32, #tpu.memory_space<vmem>>) offsets(%dma_start3A_539 : memref<128xi32, #tpu.memory_space<vmem>>) semaphore(%arg8 : memref<!tpu.dma_semaphore, #tpu.memory_space<semaphore_mem>>)
    %dma_wait3A_543 = arith.constant 0 : i32
    %dma_wait3A_544 = arith.constant 0 : i32
    %dma_wait3A_545 = tpu.memref_slice %arg7[%dma_wait3A_543, %dma_wait3A_544] : memref<1024x16xf32, #tpu.memory_space<vmem>> -> memref<128x16xf32, #tpu.memory_space<vmem>>
    %dma_wait3A_546 = arith.constant 3072 : i32
    %dma_wait3A_547 = tpu.memref_slice %arg5[%dma_wait3A_546] : memref<13312xi32, #tpu.memory_space<vmem>> -> memref<128xi32, #tpu.memory_space<vmem>>
    %dma_wait3A_548 = arith.constant 0 : i32
    %dma_wait3A_549 = arith.constant 0 : i32
    %dma_wait3A_550 = tpu.memref_slice %arg3[%dma_wait3A_548, %dma_wait3A_549] : memref<2600000x16xf32, #tpu.memory_space<hbm>> -> memref<2600000x16xf32, #tpu.memory_space<hbm>>
    tpu.wait_indirect_dma semaphore(%arg9 : memref<!tpu.dma_semaphore, #tpu.memory_space<semaphore_mem>>) src(%dma_wait3A_550 : memref<2600000x16xf32, #tpu.memory_space<hbm>>) dst(%dma_wait3A_545 : memref<128x16xf32, #tpu.memory_space<vmem>>)
    %dma_wait3A_551 = arith.constant 128 : i32
    %dma_wait3A_552 = arith.constant 0 : i32
    %dma_wait3A_553 = tpu.memref_slice %arg7[%dma_wait3A_551, %dma_wait3A_552] : memref<1024x16xf32, #tpu.memory_space<vmem>> -> memref<128x16xf32, #tpu.memory_space<vmem>>
    %dma_wait3A_554 = arith.constant 3200 : i32
    %dma_wait3A_555 = tpu.memref_slice %arg5[%dma_wait3A_554] : memref<13312xi32, #tpu.memory_space<vmem>> -> memref<128xi32, #tpu.memory_space<vmem>>
    %dma_wait3A_556 = arith.constant 0 : i32
    %dma_wait3A_557 = arith.constant 0 : i32
    %dma_wait3A_558 = tpu.memref_slice %arg3[%dma_wait3A_556, %dma_wait3A_557] : memref<2600000x16xf32, #tpu.memory_space<hbm>> -> memref<2600000x16xf32, #tpu.memory_space<hbm>>
    tpu.wait_indirect_dma semaphore(%arg9 : memref<!tpu.dma_semaphore, #tpu.memory_space<semaphore_mem>>) src(%dma_wait3A_558 : memref<2600000x16xf32, #tpu.memory_space<hbm>>) dst(%dma_wait3A_553 : memref<128x16xf32, #tpu.memory_space<vmem>>)
    %dma_wait3A_559 = arith.constant 256 : i32
    %dma_wait3A_560 = arith.constant 0 : i32
    %dma_wait3A_561 = tpu.memref_slice %arg7[%dma_wait3A_559, %dma_wait3A_560] : memref<1024x16xf32, #tpu.memory_space<vmem>> -> memref<128x16xf32, #tpu.memory_space<vmem>>
    %dma_wait3A_562 = arith.constant 3328 : i32
    %dma_wait3A_563 = tpu.memref_slice %arg5[%dma_wait3A_562] : memref<13312xi32, #tpu.memory_space<vmem>> -> memref<128xi32, #tpu.memory_space<vmem>>
    %dma_wait3A_564 = arith.constant 0 : i32
    %dma_wait3A_565 = arith.constant 0 : i32
    %dma_wait3A_566 = tpu.memref_slice %arg3[%dma_wait3A_564, %dma_wait3A_565] : memref<2600000x16xf32, #tpu.memory_space<hbm>> -> memref<2600000x16xf32, #tpu.memory_space<hbm>>
    tpu.wait_indirect_dma semaphore(%arg9 : memref<!tpu.dma_semaphore, #tpu.memory_space<semaphore_mem>>) src(%dma_wait3A_566 : memref<2600000x16xf32, #tpu.memory_space<hbm>>) dst(%dma_wait3A_561 : memref<128x16xf32, #tpu.memory_space<vmem>>)
    %dma_wait3A_567 = arith.constant 384 : i32
    %dma_wait3A_568 = arith.constant 0 : i32
    %dma_wait3A_569 = tpu.memref_slice %arg7[%dma_wait3A_567, %dma_wait3A_568] : memref<1024x16xf32, #tpu.memory_space<vmem>> -> memref<128x16xf32, #tpu.memory_space<vmem>>
    %dma_wait3A_570 = arith.constant 3456 : i32
    %dma_wait3A_571 = tpu.memref_slice %arg5[%dma_wait3A_570] : memref<13312xi32, #tpu.memory_space<vmem>> -> memref<128xi32, #tpu.memory_space<vmem>>
    %dma_wait3A_572 = arith.constant 0 : i32
    %dma_wait3A_573 = arith.constant 0 : i32
    %dma_wait3A_574 = tpu.memref_slice %arg3[%dma_wait3A_572, %dma_wait3A_573] : memref<2600000x16xf32, #tpu.memory_space<hbm>> -> memref<2600000x16xf32, #tpu.memory_space<hbm>>
    tpu.wait_indirect_dma semaphore(%arg9 : memref<!tpu.dma_semaphore, #tpu.memory_space<semaphore_mem>>) src(%dma_wait3A_574 : memref<2600000x16xf32, #tpu.memory_space<hbm>>) dst(%dma_wait3A_569 : memref<128x16xf32, #tpu.memory_space<vmem>>)
    %dma_wait3A_575 = arith.constant 512 : i32
    %dma_wait3A_576 = arith.constant 0 : i32
    %dma_wait3A_577 = tpu.memref_slice %arg7[%dma_wait3A_575, %dma_wait3A_576] : memref<1024x16xf32, #tpu.memory_space<vmem>> -> memref<128x16xf32, #tpu.memory_space<vmem>>
    %dma_wait3A_578 = arith.constant 3584 : i32
    %dma_wait3A_579 = tpu.memref_slice %arg5[%dma_wait3A_578] : memref<13312xi32, #tpu.memory_space<vmem>> -> memref<128xi32, #tpu.memory_space<vmem>>
    %dma_wait3A_580 = arith.constant 0 : i32
    %dma_wait3A_581 = arith.constant 0 : i32
    %dma_wait3A_582 = tpu.memref_slice %arg3[%dma_wait3A_580, %dma_wait3A_581] : memref<2600000x16xf32, #tpu.memory_space<hbm>> -> memref<2600000x16xf32, #tpu.memory_space<hbm>>
    tpu.wait_indirect_dma semaphore(%arg9 : memref<!tpu.dma_semaphore, #tpu.memory_space<semaphore_mem>>) src(%dma_wait3A_582 : memref<2600000x16xf32, #tpu.memory_space<hbm>>) dst(%dma_wait3A_577 : memref<128x16xf32, #tpu.memory_space<vmem>>)
    %dma_wait3A_583 = arith.constant 640 : i32
    %dma_wait3A_584 = arith.constant 0 : i32
    %dma_wait3A_585 = tpu.memref_slice %arg7[%dma_wait3A_583, %dma_wait3A_584] : memref<1024x16xf32, #tpu.memory_space<vmem>> -> memref<128x16xf32, #tpu.memory_space<vmem>>
    %dma_wait3A_586 = arith.constant 3712 : i32
    %dma_wait3A_587 = tpu.memref_slice %arg5[%dma_wait3A_586] : memref<13312xi32, #tpu.memory_space<vmem>> -> memref<128xi32, #tpu.memory_space<vmem>>
    %dma_wait3A_588 = arith.constant 0 : i32
    %dma_wait3A_589 = arith.constant 0 : i32
    %dma_wait3A_590 = tpu.memref_slice %arg3[%dma_wait3A_588, %dma_wait3A_589] : memref<2600000x16xf32, #tpu.memory_space<hbm>> -> memref<2600000x16xf32, #tpu.memory_space<hbm>>
    tpu.wait_indirect_dma semaphore(%arg9 : memref<!tpu.dma_semaphore, #tpu.memory_space<semaphore_mem>>) src(%dma_wait3A_590 : memref<2600000x16xf32, #tpu.memory_space<hbm>>) dst(%dma_wait3A_585 : memref<128x16xf32, #tpu.memory_space<vmem>>)
    %dma_wait3A_591 = arith.constant 768 : i32
    %dma_wait3A_592 = arith.constant 0 : i32
    %dma_wait3A_593 = tpu.memref_slice %arg7[%dma_wait3A_591, %dma_wait3A_592] : memref<1024x16xf32, #tpu.memory_space<vmem>> -> memref<128x16xf32, #tpu.memory_space<vmem>>
    %dma_wait3A_594 = arith.constant 3840 : i32
    %dma_wait3A_595 = tpu.memref_slice %arg5[%dma_wait3A_594] : memref<13312xi32, #tpu.memory_space<vmem>> -> memref<128xi32, #tpu.memory_space<vmem>>
    %dma_wait3A_596 = arith.constant 0 : i32
    %dma_wait3A_597 = arith.constant 0 : i32
    %dma_wait3A_598 = tpu.memref_slice %arg3[%dma_wait3A_596, %dma_wait3A_597] : memref<2600000x16xf32, #tpu.memory_space<hbm>> -> memref<2600000x16xf32, #tpu.memory_space<hbm>>
    tpu.wait_indirect_dma semaphore(%arg9 : memref<!tpu.dma_semaphore, #tpu.memory_space<semaphore_mem>>) src(%dma_wait3A_598 : memref<2600000x16xf32, #tpu.memory_space<hbm>>) dst(%dma_wait3A_593 : memref<128x16xf32, #tpu.memory_space<vmem>>)
    %dma_wait3A_599 = arith.constant 896 : i32
    %dma_wait3A_600 = arith.constant 0 : i32
    %dma_wait3A_601 = tpu.memref_slice %arg7[%dma_wait3A_599, %dma_wait3A_600] : memref<1024x16xf32, #tpu.memory_space<vmem>> -> memref<128x16xf32, #tpu.memory_space<vmem>>
    %dma_wait3A_602 = arith.constant 3968 : i32
    %dma_wait3A_603 = tpu.memref_slice %arg5[%dma_wait3A_602] : memref<13312xi32, #tpu.memory_space<vmem>> -> memref<128xi32, #tpu.memory_space<vmem>>
    %dma_wait3A_604 = arith.constant 0 : i32
    %dma_wait3A_605 = arith.constant 0 : i32
    %dma_wait3A_606 = tpu.memref_slice %arg3[%dma_wait3A_604, %dma_wait3A_605] : memref<2600000x16xf32, #tpu.memory_space<hbm>> -> memref<2600000x16xf32, #tpu.memory_space<hbm>>
    tpu.wait_indirect_dma semaphore(%arg9 : memref<!tpu.dma_semaphore, #tpu.memory_space<semaphore_mem>>) src(%dma_wait3A_606 : memref<2600000x16xf32, #tpu.memory_space<hbm>>) dst(%dma_wait3A_601 : memref<128x16xf32, #tpu.memory_space<vmem>>)
    %add3A_607 = arith.constant 3072 : i32
    %add3A_608 = arith.addi %mul3A_2, %add3A_607 : i32
    %dma_start3A_609 = arith.constant 0 : i32
    %dma_start3A_610 = tpu.memref_slice %arg4[%add3A_608, %dma_start3A_609] : memref<425984x16xf32, #tpu.memory_space<hbm>> -> memref<1024x16xf32, #tpu.memory_space<hbm>>
    %dma_start3A_611 = arith.constant 0 : i32
    %dma_start3A_612 = tpu.memref_slice %arg4[%add3A_608, %dma_start3A_611] : memref<425984x16xf32, #tpu.memory_space<hbm>> -> memref<1024x16xf32, #tpu.memory_space<hbm>>
    tpu.enqueue_dma source(%arg7 : memref<1024x16xf32, #tpu.memory_space<vmem>>) target(%dma_start3A_612 : memref<1024x16xf32, #tpu.memory_space<hbm>>) target_semaphore(%arg10 : memref<!tpu.dma_semaphore, #tpu.memory_space<semaphore_mem>>)
    %dma_wait3A_613 = arith.constant 0 : i32
    %dma_wait3A_614 = tpu.memref_slice %arg4[%add3A_608, %dma_wait3A_613] : memref<425984x16xf32, #tpu.memory_space<hbm>> -> memref<1024x16xf32, #tpu.memory_space<hbm>>
    %dma_wait3A_615 = arith.constant 0 : i32
    %dma_wait3A_616 = tpu.memref_slice %arg4[%add3A_608, %dma_wait3A_615] : memref<425984x16xf32, #tpu.memory_space<hbm>> -> memref<1024x16xf32, #tpu.memory_space<hbm>>
    tpu.wait_dma2 semaphore(%arg10 : memref<!tpu.dma_semaphore, #tpu.memory_space<semaphore_mem>>) src(%arg7 : memref<1024x16xf32, #tpu.memory_space<vmem>>) dst(%dma_wait3A_616 : memref<1024x16xf32, #tpu.memory_space<hbm>>)
    %dma_start3A_617 = arith.constant 0 : i32
    %dma_start3A_618 = arith.constant 0 : i32
    %dma_start3A_619 = tpu.memref_slice %arg7[%dma_start3A_617, %dma_start3A_618] : memref<1024x16xf32, #tpu.memory_space<vmem>> -> memref<128x16xf32, #tpu.memory_space<vmem>>
    %dma_start3A_620 = arith.constant 5120 : i32
    %dma_start3A_621 = tpu.memref_slice %arg5[%dma_start3A_620] : memref<13312xi32, #tpu.memory_space<vmem>> -> memref<128xi32, #tpu.memory_space<vmem>>
    %dma_start3A_622 = arith.constant 0 : i32
    %dma_start3A_623 = arith.constant 0 : i32
    %dma_start3A_624 = tpu.memref_slice %arg3[%dma_start3A_622, %dma_start3A_623] : memref<2600000x16xf32, #tpu.memory_space<hbm>> -> memref<2600000x16xf32, #tpu.memory_space<hbm>>
    tpu.enqueue_indirect_dma source(%dma_start3A_624 : memref<2600000x16xf32, #tpu.memory_space<hbm>>) target(%dma_start3A_619 : memref<128x16xf32, #tpu.memory_space<vmem>>) offsets(%dma_start3A_621 : memref<128xi32, #tpu.memory_space<vmem>>) semaphore(%arg9 : memref<!tpu.dma_semaphore, #tpu.memory_space<semaphore_mem>>)
    %dma_start3A_625 = arith.constant 128 : i32
    %dma_start3A_626 = arith.constant 0 : i32
    %dma_start3A_627 = tpu.memref_slice %arg7[%dma_start3A_625, %dma_start3A_626] : memref<1024x16xf32, #tpu.memory_space<vmem>> -> memref<128x16xf32, #tpu.memory_space<vmem>>
    %dma_start3A_628 = arith.constant 5248 : i32
    %dma_start3A_629 = tpu.memref_slice %arg5[%dma_start3A_628] : memref<13312xi32, #tpu.memory_space<vmem>> -> memref<128xi32, #tpu.memory_space<vmem>>
    %dma_start3A_630 = arith.constant 0 : i32
    %dma_start3A_631 = arith.constant 0 : i32
    %dma_start3A_632 = tpu.memref_slice %arg3[%dma_start3A_630, %dma_start3A_631] : memref<2600000x16xf32, #tpu.memory_space<hbm>> -> memref<2600000x16xf32, #tpu.memory_space<hbm>>
    tpu.enqueue_indirect_dma source(%dma_start3A_632 : memref<2600000x16xf32, #tpu.memory_space<hbm>>) target(%dma_start3A_627 : memref<128x16xf32, #tpu.memory_space<vmem>>) offsets(%dma_start3A_629 : memref<128xi32, #tpu.memory_space<vmem>>) semaphore(%arg9 : memref<!tpu.dma_semaphore, #tpu.memory_space<semaphore_mem>>)
    %dma_start3A_633 = arith.constant 256 : i32
    %dma_start3A_634 = arith.constant 0 : i32
    %dma_start3A_635 = tpu.memref_slice %arg7[%dma_start3A_633, %dma_start3A_634] : memref<1024x16xf32, #tpu.memory_space<vmem>> -> memref<128x16xf32, #tpu.memory_space<vmem>>
    %dma_start3A_636 = arith.constant 5376 : i32
    %dma_start3A_637 = tpu.memref_slice %arg5[%dma_start3A_636] : memref<13312xi32, #tpu.memory_space<vmem>> -> memref<128xi32, #tpu.memory_space<vmem>>
    %dma_start3A_638 = arith.constant 0 : i32
    %dma_start3A_639 = arith.constant 0 : i32
    %dma_start3A_640 = tpu.memref_slice %arg3[%dma_start3A_638, %dma_start3A_639] : memref<2600000x16xf32, #tpu.memory_space<hbm>> -> memref<2600000x16xf32, #tpu.memory_space<hbm>>
    tpu.enqueue_indirect_dma source(%dma_start3A_640 : memref<2600000x16xf32, #tpu.memory_space<hbm>>) target(%dma_start3A_635 : memref<128x16xf32, #tpu.memory_space<vmem>>) offsets(%dma_start3A_637 : memref<128xi32, #tpu.memory_space<vmem>>) semaphore(%arg9 : memref<!tpu.dma_semaphore, #tpu.memory_space<semaphore_mem>>)
    %dma_start3A_641 = arith.constant 384 : i32
    %dma_start3A_642 = arith.constant 0 : i32
    %dma_start3A_643 = tpu.memref_slice %arg7[%dma_start3A_641, %dma_start3A_642] : memref<1024x16xf32, #tpu.memory_space<vmem>> -> memref<128x16xf32, #tpu.memory_space<vmem>>
    %dma_start3A_644 = arith.constant 5504 : i32
    %dma_start3A_645 = tpu.memref_slice %arg5[%dma_start3A_644] : memref<13312xi32, #tpu.memory_space<vmem>> -> memref<128xi32, #tpu.memory_space<vmem>>
    %dma_start3A_646 = arith.constant 0 : i32
    %dma_start3A_647 = arith.constant 0 : i32
    %dma_start3A_648 = tpu.memref_slice %arg3[%dma_start3A_646, %dma_start3A_647] : memref<2600000x16xf32, #tpu.memory_space<hbm>> -> memref<2600000x16xf32, #tpu.memory_space<hbm>>
    tpu.enqueue_indirect_dma source(%dma_start3A_648 : memref<2600000x16xf32, #tpu.memory_space<hbm>>) target(%dma_start3A_643 : memref<128x16xf32, #tpu.memory_space<vmem>>) offsets(%dma_start3A_645 : memref<128xi32, #tpu.memory_space<vmem>>) semaphore(%arg9 : memref<!tpu.dma_semaphore, #tpu.memory_space<semaphore_mem>>)
    %dma_start3A_649 = arith.constant 512 : i32
    %dma_start3A_650 = arith.constant 0 : i32
    %dma_start3A_651 = tpu.memref_slice %arg7[%dma_start3A_649, %dma_start3A_650] : memref<1024x16xf32, #tpu.memory_space<vmem>> -> memref<128x16xf32, #tpu.memory_space<vmem>>
    %dma_start3A_652 = arith.constant 5632 : i32
    %dma_start3A_653 = tpu.memref_slice %arg5[%dma_start3A_652] : memref<13312xi32, #tpu.memory_space<vmem>> -> memref<128xi32, #tpu.memory_space<vmem>>
    %dma_start3A_654 = arith.constant 0 : i32
    %dma_start3A_655 = arith.constant 0 : i32
    %dma_start3A_656 = tpu.memref_slice %arg3[%dma_start3A_654, %dma_start3A_655] : memref<2600000x16xf32, #tpu.memory_space<hbm>> -> memref<2600000x16xf32, #tpu.memory_space<hbm>>
    tpu.enqueue_indirect_dma source(%dma_start3A_656 : memref<2600000x16xf32, #tpu.memory_space<hbm>>) target(%dma_start3A_651 : memref<128x16xf32, #tpu.memory_space<vmem>>) offsets(%dma_start3A_653 : memref<128xi32, #tpu.memory_space<vmem>>) semaphore(%arg9 : memref<!tpu.dma_semaphore, #tpu.memory_space<semaphore_mem>>)
    %dma_start3A_657 = arith.constant 640 : i32
    %dma_start3A_658 = arith.constant 0 : i32
    %dma_start3A_659 = tpu.memref_slice %arg7[%dma_start3A_657, %dma_start3A_658] : memref<1024x16xf32, #tpu.memory_space<vmem>> -> memref<128x16xf32, #tpu.memory_space<vmem>>
    %dma_start3A_660 = arith.constant 5760 : i32
    %dma_start3A_661 = tpu.memref_slice %arg5[%dma_start3A_660] : memref<13312xi32, #tpu.memory_space<vmem>> -> memref<128xi32, #tpu.memory_space<vmem>>
    %dma_start3A_662 = arith.constant 0 : i32
    %dma_start3A_663 = arith.constant 0 : i32
    %dma_start3A_664 = tpu.memref_slice %arg3[%dma_start3A_662, %dma_start3A_663] : memref<2600000x16xf32, #tpu.memory_space<hbm>> -> memref<2600000x16xf32, #tpu.memory_space<hbm>>
    tpu.enqueue_indirect_dma source(%dma_start3A_664 : memref<2600000x16xf32, #tpu.memory_space<hbm>>) target(%dma_start3A_659 : memref<128x16xf32, #tpu.memory_space<vmem>>) offsets(%dma_start3A_661 : memref<128xi32, #tpu.memory_space<vmem>>) semaphore(%arg9 : memref<!tpu.dma_semaphore, #tpu.memory_space<semaphore_mem>>)
    %dma_start3A_665 = arith.constant 768 : i32
    %dma_start3A_666 = arith.constant 0 : i32
    %dma_start3A_667 = tpu.memref_slice %arg7[%dma_start3A_665, %dma_start3A_666] : memref<1024x16xf32, #tpu.memory_space<vmem>> -> memref<128x16xf32, #tpu.memory_space<vmem>>
    %dma_start3A_668 = arith.constant 5888 : i32
    %dma_start3A_669 = tpu.memref_slice %arg5[%dma_start3A_668] : memref<13312xi32, #tpu.memory_space<vmem>> -> memref<128xi32, #tpu.memory_space<vmem>>
    %dma_start3A_670 = arith.constant 0 : i32
    %dma_start3A_671 = arith.constant 0 : i32
    %dma_start3A_672 = tpu.memref_slice %arg3[%dma_start3A_670, %dma_start3A_671] : memref<2600000x16xf32, #tpu.memory_space<hbm>> -> memref<2600000x16xf32, #tpu.memory_space<hbm>>
    tpu.enqueue_indirect_dma source(%dma_start3A_672 : memref<2600000x16xf32, #tpu.memory_space<hbm>>) target(%dma_start3A_667 : memref<128x16xf32, #tpu.memory_space<vmem>>) offsets(%dma_start3A_669 : memref<128xi32, #tpu.memory_space<vmem>>) semaphore(%arg9 : memref<!tpu.dma_semaphore, #tpu.memory_space<semaphore_mem>>)
    %dma_start3A_673 = arith.constant 896 : i32
    %dma_start3A_674 = arith.constant 0 : i32
    %dma_start3A_675 = tpu.memref_slice %arg7[%dma_start3A_673, %dma_start3A_674] : memref<1024x16xf32, #tpu.memory_space<vmem>> -> memref<128x16xf32, #tpu.memory_space<vmem>>
    %dma_start3A_676 = arith.constant 6016 : i32
    %dma_start3A_677 = tpu.memref_slice %arg5[%dma_start3A_676] : memref<13312xi32, #tpu.memory_space<vmem>> -> memref<128xi32, #tpu.memory_space<vmem>>
    %dma_start3A_678 = arith.constant 0 : i32
    %dma_start3A_679 = arith.constant 0 : i32
    %dma_start3A_680 = tpu.memref_slice %arg3[%dma_start3A_678, %dma_start3A_679] : memref<2600000x16xf32, #tpu.memory_space<hbm>> -> memref<2600000x16xf32, #tpu.memory_space<hbm>>
    tpu.enqueue_indirect_dma source(%dma_start3A_680 : memref<2600000x16xf32, #tpu.memory_space<hbm>>) target(%dma_start3A_675 : memref<128x16xf32, #tpu.memory_space<vmem>>) offsets(%dma_start3A_677 : memref<128xi32, #tpu.memory_space<vmem>>) semaphore(%arg9 : memref<!tpu.dma_semaphore, #tpu.memory_space<semaphore_mem>>)
    %dma_wait3A_681 = arith.constant 0 : i32
    %dma_wait3A_682 = arith.constant 0 : i32
    %dma_wait3A_683 = tpu.memref_slice %arg6[%dma_wait3A_681, %dma_wait3A_682] : memref<1024x16xf32, #tpu.memory_space<vmem>> -> memref<128x16xf32, #tpu.memory_space<vmem>>
    %dma_wait3A_684 = arith.constant 4096 : i32
    %dma_wait3A_685 = tpu.memref_slice %arg5[%dma_wait3A_684] : memref<13312xi32, #tpu.memory_space<vmem>> -> memref<128xi32, #tpu.memory_space<vmem>>
    %dma_wait3A_686 = arith.constant 0 : i32
    %dma_wait3A_687 = arith.constant 0 : i32
    %dma_wait3A_688 = tpu.memref_slice %arg3[%dma_wait3A_686, %dma_wait3A_687] : memref<2600000x16xf32, #tpu.memory_space<hbm>> -> memref<2600000x16xf32, #tpu.memory_space<hbm>>
    tpu.wait_indirect_dma semaphore(%arg8 : memref<!tpu.dma_semaphore, #tpu.memory_space<semaphore_mem>>) src(%dma_wait3A_688 : memref<2600000x16xf32, #tpu.memory_space<hbm>>) dst(%dma_wait3A_683 : memref<128x16xf32, #tpu.memory_space<vmem>>)
    %dma_wait3A_689 = arith.constant 128 : i32
    %dma_wait3A_690 = arith.constant 0 : i32
    %dma_wait3A_691 = tpu.memref_slice %arg6[%dma_wait3A_689, %dma_wait3A_690] : memref<1024x16xf32, #tpu.memory_space<vmem>> -> memref<128x16xf32, #tpu.memory_space<vmem>>
    %dma_wait3A_692 = arith.constant 4224 : i32
    %dma_wait3A_693 = tpu.memref_slice %arg5[%dma_wait3A_692] : memref<13312xi32, #tpu.memory_space<vmem>> -> memref<128xi32, #tpu.memory_space<vmem>>
    %dma_wait3A_694 = arith.constant 0 : i32
    %dma_wait3A_695 = arith.constant 0 : i32
    %dma_wait3A_696 = tpu.memref_slice %arg3[%dma_wait3A_694, %dma_wait3A_695] : memref<2600000x16xf32, #tpu.memory_space<hbm>> -> memref<2600000x16xf32, #tpu.memory_space<hbm>>
    tpu.wait_indirect_dma semaphore(%arg8 : memref<!tpu.dma_semaphore, #tpu.memory_space<semaphore_mem>>) src(%dma_wait3A_696 : memref<2600000x16xf32, #tpu.memory_space<hbm>>) dst(%dma_wait3A_691 : memref<128x16xf32, #tpu.memory_space<vmem>>)
    %dma_wait3A_697 = arith.constant 256 : i32
    %dma_wait3A_698 = arith.constant 0 : i32
    %dma_wait3A_699 = tpu.memref_slice %arg6[%dma_wait3A_697, %dma_wait3A_698] : memref<1024x16xf32, #tpu.memory_space<vmem>> -> memref<128x16xf32, #tpu.memory_space<vmem>>
    %dma_wait3A_700 = arith.constant 4352 : i32
    %dma_wait3A_701 = tpu.memref_slice %arg5[%dma_wait3A_700] : memref<13312xi32, #tpu.memory_space<vmem>> -> memref<128xi32, #tpu.memory_space<vmem>>
    %dma_wait3A_702 = arith.constant 0 : i32
    %dma_wait3A_703 = arith.constant 0 : i32
    %dma_wait3A_704 = tpu.memref_slice %arg3[%dma_wait3A_702, %dma_wait3A_703] : memref<2600000x16xf32, #tpu.memory_space<hbm>> -> memref<2600000x16xf32, #tpu.memory_space<hbm>>
    tpu.wait_indirect_dma semaphore(%arg8 : memref<!tpu.dma_semaphore, #tpu.memory_space<semaphore_mem>>) src(%dma_wait3A_704 : memref<2600000x16xf32, #tpu.memory_space<hbm>>) dst(%dma_wait3A_699 : memref<128x16xf32, #tpu.memory_space<vmem>>)
    %dma_wait3A_705 = arith.constant 384 : i32
    %dma_wait3A_706 = arith.constant 0 : i32
    %dma_wait3A_707 = tpu.memref_slice %arg6[%dma_wait3A_705, %dma_wait3A_706] : memref<1024x16xf32, #tpu.memory_space<vmem>> -> memref<128x16xf32, #tpu.memory_space<vmem>>
    %dma_wait3A_708 = arith.constant 4480 : i32
    %dma_wait3A_709 = tpu.memref_slice %arg5[%dma_wait3A_708] : memref<13312xi32, #tpu.memory_space<vmem>> -> memref<128xi32, #tpu.memory_space<vmem>>
    %dma_wait3A_710 = arith.constant 0 : i32
    %dma_wait3A_711 = arith.constant 0 : i32
    %dma_wait3A_712 = tpu.memref_slice %arg3[%dma_wait3A_710, %dma_wait3A_711] : memref<2600000x16xf32, #tpu.memory_space<hbm>> -> memref<2600000x16xf32, #tpu.memory_space<hbm>>
    tpu.wait_indirect_dma semaphore(%arg8 : memref<!tpu.dma_semaphore, #tpu.memory_space<semaphore_mem>>) src(%dma_wait3A_712 : memref<2600000x16xf32, #tpu.memory_space<hbm>>) dst(%dma_wait3A_707 : memref<128x16xf32, #tpu.memory_space<vmem>>)
    %dma_wait3A_713 = arith.constant 512 : i32
    %dma_wait3A_714 = arith.constant 0 : i32
    %dma_wait3A_715 = tpu.memref_slice %arg6[%dma_wait3A_713, %dma_wait3A_714] : memref<1024x16xf32, #tpu.memory_space<vmem>> -> memref<128x16xf32, #tpu.memory_space<vmem>>
    %dma_wait3A_716 = arith.constant 4608 : i32
    %dma_wait3A_717 = tpu.memref_slice %arg5[%dma_wait3A_716] : memref<13312xi32, #tpu.memory_space<vmem>> -> memref<128xi32, #tpu.memory_space<vmem>>
    %dma_wait3A_718 = arith.constant 0 : i32
    %dma_wait3A_719 = arith.constant 0 : i32
    %dma_wait3A_720 = tpu.memref_slice %arg3[%dma_wait3A_718, %dma_wait3A_719] : memref<2600000x16xf32, #tpu.memory_space<hbm>> -> memref<2600000x16xf32, #tpu.memory_space<hbm>>
    tpu.wait_indirect_dma semaphore(%arg8 : memref<!tpu.dma_semaphore, #tpu.memory_space<semaphore_mem>>) src(%dma_wait3A_720 : memref<2600000x16xf32, #tpu.memory_space<hbm>>) dst(%dma_wait3A_715 : memref<128x16xf32, #tpu.memory_space<vmem>>)
    %dma_wait3A_721 = arith.constant 640 : i32
    %dma_wait3A_722 = arith.constant 0 : i32
    %dma_wait3A_723 = tpu.memref_slice %arg6[%dma_wait3A_721, %dma_wait3A_722] : memref<1024x16xf32, #tpu.memory_space<vmem>> -> memref<128x16xf32, #tpu.memory_space<vmem>>
    %dma_wait3A_724 = arith.constant 4736 : i32
    %dma_wait3A_725 = tpu.memref_slice %arg5[%dma_wait3A_724] : memref<13312xi32, #tpu.memory_space<vmem>> -> memref<128xi32, #tpu.memory_space<vmem>>
    %dma_wait3A_726 = arith.constant 0 : i32
    %dma_wait3A_727 = arith.constant 0 : i32
    %dma_wait3A_728 = tpu.memref_slice %arg3[%dma_wait3A_726, %dma_wait3A_727] : memref<2600000x16xf32, #tpu.memory_space<hbm>> -> memref<2600000x16xf32, #tpu.memory_space<hbm>>
    tpu.wait_indirect_dma semaphore(%arg8 : memref<!tpu.dma_semaphore, #tpu.memory_space<semaphore_mem>>) src(%dma_wait3A_728 : memref<2600000x16xf32, #tpu.memory_space<hbm>>) dst(%dma_wait3A_723 : memref<128x16xf32, #tpu.memory_space<vmem>>)
    %dma_wait3A_729 = arith.constant 768 : i32
    %dma_wait3A_730 = arith.constant 0 : i32
    %dma_wait3A_731 = tpu.memref_slice %arg6[%dma_wait3A_729, %dma_wait3A_730] : memref<1024x16xf32, #tpu.memory_space<vmem>> -> memref<128x16xf32, #tpu.memory_space<vmem>>
    %dma_wait3A_732 = arith.constant 4864 : i32
    %dma_wait3A_733 = tpu.memref_slice %arg5[%dma_wait3A_732] : memref<13312xi32, #tpu.memory_space<vmem>> -> memref<128xi32, #tpu.memory_space<vmem>>
    %dma_wait3A_734 = arith.constant 0 : i32
    %dma_wait3A_735 = arith.constant 0 : i32
    %dma_wait3A_736 = tpu.memref_slice %arg3[%dma_wait3A_734, %dma_wait3A_735] : memref<2600000x16xf32, #tpu.memory_space<hbm>> -> memref<2600000x16xf32, #tpu.memory_space<hbm>>
    tpu.wait_indirect_dma semaphore(%arg8 : memref<!tpu.dma_semaphore, #tpu.memory_space<semaphore_mem>>) src(%dma_wait3A_736 : memref<2600000x16xf32, #tpu.memory_space<hbm>>) dst(%dma_wait3A_731 : memref<128x16xf32, #tpu.memory_space<vmem>>)
    %dma_wait3A_737 = arith.constant 896 : i32
    %dma_wait3A_738 = arith.constant 0 : i32
    %dma_wait3A_739 = tpu.memref_slice %arg6[%dma_wait3A_737, %dma_wait3A_738] : memref<1024x16xf32, #tpu.memory_space<vmem>> -> memref<128x16xf32, #tpu.memory_space<vmem>>
    %dma_wait3A_740 = arith.constant 4992 : i32
    %dma_wait3A_741 = tpu.memref_slice %arg5[%dma_wait3A_740] : memref<13312xi32, #tpu.memory_space<vmem>> -> memref<128xi32, #tpu.memory_space<vmem>>
    %dma_wait3A_742 = arith.constant 0 : i32
    %dma_wait3A_743 = arith.constant 0 : i32
    %dma_wait3A_744 = tpu.memref_slice %arg3[%dma_wait3A_742, %dma_wait3A_743] : memref<2600000x16xf32, #tpu.memory_space<hbm>> -> memref<2600000x16xf32, #tpu.memory_space<hbm>>
    tpu.wait_indirect_dma semaphore(%arg8 : memref<!tpu.dma_semaphore, #tpu.memory_space<semaphore_mem>>) src(%dma_wait3A_744 : memref<2600000x16xf32, #tpu.memory_space<hbm>>) dst(%dma_wait3A_739 : memref<128x16xf32, #tpu.memory_space<vmem>>)
    %add3A_745 = arith.constant 4096 : i32
    %add3A_746 = arith.addi %mul3A_2, %add3A_745 : i32
    %dma_start3A_747 = arith.constant 0 : i32
    %dma_start3A_748 = tpu.memref_slice %arg4[%add3A_746, %dma_start3A_747] : memref<425984x16xf32, #tpu.memory_space<hbm>> -> memref<1024x16xf32, #tpu.memory_space<hbm>>
    %dma_start3A_749 = arith.constant 0 : i32
    %dma_start3A_750 = tpu.memref_slice %arg4[%add3A_746, %dma_start3A_749] : memref<425984x16xf32, #tpu.memory_space<hbm>> -> memref<1024x16xf32, #tpu.memory_space<hbm>>
    tpu.enqueue_dma source(%arg6 : memref<1024x16xf32, #tpu.memory_space<vmem>>) target(%dma_start3A_750 : memref<1024x16xf32, #tpu.memory_space<hbm>>) target_semaphore(%arg10 : memref<!tpu.dma_semaphore, #tpu.memory_space<semaphore_mem>>)
    %dma_wait3A_751 = arith.constant 0 : i32
    %dma_wait3A_752 = tpu.memref_slice %arg4[%add3A_746, %dma_wait3A_751] : memref<425984x16xf32, #tpu.memory_space<hbm>> -> memref<1024x16xf32, #tpu.memory_space<hbm>>
    %dma_wait3A_753 = arith.constant 0 : i32
    %dma_wait3A_754 = tpu.memref_slice %arg4[%add3A_746, %dma_wait3A_753] : memref<425984x16xf32, #tpu.memory_space<hbm>> -> memref<1024x16xf32, #tpu.memory_space<hbm>>
    tpu.wait_dma2 semaphore(%arg10 : memref<!tpu.dma_semaphore, #tpu.memory_space<semaphore_mem>>) src(%arg6 : memref<1024x16xf32, #tpu.memory_space<vmem>>) dst(%dma_wait3A_754 : memref<1024x16xf32, #tpu.memory_space<hbm>>)
    %dma_start3A_755 = arith.constant 0 : i32
    %dma_start3A_756 = arith.constant 0 : i32
    %dma_start3A_757 = tpu.memref_slice %arg6[%dma_start3A_755, %dma_start3A_756] : memref<1024x16xf32, #tpu.memory_space<vmem>> -> memref<128x16xf32, #tpu.memory_space<vmem>>
    %dma_start3A_758 = arith.constant 6144 : i32
    %dma_start3A_759 = tpu.memref_slice %arg5[%dma_start3A_758] : memref<13312xi32, #tpu.memory_space<vmem>> -> memref<128xi32, #tpu.memory_space<vmem>>
    %dma_start3A_760 = arith.constant 0 : i32
    %dma_start3A_761 = arith.constant 0 : i32
    %dma_start3A_762 = tpu.memref_slice %arg3[%dma_start3A_760, %dma_start3A_761] : memref<2600000x16xf32, #tpu.memory_space<hbm>> -> memref<2600000x16xf32, #tpu.memory_space<hbm>>
    tpu.enqueue_indirect_dma source(%dma_start3A_762 : memref<2600000x16xf32, #tpu.memory_space<hbm>>) target(%dma_start3A_757 : memref<128x16xf32, #tpu.memory_space<vmem>>) offsets(%dma_start3A_759 : memref<128xi32, #tpu.memory_space<vmem>>) semaphore(%arg8 : memref<!tpu.dma_semaphore, #tpu.memory_space<semaphore_mem>>)
    %dma_start3A_763 = arith.constant 128 : i32
    %dma_start3A_764 = arith.constant 0 : i32
    %dma_start3A_765 = tpu.memref_slice %arg6[%dma_start3A_763, %dma_start3A_764] : memref<1024x16xf32, #tpu.memory_space<vmem>> -> memref<128x16xf32, #tpu.memory_space<vmem>>
    %dma_start3A_766 = arith.constant 6272 : i32
    %dma_start3A_767 = tpu.memref_slice %arg5[%dma_start3A_766] : memref<13312xi32, #tpu.memory_space<vmem>> -> memref<128xi32, #tpu.memory_space<vmem>>
    %dma_start3A_768 = arith.constant 0 : i32
    %dma_start3A_769 = arith.constant 0 : i32
    %dma_start3A_770 = tpu.memref_slice %arg3[%dma_start3A_768, %dma_start3A_769] : memref<2600000x16xf32, #tpu.memory_space<hbm>> -> memref<2600000x16xf32, #tpu.memory_space<hbm>>
    tpu.enqueue_indirect_dma source(%dma_start3A_770 : memref<2600000x16xf32, #tpu.memory_space<hbm>>) target(%dma_start3A_765 : memref<128x16xf32, #tpu.memory_space<vmem>>) offsets(%dma_start3A_767 : memref<128xi32, #tpu.memory_space<vmem>>) semaphore(%arg8 : memref<!tpu.dma_semaphore, #tpu.memory_space<semaphore_mem>>)
    %dma_start3A_771 = arith.constant 256 : i32
    %dma_start3A_772 = arith.constant 0 : i32
    %dma_start3A_773 = tpu.memref_slice %arg6[%dma_start3A_771, %dma_start3A_772] : memref<1024x16xf32, #tpu.memory_space<vmem>> -> memref<128x16xf32, #tpu.memory_space<vmem>>
    %dma_start3A_774 = arith.constant 6400 : i32
    %dma_start3A_775 = tpu.memref_slice %arg5[%dma_start3A_774] : memref<13312xi32, #tpu.memory_space<vmem>> -> memref<128xi32, #tpu.memory_space<vmem>>
    %dma_start3A_776 = arith.constant 0 : i32
    %dma_start3A_777 = arith.constant 0 : i32
    %dma_start3A_778 = tpu.memref_slice %arg3[%dma_start3A_776, %dma_start3A_777] : memref<2600000x16xf32, #tpu.memory_space<hbm>> -> memref<2600000x16xf32, #tpu.memory_space<hbm>>
    tpu.enqueue_indirect_dma source(%dma_start3A_778 : memref<2600000x16xf32, #tpu.memory_space<hbm>>) target(%dma_start3A_773 : memref<128x16xf32, #tpu.memory_space<vmem>>) offsets(%dma_start3A_775 : memref<128xi32, #tpu.memory_space<vmem>>) semaphore(%arg8 : memref<!tpu.dma_semaphore, #tpu.memory_space<semaphore_mem>>)
    %dma_start3A_779 = arith.constant 384 : i32
    %dma_start3A_780 = arith.constant 0 : i32
    %dma_start3A_781 = tpu.memref_slice %arg6[%dma_start3A_779, %dma_start3A_780] : memref<1024x16xf32, #tpu.memory_space<vmem>> -> memref<128x16xf32, #tpu.memory_space<vmem>>
    %dma_start3A_782 = arith.constant 6528 : i32
    %dma_start3A_783 = tpu.memref_slice %arg5[%dma_start3A_782] : memref<13312xi32, #tpu.memory_space<vmem>> -> memref<128xi32, #tpu.memory_space<vmem>>
    %dma_start3A_784 = arith.constant 0 : i32
    %dma_start3A_785 = arith.constant 0 : i32
    %dma_start3A_786 = tpu.memref_slice %arg3[%dma_start3A_784, %dma_start3A_785] : memref<2600000x16xf32, #tpu.memory_space<hbm>> -> memref<2600000x16xf32, #tpu.memory_space<hbm>>
    tpu.enqueue_indirect_dma source(%dma_start3A_786 : memref<2600000x16xf32, #tpu.memory_space<hbm>>) target(%dma_start3A_781 : memref<128x16xf32, #tpu.memory_space<vmem>>) offsets(%dma_start3A_783 : memref<128xi32, #tpu.memory_space<vmem>>) semaphore(%arg8 : memref<!tpu.dma_semaphore, #tpu.memory_space<semaphore_mem>>)
    %dma_start3A_787 = arith.constant 512 : i32
    %dma_start3A_788 = arith.constant 0 : i32
    %dma_start3A_789 = tpu.memref_slice %arg6[%dma_start3A_787, %dma_start3A_788] : memref<1024x16xf32, #tpu.memory_space<vmem>> -> memref<128x16xf32, #tpu.memory_space<vmem>>
    %dma_start3A_790 = arith.constant 6656 : i32
    %dma_start3A_791 = tpu.memref_slice %arg5[%dma_start3A_790] : memref<13312xi32, #tpu.memory_space<vmem>> -> memref<128xi32, #tpu.memory_space<vmem>>
    %dma_start3A_792 = arith.constant 0 : i32
    %dma_start3A_793 = arith.constant 0 : i32
    %dma_start3A_794 = tpu.memref_slice %arg3[%dma_start3A_792, %dma_start3A_793] : memref<2600000x16xf32, #tpu.memory_space<hbm>> -> memref<2600000x16xf32, #tpu.memory_space<hbm>>
    tpu.enqueue_indirect_dma source(%dma_start3A_794 : memref<2600000x16xf32, #tpu.memory_space<hbm>>) target(%dma_start3A_789 : memref<128x16xf32, #tpu.memory_space<vmem>>) offsets(%dma_start3A_791 : memref<128xi32, #tpu.memory_space<vmem>>) semaphore(%arg8 : memref<!tpu.dma_semaphore, #tpu.memory_space<semaphore_mem>>)
    %dma_start3A_795 = arith.constant 640 : i32
    %dma_start3A_796 = arith.constant 0 : i32
    %dma_start3A_797 = tpu.memref_slice %arg6[%dma_start3A_795, %dma_start3A_796] : memref<1024x16xf32, #tpu.memory_space<vmem>> -> memref<128x16xf32, #tpu.memory_space<vmem>>
    %dma_start3A_798 = arith.constant 6784 : i32
    %dma_start3A_799 = tpu.memref_slice %arg5[%dma_start3A_798] : memref<13312xi32, #tpu.memory_space<vmem>> -> memref<128xi32, #tpu.memory_space<vmem>>
    %dma_start3A_800 = arith.constant 0 : i32
    %dma_start3A_801 = arith.constant 0 : i32
    %dma_start3A_802 = tpu.memref_slice %arg3[%dma_start3A_800, %dma_start3A_801] : memref<2600000x16xf32, #tpu.memory_space<hbm>> -> memref<2600000x16xf32, #tpu.memory_space<hbm>>
    tpu.enqueue_indirect_dma source(%dma_start3A_802 : memref<2600000x16xf32, #tpu.memory_space<hbm>>) target(%dma_start3A_797 : memref<128x16xf32, #tpu.memory_space<vmem>>) offsets(%dma_start3A_799 : memref<128xi32, #tpu.memory_space<vmem>>) semaphore(%arg8 : memref<!tpu.dma_semaphore, #tpu.memory_space<semaphore_mem>>)
    %dma_start3A_803 = arith.constant 768 : i32
    %dma_start3A_804 = arith.constant 0 : i32
    %dma_start3A_805 = tpu.memref_slice %arg6[%dma_start3A_803, %dma_start3A_804] : memref<1024x16xf32, #tpu.memory_space<vmem>> -> memref<128x16xf32, #tpu.memory_space<vmem>>
    %dma_start3A_806 = arith.constant 6912 : i32
    %dma_start3A_807 = tpu.memref_slice %arg5[%dma_start3A_806] : memref<13312xi32, #tpu.memory_space<vmem>> -> memref<128xi32, #tpu.memory_space<vmem>>
    %dma_start3A_808 = arith.constant 0 : i32
    %dma_start3A_809 = arith.constant 0 : i32
    %dma_start3A_810 = tpu.memref_slice %arg3[%dma_start3A_808, %dma_start3A_809] : memref<2600000x16xf32, #tpu.memory_space<hbm>> -> memref<2600000x16xf32, #tpu.memory_space<hbm>>
    tpu.enqueue_indirect_dma source(%dma_start3A_810 : memref<2600000x16xf32, #tpu.memory_space<hbm>>) target(%dma_start3A_805 : memref<128x16xf32, #tpu.memory_space<vmem>>) offsets(%dma_start3A_807 : memref<128xi32, #tpu.memory_space<vmem>>) semaphore(%arg8 : memref<!tpu.dma_semaphore, #tpu.memory_space<semaphore_mem>>)
    %dma_start3A_811 = arith.constant 896 : i32
    %dma_start3A_812 = arith.constant 0 : i32
    %dma_start3A_813 = tpu.memref_slice %arg6[%dma_start3A_811, %dma_start3A_812] : memref<1024x16xf32, #tpu.memory_space<vmem>> -> memref<128x16xf32, #tpu.memory_space<vmem>>
    %dma_start3A_814 = arith.constant 7040 : i32
    %dma_start3A_815 = tpu.memref_slice %arg5[%dma_start3A_814] : memref<13312xi32, #tpu.memory_space<vmem>> -> memref<128xi32, #tpu.memory_space<vmem>>
    %dma_start3A_816 = arith.constant 0 : i32
    %dma_start3A_817 = arith.constant 0 : i32
    %dma_start3A_818 = tpu.memref_slice %arg3[%dma_start3A_816, %dma_start3A_817] : memref<2600000x16xf32, #tpu.memory_space<hbm>> -> memref<2600000x16xf32, #tpu.memory_space<hbm>>
    tpu.enqueue_indirect_dma source(%dma_start3A_818 : memref<2600000x16xf32, #tpu.memory_space<hbm>>) target(%dma_start3A_813 : memref<128x16xf32, #tpu.memory_space<vmem>>) offsets(%dma_start3A_815 : memref<128xi32, #tpu.memory_space<vmem>>) semaphore(%arg8 : memref<!tpu.dma_semaphore, #tpu.memory_space<semaphore_mem>>)
    %dma_wait3A_819 = arith.constant 0 : i32
    %dma_wait3A_820 = arith.constant 0 : i32
    %dma_wait3A_821 = tpu.memref_slice %arg7[%dma_wait3A_819, %dma_wait3A_820] : memref<1024x16xf32, #tpu.memory_space<vmem>> -> memref<128x16xf32, #tpu.memory_space<vmem>>
    %dma_wait3A_822 = arith.constant 5120 : i32
    %dma_wait3A_823 = tpu.memref_slice %arg5[%dma_wait3A_822] : memref<13312xi32, #tpu.memory_space<vmem>> -> memref<128xi32, #tpu.memory_space<vmem>>
    %dma_wait3A_824 = arith.constant 0 : i32
    %dma_wait3A_825 = arith.constant 0 : i32
    %dma_wait3A_826 = tpu.memref_slice %arg3[%dma_wait3A_824, %dma_wait3A_825] : memref<2600000x16xf32, #tpu.memory_space<hbm>> -> memref<2600000x16xf32, #tpu.memory_space<hbm>>
    tpu.wait_indirect_dma semaphore(%arg9 : memref<!tpu.dma_semaphore, #tpu.memory_space<semaphore_mem>>) src(%dma_wait3A_826 : memref<2600000x16xf32, #tpu.memory_space<hbm>>) dst(%dma_wait3A_821 : memref<128x16xf32, #tpu.memory_space<vmem>>)
    %dma_wait3A_827 = arith.constant 128 : i32
    %dma_wait3A_828 = arith.constant 0 : i32
    %dma_wait3A_829 = tpu.memref_slice %arg7[%dma_wait3A_827, %dma_wait3A_828] : memref<1024x16xf32, #tpu.memory_space<vmem>> -> memref<128x16xf32, #tpu.memory_space<vmem>>
    %dma_wait3A_830 = arith.constant 5248 : i32
    %dma_wait3A_831 = tpu.memref_slice %arg5[%dma_wait3A_830] : memref<13312xi32, #tpu.memory_space<vmem>> -> memref<128xi32, #tpu.memory_space<vmem>>
    %dma_wait3A_832 = arith.constant 0 : i32
    %dma_wait3A_833 = arith.constant 0 : i32
    %dma_wait3A_834 = tpu.memref_slice %arg3[%dma_wait3A_832, %dma_wait3A_833] : memref<2600000x16xf32, #tpu.memory_space<hbm>> -> memref<2600000x16xf32, #tpu.memory_space<hbm>>
    tpu.wait_indirect_dma semaphore(%arg9 : memref<!tpu.dma_semaphore, #tpu.memory_space<semaphore_mem>>) src(%dma_wait3A_834 : memref<2600000x16xf32, #tpu.memory_space<hbm>>) dst(%dma_wait3A_829 : memref<128x16xf32, #tpu.memory_space<vmem>>)
    %dma_wait3A_835 = arith.constant 256 : i32
    %dma_wait3A_836 = arith.constant 0 : i32
    %dma_wait3A_837 = tpu.memref_slice %arg7[%dma_wait3A_835, %dma_wait3A_836] : memref<1024x16xf32, #tpu.memory_space<vmem>> -> memref<128x16xf32, #tpu.memory_space<vmem>>
    %dma_wait3A_838 = arith.constant 5376 : i32
    %dma_wait3A_839 = tpu.memref_slice %arg5[%dma_wait3A_838] : memref<13312xi32, #tpu.memory_space<vmem>> -> memref<128xi32, #tpu.memory_space<vmem>>
    %dma_wait3A_840 = arith.constant 0 : i32
    %dma_wait3A_841 = arith.constant 0 : i32
    %dma_wait3A_842 = tpu.memref_slice %arg3[%dma_wait3A_840, %dma_wait3A_841] : memref<2600000x16xf32, #tpu.memory_space<hbm>> -> memref<2600000x16xf32, #tpu.memory_space<hbm>>
    tpu.wait_indirect_dma semaphore(%arg9 : memref<!tpu.dma_semaphore, #tpu.memory_space<semaphore_mem>>) src(%dma_wait3A_842 : memref<2600000x16xf32, #tpu.memory_space<hbm>>) dst(%dma_wait3A_837 : memref<128x16xf32, #tpu.memory_space<vmem>>)
    %dma_wait3A_843 = arith.constant 384 : i32
    %dma_wait3A_844 = arith.constant 0 : i32
    %dma_wait3A_845 = tpu.memref_slice %arg7[%dma_wait3A_843, %dma_wait3A_844] : memref<1024x16xf32, #tpu.memory_space<vmem>> -> memref<128x16xf32, #tpu.memory_space<vmem>>
    %dma_wait3A_846 = arith.constant 5504 : i32
    %dma_wait3A_847 = tpu.memref_slice %arg5[%dma_wait3A_846] : memref<13312xi32, #tpu.memory_space<vmem>> -> memref<128xi32, #tpu.memory_space<vmem>>
    %dma_wait3A_848 = arith.constant 0 : i32
    %dma_wait3A_849 = arith.constant 0 : i32
    %dma_wait3A_850 = tpu.memref_slice %arg3[%dma_wait3A_848, %dma_wait3A_849] : memref<2600000x16xf32, #tpu.memory_space<hbm>> -> memref<2600000x16xf32, #tpu.memory_space<hbm>>
    tpu.wait_indirect_dma semaphore(%arg9 : memref<!tpu.dma_semaphore, #tpu.memory_space<semaphore_mem>>) src(%dma_wait3A_850 : memref<2600000x16xf32, #tpu.memory_space<hbm>>) dst(%dma_wait3A_845 : memref<128x16xf32, #tpu.memory_space<vmem>>)
    %dma_wait3A_851 = arith.constant 512 : i32
    %dma_wait3A_852 = arith.constant 0 : i32
    %dma_wait3A_853 = tpu.memref_slice %arg7[%dma_wait3A_851, %dma_wait3A_852] : memref<1024x16xf32, #tpu.memory_space<vmem>> -> memref<128x16xf32, #tpu.memory_space<vmem>>
    %dma_wait3A_854 = arith.constant 5632 : i32
    %dma_wait3A_855 = tpu.memref_slice %arg5[%dma_wait3A_854] : memref<13312xi32, #tpu.memory_space<vmem>> -> memref<128xi32, #tpu.memory_space<vmem>>
    %dma_wait3A_856 = arith.constant 0 : i32
    %dma_wait3A_857 = arith.constant 0 : i32
    %dma_wait3A_858 = tpu.memref_slice %arg3[%dma_wait3A_856, %dma_wait3A_857] : memref<2600000x16xf32, #tpu.memory_space<hbm>> -> memref<2600000x16xf32, #tpu.memory_space<hbm>>
    tpu.wait_indirect_dma semaphore(%arg9 : memref<!tpu.dma_semaphore, #tpu.memory_space<semaphore_mem>>) src(%dma_wait3A_858 : memref<2600000x16xf32, #tpu.memory_space<hbm>>) dst(%dma_wait3A_853 : memref<128x16xf32, #tpu.memory_space<vmem>>)
    %dma_wait3A_859 = arith.constant 640 : i32
    %dma_wait3A_860 = arith.constant 0 : i32
    %dma_wait3A_861 = tpu.memref_slice %arg7[%dma_wait3A_859, %dma_wait3A_860] : memref<1024x16xf32, #tpu.memory_space<vmem>> -> memref<128x16xf32, #tpu.memory_space<vmem>>
    %dma_wait3A_862 = arith.constant 5760 : i32
    %dma_wait3A_863 = tpu.memref_slice %arg5[%dma_wait3A_862] : memref<13312xi32, #tpu.memory_space<vmem>> -> memref<128xi32, #tpu.memory_space<vmem>>
    %dma_wait3A_864 = arith.constant 0 : i32
    %dma_wait3A_865 = arith.constant 0 : i32
    %dma_wait3A_866 = tpu.memref_slice %arg3[%dma_wait3A_864, %dma_wait3A_865] : memref<2600000x16xf32, #tpu.memory_space<hbm>> -> memref<2600000x16xf32, #tpu.memory_space<hbm>>
    tpu.wait_indirect_dma semaphore(%arg9 : memref<!tpu.dma_semaphore, #tpu.memory_space<semaphore_mem>>) src(%dma_wait3A_866 : memref<2600000x16xf32, #tpu.memory_space<hbm>>) dst(%dma_wait3A_861 : memref<128x16xf32, #tpu.memory_space<vmem>>)
    %dma_wait3A_867 = arith.constant 768 : i32
    %dma_wait3A_868 = arith.constant 0 : i32
    %dma_wait3A_869 = tpu.memref_slice %arg7[%dma_wait3A_867, %dma_wait3A_868] : memref<1024x16xf32, #tpu.memory_space<vmem>> -> memref<128x16xf32, #tpu.memory_space<vmem>>
    %dma_wait3A_870 = arith.constant 5888 : i32
    %dma_wait3A_871 = tpu.memref_slice %arg5[%dma_wait3A_870] : memref<13312xi32, #tpu.memory_space<vmem>> -> memref<128xi32, #tpu.memory_space<vmem>>
    %dma_wait3A_872 = arith.constant 0 : i32
    %dma_wait3A_873 = arith.constant 0 : i32
    %dma_wait3A_874 = tpu.memref_slice %arg3[%dma_wait3A_872, %dma_wait3A_873] : memref<2600000x16xf32, #tpu.memory_space<hbm>> -> memref<2600000x16xf32, #tpu.memory_space<hbm>>
    tpu.wait_indirect_dma semaphore(%arg9 : memref<!tpu.dma_semaphore, #tpu.memory_space<semaphore_mem>>) src(%dma_wait3A_874 : memref<2600000x16xf32, #tpu.memory_space<hbm>>) dst(%dma_wait3A_869 : memref<128x16xf32, #tpu.memory_space<vmem>>)
    %dma_wait3A_875 = arith.constant 896 : i32
    %dma_wait3A_876 = arith.constant 0 : i32
    %dma_wait3A_877 = tpu.memref_slice %arg7[%dma_wait3A_875, %dma_wait3A_876] : memref<1024x16xf32, #tpu.memory_space<vmem>> -> memref<128x16xf32, #tpu.memory_space<vmem>>
    %dma_wait3A_878 = arith.constant 6016 : i32
    %dma_wait3A_879 = tpu.memref_slice %arg5[%dma_wait3A_878] : memref<13312xi32, #tpu.memory_space<vmem>> -> memref<128xi32, #tpu.memory_space<vmem>>
    %dma_wait3A_880 = arith.constant 0 : i32
    %dma_wait3A_881 = arith.constant 0 : i32
    %dma_wait3A_882 = tpu.memref_slice %arg3[%dma_wait3A_880, %dma_wait3A_881] : memref<2600000x16xf32, #tpu.memory_space<hbm>> -> memref<2600000x16xf32, #tpu.memory_space<hbm>>
    tpu.wait_indirect_dma semaphore(%arg9 : memref<!tpu.dma_semaphore, #tpu.memory_space<semaphore_mem>>) src(%dma_wait3A_882 : memref<2600000x16xf32, #tpu.memory_space<hbm>>) dst(%dma_wait3A_877 : memref<128x16xf32, #tpu.memory_space<vmem>>)
    %add3A_883 = arith.constant 5120 : i32
    %add3A_884 = arith.addi %mul3A_2, %add3A_883 : i32
    %dma_start3A_885 = arith.constant 0 : i32
    %dma_start3A_886 = tpu.memref_slice %arg4[%add3A_884, %dma_start3A_885] : memref<425984x16xf32, #tpu.memory_space<hbm>> -> memref<1024x16xf32, #tpu.memory_space<hbm>>
    %dma_start3A_887 = arith.constant 0 : i32
    %dma_start3A_888 = tpu.memref_slice %arg4[%add3A_884, %dma_start3A_887] : memref<425984x16xf32, #tpu.memory_space<hbm>> -> memref<1024x16xf32, #tpu.memory_space<hbm>>
    tpu.enqueue_dma source(%arg7 : memref<1024x16xf32, #tpu.memory_space<vmem>>) target(%dma_start3A_888 : memref<1024x16xf32, #tpu.memory_space<hbm>>) target_semaphore(%arg10 : memref<!tpu.dma_semaphore, #tpu.memory_space<semaphore_mem>>)
    %dma_wait3A_889 = arith.constant 0 : i32
    %dma_wait3A_890 = tpu.memref_slice %arg4[%add3A_884, %dma_wait3A_889] : memref<425984x16xf32, #tpu.memory_space<hbm>> -> memref<1024x16xf32, #tpu.memory_space<hbm>>
    %dma_wait3A_891 = arith.constant 0 : i32
    %dma_wait3A_892 = tpu.memref_slice %arg4[%add3A_884, %dma_wait3A_891] : memref<425984x16xf32, #tpu.memory_space<hbm>> -> memref<1024x16xf32, #tpu.memory_space<hbm>>
    tpu.wait_dma2 semaphore(%arg10 : memref<!tpu.dma_semaphore, #tpu.memory_space<semaphore_mem>>) src(%arg7 : memref<1024x16xf32, #tpu.memory_space<vmem>>) dst(%dma_wait3A_892 : memref<1024x16xf32, #tpu.memory_space<hbm>>)
    %dma_start3A_893 = arith.constant 0 : i32
    %dma_start3A_894 = arith.constant 0 : i32
    %dma_start3A_895 = tpu.memref_slice %arg7[%dma_start3A_893, %dma_start3A_894] : memref<1024x16xf32, #tpu.memory_space<vmem>> -> memref<128x16xf32, #tpu.memory_space<vmem>>
    %dma_start3A_896 = arith.constant 7168 : i32
    %dma_start3A_897 = tpu.memref_slice %arg5[%dma_start3A_896] : memref<13312xi32, #tpu.memory_space<vmem>> -> memref<128xi32, #tpu.memory_space<vmem>>
    %dma_start3A_898 = arith.constant 0 : i32
    %dma_start3A_899 = arith.constant 0 : i32
    %dma_start3A_900 = tpu.memref_slice %arg3[%dma_start3A_898, %dma_start3A_899] : memref<2600000x16xf32, #tpu.memory_space<hbm>> -> memref<2600000x16xf32, #tpu.memory_space<hbm>>
    tpu.enqueue_indirect_dma source(%dma_start3A_900 : memref<2600000x16xf32, #tpu.memory_space<hbm>>) target(%dma_start3A_895 : memref<128x16xf32, #tpu.memory_space<vmem>>) offsets(%dma_start3A_897 : memref<128xi32, #tpu.memory_space<vmem>>) semaphore(%arg9 : memref<!tpu.dma_semaphore, #tpu.memory_space<semaphore_mem>>)
    %dma_start3A_901 = arith.constant 128 : i32
    %dma_start3A_902 = arith.constant 0 : i32
    %dma_start3A_903 = tpu.memref_slice %arg7[%dma_start3A_901, %dma_start3A_902] : memref<1024x16xf32, #tpu.memory_space<vmem>> -> memref<128x16xf32, #tpu.memory_space<vmem>>
    %dma_start3A_904 = arith.constant 7296 : i32
    %dma_start3A_905 = tpu.memref_slice %arg5[%dma_start3A_904] : memref<13312xi32, #tpu.memory_space<vmem>> -> memref<128xi32, #tpu.memory_space<vmem>>
    %dma_start3A_906 = arith.constant 0 : i32
    %dma_start3A_907 = arith.constant 0 : i32
    %dma_start3A_908 = tpu.memref_slice %arg3[%dma_start3A_906, %dma_start3A_907] : memref<2600000x16xf32, #tpu.memory_space<hbm>> -> memref<2600000x16xf32, #tpu.memory_space<hbm>>
    tpu.enqueue_indirect_dma source(%dma_start3A_908 : memref<2600000x16xf32, #tpu.memory_space<hbm>>) target(%dma_start3A_903 : memref<128x16xf32, #tpu.memory_space<vmem>>) offsets(%dma_start3A_905 : memref<128xi32, #tpu.memory_space<vmem>>) semaphore(%arg9 : memref<!tpu.dma_semaphore, #tpu.memory_space<semaphore_mem>>)
    %dma_start3A_909 = arith.constant 256 : i32
    %dma_start3A_910 = arith.constant 0 : i32
    %dma_start3A_911 = tpu.memref_slice %arg7[%dma_start3A_909, %dma_start3A_910] : memref<1024x16xf32, #tpu.memory_space<vmem>> -> memref<128x16xf32, #tpu.memory_space<vmem>>
    %dma_start3A_912 = arith.constant 7424 : i32
    %dma_start3A_913 = tpu.memref_slice %arg5[%dma_start3A_912] : memref<13312xi32, #tpu.memory_space<vmem>> -> memref<128xi32, #tpu.memory_space<vmem>>
    %dma_start3A_914 = arith.constant 0 : i32
    %dma_start3A_915 = arith.constant 0 : i32
    %dma_start3A_916 = tpu.memref_slice %arg3[%dma_start3A_914, %dma_start3A_915] : memref<2600000x16xf32, #tpu.memory_space<hbm>> -> memref<2600000x16xf32, #tpu.memory_space<hbm>>
    tpu.enqueue_indirect_dma source(%dma_start3A_916 : memref<2600000x16xf32, #tpu.memory_space<hbm>>) target(%dma_start3A_911 : memref<128x16xf32, #tpu.memory_space<vmem>>) offsets(%dma_start3A_913 : memref<128xi32, #tpu.memory_space<vmem>>) semaphore(%arg9 : memref<!tpu.dma_semaphore, #tpu.memory_space<semaphore_mem>>)
    %dma_start3A_917 = arith.constant 384 : i32
    %dma_start3A_918 = arith.constant 0 : i32
    %dma_start3A_919 = tpu.memref_slice %arg7[%dma_start3A_917, %dma_start3A_918] : memref<1024x16xf32, #tpu.memory_space<vmem>> -> memref<128x16xf32, #tpu.memory_space<vmem>>
    %dma_start3A_920 = arith.constant 7552 : i32
    %dma_start3A_921 = tpu.memref_slice %arg5[%dma_start3A_920] : memref<13312xi32, #tpu.memory_space<vmem>> -> memref<128xi32, #tpu.memory_space<vmem>>
    %dma_start3A_922 = arith.constant 0 : i32
    %dma_start3A_923 = arith.constant 0 : i32
    %dma_start3A_924 = tpu.memref_slice %arg3[%dma_start3A_922, %dma_start3A_923] : memref<2600000x16xf32, #tpu.memory_space<hbm>> -> memref<2600000x16xf32, #tpu.memory_space<hbm>>
    tpu.enqueue_indirect_dma source(%dma_start3A_924 : memref<2600000x16xf32, #tpu.memory_space<hbm>>) target(%dma_start3A_919 : memref<128x16xf32, #tpu.memory_space<vmem>>) offsets(%dma_start3A_921 : memref<128xi32, #tpu.memory_space<vmem>>) semaphore(%arg9 : memref<!tpu.dma_semaphore, #tpu.memory_space<semaphore_mem>>)
    %dma_start3A_925 = arith.constant 512 : i32
    %dma_start3A_926 = arith.constant 0 : i32
    %dma_start3A_927 = tpu.memref_slice %arg7[%dma_start3A_925, %dma_start3A_926] : memref<1024x16xf32, #tpu.memory_space<vmem>> -> memref<128x16xf32, #tpu.memory_space<vmem>>
    %dma_start3A_928 = arith.constant 7680 : i32
    %dma_start3A_929 = tpu.memref_slice %arg5[%dma_start3A_928] : memref<13312xi32, #tpu.memory_space<vmem>> -> memref<128xi32, #tpu.memory_space<vmem>>
    %dma_start3A_930 = arith.constant 0 : i32
    %dma_start3A_931 = arith.constant 0 : i32
    %dma_start3A_932 = tpu.memref_slice %arg3[%dma_start3A_930, %dma_start3A_931] : memref<2600000x16xf32, #tpu.memory_space<hbm>> -> memref<2600000x16xf32, #tpu.memory_space<hbm>>
    tpu.enqueue_indirect_dma source(%dma_start3A_932 : memref<2600000x16xf32, #tpu.memory_space<hbm>>) target(%dma_start3A_927 : memref<128x16xf32, #tpu.memory_space<vmem>>) offsets(%dma_start3A_929 : memref<128xi32, #tpu.memory_space<vmem>>) semaphore(%arg9 : memref<!tpu.dma_semaphore, #tpu.memory_space<semaphore_mem>>)
    %dma_start3A_933 = arith.constant 640 : i32
    %dma_start3A_934 = arith.constant 0 : i32
    %dma_start3A_935 = tpu.memref_slice %arg7[%dma_start3A_933, %dma_start3A_934] : memref<1024x16xf32, #tpu.memory_space<vmem>> -> memref<128x16xf32, #tpu.memory_space<vmem>>
    %dma_start3A_936 = arith.constant 7808 : i32
    %dma_start3A_937 = tpu.memref_slice %arg5[%dma_start3A_936] : memref<13312xi32, #tpu.memory_space<vmem>> -> memref<128xi32, #tpu.memory_space<vmem>>
    %dma_start3A_938 = arith.constant 0 : i32
    %dma_start3A_939 = arith.constant 0 : i32
    %dma_start3A_940 = tpu.memref_slice %arg3[%dma_start3A_938, %dma_start3A_939] : memref<2600000x16xf32, #tpu.memory_space<hbm>> -> memref<2600000x16xf32, #tpu.memory_space<hbm>>
    tpu.enqueue_indirect_dma source(%dma_start3A_940 : memref<2600000x16xf32, #tpu.memory_space<hbm>>) target(%dma_start3A_935 : memref<128x16xf32, #tpu.memory_space<vmem>>) offsets(%dma_start3A_937 : memref<128xi32, #tpu.memory_space<vmem>>) semaphore(%arg9 : memref<!tpu.dma_semaphore, #tpu.memory_space<semaphore_mem>>)
    %dma_start3A_941 = arith.constant 768 : i32
    %dma_start3A_942 = arith.constant 0 : i32
    %dma_start3A_943 = tpu.memref_slice %arg7[%dma_start3A_941, %dma_start3A_942] : memref<1024x16xf32, #tpu.memory_space<vmem>> -> memref<128x16xf32, #tpu.memory_space<vmem>>
    %dma_start3A_944 = arith.constant 7936 : i32
    %dma_start3A_945 = tpu.memref_slice %arg5[%dma_start3A_944] : memref<13312xi32, #tpu.memory_space<vmem>> -> memref<128xi32, #tpu.memory_space<vmem>>
    %dma_start3A_946 = arith.constant 0 : i32
    %dma_start3A_947 = arith.constant 0 : i32
    %dma_start3A_948 = tpu.memref_slice %arg3[%dma_start3A_946, %dma_start3A_947] : memref<2600000x16xf32, #tpu.memory_space<hbm>> -> memref<2600000x16xf32, #tpu.memory_space<hbm>>
    tpu.enqueue_indirect_dma source(%dma_start3A_948 : memref<2600000x16xf32, #tpu.memory_space<hbm>>) target(%dma_start3A_943 : memref<128x16xf32, #tpu.memory_space<vmem>>) offsets(%dma_start3A_945 : memref<128xi32, #tpu.memory_space<vmem>>) semaphore(%arg9 : memref<!tpu.dma_semaphore, #tpu.memory_space<semaphore_mem>>)
    %dma_start3A_949 = arith.constant 896 : i32
    %dma_start3A_950 = arith.constant 0 : i32
    %dma_start3A_951 = tpu.memref_slice %arg7[%dma_start3A_949, %dma_start3A_950] : memref<1024x16xf32, #tpu.memory_space<vmem>> -> memref<128x16xf32, #tpu.memory_space<vmem>>
    %dma_start3A_952 = arith.constant 8064 : i32
    %dma_start3A_953 = tpu.memref_slice %arg5[%dma_start3A_952] : memref<13312xi32, #tpu.memory_space<vmem>> -> memref<128xi32, #tpu.memory_space<vmem>>
    %dma_start3A_954 = arith.constant 0 : i32
    %dma_start3A_955 = arith.constant 0 : i32
    %dma_start3A_956 = tpu.memref_slice %arg3[%dma_start3A_954, %dma_start3A_955] : memref<2600000x16xf32, #tpu.memory_space<hbm>> -> memref<2600000x16xf32, #tpu.memory_space<hbm>>
    tpu.enqueue_indirect_dma source(%dma_start3A_956 : memref<2600000x16xf32, #tpu.memory_space<hbm>>) target(%dma_start3A_951 : memref<128x16xf32, #tpu.memory_space<vmem>>) offsets(%dma_start3A_953 : memref<128xi32, #tpu.memory_space<vmem>>) semaphore(%arg9 : memref<!tpu.dma_semaphore, #tpu.memory_space<semaphore_mem>>)
    %dma_wait3A_957 = arith.constant 0 : i32
    %dma_wait3A_958 = arith.constant 0 : i32
    %dma_wait3A_959 = tpu.memref_slice %arg6[%dma_wait3A_957, %dma_wait3A_958] : memref<1024x16xf32, #tpu.memory_space<vmem>> -> memref<128x16xf32, #tpu.memory_space<vmem>>
    %dma_wait3A_960 = arith.constant 6144 : i32
    %dma_wait3A_961 = tpu.memref_slice %arg5[%dma_wait3A_960] : memref<13312xi32, #tpu.memory_space<vmem>> -> memref<128xi32, #tpu.memory_space<vmem>>
    %dma_wait3A_962 = arith.constant 0 : i32
    %dma_wait3A_963 = arith.constant 0 : i32
    %dma_wait3A_964 = tpu.memref_slice %arg3[%dma_wait3A_962, %dma_wait3A_963] : memref<2600000x16xf32, #tpu.memory_space<hbm>> -> memref<2600000x16xf32, #tpu.memory_space<hbm>>
    tpu.wait_indirect_dma semaphore(%arg8 : memref<!tpu.dma_semaphore, #tpu.memory_space<semaphore_mem>>) src(%dma_wait3A_964 : memref<2600000x16xf32, #tpu.memory_space<hbm>>) dst(%dma_wait3A_959 : memref<128x16xf32, #tpu.memory_space<vmem>>)
    %dma_wait3A_965 = arith.constant 128 : i32
    %dma_wait3A_966 = arith.constant 0 : i32
    %dma_wait3A_967 = tpu.memref_slice %arg6[%dma_wait3A_965, %dma_wait3A_966] : memref<1024x16xf32, #tpu.memory_space<vmem>> -> memref<128x16xf32, #tpu.memory_space<vmem>>
    %dma_wait3A_968 = arith.constant 6272 : i32
    %dma_wait3A_969 = tpu.memref_slice %arg5[%dma_wait3A_968] : memref<13312xi32, #tpu.memory_space<vmem>> -> memref<128xi32, #tpu.memory_space<vmem>>
    %dma_wait3A_970 = arith.constant 0 : i32
    %dma_wait3A_971 = arith.constant 0 : i32
    %dma_wait3A_972 = tpu.memref_slice %arg3[%dma_wait3A_970, %dma_wait3A_971] : memref<2600000x16xf32, #tpu.memory_space<hbm>> -> memref<2600000x16xf32, #tpu.memory_space<hbm>>
    tpu.wait_indirect_dma semaphore(%arg8 : memref<!tpu.dma_semaphore, #tpu.memory_space<semaphore_mem>>) src(%dma_wait3A_972 : memref<2600000x16xf32, #tpu.memory_space<hbm>>) dst(%dma_wait3A_967 : memref<128x16xf32, #tpu.memory_space<vmem>>)
    %dma_wait3A_973 = arith.constant 256 : i32
    %dma_wait3A_974 = arith.constant 0 : i32
    %dma_wait3A_975 = tpu.memref_slice %arg6[%dma_wait3A_973, %dma_wait3A_974] : memref<1024x16xf32, #tpu.memory_space<vmem>> -> memref<128x16xf32, #tpu.memory_space<vmem>>
    %dma_wait3A_976 = arith.constant 6400 : i32
    %dma_wait3A_977 = tpu.memref_slice %arg5[%dma_wait3A_976] : memref<13312xi32, #tpu.memory_space<vmem>> -> memref<128xi32, #tpu.memory_space<vmem>>
    %dma_wait3A_978 = arith.constant 0 : i32
    %dma_wait3A_979 = arith.constant 0 : i32
    %dma_wait3A_980 = tpu.memref_slice %arg3[%dma_wait3A_978, %dma_wait3A_979] : memref<2600000x16xf32, #tpu.memory_space<hbm>> -> memref<2600000x16xf32, #tpu.memory_space<hbm>>
    tpu.wait_indirect_dma semaphore(%arg8 : memref<!tpu.dma_semaphore, #tpu.memory_space<semaphore_mem>>) src(%dma_wait3A_980 : memref<2600000x16xf32, #tpu.memory_space<hbm>>) dst(%dma_wait3A_975 : memref<128x16xf32, #tpu.memory_space<vmem>>)
    %dma_wait3A_981 = arith.constant 384 : i32
    %dma_wait3A_982 = arith.constant 0 : i32
    %dma_wait3A_983 = tpu.memref_slice %arg6[%dma_wait3A_981, %dma_wait3A_982] : memref<1024x16xf32, #tpu.memory_space<vmem>> -> memref<128x16xf32, #tpu.memory_space<vmem>>
    %dma_wait3A_984 = arith.constant 6528 : i32
    %dma_wait3A_985 = tpu.memref_slice %arg5[%dma_wait3A_984] : memref<13312xi32, #tpu.memory_space<vmem>> -> memref<128xi32, #tpu.memory_space<vmem>>
    %dma_wait3A_986 = arith.constant 0 : i32
    %dma_wait3A_987 = arith.constant 0 : i32
    %dma_wait3A_988 = tpu.memref_slice %arg3[%dma_wait3A_986, %dma_wait3A_987] : memref<2600000x16xf32, #tpu.memory_space<hbm>> -> memref<2600000x16xf32, #tpu.memory_space<hbm>>
    tpu.wait_indirect_dma semaphore(%arg8 : memref<!tpu.dma_semaphore, #tpu.memory_space<semaphore_mem>>) src(%dma_wait3A_988 : memref<2600000x16xf32, #tpu.memory_space<hbm>>) dst(%dma_wait3A_983 : memref<128x16xf32, #tpu.memory_space<vmem>>)
    %dma_wait3A_989 = arith.constant 512 : i32
    %dma_wait3A_990 = arith.constant 0 : i32
    %dma_wait3A_991 = tpu.memref_slice %arg6[%dma_wait3A_989, %dma_wait3A_990] : memref<1024x16xf32, #tpu.memory_space<vmem>> -> memref<128x16xf32, #tpu.memory_space<vmem>>
    %dma_wait3A_992 = arith.constant 6656 : i32
    %dma_wait3A_993 = tpu.memref_slice %arg5[%dma_wait3A_992] : memref<13312xi32, #tpu.memory_space<vmem>> -> memref<128xi32, #tpu.memory_space<vmem>>
    %dma_wait3A_994 = arith.constant 0 : i32
    %dma_wait3A_995 = arith.constant 0 : i32
    %dma_wait3A_996 = tpu.memref_slice %arg3[%dma_wait3A_994, %dma_wait3A_995] : memref<2600000x16xf32, #tpu.memory_space<hbm>> -> memref<2600000x16xf32, #tpu.memory_space<hbm>>
    tpu.wait_indirect_dma semaphore(%arg8 : memref<!tpu.dma_semaphore, #tpu.memory_space<semaphore_mem>>) src(%dma_wait3A_996 : memref<2600000x16xf32, #tpu.memory_space<hbm>>) dst(%dma_wait3A_991 : memref<128x16xf32, #tpu.memory_space<vmem>>)
    %dma_wait3A_997 = arith.constant 640 : i32
    %dma_wait3A_998 = arith.constant 0 : i32
    %dma_wait3A_999 = tpu.memref_slice %arg6[%dma_wait3A_997, %dma_wait3A_998] : memref<1024x16xf32, #tpu.memory_space<vmem>> -> memref<128x16xf32, #tpu.memory_space<vmem>>
    %dma_wait3A_1000 = arith.constant 6784 : i32
    %dma_wait3A_1001 = tpu.memref_slice %arg5[%dma_wait3A_1000] : memref<13312xi32, #tpu.memory_space<vmem>> -> memref<128xi32, #tpu.memory_space<vmem>>
    %dma_wait3A_1002 = arith.constant 0 : i32
    %dma_wait3A_1003 = arith.constant 0 : i32
    %dma_wait3A_1004 = tpu.memref_slice %arg3[%dma_wait3A_1002, %dma_wait3A_1003] : memref<2600000x16xf32, #tpu.memory_space<hbm>> -> memref<2600000x16xf32, #tpu.memory_space<hbm>>
    tpu.wait_indirect_dma semaphore(%arg8 : memref<!tpu.dma_semaphore, #tpu.memory_space<semaphore_mem>>) src(%dma_wait3A_1004 : memref<2600000x16xf32, #tpu.memory_space<hbm>>) dst(%dma_wait3A_999 : memref<128x16xf32, #tpu.memory_space<vmem>>)
    %dma_wait3A_1005 = arith.constant 768 : i32
    %dma_wait3A_1006 = arith.constant 0 : i32
    %dma_wait3A_1007 = tpu.memref_slice %arg6[%dma_wait3A_1005, %dma_wait3A_1006] : memref<1024x16xf32, #tpu.memory_space<vmem>> -> memref<128x16xf32, #tpu.memory_space<vmem>>
    %dma_wait3A_1008 = arith.constant 6912 : i32
    %dma_wait3A_1009 = tpu.memref_slice %arg5[%dma_wait3A_1008] : memref<13312xi32, #tpu.memory_space<vmem>> -> memref<128xi32, #tpu.memory_space<vmem>>
    %dma_wait3A_1010 = arith.constant 0 : i32
    %dma_wait3A_1011 = arith.constant 0 : i32
    %dma_wait3A_1012 = tpu.memref_slice %arg3[%dma_wait3A_1010, %dma_wait3A_1011] : memref<2600000x16xf32, #tpu.memory_space<hbm>> -> memref<2600000x16xf32, #tpu.memory_space<hbm>>
    tpu.wait_indirect_dma semaphore(%arg8 : memref<!tpu.dma_semaphore, #tpu.memory_space<semaphore_mem>>) src(%dma_wait3A_1012 : memref<2600000x16xf32, #tpu.memory_space<hbm>>) dst(%dma_wait3A_1007 : memref<128x16xf32, #tpu.memory_space<vmem>>)
    %dma_wait3A_1013 = arith.constant 896 : i32
    %dma_wait3A_1014 = arith.constant 0 : i32
    %dma_wait3A_1015 = tpu.memref_slice %arg6[%dma_wait3A_1013, %dma_wait3A_1014] : memref<1024x16xf32, #tpu.memory_space<vmem>> -> memref<128x16xf32, #tpu.memory_space<vmem>>
    %dma_wait3A_1016 = arith.constant 7040 : i32
    %dma_wait3A_1017 = tpu.memref_slice %arg5[%dma_wait3A_1016] : memref<13312xi32, #tpu.memory_space<vmem>> -> memref<128xi32, #tpu.memory_space<vmem>>
    %dma_wait3A_1018 = arith.constant 0 : i32
    %dma_wait3A_1019 = arith.constant 0 : i32
    %dma_wait3A_1020 = tpu.memref_slice %arg3[%dma_wait3A_1018, %dma_wait3A_1019] : memref<2600000x16xf32, #tpu.memory_space<hbm>> -> memref<2600000x16xf32, #tpu.memory_space<hbm>>
    tpu.wait_indirect_dma semaphore(%arg8 : memref<!tpu.dma_semaphore, #tpu.memory_space<semaphore_mem>>) src(%dma_wait3A_1020 : memref<2600000x16xf32, #tpu.memory_space<hbm>>) dst(%dma_wait3A_1015 : memref<128x16xf32, #tpu.memory_space<vmem>>)
    %add3A_1021 = arith.constant 6144 : i32
    %add3A_1022 = arith.addi %mul3A_2, %add3A_1021 : i32
    %dma_start3A_1023 = arith.constant 0 : i32
    %dma_start3A_1024 = tpu.memref_slice %arg4[%add3A_1022, %dma_start3A_1023] : memref<425984x16xf32, #tpu.memory_space<hbm>> -> memref<1024x16xf32, #tpu.memory_space<hbm>>
    %dma_start3A_1025 = arith.constant 0 : i32
    %dma_start3A_1026 = tpu.memref_slice %arg4[%add3A_1022, %dma_start3A_1025] : memref<425984x16xf32, #tpu.memory_space<hbm>> -> memref<1024x16xf32, #tpu.memory_space<hbm>>
    tpu.enqueue_dma source(%arg6 : memref<1024x16xf32, #tpu.memory_space<vmem>>) target(%dma_start3A_1026 : memref<1024x16xf32, #tpu.memory_space<hbm>>) target_semaphore(%arg10 : memref<!tpu.dma_semaphore, #tpu.memory_space<semaphore_mem>>)
    %dma_wait3A_1027 = arith.constant 0 : i32
    %dma_wait3A_1028 = tpu.memref_slice %arg4[%add3A_1022, %dma_wait3A_1027] : memref<425984x16xf32, #tpu.memory_space<hbm>> -> memref<1024x16xf32, #tpu.memory_space<hbm>>
    %dma_wait3A_1029 = arith.constant 0 : i32
    %dma_wait3A_1030 = tpu.memref_slice %arg4[%add3A_1022, %dma_wait3A_1029] : memref<425984x16xf32, #tpu.memory_space<hbm>> -> memref<1024x16xf32, #tpu.memory_space<hbm>>
    tpu.wait_dma2 semaphore(%arg10 : memref<!tpu.dma_semaphore, #tpu.memory_space<semaphore_mem>>) src(%arg6 : memref<1024x16xf32, #tpu.memory_space<vmem>>) dst(%dma_wait3A_1030 : memref<1024x16xf32, #tpu.memory_space<hbm>>)
    %dma_start3A_1031 = arith.constant 0 : i32
    %dma_start3A_1032 = arith.constant 0 : i32
    %dma_start3A_1033 = tpu.memref_slice %arg6[%dma_start3A_1031, %dma_start3A_1032] : memref<1024x16xf32, #tpu.memory_space<vmem>> -> memref<128x16xf32, #tpu.memory_space<vmem>>
    %dma_start3A_1034 = arith.constant 8192 : i32
    %dma_start3A_1035 = tpu.memref_slice %arg5[%dma_start3A_1034] : memref<13312xi32, #tpu.memory_space<vmem>> -> memref<128xi32, #tpu.memory_space<vmem>>
    %dma_start3A_1036 = arith.constant 0 : i32
    %dma_start3A_1037 = arith.constant 0 : i32
    %dma_start3A_1038 = tpu.memref_slice %arg3[%dma_start3A_1036, %dma_start3A_1037] : memref<2600000x16xf32, #tpu.memory_space<hbm>> -> memref<2600000x16xf32, #tpu.memory_space<hbm>>
    tpu.enqueue_indirect_dma source(%dma_start3A_1038 : memref<2600000x16xf32, #tpu.memory_space<hbm>>) target(%dma_start3A_1033 : memref<128x16xf32, #tpu.memory_space<vmem>>) offsets(%dma_start3A_1035 : memref<128xi32, #tpu.memory_space<vmem>>) semaphore(%arg8 : memref<!tpu.dma_semaphore, #tpu.memory_space<semaphore_mem>>)
    %dma_start3A_1039 = arith.constant 128 : i32
    %dma_start3A_1040 = arith.constant 0 : i32
    %dma_start3A_1041 = tpu.memref_slice %arg6[%dma_start3A_1039, %dma_start3A_1040] : memref<1024x16xf32, #tpu.memory_space<vmem>> -> memref<128x16xf32, #tpu.memory_space<vmem>>
    %dma_start3A_1042 = arith.constant 8320 : i32
    %dma_start3A_1043 = tpu.memref_slice %arg5[%dma_start3A_1042] : memref<13312xi32, #tpu.memory_space<vmem>> -> memref<128xi32, #tpu.memory_space<vmem>>
    %dma_start3A_1044 = arith.constant 0 : i32
    %dma_start3A_1045 = arith.constant 0 : i32
    %dma_start3A_1046 = tpu.memref_slice %arg3[%dma_start3A_1044, %dma_start3A_1045] : memref<2600000x16xf32, #tpu.memory_space<hbm>> -> memref<2600000x16xf32, #tpu.memory_space<hbm>>
    tpu.enqueue_indirect_dma source(%dma_start3A_1046 : memref<2600000x16xf32, #tpu.memory_space<hbm>>) target(%dma_start3A_1041 : memref<128x16xf32, #tpu.memory_space<vmem>>) offsets(%dma_start3A_1043 : memref<128xi32, #tpu.memory_space<vmem>>) semaphore(%arg8 : memref<!tpu.dma_semaphore, #tpu.memory_space<semaphore_mem>>)
    %dma_start3A_1047 = arith.constant 256 : i32
    %dma_start3A_1048 = arith.constant 0 : i32
    %dma_start3A_1049 = tpu.memref_slice %arg6[%dma_start3A_1047, %dma_start3A_1048] : memref<1024x16xf32, #tpu.memory_space<vmem>> -> memref<128x16xf32, #tpu.memory_space<vmem>>
    %dma_start3A_1050 = arith.constant 8448 : i32
    %dma_start3A_1051 = tpu.memref_slice %arg5[%dma_start3A_1050] : memref<13312xi32, #tpu.memory_space<vmem>> -> memref<128xi32, #tpu.memory_space<vmem>>
    %dma_start3A_1052 = arith.constant 0 : i32
    %dma_start3A_1053 = arith.constant 0 : i32
    %dma_start3A_1054 = tpu.memref_slice %arg3[%dma_start3A_1052, %dma_start3A_1053] : memref<2600000x16xf32, #tpu.memory_space<hbm>> -> memref<2600000x16xf32, #tpu.memory_space<hbm>>
    tpu.enqueue_indirect_dma source(%dma_start3A_1054 : memref<2600000x16xf32, #tpu.memory_space<hbm>>) target(%dma_start3A_1049 : memref<128x16xf32, #tpu.memory_space<vmem>>) offsets(%dma_start3A_1051 : memref<128xi32, #tpu.memory_space<vmem>>) semaphore(%arg8 : memref<!tpu.dma_semaphore, #tpu.memory_space<semaphore_mem>>)
    %dma_start3A_1055 = arith.constant 384 : i32
    %dma_start3A_1056 = arith.constant 0 : i32
    %dma_start3A_1057 = tpu.memref_slice %arg6[%dma_start3A_1055, %dma_start3A_1056] : memref<1024x16xf32, #tpu.memory_space<vmem>> -> memref<128x16xf32, #tpu.memory_space<vmem>>
    %dma_start3A_1058 = arith.constant 8576 : i32
    %dma_start3A_1059 = tpu.memref_slice %arg5[%dma_start3A_1058] : memref<13312xi32, #tpu.memory_space<vmem>> -> memref<128xi32, #tpu.memory_space<vmem>>
    %dma_start3A_1060 = arith.constant 0 : i32
    %dma_start3A_1061 = arith.constant 0 : i32
    %dma_start3A_1062 = tpu.memref_slice %arg3[%dma_start3A_1060, %dma_start3A_1061] : memref<2600000x16xf32, #tpu.memory_space<hbm>> -> memref<2600000x16xf32, #tpu.memory_space<hbm>>
    tpu.enqueue_indirect_dma source(%dma_start3A_1062 : memref<2600000x16xf32, #tpu.memory_space<hbm>>) target(%dma_start3A_1057 : memref<128x16xf32, #tpu.memory_space<vmem>>) offsets(%dma_start3A_1059 : memref<128xi32, #tpu.memory_space<vmem>>) semaphore(%arg8 : memref<!tpu.dma_semaphore, #tpu.memory_space<semaphore_mem>>)
    %dma_start3A_1063 = arith.constant 512 : i32
    %dma_start3A_1064 = arith.constant 0 : i32
    %dma_start3A_1065 = tpu.memref_slice %arg6[%dma_start3A_1063, %dma_start3A_1064] : memref<1024x16xf32, #tpu.memory_space<vmem>> -> memref<128x16xf32, #tpu.memory_space<vmem>>
    %dma_start3A_1066 = arith.constant 8704 : i32
    %dma_start3A_1067 = tpu.memref_slice %arg5[%dma_start3A_1066] : memref<13312xi32, #tpu.memory_space<vmem>> -> memref<128xi32, #tpu.memory_space<vmem>>
    %dma_start3A_1068 = arith.constant 0 : i32
    %dma_start3A_1069 = arith.constant 0 : i32
    %dma_start3A_1070 = tpu.memref_slice %arg3[%dma_start3A_1068, %dma_start3A_1069] : memref<2600000x16xf32, #tpu.memory_space<hbm>> -> memref<2600000x16xf32, #tpu.memory_space<hbm>>
    tpu.enqueue_indirect_dma source(%dma_start3A_1070 : memref<2600000x16xf32, #tpu.memory_space<hbm>>) target(%dma_start3A_1065 : memref<128x16xf32, #tpu.memory_space<vmem>>) offsets(%dma_start3A_1067 : memref<128xi32, #tpu.memory_space<vmem>>) semaphore(%arg8 : memref<!tpu.dma_semaphore, #tpu.memory_space<semaphore_mem>>)
    %dma_start3A_1071 = arith.constant 640 : i32
    %dma_start3A_1072 = arith.constant 0 : i32
    %dma_start3A_1073 = tpu.memref_slice %arg6[%dma_start3A_1071, %dma_start3A_1072] : memref<1024x16xf32, #tpu.memory_space<vmem>> -> memref<128x16xf32, #tpu.memory_space<vmem>>
    %dma_start3A_1074 = arith.constant 8832 : i32
    %dma_start3A_1075 = tpu.memref_slice %arg5[%dma_start3A_1074] : memref<13312xi32, #tpu.memory_space<vmem>> -> memref<128xi32, #tpu.memory_space<vmem>>
    %dma_start3A_1076 = arith.constant 0 : i32
    %dma_start3A_1077 = arith.constant 0 : i32
    %dma_start3A_1078 = tpu.memref_slice %arg3[%dma_start3A_1076, %dma_start3A_1077] : memref<2600000x16xf32, #tpu.memory_space<hbm>> -> memref<2600000x16xf32, #tpu.memory_space<hbm>>
    tpu.enqueue_indirect_dma source(%dma_start3A_1078 : memref<2600000x16xf32, #tpu.memory_space<hbm>>) target(%dma_start3A_1073 : memref<128x16xf32, #tpu.memory_space<vmem>>) offsets(%dma_start3A_1075 : memref<128xi32, #tpu.memory_space<vmem>>) semaphore(%arg8 : memref<!tpu.dma_semaphore, #tpu.memory_space<semaphore_mem>>)
    %dma_start3A_1079 = arith.constant 768 : i32
    %dma_start3A_1080 = arith.constant 0 : i32
    %dma_start3A_1081 = tpu.memref_slice %arg6[%dma_start3A_1079, %dma_start3A_1080] : memref<1024x16xf32, #tpu.memory_space<vmem>> -> memref<128x16xf32, #tpu.memory_space<vmem>>
    %dma_start3A_1082 = arith.constant 8960 : i32
    %dma_start3A_1083 = tpu.memref_slice %arg5[%dma_start3A_1082] : memref<13312xi32, #tpu.memory_space<vmem>> -> memref<128xi32, #tpu.memory_space<vmem>>
    %dma_start3A_1084 = arith.constant 0 : i32
    %dma_start3A_1085 = arith.constant 0 : i32
    %dma_start3A_1086 = tpu.memref_slice %arg3[%dma_start3A_1084, %dma_start3A_1085] : memref<2600000x16xf32, #tpu.memory_space<hbm>> -> memref<2600000x16xf32, #tpu.memory_space<hbm>>
    tpu.enqueue_indirect_dma source(%dma_start3A_1086 : memref<2600000x16xf32, #tpu.memory_space<hbm>>) target(%dma_start3A_1081 : memref<128x16xf32, #tpu.memory_space<vmem>>) offsets(%dma_start3A_1083 : memref<128xi32, #tpu.memory_space<vmem>>) semaphore(%arg8 : memref<!tpu.dma_semaphore, #tpu.memory_space<semaphore_mem>>)
    %dma_start3A_1087 = arith.constant 896 : i32
    %dma_start3A_1088 = arith.constant 0 : i32
    %dma_start3A_1089 = tpu.memref_slice %arg6[%dma_start3A_1087, %dma_start3A_1088] : memref<1024x16xf32, #tpu.memory_space<vmem>> -> memref<128x16xf32, #tpu.memory_space<vmem>>
    %dma_start3A_1090 = arith.constant 9088 : i32
    %dma_start3A_1091 = tpu.memref_slice %arg5[%dma_start3A_1090] : memref<13312xi32, #tpu.memory_space<vmem>> -> memref<128xi32, #tpu.memory_space<vmem>>
    %dma_start3A_1092 = arith.constant 0 : i32
    %dma_start3A_1093 = arith.constant 0 : i32
    %dma_start3A_1094 = tpu.memref_slice %arg3[%dma_start3A_1092, %dma_start3A_1093] : memref<2600000x16xf32, #tpu.memory_space<hbm>> -> memref<2600000x16xf32, #tpu.memory_space<hbm>>
    tpu.enqueue_indirect_dma source(%dma_start3A_1094 : memref<2600000x16xf32, #tpu.memory_space<hbm>>) target(%dma_start3A_1089 : memref<128x16xf32, #tpu.memory_space<vmem>>) offsets(%dma_start3A_1091 : memref<128xi32, #tpu.memory_space<vmem>>) semaphore(%arg8 : memref<!tpu.dma_semaphore, #tpu.memory_space<semaphore_mem>>)
    %dma_wait3A_1095 = arith.constant 0 : i32
    %dma_wait3A_1096 = arith.constant 0 : i32
    %dma_wait3A_1097 = tpu.memref_slice %arg7[%dma_wait3A_1095, %dma_wait3A_1096] : memref<1024x16xf32, #tpu.memory_space<vmem>> -> memref<128x16xf32, #tpu.memory_space<vmem>>
    %dma_wait3A_1098 = arith.constant 7168 : i32
    %dma_wait3A_1099 = tpu.memref_slice %arg5[%dma_wait3A_1098] : memref<13312xi32, #tpu.memory_space<vmem>> -> memref<128xi32, #tpu.memory_space<vmem>>
    %dma_wait3A_1100 = arith.constant 0 : i32
    %dma_wait3A_1101 = arith.constant 0 : i32
    %dma_wait3A_1102 = tpu.memref_slice %arg3[%dma_wait3A_1100, %dma_wait3A_1101] : memref<2600000x16xf32, #tpu.memory_space<hbm>> -> memref<2600000x16xf32, #tpu.memory_space<hbm>>
    tpu.wait_indirect_dma semaphore(%arg9 : memref<!tpu.dma_semaphore, #tpu.memory_space<semaphore_mem>>) src(%dma_wait3A_1102 : memref<2600000x16xf32, #tpu.memory_space<hbm>>) dst(%dma_wait3A_1097 : memref<128x16xf32, #tpu.memory_space<vmem>>)
    %dma_wait3A_1103 = arith.constant 128 : i32
    %dma_wait3A_1104 = arith.constant 0 : i32
    %dma_wait3A_1105 = tpu.memref_slice %arg7[%dma_wait3A_1103, %dma_wait3A_1104] : memref<1024x16xf32, #tpu.memory_space<vmem>> -> memref<128x16xf32, #tpu.memory_space<vmem>>
    %dma_wait3A_1106 = arith.constant 7296 : i32
    %dma_wait3A_1107 = tpu.memref_slice %arg5[%dma_wait3A_1106] : memref<13312xi32, #tpu.memory_space<vmem>> -> memref<128xi32, #tpu.memory_space<vmem>>
    %dma_wait3A_1108 = arith.constant 0 : i32
    %dma_wait3A_1109 = arith.constant 0 : i32
    %dma_wait3A_1110 = tpu.memref_slice %arg3[%dma_wait3A_1108, %dma_wait3A_1109] : memref<2600000x16xf32, #tpu.memory_space<hbm>> -> memref<2600000x16xf32, #tpu.memory_space<hbm>>
    tpu.wait_indirect_dma semaphore(%arg9 : memref<!tpu.dma_semaphore, #tpu.memory_space<semaphore_mem>>) src(%dma_wait3A_1110 : memref<2600000x16xf32, #tpu.memory_space<hbm>>) dst(%dma_wait3A_1105 : memref<128x16xf32, #tpu.memory_space<vmem>>)
    %dma_wait3A_1111 = arith.constant 256 : i32
    %dma_wait3A_1112 = arith.constant 0 : i32
    %dma_wait3A_1113 = tpu.memref_slice %arg7[%dma_wait3A_1111, %dma_wait3A_1112] : memref<1024x16xf32, #tpu.memory_space<vmem>> -> memref<128x16xf32, #tpu.memory_space<vmem>>
    %dma_wait3A_1114 = arith.constant 7424 : i32
    %dma_wait3A_1115 = tpu.memref_slice %arg5[%dma_wait3A_1114] : memref<13312xi32, #tpu.memory_space<vmem>> -> memref<128xi32, #tpu.memory_space<vmem>>
    %dma_wait3A_1116 = arith.constant 0 : i32
    %dma_wait3A_1117 = arith.constant 0 : i32
    %dma_wait3A_1118 = tpu.memref_slice %arg3[%dma_wait3A_1116, %dma_wait3A_1117] : memref<2600000x16xf32, #tpu.memory_space<hbm>> -> memref<2600000x16xf32, #tpu.memory_space<hbm>>
    tpu.wait_indirect_dma semaphore(%arg9 : memref<!tpu.dma_semaphore, #tpu.memory_space<semaphore_mem>>) src(%dma_wait3A_1118 : memref<2600000x16xf32, #tpu.memory_space<hbm>>) dst(%dma_wait3A_1113 : memref<128x16xf32, #tpu.memory_space<vmem>>)
    %dma_wait3A_1119 = arith.constant 384 : i32
    %dma_wait3A_1120 = arith.constant 0 : i32
    %dma_wait3A_1121 = tpu.memref_slice %arg7[%dma_wait3A_1119, %dma_wait3A_1120] : memref<1024x16xf32, #tpu.memory_space<vmem>> -> memref<128x16xf32, #tpu.memory_space<vmem>>
    %dma_wait3A_1122 = arith.constant 7552 : i32
    %dma_wait3A_1123 = tpu.memref_slice %arg5[%dma_wait3A_1122] : memref<13312xi32, #tpu.memory_space<vmem>> -> memref<128xi32, #tpu.memory_space<vmem>>
    %dma_wait3A_1124 = arith.constant 0 : i32
    %dma_wait3A_1125 = arith.constant 0 : i32
    %dma_wait3A_1126 = tpu.memref_slice %arg3[%dma_wait3A_1124, %dma_wait3A_1125] : memref<2600000x16xf32, #tpu.memory_space<hbm>> -> memref<2600000x16xf32, #tpu.memory_space<hbm>>
    tpu.wait_indirect_dma semaphore(%arg9 : memref<!tpu.dma_semaphore, #tpu.memory_space<semaphore_mem>>) src(%dma_wait3A_1126 : memref<2600000x16xf32, #tpu.memory_space<hbm>>) dst(%dma_wait3A_1121 : memref<128x16xf32, #tpu.memory_space<vmem>>)
    %dma_wait3A_1127 = arith.constant 512 : i32
    %dma_wait3A_1128 = arith.constant 0 : i32
    %dma_wait3A_1129 = tpu.memref_slice %arg7[%dma_wait3A_1127, %dma_wait3A_1128] : memref<1024x16xf32, #tpu.memory_space<vmem>> -> memref<128x16xf32, #tpu.memory_space<vmem>>
    %dma_wait3A_1130 = arith.constant 7680 : i32
    %dma_wait3A_1131 = tpu.memref_slice %arg5[%dma_wait3A_1130] : memref<13312xi32, #tpu.memory_space<vmem>> -> memref<128xi32, #tpu.memory_space<vmem>>
    %dma_wait3A_1132 = arith.constant 0 : i32
    %dma_wait3A_1133 = arith.constant 0 : i32
    %dma_wait3A_1134 = tpu.memref_slice %arg3[%dma_wait3A_1132, %dma_wait3A_1133] : memref<2600000x16xf32, #tpu.memory_space<hbm>> -> memref<2600000x16xf32, #tpu.memory_space<hbm>>
    tpu.wait_indirect_dma semaphore(%arg9 : memref<!tpu.dma_semaphore, #tpu.memory_space<semaphore_mem>>) src(%dma_wait3A_1134 : memref<2600000x16xf32, #tpu.memory_space<hbm>>) dst(%dma_wait3A_1129 : memref<128x16xf32, #tpu.memory_space<vmem>>)
    %dma_wait3A_1135 = arith.constant 640 : i32
    %dma_wait3A_1136 = arith.constant 0 : i32
    %dma_wait3A_1137 = tpu.memref_slice %arg7[%dma_wait3A_1135, %dma_wait3A_1136] : memref<1024x16xf32, #tpu.memory_space<vmem>> -> memref<128x16xf32, #tpu.memory_space<vmem>>
    %dma_wait3A_1138 = arith.constant 7808 : i32
    %dma_wait3A_1139 = tpu.memref_slice %arg5[%dma_wait3A_1138] : memref<13312xi32, #tpu.memory_space<vmem>> -> memref<128xi32, #tpu.memory_space<vmem>>
    %dma_wait3A_1140 = arith.constant 0 : i32
    %dma_wait3A_1141 = arith.constant 0 : i32
    %dma_wait3A_1142 = tpu.memref_slice %arg3[%dma_wait3A_1140, %dma_wait3A_1141] : memref<2600000x16xf32, #tpu.memory_space<hbm>> -> memref<2600000x16xf32, #tpu.memory_space<hbm>>
    tpu.wait_indirect_dma semaphore(%arg9 : memref<!tpu.dma_semaphore, #tpu.memory_space<semaphore_mem>>) src(%dma_wait3A_1142 : memref<2600000x16xf32, #tpu.memory_space<hbm>>) dst(%dma_wait3A_1137 : memref<128x16xf32, #tpu.memory_space<vmem>>)
    %dma_wait3A_1143 = arith.constant 768 : i32
    %dma_wait3A_1144 = arith.constant 0 : i32
    %dma_wait3A_1145 = tpu.memref_slice %arg7[%dma_wait3A_1143, %dma_wait3A_1144] : memref<1024x16xf32, #tpu.memory_space<vmem>> -> memref<128x16xf32, #tpu.memory_space<vmem>>
    %dma_wait3A_1146 = arith.constant 7936 : i32
    %dma_wait3A_1147 = tpu.memref_slice %arg5[%dma_wait3A_1146] : memref<13312xi32, #tpu.memory_space<vmem>> -> memref<128xi32, #tpu.memory_space<vmem>>
    %dma_wait3A_1148 = arith.constant 0 : i32
    %dma_wait3A_1149 = arith.constant 0 : i32
    %dma_wait3A_1150 = tpu.memref_slice %arg3[%dma_wait3A_1148, %dma_wait3A_1149] : memref<2600000x16xf32, #tpu.memory_space<hbm>> -> memref<2600000x16xf32, #tpu.memory_space<hbm>>
    tpu.wait_indirect_dma semaphore(%arg9 : memref<!tpu.dma_semaphore, #tpu.memory_space<semaphore_mem>>) src(%dma_wait3A_1150 : memref<2600000x16xf32, #tpu.memory_space<hbm>>) dst(%dma_wait3A_1145 : memref<128x16xf32, #tpu.memory_space<vmem>>)
    %dma_wait3A_1151 = arith.constant 896 : i32
    %dma_wait3A_1152 = arith.constant 0 : i32
    %dma_wait3A_1153 = tpu.memref_slice %arg7[%dma_wait3A_1151, %dma_wait3A_1152] : memref<1024x16xf32, #tpu.memory_space<vmem>> -> memref<128x16xf32, #tpu.memory_space<vmem>>
    %dma_wait3A_1154 = arith.constant 8064 : i32
    %dma_wait3A_1155 = tpu.memref_slice %arg5[%dma_wait3A_1154] : memref<13312xi32, #tpu.memory_space<vmem>> -> memref<128xi32, #tpu.memory_space<vmem>>
    %dma_wait3A_1156 = arith.constant 0 : i32
    %dma_wait3A_1157 = arith.constant 0 : i32
    %dma_wait3A_1158 = tpu.memref_slice %arg3[%dma_wait3A_1156, %dma_wait3A_1157] : memref<2600000x16xf32, #tpu.memory_space<hbm>> -> memref<2600000x16xf32, #tpu.memory_space<hbm>>
    tpu.wait_indirect_dma semaphore(%arg9 : memref<!tpu.dma_semaphore, #tpu.memory_space<semaphore_mem>>) src(%dma_wait3A_1158 : memref<2600000x16xf32, #tpu.memory_space<hbm>>) dst(%dma_wait3A_1153 : memref<128x16xf32, #tpu.memory_space<vmem>>)
    %add3A_1159 = arith.constant 7168 : i32
    %add3A_1160 = arith.addi %mul3A_2, %add3A_1159 : i32
    %dma_start3A_1161 = arith.constant 0 : i32
    %dma_start3A_1162 = tpu.memref_slice %arg4[%add3A_1160, %dma_start3A_1161] : memref<425984x16xf32, #tpu.memory_space<hbm>> -> memref<1024x16xf32, #tpu.memory_space<hbm>>
    %dma_start3A_1163 = arith.constant 0 : i32
    %dma_start3A_1164 = tpu.memref_slice %arg4[%add3A_1160, %dma_start3A_1163] : memref<425984x16xf32, #tpu.memory_space<hbm>> -> memref<1024x16xf32, #tpu.memory_space<hbm>>
    tpu.enqueue_dma source(%arg7 : memref<1024x16xf32, #tpu.memory_space<vmem>>) target(%dma_start3A_1164 : memref<1024x16xf32, #tpu.memory_space<hbm>>) target_semaphore(%arg10 : memref<!tpu.dma_semaphore, #tpu.memory_space<semaphore_mem>>)
    %dma_wait3A_1165 = arith.constant 0 : i32
    %dma_wait3A_1166 = tpu.memref_slice %arg4[%add3A_1160, %dma_wait3A_1165] : memref<425984x16xf32, #tpu.memory_space<hbm>> -> memref<1024x16xf32, #tpu.memory_space<hbm>>
    %dma_wait3A_1167 = arith.constant 0 : i32
    %dma_wait3A_1168 = tpu.memref_slice %arg4[%add3A_1160, %dma_wait3A_1167] : memref<425984x16xf32, #tpu.memory_space<hbm>> -> memref<1024x16xf32, #tpu.memory_space<hbm>>
    tpu.wait_dma2 semaphore(%arg10 : memref<!tpu.dma_semaphore, #tpu.memory_space<semaphore_mem>>) src(%arg7 : memref<1024x16xf32, #tpu.memory_space<vmem>>) dst(%dma_wait3A_1168 : memref<1024x16xf32, #tpu.memory_space<hbm>>)
    %dma_start3A_1169 = arith.constant 0 : i32
    %dma_start3A_1170 = arith.constant 0 : i32
    %dma_start3A_1171 = tpu.memref_slice %arg7[%dma_start3A_1169, %dma_start3A_1170] : memref<1024x16xf32, #tpu.memory_space<vmem>> -> memref<128x16xf32, #tpu.memory_space<vmem>>
    %dma_start3A_1172 = arith.constant 9216 : i32
    %dma_start3A_1173 = tpu.memref_slice %arg5[%dma_start3A_1172] : memref<13312xi32, #tpu.memory_space<vmem>> -> memref<128xi32, #tpu.memory_space<vmem>>
    %dma_start3A_1174 = arith.constant 0 : i32
    %dma_start3A_1175 = arith.constant 0 : i32
    %dma_start3A_1176 = tpu.memref_slice %arg3[%dma_start3A_1174, %dma_start3A_1175] : memref<2600000x16xf32, #tpu.memory_space<hbm>> -> memref<2600000x16xf32, #tpu.memory_space<hbm>>
    tpu.enqueue_indirect_dma source(%dma_start3A_1176 : memref<2600000x16xf32, #tpu.memory_space<hbm>>) target(%dma_start3A_1171 : memref<128x16xf32, #tpu.memory_space<vmem>>) offsets(%dma_start3A_1173 : memref<128xi32, #tpu.memory_space<vmem>>) semaphore(%arg9 : memref<!tpu.dma_semaphore, #tpu.memory_space<semaphore_mem>>)
    %dma_start3A_1177 = arith.constant 128 : i32
    %dma_start3A_1178 = arith.constant 0 : i32
    %dma_start3A_1179 = tpu.memref_slice %arg7[%dma_start3A_1177, %dma_start3A_1178] : memref<1024x16xf32, #tpu.memory_space<vmem>> -> memref<128x16xf32, #tpu.memory_space<vmem>>
    %dma_start3A_1180 = arith.constant 9344 : i32
    %dma_start3A_1181 = tpu.memref_slice %arg5[%dma_start3A_1180] : memref<13312xi32, #tpu.memory_space<vmem>> -> memref<128xi32, #tpu.memory_space<vmem>>
    %dma_start3A_1182 = arith.constant 0 : i32
    %dma_start3A_1183 = arith.constant 0 : i32
    %dma_start3A_1184 = tpu.memref_slice %arg3[%dma_start3A_1182, %dma_start3A_1183] : memref<2600000x16xf32, #tpu.memory_space<hbm>> -> memref<2600000x16xf32, #tpu.memory_space<hbm>>
    tpu.enqueue_indirect_dma source(%dma_start3A_1184 : memref<2600000x16xf32, #tpu.memory_space<hbm>>) target(%dma_start3A_1179 : memref<128x16xf32, #tpu.memory_space<vmem>>) offsets(%dma_start3A_1181 : memref<128xi32, #tpu.memory_space<vmem>>) semaphore(%arg9 : memref<!tpu.dma_semaphore, #tpu.memory_space<semaphore_mem>>)
    %dma_start3A_1185 = arith.constant 256 : i32
    %dma_start3A_1186 = arith.constant 0 : i32
    %dma_start3A_1187 = tpu.memref_slice %arg7[%dma_start3A_1185, %dma_start3A_1186] : memref<1024x16xf32, #tpu.memory_space<vmem>> -> memref<128x16xf32, #tpu.memory_space<vmem>>
    %dma_start3A_1188 = arith.constant 9472 : i32
    %dma_start3A_1189 = tpu.memref_slice %arg5[%dma_start3A_1188] : memref<13312xi32, #tpu.memory_space<vmem>> -> memref<128xi32, #tpu.memory_space<vmem>>
    %dma_start3A_1190 = arith.constant 0 : i32
    %dma_start3A_1191 = arith.constant 0 : i32
    %dma_start3A_1192 = tpu.memref_slice %arg3[%dma_start3A_1190, %dma_start3A_1191] : memref<2600000x16xf32, #tpu.memory_space<hbm>> -> memref<2600000x16xf32, #tpu.memory_space<hbm>>
    tpu.enqueue_indirect_dma source(%dma_start3A_1192 : memref<2600000x16xf32, #tpu.memory_space<hbm>>) target(%dma_start3A_1187 : memref<128x16xf32, #tpu.memory_space<vmem>>) offsets(%dma_start3A_1189 : memref<128xi32, #tpu.memory_space<vmem>>) semaphore(%arg9 : memref<!tpu.dma_semaphore, #tpu.memory_space<semaphore_mem>>)
    %dma_start3A_1193 = arith.constant 384 : i32
    %dma_start3A_1194 = arith.constant 0 : i32
    %dma_start3A_1195 = tpu.memref_slice %arg7[%dma_start3A_1193, %dma_start3A_1194] : memref<1024x16xf32, #tpu.memory_space<vmem>> -> memref<128x16xf32, #tpu.memory_space<vmem>>
    %dma_start3A_1196 = arith.constant 9600 : i32
    %dma_start3A_1197 = tpu.memref_slice %arg5[%dma_start3A_1196] : memref<13312xi32, #tpu.memory_space<vmem>> -> memref<128xi32, #tpu.memory_space<vmem>>
    %dma_start3A_1198 = arith.constant 0 : i32
    %dma_start3A_1199 = arith.constant 0 : i32
    %dma_start3A_1200 = tpu.memref_slice %arg3[%dma_start3A_1198, %dma_start3A_1199] : memref<2600000x16xf32, #tpu.memory_space<hbm>> -> memref<2600000x16xf32, #tpu.memory_space<hbm>>
    tpu.enqueue_indirect_dma source(%dma_start3A_1200 : memref<2600000x16xf32, #tpu.memory_space<hbm>>) target(%dma_start3A_1195 : memref<128x16xf32, #tpu.memory_space<vmem>>) offsets(%dma_start3A_1197 : memref<128xi32, #tpu.memory_space<vmem>>) semaphore(%arg9 : memref<!tpu.dma_semaphore, #tpu.memory_space<semaphore_mem>>)
    %dma_start3A_1201 = arith.constant 512 : i32
    %dma_start3A_1202 = arith.constant 0 : i32
    %dma_start3A_1203 = tpu.memref_slice %arg7[%dma_start3A_1201, %dma_start3A_1202] : memref<1024x16xf32, #tpu.memory_space<vmem>> -> memref<128x16xf32, #tpu.memory_space<vmem>>
    %dma_start3A_1204 = arith.constant 9728 : i32
    %dma_start3A_1205 = tpu.memref_slice %arg5[%dma_start3A_1204] : memref<13312xi32, #tpu.memory_space<vmem>> -> memref<128xi32, #tpu.memory_space<vmem>>
    %dma_start3A_1206 = arith.constant 0 : i32
    %dma_start3A_1207 = arith.constant 0 : i32
    %dma_start3A_1208 = tpu.memref_slice %arg3[%dma_start3A_1206, %dma_start3A_1207] : memref<2600000x16xf32, #tpu.memory_space<hbm>> -> memref<2600000x16xf32, #tpu.memory_space<hbm>>
    tpu.enqueue_indirect_dma source(%dma_start3A_1208 : memref<2600000x16xf32, #tpu.memory_space<hbm>>) target(%dma_start3A_1203 : memref<128x16xf32, #tpu.memory_space<vmem>>) offsets(%dma_start3A_1205 : memref<128xi32, #tpu.memory_space<vmem>>) semaphore(%arg9 : memref<!tpu.dma_semaphore, #tpu.memory_space<semaphore_mem>>)
    %dma_start3A_1209 = arith.constant 640 : i32
    %dma_start3A_1210 = arith.constant 0 : i32
    %dma_start3A_1211 = tpu.memref_slice %arg7[%dma_start3A_1209, %dma_start3A_1210] : memref<1024x16xf32, #tpu.memory_space<vmem>> -> memref<128x16xf32, #tpu.memory_space<vmem>>
    %dma_start3A_1212 = arith.constant 9856 : i32
    %dma_start3A_1213 = tpu.memref_slice %arg5[%dma_start3A_1212] : memref<13312xi32, #tpu.memory_space<vmem>> -> memref<128xi32, #tpu.memory_space<vmem>>
    %dma_start3A_1214 = arith.constant 0 : i32
    %dma_start3A_1215 = arith.constant 0 : i32
    %dma_start3A_1216 = tpu.memref_slice %arg3[%dma_start3A_1214, %dma_start3A_1215] : memref<2600000x16xf32, #tpu.memory_space<hbm>> -> memref<2600000x16xf32, #tpu.memory_space<hbm>>
    tpu.enqueue_indirect_dma source(%dma_start3A_1216 : memref<2600000x16xf32, #tpu.memory_space<hbm>>) target(%dma_start3A_1211 : memref<128x16xf32, #tpu.memory_space<vmem>>) offsets(%dma_start3A_1213 : memref<128xi32, #tpu.memory_space<vmem>>) semaphore(%arg9 : memref<!tpu.dma_semaphore, #tpu.memory_space<semaphore_mem>>)
    %dma_start3A_1217 = arith.constant 768 : i32
    %dma_start3A_1218 = arith.constant 0 : i32
    %dma_start3A_1219 = tpu.memref_slice %arg7[%dma_start3A_1217, %dma_start3A_1218] : memref<1024x16xf32, #tpu.memory_space<vmem>> -> memref<128x16xf32, #tpu.memory_space<vmem>>
    %dma_start3A_1220 = arith.constant 9984 : i32
    %dma_start3A_1221 = tpu.memref_slice %arg5[%dma_start3A_1220] : memref<13312xi32, #tpu.memory_space<vmem>> -> memref<128xi32, #tpu.memory_space<vmem>>
    %dma_start3A_1222 = arith.constant 0 : i32
    %dma_start3A_1223 = arith.constant 0 : i32
    %dma_start3A_1224 = tpu.memref_slice %arg3[%dma_start3A_1222, %dma_start3A_1223] : memref<2600000x16xf32, #tpu.memory_space<hbm>> -> memref<2600000x16xf32, #tpu.memory_space<hbm>>
    tpu.enqueue_indirect_dma source(%dma_start3A_1224 : memref<2600000x16xf32, #tpu.memory_space<hbm>>) target(%dma_start3A_1219 : memref<128x16xf32, #tpu.memory_space<vmem>>) offsets(%dma_start3A_1221 : memref<128xi32, #tpu.memory_space<vmem>>) semaphore(%arg9 : memref<!tpu.dma_semaphore, #tpu.memory_space<semaphore_mem>>)
    %dma_start3A_1225 = arith.constant 896 : i32
    %dma_start3A_1226 = arith.constant 0 : i32
    %dma_start3A_1227 = tpu.memref_slice %arg7[%dma_start3A_1225, %dma_start3A_1226] : memref<1024x16xf32, #tpu.memory_space<vmem>> -> memref<128x16xf32, #tpu.memory_space<vmem>>
    %dma_start3A_1228 = arith.constant 10112 : i32
    %dma_start3A_1229 = tpu.memref_slice %arg5[%dma_start3A_1228] : memref<13312xi32, #tpu.memory_space<vmem>> -> memref<128xi32, #tpu.memory_space<vmem>>
    %dma_start3A_1230 = arith.constant 0 : i32
    %dma_start3A_1231 = arith.constant 0 : i32
    %dma_start3A_1232 = tpu.memref_slice %arg3[%dma_start3A_1230, %dma_start3A_1231] : memref<2600000x16xf32, #tpu.memory_space<hbm>> -> memref<2600000x16xf32, #tpu.memory_space<hbm>>
    tpu.enqueue_indirect_dma source(%dma_start3A_1232 : memref<2600000x16xf32, #tpu.memory_space<hbm>>) target(%dma_start3A_1227 : memref<128x16xf32, #tpu.memory_space<vmem>>) offsets(%dma_start3A_1229 : memref<128xi32, #tpu.memory_space<vmem>>) semaphore(%arg9 : memref<!tpu.dma_semaphore, #tpu.memory_space<semaphore_mem>>)
    %dma_wait3A_1233 = arith.constant 0 : i32
    %dma_wait3A_1234 = arith.constant 0 : i32
    %dma_wait3A_1235 = tpu.memref_slice %arg6[%dma_wait3A_1233, %dma_wait3A_1234] : memref<1024x16xf32, #tpu.memory_space<vmem>> -> memref<128x16xf32, #tpu.memory_space<vmem>>
    %dma_wait3A_1236 = arith.constant 8192 : i32
    %dma_wait3A_1237 = tpu.memref_slice %arg5[%dma_wait3A_1236] : memref<13312xi32, #tpu.memory_space<vmem>> -> memref<128xi32, #tpu.memory_space<vmem>>
    %dma_wait3A_1238 = arith.constant 0 : i32
    %dma_wait3A_1239 = arith.constant 0 : i32
    %dma_wait3A_1240 = tpu.memref_slice %arg3[%dma_wait3A_1238, %dma_wait3A_1239] : memref<2600000x16xf32, #tpu.memory_space<hbm>> -> memref<2600000x16xf32, #tpu.memory_space<hbm>>
    tpu.wait_indirect_dma semaphore(%arg8 : memref<!tpu.dma_semaphore, #tpu.memory_space<semaphore_mem>>) src(%dma_wait3A_1240 : memref<2600000x16xf32, #tpu.memory_space<hbm>>) dst(%dma_wait3A_1235 : memref<128x16xf32, #tpu.memory_space<vmem>>)
    %dma_wait3A_1241 = arith.constant 128 : i32
    %dma_wait3A_1242 = arith.constant 0 : i32
    %dma_wait3A_1243 = tpu.memref_slice %arg6[%dma_wait3A_1241, %dma_wait3A_1242] : memref<1024x16xf32, #tpu.memory_space<vmem>> -> memref<128x16xf32, #tpu.memory_space<vmem>>
    %dma_wait3A_1244 = arith.constant 8320 : i32
    %dma_wait3A_1245 = tpu.memref_slice %arg5[%dma_wait3A_1244] : memref<13312xi32, #tpu.memory_space<vmem>> -> memref<128xi32, #tpu.memory_space<vmem>>
    %dma_wait3A_1246 = arith.constant 0 : i32
    %dma_wait3A_1247 = arith.constant 0 : i32
    %dma_wait3A_1248 = tpu.memref_slice %arg3[%dma_wait3A_1246, %dma_wait3A_1247] : memref<2600000x16xf32, #tpu.memory_space<hbm>> -> memref<2600000x16xf32, #tpu.memory_space<hbm>>
    tpu.wait_indirect_dma semaphore(%arg8 : memref<!tpu.dma_semaphore, #tpu.memory_space<semaphore_mem>>) src(%dma_wait3A_1248 : memref<2600000x16xf32, #tpu.memory_space<hbm>>) dst(%dma_wait3A_1243 : memref<128x16xf32, #tpu.memory_space<vmem>>)
    %dma_wait3A_1249 = arith.constant 256 : i32
    %dma_wait3A_1250 = arith.constant 0 : i32
    %dma_wait3A_1251 = tpu.memref_slice %arg6[%dma_wait3A_1249, %dma_wait3A_1250] : memref<1024x16xf32, #tpu.memory_space<vmem>> -> memref<128x16xf32, #tpu.memory_space<vmem>>
    %dma_wait3A_1252 = arith.constant 8448 : i32
    %dma_wait3A_1253 = tpu.memref_slice %arg5[%dma_wait3A_1252] : memref<13312xi32, #tpu.memory_space<vmem>> -> memref<128xi32, #tpu.memory_space<vmem>>
    %dma_wait3A_1254 = arith.constant 0 : i32
    %dma_wait3A_1255 = arith.constant 0 : i32
    %dma_wait3A_1256 = tpu.memref_slice %arg3[%dma_wait3A_1254, %dma_wait3A_1255] : memref<2600000x16xf32, #tpu.memory_space<hbm>> -> memref<2600000x16xf32, #tpu.memory_space<hbm>>
    tpu.wait_indirect_dma semaphore(%arg8 : memref<!tpu.dma_semaphore, #tpu.memory_space<semaphore_mem>>) src(%dma_wait3A_1256 : memref<2600000x16xf32, #tpu.memory_space<hbm>>) dst(%dma_wait3A_1251 : memref<128x16xf32, #tpu.memory_space<vmem>>)
    %dma_wait3A_1257 = arith.constant 384 : i32
    %dma_wait3A_1258 = arith.constant 0 : i32
    %dma_wait3A_1259 = tpu.memref_slice %arg6[%dma_wait3A_1257, %dma_wait3A_1258] : memref<1024x16xf32, #tpu.memory_space<vmem>> -> memref<128x16xf32, #tpu.memory_space<vmem>>
    %dma_wait3A_1260 = arith.constant 8576 : i32
    %dma_wait3A_1261 = tpu.memref_slice %arg5[%dma_wait3A_1260] : memref<13312xi32, #tpu.memory_space<vmem>> -> memref<128xi32, #tpu.memory_space<vmem>>
    %dma_wait3A_1262 = arith.constant 0 : i32
    %dma_wait3A_1263 = arith.constant 0 : i32
    %dma_wait3A_1264 = tpu.memref_slice %arg3[%dma_wait3A_1262, %dma_wait3A_1263] : memref<2600000x16xf32, #tpu.memory_space<hbm>> -> memref<2600000x16xf32, #tpu.memory_space<hbm>>
    tpu.wait_indirect_dma semaphore(%arg8 : memref<!tpu.dma_semaphore, #tpu.memory_space<semaphore_mem>>) src(%dma_wait3A_1264 : memref<2600000x16xf32, #tpu.memory_space<hbm>>) dst(%dma_wait3A_1259 : memref<128x16xf32, #tpu.memory_space<vmem>>)
    %dma_wait3A_1265 = arith.constant 512 : i32
    %dma_wait3A_1266 = arith.constant 0 : i32
    %dma_wait3A_1267 = tpu.memref_slice %arg6[%dma_wait3A_1265, %dma_wait3A_1266] : memref<1024x16xf32, #tpu.memory_space<vmem>> -> memref<128x16xf32, #tpu.memory_space<vmem>>
    %dma_wait3A_1268 = arith.constant 8704 : i32
    %dma_wait3A_1269 = tpu.memref_slice %arg5[%dma_wait3A_1268] : memref<13312xi32, #tpu.memory_space<vmem>> -> memref<128xi32, #tpu.memory_space<vmem>>
    %dma_wait3A_1270 = arith.constant 0 : i32
    %dma_wait3A_1271 = arith.constant 0 : i32
    %dma_wait3A_1272 = tpu.memref_slice %arg3[%dma_wait3A_1270, %dma_wait3A_1271] : memref<2600000x16xf32, #tpu.memory_space<hbm>> -> memref<2600000x16xf32, #tpu.memory_space<hbm>>
    tpu.wait_indirect_dma semaphore(%arg8 : memref<!tpu.dma_semaphore, #tpu.memory_space<semaphore_mem>>) src(%dma_wait3A_1272 : memref<2600000x16xf32, #tpu.memory_space<hbm>>) dst(%dma_wait3A_1267 : memref<128x16xf32, #tpu.memory_space<vmem>>)
    %dma_wait3A_1273 = arith.constant 640 : i32
    %dma_wait3A_1274 = arith.constant 0 : i32
    %dma_wait3A_1275 = tpu.memref_slice %arg6[%dma_wait3A_1273, %dma_wait3A_1274] : memref<1024x16xf32, #tpu.memory_space<vmem>> -> memref<128x16xf32, #tpu.memory_space<vmem>>
    %dma_wait3A_1276 = arith.constant 8832 : i32
    %dma_wait3A_1277 = tpu.memref_slice %arg5[%dma_wait3A_1276] : memref<13312xi32, #tpu.memory_space<vmem>> -> memref<128xi32, #tpu.memory_space<vmem>>
    %dma_wait3A_1278 = arith.constant 0 : i32
    %dma_wait3A_1279 = arith.constant 0 : i32
    %dma_wait3A_1280 = tpu.memref_slice %arg3[%dma_wait3A_1278, %dma_wait3A_1279] : memref<2600000x16xf32, #tpu.memory_space<hbm>> -> memref<2600000x16xf32, #tpu.memory_space<hbm>>
    tpu.wait_indirect_dma semaphore(%arg8 : memref<!tpu.dma_semaphore, #tpu.memory_space<semaphore_mem>>) src(%dma_wait3A_1280 : memref<2600000x16xf32, #tpu.memory_space<hbm>>) dst(%dma_wait3A_1275 : memref<128x16xf32, #tpu.memory_space<vmem>>)
    %dma_wait3A_1281 = arith.constant 768 : i32
    %dma_wait3A_1282 = arith.constant 0 : i32
    %dma_wait3A_1283 = tpu.memref_slice %arg6[%dma_wait3A_1281, %dma_wait3A_1282] : memref<1024x16xf32, #tpu.memory_space<vmem>> -> memref<128x16xf32, #tpu.memory_space<vmem>>
    %dma_wait3A_1284 = arith.constant 8960 : i32
    %dma_wait3A_1285 = tpu.memref_slice %arg5[%dma_wait3A_1284] : memref<13312xi32, #tpu.memory_space<vmem>> -> memref<128xi32, #tpu.memory_space<vmem>>
    %dma_wait3A_1286 = arith.constant 0 : i32
    %dma_wait3A_1287 = arith.constant 0 : i32
    %dma_wait3A_1288 = tpu.memref_slice %arg3[%dma_wait3A_1286, %dma_wait3A_1287] : memref<2600000x16xf32, #tpu.memory_space<hbm>> -> memref<2600000x16xf32, #tpu.memory_space<hbm>>
    tpu.wait_indirect_dma semaphore(%arg8 : memref<!tpu.dma_semaphore, #tpu.memory_space<semaphore_mem>>) src(%dma_wait3A_1288 : memref<2600000x16xf32, #tpu.memory_space<hbm>>) dst(%dma_wait3A_1283 : memref<128x16xf32, #tpu.memory_space<vmem>>)
    %dma_wait3A_1289 = arith.constant 896 : i32
    %dma_wait3A_1290 = arith.constant 0 : i32
    %dma_wait3A_1291 = tpu.memref_slice %arg6[%dma_wait3A_1289, %dma_wait3A_1290] : memref<1024x16xf32, #tpu.memory_space<vmem>> -> memref<128x16xf32, #tpu.memory_space<vmem>>
    %dma_wait3A_1292 = arith.constant 9088 : i32
    %dma_wait3A_1293 = tpu.memref_slice %arg5[%dma_wait3A_1292] : memref<13312xi32, #tpu.memory_space<vmem>> -> memref<128xi32, #tpu.memory_space<vmem>>
    %dma_wait3A_1294 = arith.constant 0 : i32
    %dma_wait3A_1295 = arith.constant 0 : i32
    %dma_wait3A_1296 = tpu.memref_slice %arg3[%dma_wait3A_1294, %dma_wait3A_1295] : memref<2600000x16xf32, #tpu.memory_space<hbm>> -> memref<2600000x16xf32, #tpu.memory_space<hbm>>
    tpu.wait_indirect_dma semaphore(%arg8 : memref<!tpu.dma_semaphore, #tpu.memory_space<semaphore_mem>>) src(%dma_wait3A_1296 : memref<2600000x16xf32, #tpu.memory_space<hbm>>) dst(%dma_wait3A_1291 : memref<128x16xf32, #tpu.memory_space<vmem>>)
    %add3A_1297 = arith.constant 8192 : i32
    %add3A_1298 = arith.addi %mul3A_2, %add3A_1297 : i32
    %dma_start3A_1299 = arith.constant 0 : i32
    %dma_start3A_1300 = tpu.memref_slice %arg4[%add3A_1298, %dma_start3A_1299] : memref<425984x16xf32, #tpu.memory_space<hbm>> -> memref<1024x16xf32, #tpu.memory_space<hbm>>
    %dma_start3A_1301 = arith.constant 0 : i32
    %dma_start3A_1302 = tpu.memref_slice %arg4[%add3A_1298, %dma_start3A_1301] : memref<425984x16xf32, #tpu.memory_space<hbm>> -> memref<1024x16xf32, #tpu.memory_space<hbm>>
    tpu.enqueue_dma source(%arg6 : memref<1024x16xf32, #tpu.memory_space<vmem>>) target(%dma_start3A_1302 : memref<1024x16xf32, #tpu.memory_space<hbm>>) target_semaphore(%arg10 : memref<!tpu.dma_semaphore, #tpu.memory_space<semaphore_mem>>)
    %dma_wait3A_1303 = arith.constant 0 : i32
    %dma_wait3A_1304 = tpu.memref_slice %arg4[%add3A_1298, %dma_wait3A_1303] : memref<425984x16xf32, #tpu.memory_space<hbm>> -> memref<1024x16xf32, #tpu.memory_space<hbm>>
    %dma_wait3A_1305 = arith.constant 0 : i32
    %dma_wait3A_1306 = tpu.memref_slice %arg4[%add3A_1298, %dma_wait3A_1305] : memref<425984x16xf32, #tpu.memory_space<hbm>> -> memref<1024x16xf32, #tpu.memory_space<hbm>>
    tpu.wait_dma2 semaphore(%arg10 : memref<!tpu.dma_semaphore, #tpu.memory_space<semaphore_mem>>) src(%arg6 : memref<1024x16xf32, #tpu.memory_space<vmem>>) dst(%dma_wait3A_1306 : memref<1024x16xf32, #tpu.memory_space<hbm>>)
    %dma_start3A_1307 = arith.constant 0 : i32
    %dma_start3A_1308 = arith.constant 0 : i32
    %dma_start3A_1309 = tpu.memref_slice %arg6[%dma_start3A_1307, %dma_start3A_1308] : memref<1024x16xf32, #tpu.memory_space<vmem>> -> memref<128x16xf32, #tpu.memory_space<vmem>>
    %dma_start3A_1310 = arith.constant 10240 : i32
    %dma_start3A_1311 = tpu.memref_slice %arg5[%dma_start3A_1310] : memref<13312xi32, #tpu.memory_space<vmem>> -> memref<128xi32, #tpu.memory_space<vmem>>
    %dma_start3A_1312 = arith.constant 0 : i32
    %dma_start3A_1313 = arith.constant 0 : i32
    %dma_start3A_1314 = tpu.memref_slice %arg3[%dma_start3A_1312, %dma_start3A_1313] : memref<2600000x16xf32, #tpu.memory_space<hbm>> -> memref<2600000x16xf32, #tpu.memory_space<hbm>>
    tpu.enqueue_indirect_dma source(%dma_start3A_1314 : memref<2600000x16xf32, #tpu.memory_space<hbm>>) target(%dma_start3A_1309 : memref<128x16xf32, #tpu.memory_space<vmem>>) offsets(%dma_start3A_1311 : memref<128xi32, #tpu.memory_space<vmem>>) semaphore(%arg8 : memref<!tpu.dma_semaphore, #tpu.memory_space<semaphore_mem>>)
    %dma_start3A_1315 = arith.constant 128 : i32
    %dma_start3A_1316 = arith.constant 0 : i32
    %dma_start3A_1317 = tpu.memref_slice %arg6[%dma_start3A_1315, %dma_start3A_1316] : memref<1024x16xf32, #tpu.memory_space<vmem>> -> memref<128x16xf32, #tpu.memory_space<vmem>>
    %dma_start3A_1318 = arith.constant 10368 : i32
    %dma_start3A_1319 = tpu.memref_slice %arg5[%dma_start3A_1318] : memref<13312xi32, #tpu.memory_space<vmem>> -> memref<128xi32, #tpu.memory_space<vmem>>
    %dma_start3A_1320 = arith.constant 0 : i32
    %dma_start3A_1321 = arith.constant 0 : i32
    %dma_start3A_1322 = tpu.memref_slice %arg3[%dma_start3A_1320, %dma_start3A_1321] : memref<2600000x16xf32, #tpu.memory_space<hbm>> -> memref<2600000x16xf32, #tpu.memory_space<hbm>>
    tpu.enqueue_indirect_dma source(%dma_start3A_1322 : memref<2600000x16xf32, #tpu.memory_space<hbm>>) target(%dma_start3A_1317 : memref<128x16xf32, #tpu.memory_space<vmem>>) offsets(%dma_start3A_1319 : memref<128xi32, #tpu.memory_space<vmem>>) semaphore(%arg8 : memref<!tpu.dma_semaphore, #tpu.memory_space<semaphore_mem>>)
    %dma_start3A_1323 = arith.constant 256 : i32
    %dma_start3A_1324 = arith.constant 0 : i32
    %dma_start3A_1325 = tpu.memref_slice %arg6[%dma_start3A_1323, %dma_start3A_1324] : memref<1024x16xf32, #tpu.memory_space<vmem>> -> memref<128x16xf32, #tpu.memory_space<vmem>>
    %dma_start3A_1326 = arith.constant 10496 : i32
    %dma_start3A_1327 = tpu.memref_slice %arg5[%dma_start3A_1326] : memref<13312xi32, #tpu.memory_space<vmem>> -> memref<128xi32, #tpu.memory_space<vmem>>
    %dma_start3A_1328 = arith.constant 0 : i32
    %dma_start3A_1329 = arith.constant 0 : i32
    %dma_start3A_1330 = tpu.memref_slice %arg3[%dma_start3A_1328, %dma_start3A_1329] : memref<2600000x16xf32, #tpu.memory_space<hbm>> -> memref<2600000x16xf32, #tpu.memory_space<hbm>>
    tpu.enqueue_indirect_dma source(%dma_start3A_1330 : memref<2600000x16xf32, #tpu.memory_space<hbm>>) target(%dma_start3A_1325 : memref<128x16xf32, #tpu.memory_space<vmem>>) offsets(%dma_start3A_1327 : memref<128xi32, #tpu.memory_space<vmem>>) semaphore(%arg8 : memref<!tpu.dma_semaphore, #tpu.memory_space<semaphore_mem>>)
    %dma_start3A_1331 = arith.constant 384 : i32
    %dma_start3A_1332 = arith.constant 0 : i32
    %dma_start3A_1333 = tpu.memref_slice %arg6[%dma_start3A_1331, %dma_start3A_1332] : memref<1024x16xf32, #tpu.memory_space<vmem>> -> memref<128x16xf32, #tpu.memory_space<vmem>>
    %dma_start3A_1334 = arith.constant 10624 : i32
    %dma_start3A_1335 = tpu.memref_slice %arg5[%dma_start3A_1334] : memref<13312xi32, #tpu.memory_space<vmem>> -> memref<128xi32, #tpu.memory_space<vmem>>
    %dma_start3A_1336 = arith.constant 0 : i32
    %dma_start3A_1337 = arith.constant 0 : i32
    %dma_start3A_1338 = tpu.memref_slice %arg3[%dma_start3A_1336, %dma_start3A_1337] : memref<2600000x16xf32, #tpu.memory_space<hbm>> -> memref<2600000x16xf32, #tpu.memory_space<hbm>>
    tpu.enqueue_indirect_dma source(%dma_start3A_1338 : memref<2600000x16xf32, #tpu.memory_space<hbm>>) target(%dma_start3A_1333 : memref<128x16xf32, #tpu.memory_space<vmem>>) offsets(%dma_start3A_1335 : memref<128xi32, #tpu.memory_space<vmem>>) semaphore(%arg8 : memref<!tpu.dma_semaphore, #tpu.memory_space<semaphore_mem>>)
    %dma_start3A_1339 = arith.constant 512 : i32
    %dma_start3A_1340 = arith.constant 0 : i32
    %dma_start3A_1341 = tpu.memref_slice %arg6[%dma_start3A_1339, %dma_start3A_1340] : memref<1024x16xf32, #tpu.memory_space<vmem>> -> memref<128x16xf32, #tpu.memory_space<vmem>>
    %dma_start3A_1342 = arith.constant 10752 : i32
    %dma_start3A_1343 = tpu.memref_slice %arg5[%dma_start3A_1342] : memref<13312xi32, #tpu.memory_space<vmem>> -> memref<128xi32, #tpu.memory_space<vmem>>
    %dma_start3A_1344 = arith.constant 0 : i32
    %dma_start3A_1345 = arith.constant 0 : i32
    %dma_start3A_1346 = tpu.memref_slice %arg3[%dma_start3A_1344, %dma_start3A_1345] : memref<2600000x16xf32, #tpu.memory_space<hbm>> -> memref<2600000x16xf32, #tpu.memory_space<hbm>>
    tpu.enqueue_indirect_dma source(%dma_start3A_1346 : memref<2600000x16xf32, #tpu.memory_space<hbm>>) target(%dma_start3A_1341 : memref<128x16xf32, #tpu.memory_space<vmem>>) offsets(%dma_start3A_1343 : memref<128xi32, #tpu.memory_space<vmem>>) semaphore(%arg8 : memref<!tpu.dma_semaphore, #tpu.memory_space<semaphore_mem>>)
    %dma_start3A_1347 = arith.constant 640 : i32
    %dma_start3A_1348 = arith.constant 0 : i32
    %dma_start3A_1349 = tpu.memref_slice %arg6[%dma_start3A_1347, %dma_start3A_1348] : memref<1024x16xf32, #tpu.memory_space<vmem>> -> memref<128x16xf32, #tpu.memory_space<vmem>>
    %dma_start3A_1350 = arith.constant 10880 : i32
    %dma_start3A_1351 = tpu.memref_slice %arg5[%dma_start3A_1350] : memref<13312xi32, #tpu.memory_space<vmem>> -> memref<128xi32, #tpu.memory_space<vmem>>
    %dma_start3A_1352 = arith.constant 0 : i32
    %dma_start3A_1353 = arith.constant 0 : i32
    %dma_start3A_1354 = tpu.memref_slice %arg3[%dma_start3A_1352, %dma_start3A_1353] : memref<2600000x16xf32, #tpu.memory_space<hbm>> -> memref<2600000x16xf32, #tpu.memory_space<hbm>>
    tpu.enqueue_indirect_dma source(%dma_start3A_1354 : memref<2600000x16xf32, #tpu.memory_space<hbm>>) target(%dma_start3A_1349 : memref<128x16xf32, #tpu.memory_space<vmem>>) offsets(%dma_start3A_1351 : memref<128xi32, #tpu.memory_space<vmem>>) semaphore(%arg8 : memref<!tpu.dma_semaphore, #tpu.memory_space<semaphore_mem>>)
    %dma_start3A_1355 = arith.constant 768 : i32
    %dma_start3A_1356 = arith.constant 0 : i32
    %dma_start3A_1357 = tpu.memref_slice %arg6[%dma_start3A_1355, %dma_start3A_1356] : memref<1024x16xf32, #tpu.memory_space<vmem>> -> memref<128x16xf32, #tpu.memory_space<vmem>>
    %dma_start3A_1358 = arith.constant 11008 : i32
    %dma_start3A_1359 = tpu.memref_slice %arg5[%dma_start3A_1358] : memref<13312xi32, #tpu.memory_space<vmem>> -> memref<128xi32, #tpu.memory_space<vmem>>
    %dma_start3A_1360 = arith.constant 0 : i32
    %dma_start3A_1361 = arith.constant 0 : i32
    %dma_start3A_1362 = tpu.memref_slice %arg3[%dma_start3A_1360, %dma_start3A_1361] : memref<2600000x16xf32, #tpu.memory_space<hbm>> -> memref<2600000x16xf32, #tpu.memory_space<hbm>>
    tpu.enqueue_indirect_dma source(%dma_start3A_1362 : memref<2600000x16xf32, #tpu.memory_space<hbm>>) target(%dma_start3A_1357 : memref<128x16xf32, #tpu.memory_space<vmem>>) offsets(%dma_start3A_1359 : memref<128xi32, #tpu.memory_space<vmem>>) semaphore(%arg8 : memref<!tpu.dma_semaphore, #tpu.memory_space<semaphore_mem>>)
    %dma_start3A_1363 = arith.constant 896 : i32
    %dma_start3A_1364 = arith.constant 0 : i32
    %dma_start3A_1365 = tpu.memref_slice %arg6[%dma_start3A_1363, %dma_start3A_1364] : memref<1024x16xf32, #tpu.memory_space<vmem>> -> memref<128x16xf32, #tpu.memory_space<vmem>>
    %dma_start3A_1366 = arith.constant 11136 : i32
    %dma_start3A_1367 = tpu.memref_slice %arg5[%dma_start3A_1366] : memref<13312xi32, #tpu.memory_space<vmem>> -> memref<128xi32, #tpu.memory_space<vmem>>
    %dma_start3A_1368 = arith.constant 0 : i32
    %dma_start3A_1369 = arith.constant 0 : i32
    %dma_start3A_1370 = tpu.memref_slice %arg3[%dma_start3A_1368, %dma_start3A_1369] : memref<2600000x16xf32, #tpu.memory_space<hbm>> -> memref<2600000x16xf32, #tpu.memory_space<hbm>>
    tpu.enqueue_indirect_dma source(%dma_start3A_1370 : memref<2600000x16xf32, #tpu.memory_space<hbm>>) target(%dma_start3A_1365 : memref<128x16xf32, #tpu.memory_space<vmem>>) offsets(%dma_start3A_1367 : memref<128xi32, #tpu.memory_space<vmem>>) semaphore(%arg8 : memref<!tpu.dma_semaphore, #tpu.memory_space<semaphore_mem>>)
    %dma_wait3A_1371 = arith.constant 0 : i32
    %dma_wait3A_1372 = arith.constant 0 : i32
    %dma_wait3A_1373 = tpu.memref_slice %arg7[%dma_wait3A_1371, %dma_wait3A_1372] : memref<1024x16xf32, #tpu.memory_space<vmem>> -> memref<128x16xf32, #tpu.memory_space<vmem>>
    %dma_wait3A_1374 = arith.constant 9216 : i32
    %dma_wait3A_1375 = tpu.memref_slice %arg5[%dma_wait3A_1374] : memref<13312xi32, #tpu.memory_space<vmem>> -> memref<128xi32, #tpu.memory_space<vmem>>
    %dma_wait3A_1376 = arith.constant 0 : i32
    %dma_wait3A_1377 = arith.constant 0 : i32
    %dma_wait3A_1378 = tpu.memref_slice %arg3[%dma_wait3A_1376, %dma_wait3A_1377] : memref<2600000x16xf32, #tpu.memory_space<hbm>> -> memref<2600000x16xf32, #tpu.memory_space<hbm>>
    tpu.wait_indirect_dma semaphore(%arg9 : memref<!tpu.dma_semaphore, #tpu.memory_space<semaphore_mem>>) src(%dma_wait3A_1378 : memref<2600000x16xf32, #tpu.memory_space<hbm>>) dst(%dma_wait3A_1373 : memref<128x16xf32, #tpu.memory_space<vmem>>)
    %dma_wait3A_1379 = arith.constant 128 : i32
    %dma_wait3A_1380 = arith.constant 0 : i32
    %dma_wait3A_1381 = tpu.memref_slice %arg7[%dma_wait3A_1379, %dma_wait3A_1380] : memref<1024x16xf32, #tpu.memory_space<vmem>> -> memref<128x16xf32, #tpu.memory_space<vmem>>
    %dma_wait3A_1382 = arith.constant 9344 : i32
    %dma_wait3A_1383 = tpu.memref_slice %arg5[%dma_wait3A_1382] : memref<13312xi32, #tpu.memory_space<vmem>> -> memref<128xi32, #tpu.memory_space<vmem>>
    %dma_wait3A_1384 = arith.constant 0 : i32
    %dma_wait3A_1385 = arith.constant 0 : i32
    %dma_wait3A_1386 = tpu.memref_slice %arg3[%dma_wait3A_1384, %dma_wait3A_1385] : memref<2600000x16xf32, #tpu.memory_space<hbm>> -> memref<2600000x16xf32, #tpu.memory_space<hbm>>
    tpu.wait_indirect_dma semaphore(%arg9 : memref<!tpu.dma_semaphore, #tpu.memory_space<semaphore_mem>>) src(%dma_wait3A_1386 : memref<2600000x16xf32, #tpu.memory_space<hbm>>) dst(%dma_wait3A_1381 : memref<128x16xf32, #tpu.memory_space<vmem>>)
    %dma_wait3A_1387 = arith.constant 256 : i32
    %dma_wait3A_1388 = arith.constant 0 : i32
    %dma_wait3A_1389 = tpu.memref_slice %arg7[%dma_wait3A_1387, %dma_wait3A_1388] : memref<1024x16xf32, #tpu.memory_space<vmem>> -> memref<128x16xf32, #tpu.memory_space<vmem>>
    %dma_wait3A_1390 = arith.constant 9472 : i32
    %dma_wait3A_1391 = tpu.memref_slice %arg5[%dma_wait3A_1390] : memref<13312xi32, #tpu.memory_space<vmem>> -> memref<128xi32, #tpu.memory_space<vmem>>
    %dma_wait3A_1392 = arith.constant 0 : i32
    %dma_wait3A_1393 = arith.constant 0 : i32
    %dma_wait3A_1394 = tpu.memref_slice %arg3[%dma_wait3A_1392, %dma_wait3A_1393] : memref<2600000x16xf32, #tpu.memory_space<hbm>> -> memref<2600000x16xf32, #tpu.memory_space<hbm>>
    tpu.wait_indirect_dma semaphore(%arg9 : memref<!tpu.dma_semaphore, #tpu.memory_space<semaphore_mem>>) src(%dma_wait3A_1394 : memref<2600000x16xf32, #tpu.memory_space<hbm>>) dst(%dma_wait3A_1389 : memref<128x16xf32, #tpu.memory_space<vmem>>)
    %dma_wait3A_1395 = arith.constant 384 : i32
    %dma_wait3A_1396 = arith.constant 0 : i32
    %dma_wait3A_1397 = tpu.memref_slice %arg7[%dma_wait3A_1395, %dma_wait3A_1396] : memref<1024x16xf32, #tpu.memory_space<vmem>> -> memref<128x16xf32, #tpu.memory_space<vmem>>
    %dma_wait3A_1398 = arith.constant 9600 : i32
    %dma_wait3A_1399 = tpu.memref_slice %arg5[%dma_wait3A_1398] : memref<13312xi32, #tpu.memory_space<vmem>> -> memref<128xi32, #tpu.memory_space<vmem>>
    %dma_wait3A_1400 = arith.constant 0 : i32
    %dma_wait3A_1401 = arith.constant 0 : i32
    %dma_wait3A_1402 = tpu.memref_slice %arg3[%dma_wait3A_1400, %dma_wait3A_1401] : memref<2600000x16xf32, #tpu.memory_space<hbm>> -> memref<2600000x16xf32, #tpu.memory_space<hbm>>
    tpu.wait_indirect_dma semaphore(%arg9 : memref<!tpu.dma_semaphore, #tpu.memory_space<semaphore_mem>>) src(%dma_wait3A_1402 : memref<2600000x16xf32, #tpu.memory_space<hbm>>) dst(%dma_wait3A_1397 : memref<128x16xf32, #tpu.memory_space<vmem>>)
    %dma_wait3A_1403 = arith.constant 512 : i32
    %dma_wait3A_1404 = arith.constant 0 : i32
    %dma_wait3A_1405 = tpu.memref_slice %arg7[%dma_wait3A_1403, %dma_wait3A_1404] : memref<1024x16xf32, #tpu.memory_space<vmem>> -> memref<128x16xf32, #tpu.memory_space<vmem>>
    %dma_wait3A_1406 = arith.constant 9728 : i32
    %dma_wait3A_1407 = tpu.memref_slice %arg5[%dma_wait3A_1406] : memref<13312xi32, #tpu.memory_space<vmem>> -> memref<128xi32, #tpu.memory_space<vmem>>
    %dma_wait3A_1408 = arith.constant 0 : i32
    %dma_wait3A_1409 = arith.constant 0 : i32
    %dma_wait3A_1410 = tpu.memref_slice %arg3[%dma_wait3A_1408, %dma_wait3A_1409] : memref<2600000x16xf32, #tpu.memory_space<hbm>> -> memref<2600000x16xf32, #tpu.memory_space<hbm>>
    tpu.wait_indirect_dma semaphore(%arg9 : memref<!tpu.dma_semaphore, #tpu.memory_space<semaphore_mem>>) src(%dma_wait3A_1410 : memref<2600000x16xf32, #tpu.memory_space<hbm>>) dst(%dma_wait3A_1405 : memref<128x16xf32, #tpu.memory_space<vmem>>)
    %dma_wait3A_1411 = arith.constant 640 : i32
    %dma_wait3A_1412 = arith.constant 0 : i32
    %dma_wait3A_1413 = tpu.memref_slice %arg7[%dma_wait3A_1411, %dma_wait3A_1412] : memref<1024x16xf32, #tpu.memory_space<vmem>> -> memref<128x16xf32, #tpu.memory_space<vmem>>
    %dma_wait3A_1414 = arith.constant 9856 : i32
    %dma_wait3A_1415 = tpu.memref_slice %arg5[%dma_wait3A_1414] : memref<13312xi32, #tpu.memory_space<vmem>> -> memref<128xi32, #tpu.memory_space<vmem>>
    %dma_wait3A_1416 = arith.constant 0 : i32
    %dma_wait3A_1417 = arith.constant 0 : i32
    %dma_wait3A_1418 = tpu.memref_slice %arg3[%dma_wait3A_1416, %dma_wait3A_1417] : memref<2600000x16xf32, #tpu.memory_space<hbm>> -> memref<2600000x16xf32, #tpu.memory_space<hbm>>
    tpu.wait_indirect_dma semaphore(%arg9 : memref<!tpu.dma_semaphore, #tpu.memory_space<semaphore_mem>>) src(%dma_wait3A_1418 : memref<2600000x16xf32, #tpu.memory_space<hbm>>) dst(%dma_wait3A_1413 : memref<128x16xf32, #tpu.memory_space<vmem>>)
    %dma_wait3A_1419 = arith.constant 768 : i32
    %dma_wait3A_1420 = arith.constant 0 : i32
    %dma_wait3A_1421 = tpu.memref_slice %arg7[%dma_wait3A_1419, %dma_wait3A_1420] : memref<1024x16xf32, #tpu.memory_space<vmem>> -> memref<128x16xf32, #tpu.memory_space<vmem>>
    %dma_wait3A_1422 = arith.constant 9984 : i32
    %dma_wait3A_1423 = tpu.memref_slice %arg5[%dma_wait3A_1422] : memref<13312xi32, #tpu.memory_space<vmem>> -> memref<128xi32, #tpu.memory_space<vmem>>
    %dma_wait3A_1424 = arith.constant 0 : i32
    %dma_wait3A_1425 = arith.constant 0 : i32
    %dma_wait3A_1426 = tpu.memref_slice %arg3[%dma_wait3A_1424, %dma_wait3A_1425] : memref<2600000x16xf32, #tpu.memory_space<hbm>> -> memref<2600000x16xf32, #tpu.memory_space<hbm>>
    tpu.wait_indirect_dma semaphore(%arg9 : memref<!tpu.dma_semaphore, #tpu.memory_space<semaphore_mem>>) src(%dma_wait3A_1426 : memref<2600000x16xf32, #tpu.memory_space<hbm>>) dst(%dma_wait3A_1421 : memref<128x16xf32, #tpu.memory_space<vmem>>)
    %dma_wait3A_1427 = arith.constant 896 : i32
    %dma_wait3A_1428 = arith.constant 0 : i32
    %dma_wait3A_1429 = tpu.memref_slice %arg7[%dma_wait3A_1427, %dma_wait3A_1428] : memref<1024x16xf32, #tpu.memory_space<vmem>> -> memref<128x16xf32, #tpu.memory_space<vmem>>
    %dma_wait3A_1430 = arith.constant 10112 : i32
    %dma_wait3A_1431 = tpu.memref_slice %arg5[%dma_wait3A_1430] : memref<13312xi32, #tpu.memory_space<vmem>> -> memref<128xi32, #tpu.memory_space<vmem>>
    %dma_wait3A_1432 = arith.constant 0 : i32
    %dma_wait3A_1433 = arith.constant 0 : i32
    %dma_wait3A_1434 = tpu.memref_slice %arg3[%dma_wait3A_1432, %dma_wait3A_1433] : memref<2600000x16xf32, #tpu.memory_space<hbm>> -> memref<2600000x16xf32, #tpu.memory_space<hbm>>
    tpu.wait_indirect_dma semaphore(%arg9 : memref<!tpu.dma_semaphore, #tpu.memory_space<semaphore_mem>>) src(%dma_wait3A_1434 : memref<2600000x16xf32, #tpu.memory_space<hbm>>) dst(%dma_wait3A_1429 : memref<128x16xf32, #tpu.memory_space<vmem>>)
    %add3A_1435 = arith.constant 9216 : i32
    %add3A_1436 = arith.addi %mul3A_2, %add3A_1435 : i32
    %dma_start3A_1437 = arith.constant 0 : i32
    %dma_start3A_1438 = tpu.memref_slice %arg4[%add3A_1436, %dma_start3A_1437] : memref<425984x16xf32, #tpu.memory_space<hbm>> -> memref<1024x16xf32, #tpu.memory_space<hbm>>
    %dma_start3A_1439 = arith.constant 0 : i32
    %dma_start3A_1440 = tpu.memref_slice %arg4[%add3A_1436, %dma_start3A_1439] : memref<425984x16xf32, #tpu.memory_space<hbm>> -> memref<1024x16xf32, #tpu.memory_space<hbm>>
    tpu.enqueue_dma source(%arg7 : memref<1024x16xf32, #tpu.memory_space<vmem>>) target(%dma_start3A_1440 : memref<1024x16xf32, #tpu.memory_space<hbm>>) target_semaphore(%arg10 : memref<!tpu.dma_semaphore, #tpu.memory_space<semaphore_mem>>)
    %dma_wait3A_1441 = arith.constant 0 : i32
    %dma_wait3A_1442 = tpu.memref_slice %arg4[%add3A_1436, %dma_wait3A_1441] : memref<425984x16xf32, #tpu.memory_space<hbm>> -> memref<1024x16xf32, #tpu.memory_space<hbm>>
    %dma_wait3A_1443 = arith.constant 0 : i32
    %dma_wait3A_1444 = tpu.memref_slice %arg4[%add3A_1436, %dma_wait3A_1443] : memref<425984x16xf32, #tpu.memory_space<hbm>> -> memref<1024x16xf32, #tpu.memory_space<hbm>>
    tpu.wait_dma2 semaphore(%arg10 : memref<!tpu.dma_semaphore, #tpu.memory_space<semaphore_mem>>) src(%arg7 : memref<1024x16xf32, #tpu.memory_space<vmem>>) dst(%dma_wait3A_1444 : memref<1024x16xf32, #tpu.memory_space<hbm>>)
    %dma_start3A_1445 = arith.constant 0 : i32
    %dma_start3A_1446 = arith.constant 0 : i32
    %dma_start3A_1447 = tpu.memref_slice %arg7[%dma_start3A_1445, %dma_start3A_1446] : memref<1024x16xf32, #tpu.memory_space<vmem>> -> memref<128x16xf32, #tpu.memory_space<vmem>>
    %dma_start3A_1448 = arith.constant 11264 : i32
    %dma_start3A_1449 = tpu.memref_slice %arg5[%dma_start3A_1448] : memref<13312xi32, #tpu.memory_space<vmem>> -> memref<128xi32, #tpu.memory_space<vmem>>
    %dma_start3A_1450 = arith.constant 0 : i32
    %dma_start3A_1451 = arith.constant 0 : i32
    %dma_start3A_1452 = tpu.memref_slice %arg3[%dma_start3A_1450, %dma_start3A_1451] : memref<2600000x16xf32, #tpu.memory_space<hbm>> -> memref<2600000x16xf32, #tpu.memory_space<hbm>>
    tpu.enqueue_indirect_dma source(%dma_start3A_1452 : memref<2600000x16xf32, #tpu.memory_space<hbm>>) target(%dma_start3A_1447 : memref<128x16xf32, #tpu.memory_space<vmem>>) offsets(%dma_start3A_1449 : memref<128xi32, #tpu.memory_space<vmem>>) semaphore(%arg9 : memref<!tpu.dma_semaphore, #tpu.memory_space<semaphore_mem>>)
    %dma_start3A_1453 = arith.constant 128 : i32
    %dma_start3A_1454 = arith.constant 0 : i32
    %dma_start3A_1455 = tpu.memref_slice %arg7[%dma_start3A_1453, %dma_start3A_1454] : memref<1024x16xf32, #tpu.memory_space<vmem>> -> memref<128x16xf32, #tpu.memory_space<vmem>>
    %dma_start3A_1456 = arith.constant 11392 : i32
    %dma_start3A_1457 = tpu.memref_slice %arg5[%dma_start3A_1456] : memref<13312xi32, #tpu.memory_space<vmem>> -> memref<128xi32, #tpu.memory_space<vmem>>
    %dma_start3A_1458 = arith.constant 0 : i32
    %dma_start3A_1459 = arith.constant 0 : i32
    %dma_start3A_1460 = tpu.memref_slice %arg3[%dma_start3A_1458, %dma_start3A_1459] : memref<2600000x16xf32, #tpu.memory_space<hbm>> -> memref<2600000x16xf32, #tpu.memory_space<hbm>>
    tpu.enqueue_indirect_dma source(%dma_start3A_1460 : memref<2600000x16xf32, #tpu.memory_space<hbm>>) target(%dma_start3A_1455 : memref<128x16xf32, #tpu.memory_space<vmem>>) offsets(%dma_start3A_1457 : memref<128xi32, #tpu.memory_space<vmem>>) semaphore(%arg9 : memref<!tpu.dma_semaphore, #tpu.memory_space<semaphore_mem>>)
    %dma_start3A_1461 = arith.constant 256 : i32
    %dma_start3A_1462 = arith.constant 0 : i32
    %dma_start3A_1463 = tpu.memref_slice %arg7[%dma_start3A_1461, %dma_start3A_1462] : memref<1024x16xf32, #tpu.memory_space<vmem>> -> memref<128x16xf32, #tpu.memory_space<vmem>>
    %dma_start3A_1464 = arith.constant 11520 : i32
    %dma_start3A_1465 = tpu.memref_slice %arg5[%dma_start3A_1464] : memref<13312xi32, #tpu.memory_space<vmem>> -> memref<128xi32, #tpu.memory_space<vmem>>
    %dma_start3A_1466 = arith.constant 0 : i32
    %dma_start3A_1467 = arith.constant 0 : i32
    %dma_start3A_1468 = tpu.memref_slice %arg3[%dma_start3A_1466, %dma_start3A_1467] : memref<2600000x16xf32, #tpu.memory_space<hbm>> -> memref<2600000x16xf32, #tpu.memory_space<hbm>>
    tpu.enqueue_indirect_dma source(%dma_start3A_1468 : memref<2600000x16xf32, #tpu.memory_space<hbm>>) target(%dma_start3A_1463 : memref<128x16xf32, #tpu.memory_space<vmem>>) offsets(%dma_start3A_1465 : memref<128xi32, #tpu.memory_space<vmem>>) semaphore(%arg9 : memref<!tpu.dma_semaphore, #tpu.memory_space<semaphore_mem>>)
    %dma_start3A_1469 = arith.constant 384 : i32
    %dma_start3A_1470 = arith.constant 0 : i32
    %dma_start3A_1471 = tpu.memref_slice %arg7[%dma_start3A_1469, %dma_start3A_1470] : memref<1024x16xf32, #tpu.memory_space<vmem>> -> memref<128x16xf32, #tpu.memory_space<vmem>>
    %dma_start3A_1472 = arith.constant 11648 : i32
    %dma_start3A_1473 = tpu.memref_slice %arg5[%dma_start3A_1472] : memref<13312xi32, #tpu.memory_space<vmem>> -> memref<128xi32, #tpu.memory_space<vmem>>
    %dma_start3A_1474 = arith.constant 0 : i32
    %dma_start3A_1475 = arith.constant 0 : i32
    %dma_start3A_1476 = tpu.memref_slice %arg3[%dma_start3A_1474, %dma_start3A_1475] : memref<2600000x16xf32, #tpu.memory_space<hbm>> -> memref<2600000x16xf32, #tpu.memory_space<hbm>>
    tpu.enqueue_indirect_dma source(%dma_start3A_1476 : memref<2600000x16xf32, #tpu.memory_space<hbm>>) target(%dma_start3A_1471 : memref<128x16xf32, #tpu.memory_space<vmem>>) offsets(%dma_start3A_1473 : memref<128xi32, #tpu.memory_space<vmem>>) semaphore(%arg9 : memref<!tpu.dma_semaphore, #tpu.memory_space<semaphore_mem>>)
    %dma_start3A_1477 = arith.constant 512 : i32
    %dma_start3A_1478 = arith.constant 0 : i32
    %dma_start3A_1479 = tpu.memref_slice %arg7[%dma_start3A_1477, %dma_start3A_1478] : memref<1024x16xf32, #tpu.memory_space<vmem>> -> memref<128x16xf32, #tpu.memory_space<vmem>>
    %dma_start3A_1480 = arith.constant 11776 : i32
    %dma_start3A_1481 = tpu.memref_slice %arg5[%dma_start3A_1480] : memref<13312xi32, #tpu.memory_space<vmem>> -> memref<128xi32, #tpu.memory_space<vmem>>
    %dma_start3A_1482 = arith.constant 0 : i32
    %dma_start3A_1483 = arith.constant 0 : i32
    %dma_start3A_1484 = tpu.memref_slice %arg3[%dma_start3A_1482, %dma_start3A_1483] : memref<2600000x16xf32, #tpu.memory_space<hbm>> -> memref<2600000x16xf32, #tpu.memory_space<hbm>>
    tpu.enqueue_indirect_dma source(%dma_start3A_1484 : memref<2600000x16xf32, #tpu.memory_space<hbm>>) target(%dma_start3A_1479 : memref<128x16xf32, #tpu.memory_space<vmem>>) offsets(%dma_start3A_1481 : memref<128xi32, #tpu.memory_space<vmem>>) semaphore(%arg9 : memref<!tpu.dma_semaphore, #tpu.memory_space<semaphore_mem>>)
    %dma_start3A_1485 = arith.constant 640 : i32
    %dma_start3A_1486 = arith.constant 0 : i32
    %dma_start3A_1487 = tpu.memref_slice %arg7[%dma_start3A_1485, %dma_start3A_1486] : memref<1024x16xf32, #tpu.memory_space<vmem>> -> memref<128x16xf32, #tpu.memory_space<vmem>>
    %dma_start3A_1488 = arith.constant 11904 : i32
    %dma_start3A_1489 = tpu.memref_slice %arg5[%dma_start3A_1488] : memref<13312xi32, #tpu.memory_space<vmem>> -> memref<128xi32, #tpu.memory_space<vmem>>
    %dma_start3A_1490 = arith.constant 0 : i32
    %dma_start3A_1491 = arith.constant 0 : i32
    %dma_start3A_1492 = tpu.memref_slice %arg3[%dma_start3A_1490, %dma_start3A_1491] : memref<2600000x16xf32, #tpu.memory_space<hbm>> -> memref<2600000x16xf32, #tpu.memory_space<hbm>>
    tpu.enqueue_indirect_dma source(%dma_start3A_1492 : memref<2600000x16xf32, #tpu.memory_space<hbm>>) target(%dma_start3A_1487 : memref<128x16xf32, #tpu.memory_space<vmem>>) offsets(%dma_start3A_1489 : memref<128xi32, #tpu.memory_space<vmem>>) semaphore(%arg9 : memref<!tpu.dma_semaphore, #tpu.memory_space<semaphore_mem>>)
    %dma_start3A_1493 = arith.constant 768 : i32
    %dma_start3A_1494 = arith.constant 0 : i32
    %dma_start3A_1495 = tpu.memref_slice %arg7[%dma_start3A_1493, %dma_start3A_1494] : memref<1024x16xf32, #tpu.memory_space<vmem>> -> memref<128x16xf32, #tpu.memory_space<vmem>>
    %dma_start3A_1496 = arith.constant 12032 : i32
    %dma_start3A_1497 = tpu.memref_slice %arg5[%dma_start3A_1496] : memref<13312xi32, #tpu.memory_space<vmem>> -> memref<128xi32, #tpu.memory_space<vmem>>
    %dma_start3A_1498 = arith.constant 0 : i32
    %dma_start3A_1499 = arith.constant 0 : i32
    %dma_start3A_1500 = tpu.memref_slice %arg3[%dma_start3A_1498, %dma_start3A_1499] : memref<2600000x16xf32, #tpu.memory_space<hbm>> -> memref<2600000x16xf32, #tpu.memory_space<hbm>>
    tpu.enqueue_indirect_dma source(%dma_start3A_1500 : memref<2600000x16xf32, #tpu.memory_space<hbm>>) target(%dma_start3A_1495 : memref<128x16xf32, #tpu.memory_space<vmem>>) offsets(%dma_start3A_1497 : memref<128xi32, #tpu.memory_space<vmem>>) semaphore(%arg9 : memref<!tpu.dma_semaphore, #tpu.memory_space<semaphore_mem>>)
    %dma_start3A_1501 = arith.constant 896 : i32
    %dma_start3A_1502 = arith.constant 0 : i32
    %dma_start3A_1503 = tpu.memref_slice %arg7[%dma_start3A_1501, %dma_start3A_1502] : memref<1024x16xf32, #tpu.memory_space<vmem>> -> memref<128x16xf32, #tpu.memory_space<vmem>>
    %dma_start3A_1504 = arith.constant 12160 : i32
    %dma_start3A_1505 = tpu.memref_slice %arg5[%dma_start3A_1504] : memref<13312xi32, #tpu.memory_space<vmem>> -> memref<128xi32, #tpu.memory_space<vmem>>
    %dma_start3A_1506 = arith.constant 0 : i32
    %dma_start3A_1507 = arith.constant 0 : i32
    %dma_start3A_1508 = tpu.memref_slice %arg3[%dma_start3A_1506, %dma_start3A_1507] : memref<2600000x16xf32, #tpu.memory_space<hbm>> -> memref<2600000x16xf32, #tpu.memory_space<hbm>>
    tpu.enqueue_indirect_dma source(%dma_start3A_1508 : memref<2600000x16xf32, #tpu.memory_space<hbm>>) target(%dma_start3A_1503 : memref<128x16xf32, #tpu.memory_space<vmem>>) offsets(%dma_start3A_1505 : memref<128xi32, #tpu.memory_space<vmem>>) semaphore(%arg9 : memref<!tpu.dma_semaphore, #tpu.memory_space<semaphore_mem>>)
    %dma_wait3A_1509 = arith.constant 0 : i32
    %dma_wait3A_1510 = arith.constant 0 : i32
    %dma_wait3A_1511 = tpu.memref_slice %arg6[%dma_wait3A_1509, %dma_wait3A_1510] : memref<1024x16xf32, #tpu.memory_space<vmem>> -> memref<128x16xf32, #tpu.memory_space<vmem>>
    %dma_wait3A_1512 = arith.constant 10240 : i32
    %dma_wait3A_1513 = tpu.memref_slice %arg5[%dma_wait3A_1512] : memref<13312xi32, #tpu.memory_space<vmem>> -> memref<128xi32, #tpu.memory_space<vmem>>
    %dma_wait3A_1514 = arith.constant 0 : i32
    %dma_wait3A_1515 = arith.constant 0 : i32
    %dma_wait3A_1516 = tpu.memref_slice %arg3[%dma_wait3A_1514, %dma_wait3A_1515] : memref<2600000x16xf32, #tpu.memory_space<hbm>> -> memref<2600000x16xf32, #tpu.memory_space<hbm>>
    tpu.wait_indirect_dma semaphore(%arg8 : memref<!tpu.dma_semaphore, #tpu.memory_space<semaphore_mem>>) src(%dma_wait3A_1516 : memref<2600000x16xf32, #tpu.memory_space<hbm>>) dst(%dma_wait3A_1511 : memref<128x16xf32, #tpu.memory_space<vmem>>)
    %dma_wait3A_1517 = arith.constant 128 : i32
    %dma_wait3A_1518 = arith.constant 0 : i32
    %dma_wait3A_1519 = tpu.memref_slice %arg6[%dma_wait3A_1517, %dma_wait3A_1518] : memref<1024x16xf32, #tpu.memory_space<vmem>> -> memref<128x16xf32, #tpu.memory_space<vmem>>
    %dma_wait3A_1520 = arith.constant 10368 : i32
    %dma_wait3A_1521 = tpu.memref_slice %arg5[%dma_wait3A_1520] : memref<13312xi32, #tpu.memory_space<vmem>> -> memref<128xi32, #tpu.memory_space<vmem>>
    %dma_wait3A_1522 = arith.constant 0 : i32
    %dma_wait3A_1523 = arith.constant 0 : i32
    %dma_wait3A_1524 = tpu.memref_slice %arg3[%dma_wait3A_1522, %dma_wait3A_1523] : memref<2600000x16xf32, #tpu.memory_space<hbm>> -> memref<2600000x16xf32, #tpu.memory_space<hbm>>
    tpu.wait_indirect_dma semaphore(%arg8 : memref<!tpu.dma_semaphore, #tpu.memory_space<semaphore_mem>>) src(%dma_wait3A_1524 : memref<2600000x16xf32, #tpu.memory_space<hbm>>) dst(%dma_wait3A_1519 : memref<128x16xf32, #tpu.memory_space<vmem>>)
    %dma_wait3A_1525 = arith.constant 256 : i32
    %dma_wait3A_1526 = arith.constant 0 : i32
    %dma_wait3A_1527 = tpu.memref_slice %arg6[%dma_wait3A_1525, %dma_wait3A_1526] : memref<1024x16xf32, #tpu.memory_space<vmem>> -> memref<128x16xf32, #tpu.memory_space<vmem>>
    %dma_wait3A_1528 = arith.constant 10496 : i32
    %dma_wait3A_1529 = tpu.memref_slice %arg5[%dma_wait3A_1528] : memref<13312xi32, #tpu.memory_space<vmem>> -> memref<128xi32, #tpu.memory_space<vmem>>
    %dma_wait3A_1530 = arith.constant 0 : i32
    %dma_wait3A_1531 = arith.constant 0 : i32
    %dma_wait3A_1532 = tpu.memref_slice %arg3[%dma_wait3A_1530, %dma_wait3A_1531] : memref<2600000x16xf32, #tpu.memory_space<hbm>> -> memref<2600000x16xf32, #tpu.memory_space<hbm>>
    tpu.wait_indirect_dma semaphore(%arg8 : memref<!tpu.dma_semaphore, #tpu.memory_space<semaphore_mem>>) src(%dma_wait3A_1532 : memref<2600000x16xf32, #tpu.memory_space<hbm>>) dst(%dma_wait3A_1527 : memref<128x16xf32, #tpu.memory_space<vmem>>)
    %dma_wait3A_1533 = arith.constant 384 : i32
    %dma_wait3A_1534 = arith.constant 0 : i32
    %dma_wait3A_1535 = tpu.memref_slice %arg6[%dma_wait3A_1533, %dma_wait3A_1534] : memref<1024x16xf32, #tpu.memory_space<vmem>> -> memref<128x16xf32, #tpu.memory_space<vmem>>
    %dma_wait3A_1536 = arith.constant 10624 : i32
    %dma_wait3A_1537 = tpu.memref_slice %arg5[%dma_wait3A_1536] : memref<13312xi32, #tpu.memory_space<vmem>> -> memref<128xi32, #tpu.memory_space<vmem>>
    %dma_wait3A_1538 = arith.constant 0 : i32
    %dma_wait3A_1539 = arith.constant 0 : i32
    %dma_wait3A_1540 = tpu.memref_slice %arg3[%dma_wait3A_1538, %dma_wait3A_1539] : memref<2600000x16xf32, #tpu.memory_space<hbm>> -> memref<2600000x16xf32, #tpu.memory_space<hbm>>
    tpu.wait_indirect_dma semaphore(%arg8 : memref<!tpu.dma_semaphore, #tpu.memory_space<semaphore_mem>>) src(%dma_wait3A_1540 : memref<2600000x16xf32, #tpu.memory_space<hbm>>) dst(%dma_wait3A_1535 : memref<128x16xf32, #tpu.memory_space<vmem>>)
    %dma_wait3A_1541 = arith.constant 512 : i32
    %dma_wait3A_1542 = arith.constant 0 : i32
    %dma_wait3A_1543 = tpu.memref_slice %arg6[%dma_wait3A_1541, %dma_wait3A_1542] : memref<1024x16xf32, #tpu.memory_space<vmem>> -> memref<128x16xf32, #tpu.memory_space<vmem>>
    %dma_wait3A_1544 = arith.constant 10752 : i32
    %dma_wait3A_1545 = tpu.memref_slice %arg5[%dma_wait3A_1544] : memref<13312xi32, #tpu.memory_space<vmem>> -> memref<128xi32, #tpu.memory_space<vmem>>
    %dma_wait3A_1546 = arith.constant 0 : i32
    %dma_wait3A_1547 = arith.constant 0 : i32
    %dma_wait3A_1548 = tpu.memref_slice %arg3[%dma_wait3A_1546, %dma_wait3A_1547] : memref<2600000x16xf32, #tpu.memory_space<hbm>> -> memref<2600000x16xf32, #tpu.memory_space<hbm>>
    tpu.wait_indirect_dma semaphore(%arg8 : memref<!tpu.dma_semaphore, #tpu.memory_space<semaphore_mem>>) src(%dma_wait3A_1548 : memref<2600000x16xf32, #tpu.memory_space<hbm>>) dst(%dma_wait3A_1543 : memref<128x16xf32, #tpu.memory_space<vmem>>)
    %dma_wait3A_1549 = arith.constant 640 : i32
    %dma_wait3A_1550 = arith.constant 0 : i32
    %dma_wait3A_1551 = tpu.memref_slice %arg6[%dma_wait3A_1549, %dma_wait3A_1550] : memref<1024x16xf32, #tpu.memory_space<vmem>> -> memref<128x16xf32, #tpu.memory_space<vmem>>
    %dma_wait3A_1552 = arith.constant 10880 : i32
    %dma_wait3A_1553 = tpu.memref_slice %arg5[%dma_wait3A_1552] : memref<13312xi32, #tpu.memory_space<vmem>> -> memref<128xi32, #tpu.memory_space<vmem>>
    %dma_wait3A_1554 = arith.constant 0 : i32
    %dma_wait3A_1555 = arith.constant 0 : i32
    %dma_wait3A_1556 = tpu.memref_slice %arg3[%dma_wait3A_1554, %dma_wait3A_1555] : memref<2600000x16xf32, #tpu.memory_space<hbm>> -> memref<2600000x16xf32, #tpu.memory_space<hbm>>
    tpu.wait_indirect_dma semaphore(%arg8 : memref<!tpu.dma_semaphore, #tpu.memory_space<semaphore_mem>>) src(%dma_wait3A_1556 : memref<2600000x16xf32, #tpu.memory_space<hbm>>) dst(%dma_wait3A_1551 : memref<128x16xf32, #tpu.memory_space<vmem>>)
    %dma_wait3A_1557 = arith.constant 768 : i32
    %dma_wait3A_1558 = arith.constant 0 : i32
    %dma_wait3A_1559 = tpu.memref_slice %arg6[%dma_wait3A_1557, %dma_wait3A_1558] : memref<1024x16xf32, #tpu.memory_space<vmem>> -> memref<128x16xf32, #tpu.memory_space<vmem>>
    %dma_wait3A_1560 = arith.constant 11008 : i32
    %dma_wait3A_1561 = tpu.memref_slice %arg5[%dma_wait3A_1560] : memref<13312xi32, #tpu.memory_space<vmem>> -> memref<128xi32, #tpu.memory_space<vmem>>
    %dma_wait3A_1562 = arith.constant 0 : i32
    %dma_wait3A_1563 = arith.constant 0 : i32
    %dma_wait3A_1564 = tpu.memref_slice %arg3[%dma_wait3A_1562, %dma_wait3A_1563] : memref<2600000x16xf32, #tpu.memory_space<hbm>> -> memref<2600000x16xf32, #tpu.memory_space<hbm>>
    tpu.wait_indirect_dma semaphore(%arg8 : memref<!tpu.dma_semaphore, #tpu.memory_space<semaphore_mem>>) src(%dma_wait3A_1564 : memref<2600000x16xf32, #tpu.memory_space<hbm>>) dst(%dma_wait3A_1559 : memref<128x16xf32, #tpu.memory_space<vmem>>)
    %dma_wait3A_1565 = arith.constant 896 : i32
    %dma_wait3A_1566 = arith.constant 0 : i32
    %dma_wait3A_1567 = tpu.memref_slice %arg6[%dma_wait3A_1565, %dma_wait3A_1566] : memref<1024x16xf32, #tpu.memory_space<vmem>> -> memref<128x16xf32, #tpu.memory_space<vmem>>
    %dma_wait3A_1568 = arith.constant 11136 : i32
    %dma_wait3A_1569 = tpu.memref_slice %arg5[%dma_wait3A_1568] : memref<13312xi32, #tpu.memory_space<vmem>> -> memref<128xi32, #tpu.memory_space<vmem>>
    %dma_wait3A_1570 = arith.constant 0 : i32
    %dma_wait3A_1571 = arith.constant 0 : i32
    %dma_wait3A_1572 = tpu.memref_slice %arg3[%dma_wait3A_1570, %dma_wait3A_1571] : memref<2600000x16xf32, #tpu.memory_space<hbm>> -> memref<2600000x16xf32, #tpu.memory_space<hbm>>
    tpu.wait_indirect_dma semaphore(%arg8 : memref<!tpu.dma_semaphore, #tpu.memory_space<semaphore_mem>>) src(%dma_wait3A_1572 : memref<2600000x16xf32, #tpu.memory_space<hbm>>) dst(%dma_wait3A_1567 : memref<128x16xf32, #tpu.memory_space<vmem>>)
    %add3A_1573 = arith.constant 10240 : i32
    %add3A_1574 = arith.addi %mul3A_2, %add3A_1573 : i32
    %dma_start3A_1575 = arith.constant 0 : i32
    %dma_start3A_1576 = tpu.memref_slice %arg4[%add3A_1574, %dma_start3A_1575] : memref<425984x16xf32, #tpu.memory_space<hbm>> -> memref<1024x16xf32, #tpu.memory_space<hbm>>
    %dma_start3A_1577 = arith.constant 0 : i32
    %dma_start3A_1578 = tpu.memref_slice %arg4[%add3A_1574, %dma_start3A_1577] : memref<425984x16xf32, #tpu.memory_space<hbm>> -> memref<1024x16xf32, #tpu.memory_space<hbm>>
    tpu.enqueue_dma source(%arg6 : memref<1024x16xf32, #tpu.memory_space<vmem>>) target(%dma_start3A_1578 : memref<1024x16xf32, #tpu.memory_space<hbm>>) target_semaphore(%arg10 : memref<!tpu.dma_semaphore, #tpu.memory_space<semaphore_mem>>)
    %dma_wait3A_1579 = arith.constant 0 : i32
    %dma_wait3A_1580 = tpu.memref_slice %arg4[%add3A_1574, %dma_wait3A_1579] : memref<425984x16xf32, #tpu.memory_space<hbm>> -> memref<1024x16xf32, #tpu.memory_space<hbm>>
    %dma_wait3A_1581 = arith.constant 0 : i32
    %dma_wait3A_1582 = tpu.memref_slice %arg4[%add3A_1574, %dma_wait3A_1581] : memref<425984x16xf32, #tpu.memory_space<hbm>> -> memref<1024x16xf32, #tpu.memory_space<hbm>>
    tpu.wait_dma2 semaphore(%arg10 : memref<!tpu.dma_semaphore, #tpu.memory_space<semaphore_mem>>) src(%arg6 : memref<1024x16xf32, #tpu.memory_space<vmem>>) dst(%dma_wait3A_1582 : memref<1024x16xf32, #tpu.memory_space<hbm>>)
    %dma_start3A_1583 = arith.constant 0 : i32
    %dma_start3A_1584 = arith.constant 0 : i32
    %dma_start3A_1585 = tpu.memref_slice %arg6[%dma_start3A_1583, %dma_start3A_1584] : memref<1024x16xf32, #tpu.memory_space<vmem>> -> memref<128x16xf32, #tpu.memory_space<vmem>>
    %dma_start3A_1586 = arith.constant 12288 : i32
    %dma_start3A_1587 = tpu.memref_slice %arg5[%dma_start3A_1586] : memref<13312xi32, #tpu.memory_space<vmem>> -> memref<128xi32, #tpu.memory_space<vmem>>
    %dma_start3A_1588 = arith.constant 0 : i32
    %dma_start3A_1589 = arith.constant 0 : i32
    %dma_start3A_1590 = tpu.memref_slice %arg3[%dma_start3A_1588, %dma_start3A_1589] : memref<2600000x16xf32, #tpu.memory_space<hbm>> -> memref<2600000x16xf32, #tpu.memory_space<hbm>>
    tpu.enqueue_indirect_dma source(%dma_start3A_1590 : memref<2600000x16xf32, #tpu.memory_space<hbm>>) target(%dma_start3A_1585 : memref<128x16xf32, #tpu.memory_space<vmem>>) offsets(%dma_start3A_1587 : memref<128xi32, #tpu.memory_space<vmem>>) semaphore(%arg8 : memref<!tpu.dma_semaphore, #tpu.memory_space<semaphore_mem>>)
    %dma_start3A_1591 = arith.constant 128 : i32
    %dma_start3A_1592 = arith.constant 0 : i32
    %dma_start3A_1593 = tpu.memref_slice %arg6[%dma_start3A_1591, %dma_start3A_1592] : memref<1024x16xf32, #tpu.memory_space<vmem>> -> memref<128x16xf32, #tpu.memory_space<vmem>>
    %dma_start3A_1594 = arith.constant 12416 : i32
    %dma_start3A_1595 = tpu.memref_slice %arg5[%dma_start3A_1594] : memref<13312xi32, #tpu.memory_space<vmem>> -> memref<128xi32, #tpu.memory_space<vmem>>
    %dma_start3A_1596 = arith.constant 0 : i32
    %dma_start3A_1597 = arith.constant 0 : i32
    %dma_start3A_1598 = tpu.memref_slice %arg3[%dma_start3A_1596, %dma_start3A_1597] : memref<2600000x16xf32, #tpu.memory_space<hbm>> -> memref<2600000x16xf32, #tpu.memory_space<hbm>>
    tpu.enqueue_indirect_dma source(%dma_start3A_1598 : memref<2600000x16xf32, #tpu.memory_space<hbm>>) target(%dma_start3A_1593 : memref<128x16xf32, #tpu.memory_space<vmem>>) offsets(%dma_start3A_1595 : memref<128xi32, #tpu.memory_space<vmem>>) semaphore(%arg8 : memref<!tpu.dma_semaphore, #tpu.memory_space<semaphore_mem>>)
    %dma_start3A_1599 = arith.constant 256 : i32
    %dma_start3A_1600 = arith.constant 0 : i32
    %dma_start3A_1601 = tpu.memref_slice %arg6[%dma_start3A_1599, %dma_start3A_1600] : memref<1024x16xf32, #tpu.memory_space<vmem>> -> memref<128x16xf32, #tpu.memory_space<vmem>>
    %dma_start3A_1602 = arith.constant 12544 : i32
    %dma_start3A_1603 = tpu.memref_slice %arg5[%dma_start3A_1602] : memref<13312xi32, #tpu.memory_space<vmem>> -> memref<128xi32, #tpu.memory_space<vmem>>
    %dma_start3A_1604 = arith.constant 0 : i32
    %dma_start3A_1605 = arith.constant 0 : i32
    %dma_start3A_1606 = tpu.memref_slice %arg3[%dma_start3A_1604, %dma_start3A_1605] : memref<2600000x16xf32, #tpu.memory_space<hbm>> -> memref<2600000x16xf32, #tpu.memory_space<hbm>>
    tpu.enqueue_indirect_dma source(%dma_start3A_1606 : memref<2600000x16xf32, #tpu.memory_space<hbm>>) target(%dma_start3A_1601 : memref<128x16xf32, #tpu.memory_space<vmem>>) offsets(%dma_start3A_1603 : memref<128xi32, #tpu.memory_space<vmem>>) semaphore(%arg8 : memref<!tpu.dma_semaphore, #tpu.memory_space<semaphore_mem>>)
    %dma_start3A_1607 = arith.constant 384 : i32
    %dma_start3A_1608 = arith.constant 0 : i32
    %dma_start3A_1609 = tpu.memref_slice %arg6[%dma_start3A_1607, %dma_start3A_1608] : memref<1024x16xf32, #tpu.memory_space<vmem>> -> memref<128x16xf32, #tpu.memory_space<vmem>>
    %dma_start3A_1610 = arith.constant 12672 : i32
    %dma_start3A_1611 = tpu.memref_slice %arg5[%dma_start3A_1610] : memref<13312xi32, #tpu.memory_space<vmem>> -> memref<128xi32, #tpu.memory_space<vmem>>
    %dma_start3A_1612 = arith.constant 0 : i32
    %dma_start3A_1613 = arith.constant 0 : i32
    %dma_start3A_1614 = tpu.memref_slice %arg3[%dma_start3A_1612, %dma_start3A_1613] : memref<2600000x16xf32, #tpu.memory_space<hbm>> -> memref<2600000x16xf32, #tpu.memory_space<hbm>>
    tpu.enqueue_indirect_dma source(%dma_start3A_1614 : memref<2600000x16xf32, #tpu.memory_space<hbm>>) target(%dma_start3A_1609 : memref<128x16xf32, #tpu.memory_space<vmem>>) offsets(%dma_start3A_1611 : memref<128xi32, #tpu.memory_space<vmem>>) semaphore(%arg8 : memref<!tpu.dma_semaphore, #tpu.memory_space<semaphore_mem>>)
    %dma_start3A_1615 = arith.constant 512 : i32
    %dma_start3A_1616 = arith.constant 0 : i32
    %dma_start3A_1617 = tpu.memref_slice %arg6[%dma_start3A_1615, %dma_start3A_1616] : memref<1024x16xf32, #tpu.memory_space<vmem>> -> memref<128x16xf32, #tpu.memory_space<vmem>>
    %dma_start3A_1618 = arith.constant 12800 : i32
    %dma_start3A_1619 = tpu.memref_slice %arg5[%dma_start3A_1618] : memref<13312xi32, #tpu.memory_space<vmem>> -> memref<128xi32, #tpu.memory_space<vmem>>
    %dma_start3A_1620 = arith.constant 0 : i32
    %dma_start3A_1621 = arith.constant 0 : i32
    %dma_start3A_1622 = tpu.memref_slice %arg3[%dma_start3A_1620, %dma_start3A_1621] : memref<2600000x16xf32, #tpu.memory_space<hbm>> -> memref<2600000x16xf32, #tpu.memory_space<hbm>>
    tpu.enqueue_indirect_dma source(%dma_start3A_1622 : memref<2600000x16xf32, #tpu.memory_space<hbm>>) target(%dma_start3A_1617 : memref<128x16xf32, #tpu.memory_space<vmem>>) offsets(%dma_start3A_1619 : memref<128xi32, #tpu.memory_space<vmem>>) semaphore(%arg8 : memref<!tpu.dma_semaphore, #tpu.memory_space<semaphore_mem>>)
    %dma_start3A_1623 = arith.constant 640 : i32
    %dma_start3A_1624 = arith.constant 0 : i32
    %dma_start3A_1625 = tpu.memref_slice %arg6[%dma_start3A_1623, %dma_start3A_1624] : memref<1024x16xf32, #tpu.memory_space<vmem>> -> memref<128x16xf32, #tpu.memory_space<vmem>>
    %dma_start3A_1626 = arith.constant 12928 : i32
    %dma_start3A_1627 = tpu.memref_slice %arg5[%dma_start3A_1626] : memref<13312xi32, #tpu.memory_space<vmem>> -> memref<128xi32, #tpu.memory_space<vmem>>
    %dma_start3A_1628 = arith.constant 0 : i32
    %dma_start3A_1629 = arith.constant 0 : i32
    %dma_start3A_1630 = tpu.memref_slice %arg3[%dma_start3A_1628, %dma_start3A_1629] : memref<2600000x16xf32, #tpu.memory_space<hbm>> -> memref<2600000x16xf32, #tpu.memory_space<hbm>>
    tpu.enqueue_indirect_dma source(%dma_start3A_1630 : memref<2600000x16xf32, #tpu.memory_space<hbm>>) target(%dma_start3A_1625 : memref<128x16xf32, #tpu.memory_space<vmem>>) offsets(%dma_start3A_1627 : memref<128xi32, #tpu.memory_space<vmem>>) semaphore(%arg8 : memref<!tpu.dma_semaphore, #tpu.memory_space<semaphore_mem>>)
    %dma_start3A_1631 = arith.constant 768 : i32
    %dma_start3A_1632 = arith.constant 0 : i32
    %dma_start3A_1633 = tpu.memref_slice %arg6[%dma_start3A_1631, %dma_start3A_1632] : memref<1024x16xf32, #tpu.memory_space<vmem>> -> memref<128x16xf32, #tpu.memory_space<vmem>>
    %dma_start3A_1634 = arith.constant 13056 : i32
    %dma_start3A_1635 = tpu.memref_slice %arg5[%dma_start3A_1634] : memref<13312xi32, #tpu.memory_space<vmem>> -> memref<128xi32, #tpu.memory_space<vmem>>
    %dma_start3A_1636 = arith.constant 0 : i32
    %dma_start3A_1637 = arith.constant 0 : i32
    %dma_start3A_1638 = tpu.memref_slice %arg3[%dma_start3A_1636, %dma_start3A_1637] : memref<2600000x16xf32, #tpu.memory_space<hbm>> -> memref<2600000x16xf32, #tpu.memory_space<hbm>>
    tpu.enqueue_indirect_dma source(%dma_start3A_1638 : memref<2600000x16xf32, #tpu.memory_space<hbm>>) target(%dma_start3A_1633 : memref<128x16xf32, #tpu.memory_space<vmem>>) offsets(%dma_start3A_1635 : memref<128xi32, #tpu.memory_space<vmem>>) semaphore(%arg8 : memref<!tpu.dma_semaphore, #tpu.memory_space<semaphore_mem>>)
    %dma_start3A_1639 = arith.constant 896 : i32
    %dma_start3A_1640 = arith.constant 0 : i32
    %dma_start3A_1641 = tpu.memref_slice %arg6[%dma_start3A_1639, %dma_start3A_1640] : memref<1024x16xf32, #tpu.memory_space<vmem>> -> memref<128x16xf32, #tpu.memory_space<vmem>>
    %dma_start3A_1642 = arith.constant 13184 : i32
    %dma_start3A_1643 = tpu.memref_slice %arg5[%dma_start3A_1642] : memref<13312xi32, #tpu.memory_space<vmem>> -> memref<128xi32, #tpu.memory_space<vmem>>
    %dma_start3A_1644 = arith.constant 0 : i32
    %dma_start3A_1645 = arith.constant 0 : i32
    %dma_start3A_1646 = tpu.memref_slice %arg3[%dma_start3A_1644, %dma_start3A_1645] : memref<2600000x16xf32, #tpu.memory_space<hbm>> -> memref<2600000x16xf32, #tpu.memory_space<hbm>>
    tpu.enqueue_indirect_dma source(%dma_start3A_1646 : memref<2600000x16xf32, #tpu.memory_space<hbm>>) target(%dma_start3A_1641 : memref<128x16xf32, #tpu.memory_space<vmem>>) offsets(%dma_start3A_1643 : memref<128xi32, #tpu.memory_space<vmem>>) semaphore(%arg8 : memref<!tpu.dma_semaphore, #tpu.memory_space<semaphore_mem>>)
    %dma_wait3A_1647 = arith.constant 0 : i32
    %dma_wait3A_1648 = arith.constant 0 : i32
    %dma_wait3A_1649 = tpu.memref_slice %arg7[%dma_wait3A_1647, %dma_wait3A_1648] : memref<1024x16xf32, #tpu.memory_space<vmem>> -> memref<128x16xf32, #tpu.memory_space<vmem>>
    %dma_wait3A_1650 = arith.constant 11264 : i32
    %dma_wait3A_1651 = tpu.memref_slice %arg5[%dma_wait3A_1650] : memref<13312xi32, #tpu.memory_space<vmem>> -> memref<128xi32, #tpu.memory_space<vmem>>
    %dma_wait3A_1652 = arith.constant 0 : i32
    %dma_wait3A_1653 = arith.constant 0 : i32
    %dma_wait3A_1654 = tpu.memref_slice %arg3[%dma_wait3A_1652, %dma_wait3A_1653] : memref<2600000x16xf32, #tpu.memory_space<hbm>> -> memref<2600000x16xf32, #tpu.memory_space<hbm>>
    tpu.wait_indirect_dma semaphore(%arg9 : memref<!tpu.dma_semaphore, #tpu.memory_space<semaphore_mem>>) src(%dma_wait3A_1654 : memref<2600000x16xf32, #tpu.memory_space<hbm>>) dst(%dma_wait3A_1649 : memref<128x16xf32, #tpu.memory_space<vmem>>)
    %dma_wait3A_1655 = arith.constant 128 : i32
    %dma_wait3A_1656 = arith.constant 0 : i32
    %dma_wait3A_1657 = tpu.memref_slice %arg7[%dma_wait3A_1655, %dma_wait3A_1656] : memref<1024x16xf32, #tpu.memory_space<vmem>> -> memref<128x16xf32, #tpu.memory_space<vmem>>
    %dma_wait3A_1658 = arith.constant 11392 : i32
    %dma_wait3A_1659 = tpu.memref_slice %arg5[%dma_wait3A_1658] : memref<13312xi32, #tpu.memory_space<vmem>> -> memref<128xi32, #tpu.memory_space<vmem>>
    %dma_wait3A_1660 = arith.constant 0 : i32
    %dma_wait3A_1661 = arith.constant 0 : i32
    %dma_wait3A_1662 = tpu.memref_slice %arg3[%dma_wait3A_1660, %dma_wait3A_1661] : memref<2600000x16xf32, #tpu.memory_space<hbm>> -> memref<2600000x16xf32, #tpu.memory_space<hbm>>
    tpu.wait_indirect_dma semaphore(%arg9 : memref<!tpu.dma_semaphore, #tpu.memory_space<semaphore_mem>>) src(%dma_wait3A_1662 : memref<2600000x16xf32, #tpu.memory_space<hbm>>) dst(%dma_wait3A_1657 : memref<128x16xf32, #tpu.memory_space<vmem>>)
    %dma_wait3A_1663 = arith.constant 256 : i32
    %dma_wait3A_1664 = arith.constant 0 : i32
    %dma_wait3A_1665 = tpu.memref_slice %arg7[%dma_wait3A_1663, %dma_wait3A_1664] : memref<1024x16xf32, #tpu.memory_space<vmem>> -> memref<128x16xf32, #tpu.memory_space<vmem>>
    %dma_wait3A_1666 = arith.constant 11520 : i32
    %dma_wait3A_1667 = tpu.memref_slice %arg5[%dma_wait3A_1666] : memref<13312xi32, #tpu.memory_space<vmem>> -> memref<128xi32, #tpu.memory_space<vmem>>
    %dma_wait3A_1668 = arith.constant 0 : i32
    %dma_wait3A_1669 = arith.constant 0 : i32
    %dma_wait3A_1670 = tpu.memref_slice %arg3[%dma_wait3A_1668, %dma_wait3A_1669] : memref<2600000x16xf32, #tpu.memory_space<hbm>> -> memref<2600000x16xf32, #tpu.memory_space<hbm>>
    tpu.wait_indirect_dma semaphore(%arg9 : memref<!tpu.dma_semaphore, #tpu.memory_space<semaphore_mem>>) src(%dma_wait3A_1670 : memref<2600000x16xf32, #tpu.memory_space<hbm>>) dst(%dma_wait3A_1665 : memref<128x16xf32, #tpu.memory_space<vmem>>)
    %dma_wait3A_1671 = arith.constant 384 : i32
    %dma_wait3A_1672 = arith.constant 0 : i32
    %dma_wait3A_1673 = tpu.memref_slice %arg7[%dma_wait3A_1671, %dma_wait3A_1672] : memref<1024x16xf32, #tpu.memory_space<vmem>> -> memref<128x16xf32, #tpu.memory_space<vmem>>
    %dma_wait3A_1674 = arith.constant 11648 : i32
    %dma_wait3A_1675 = tpu.memref_slice %arg5[%dma_wait3A_1674] : memref<13312xi32, #tpu.memory_space<vmem>> -> memref<128xi32, #tpu.memory_space<vmem>>
    %dma_wait3A_1676 = arith.constant 0 : i32
    %dma_wait3A_1677 = arith.constant 0 : i32
    %dma_wait3A_1678 = tpu.memref_slice %arg3[%dma_wait3A_1676, %dma_wait3A_1677] : memref<2600000x16xf32, #tpu.memory_space<hbm>> -> memref<2600000x16xf32, #tpu.memory_space<hbm>>
    tpu.wait_indirect_dma semaphore(%arg9 : memref<!tpu.dma_semaphore, #tpu.memory_space<semaphore_mem>>) src(%dma_wait3A_1678 : memref<2600000x16xf32, #tpu.memory_space<hbm>>) dst(%dma_wait3A_1673 : memref<128x16xf32, #tpu.memory_space<vmem>>)
    %dma_wait3A_1679 = arith.constant 512 : i32
    %dma_wait3A_1680 = arith.constant 0 : i32
    %dma_wait3A_1681 = tpu.memref_slice %arg7[%dma_wait3A_1679, %dma_wait3A_1680] : memref<1024x16xf32, #tpu.memory_space<vmem>> -> memref<128x16xf32, #tpu.memory_space<vmem>>
    %dma_wait3A_1682 = arith.constant 11776 : i32
    %dma_wait3A_1683 = tpu.memref_slice %arg5[%dma_wait3A_1682] : memref<13312xi32, #tpu.memory_space<vmem>> -> memref<128xi32, #tpu.memory_space<vmem>>
    %dma_wait3A_1684 = arith.constant 0 : i32
    %dma_wait3A_1685 = arith.constant 0 : i32
    %dma_wait3A_1686 = tpu.memref_slice %arg3[%dma_wait3A_1684, %dma_wait3A_1685] : memref<2600000x16xf32, #tpu.memory_space<hbm>> -> memref<2600000x16xf32, #tpu.memory_space<hbm>>
    tpu.wait_indirect_dma semaphore(%arg9 : memref<!tpu.dma_semaphore, #tpu.memory_space<semaphore_mem>>) src(%dma_wait3A_1686 : memref<2600000x16xf32, #tpu.memory_space<hbm>>) dst(%dma_wait3A_1681 : memref<128x16xf32, #tpu.memory_space<vmem>>)
    %dma_wait3A_1687 = arith.constant 640 : i32
    %dma_wait3A_1688 = arith.constant 0 : i32
    %dma_wait3A_1689 = tpu.memref_slice %arg7[%dma_wait3A_1687, %dma_wait3A_1688] : memref<1024x16xf32, #tpu.memory_space<vmem>> -> memref<128x16xf32, #tpu.memory_space<vmem>>
    %dma_wait3A_1690 = arith.constant 11904 : i32
    %dma_wait3A_1691 = tpu.memref_slice %arg5[%dma_wait3A_1690] : memref<13312xi32, #tpu.memory_space<vmem>> -> memref<128xi32, #tpu.memory_space<vmem>>
    %dma_wait3A_1692 = arith.constant 0 : i32
    %dma_wait3A_1693 = arith.constant 0 : i32
    %dma_wait3A_1694 = tpu.memref_slice %arg3[%dma_wait3A_1692, %dma_wait3A_1693] : memref<2600000x16xf32, #tpu.memory_space<hbm>> -> memref<2600000x16xf32, #tpu.memory_space<hbm>>
    tpu.wait_indirect_dma semaphore(%arg9 : memref<!tpu.dma_semaphore, #tpu.memory_space<semaphore_mem>>) src(%dma_wait3A_1694 : memref<2600000x16xf32, #tpu.memory_space<hbm>>) dst(%dma_wait3A_1689 : memref<128x16xf32, #tpu.memory_space<vmem>>)
    %dma_wait3A_1695 = arith.constant 768 : i32
    %dma_wait3A_1696 = arith.constant 0 : i32
    %dma_wait3A_1697 = tpu.memref_slice %arg7[%dma_wait3A_1695, %dma_wait3A_1696] : memref<1024x16xf32, #tpu.memory_space<vmem>> -> memref<128x16xf32, #tpu.memory_space<vmem>>
    %dma_wait3A_1698 = arith.constant 12032 : i32
    %dma_wait3A_1699 = tpu.memref_slice %arg5[%dma_wait3A_1698] : memref<13312xi32, #tpu.memory_space<vmem>> -> memref<128xi32, #tpu.memory_space<vmem>>
    %dma_wait3A_1700 = arith.constant 0 : i32
    %dma_wait3A_1701 = arith.constant 0 : i32
    %dma_wait3A_1702 = tpu.memref_slice %arg3[%dma_wait3A_1700, %dma_wait3A_1701] : memref<2600000x16xf32, #tpu.memory_space<hbm>> -> memref<2600000x16xf32, #tpu.memory_space<hbm>>
    tpu.wait_indirect_dma semaphore(%arg9 : memref<!tpu.dma_semaphore, #tpu.memory_space<semaphore_mem>>) src(%dma_wait3A_1702 : memref<2600000x16xf32, #tpu.memory_space<hbm>>) dst(%dma_wait3A_1697 : memref<128x16xf32, #tpu.memory_space<vmem>>)
    %dma_wait3A_1703 = arith.constant 896 : i32
    %dma_wait3A_1704 = arith.constant 0 : i32
    %dma_wait3A_1705 = tpu.memref_slice %arg7[%dma_wait3A_1703, %dma_wait3A_1704] : memref<1024x16xf32, #tpu.memory_space<vmem>> -> memref<128x16xf32, #tpu.memory_space<vmem>>
    %dma_wait3A_1706 = arith.constant 12160 : i32
    %dma_wait3A_1707 = tpu.memref_slice %arg5[%dma_wait3A_1706] : memref<13312xi32, #tpu.memory_space<vmem>> -> memref<128xi32, #tpu.memory_space<vmem>>
    %dma_wait3A_1708 = arith.constant 0 : i32
    %dma_wait3A_1709 = arith.constant 0 : i32
    %dma_wait3A_1710 = tpu.memref_slice %arg3[%dma_wait3A_1708, %dma_wait3A_1709] : memref<2600000x16xf32, #tpu.memory_space<hbm>> -> memref<2600000x16xf32, #tpu.memory_space<hbm>>
    tpu.wait_indirect_dma semaphore(%arg9 : memref<!tpu.dma_semaphore, #tpu.memory_space<semaphore_mem>>) src(%dma_wait3A_1710 : memref<2600000x16xf32, #tpu.memory_space<hbm>>) dst(%dma_wait3A_1705 : memref<128x16xf32, #tpu.memory_space<vmem>>)
    %add3A_1711 = arith.constant 11264 : i32
    %add3A_1712 = arith.addi %mul3A_2, %add3A_1711 : i32
    %dma_start3A_1713 = arith.constant 0 : i32
    %dma_start3A_1714 = tpu.memref_slice %arg4[%add3A_1712, %dma_start3A_1713] : memref<425984x16xf32, #tpu.memory_space<hbm>> -> memref<1024x16xf32, #tpu.memory_space<hbm>>
    %dma_start3A_1715 = arith.constant 0 : i32
    %dma_start3A_1716 = tpu.memref_slice %arg4[%add3A_1712, %dma_start3A_1715] : memref<425984x16xf32, #tpu.memory_space<hbm>> -> memref<1024x16xf32, #tpu.memory_space<hbm>>
    tpu.enqueue_dma source(%arg7 : memref<1024x16xf32, #tpu.memory_space<vmem>>) target(%dma_start3A_1716 : memref<1024x16xf32, #tpu.memory_space<hbm>>) target_semaphore(%arg10 : memref<!tpu.dma_semaphore, #tpu.memory_space<semaphore_mem>>)
    %dma_wait3A_1717 = arith.constant 0 : i32
    %dma_wait3A_1718 = arith.constant 0 : i32
    %dma_wait3A_1719 = tpu.memref_slice %arg6[%dma_wait3A_1717, %dma_wait3A_1718] : memref<1024x16xf32, #tpu.memory_space<vmem>> -> memref<128x16xf32, #tpu.memory_space<vmem>>
    %dma_wait3A_1720 = arith.constant 12288 : i32
    %dma_wait3A_1721 = tpu.memref_slice %arg5[%dma_wait3A_1720] : memref<13312xi32, #tpu.memory_space<vmem>> -> memref<128xi32, #tpu.memory_space<vmem>>
    %dma_wait3A_1722 = arith.constant 0 : i32
    %dma_wait3A_1723 = arith.constant 0 : i32
    %dma_wait3A_1724 = tpu.memref_slice %arg3[%dma_wait3A_1722, %dma_wait3A_1723] : memref<2600000x16xf32, #tpu.memory_space<hbm>> -> memref<2600000x16xf32, #tpu.memory_space<hbm>>
    tpu.wait_indirect_dma semaphore(%arg8 : memref<!tpu.dma_semaphore, #tpu.memory_space<semaphore_mem>>) src(%dma_wait3A_1724 : memref<2600000x16xf32, #tpu.memory_space<hbm>>) dst(%dma_wait3A_1719 : memref<128x16xf32, #tpu.memory_space<vmem>>)
    %dma_wait3A_1725 = arith.constant 128 : i32
    %dma_wait3A_1726 = arith.constant 0 : i32
    %dma_wait3A_1727 = tpu.memref_slice %arg6[%dma_wait3A_1725, %dma_wait3A_1726] : memref<1024x16xf32, #tpu.memory_space<vmem>> -> memref<128x16xf32, #tpu.memory_space<vmem>>
    %dma_wait3A_1728 = arith.constant 12416 : i32
    %dma_wait3A_1729 = tpu.memref_slice %arg5[%dma_wait3A_1728] : memref<13312xi32, #tpu.memory_space<vmem>> -> memref<128xi32, #tpu.memory_space<vmem>>
    %dma_wait3A_1730 = arith.constant 0 : i32
    %dma_wait3A_1731 = arith.constant 0 : i32
    %dma_wait3A_1732 = tpu.memref_slice %arg3[%dma_wait3A_1730, %dma_wait3A_1731] : memref<2600000x16xf32, #tpu.memory_space<hbm>> -> memref<2600000x16xf32, #tpu.memory_space<hbm>>
    tpu.wait_indirect_dma semaphore(%arg8 : memref<!tpu.dma_semaphore, #tpu.memory_space<semaphore_mem>>) src(%dma_wait3A_1732 : memref<2600000x16xf32, #tpu.memory_space<hbm>>) dst(%dma_wait3A_1727 : memref<128x16xf32, #tpu.memory_space<vmem>>)
    %dma_wait3A_1733 = arith.constant 256 : i32
    %dma_wait3A_1734 = arith.constant 0 : i32
    %dma_wait3A_1735 = tpu.memref_slice %arg6[%dma_wait3A_1733, %dma_wait3A_1734] : memref<1024x16xf32, #tpu.memory_space<vmem>> -> memref<128x16xf32, #tpu.memory_space<vmem>>
    %dma_wait3A_1736 = arith.constant 12544 : i32
    %dma_wait3A_1737 = tpu.memref_slice %arg5[%dma_wait3A_1736] : memref<13312xi32, #tpu.memory_space<vmem>> -> memref<128xi32, #tpu.memory_space<vmem>>
    %dma_wait3A_1738 = arith.constant 0 : i32
    %dma_wait3A_1739 = arith.constant 0 : i32
    %dma_wait3A_1740 = tpu.memref_slice %arg3[%dma_wait3A_1738, %dma_wait3A_1739] : memref<2600000x16xf32, #tpu.memory_space<hbm>> -> memref<2600000x16xf32, #tpu.memory_space<hbm>>
    tpu.wait_indirect_dma semaphore(%arg8 : memref<!tpu.dma_semaphore, #tpu.memory_space<semaphore_mem>>) src(%dma_wait3A_1740 : memref<2600000x16xf32, #tpu.memory_space<hbm>>) dst(%dma_wait3A_1735 : memref<128x16xf32, #tpu.memory_space<vmem>>)
    %dma_wait3A_1741 = arith.constant 384 : i32
    %dma_wait3A_1742 = arith.constant 0 : i32
    %dma_wait3A_1743 = tpu.memref_slice %arg6[%dma_wait3A_1741, %dma_wait3A_1742] : memref<1024x16xf32, #tpu.memory_space<vmem>> -> memref<128x16xf32, #tpu.memory_space<vmem>>
    %dma_wait3A_1744 = arith.constant 12672 : i32
    %dma_wait3A_1745 = tpu.memref_slice %arg5[%dma_wait3A_1744] : memref<13312xi32, #tpu.memory_space<vmem>> -> memref<128xi32, #tpu.memory_space<vmem>>
    %dma_wait3A_1746 = arith.constant 0 : i32
    %dma_wait3A_1747 = arith.constant 0 : i32
    %dma_wait3A_1748 = tpu.memref_slice %arg3[%dma_wait3A_1746, %dma_wait3A_1747] : memref<2600000x16xf32, #tpu.memory_space<hbm>> -> memref<2600000x16xf32, #tpu.memory_space<hbm>>
    tpu.wait_indirect_dma semaphore(%arg8 : memref<!tpu.dma_semaphore, #tpu.memory_space<semaphore_mem>>) src(%dma_wait3A_1748 : memref<2600000x16xf32, #tpu.memory_space<hbm>>) dst(%dma_wait3A_1743 : memref<128x16xf32, #tpu.memory_space<vmem>>)
    %dma_wait3A_1749 = arith.constant 512 : i32
    %dma_wait3A_1750 = arith.constant 0 : i32
    %dma_wait3A_1751 = tpu.memref_slice %arg6[%dma_wait3A_1749, %dma_wait3A_1750] : memref<1024x16xf32, #tpu.memory_space<vmem>> -> memref<128x16xf32, #tpu.memory_space<vmem>>
    %dma_wait3A_1752 = arith.constant 12800 : i32
    %dma_wait3A_1753 = tpu.memref_slice %arg5[%dma_wait3A_1752] : memref<13312xi32, #tpu.memory_space<vmem>> -> memref<128xi32, #tpu.memory_space<vmem>>
    %dma_wait3A_1754 = arith.constant 0 : i32
    %dma_wait3A_1755 = arith.constant 0 : i32
    %dma_wait3A_1756 = tpu.memref_slice %arg3[%dma_wait3A_1754, %dma_wait3A_1755] : memref<2600000x16xf32, #tpu.memory_space<hbm>> -> memref<2600000x16xf32, #tpu.memory_space<hbm>>
    tpu.wait_indirect_dma semaphore(%arg8 : memref<!tpu.dma_semaphore, #tpu.memory_space<semaphore_mem>>) src(%dma_wait3A_1756 : memref<2600000x16xf32, #tpu.memory_space<hbm>>) dst(%dma_wait3A_1751 : memref<128x16xf32, #tpu.memory_space<vmem>>)
    %dma_wait3A_1757 = arith.constant 640 : i32
    %dma_wait3A_1758 = arith.constant 0 : i32
    %dma_wait3A_1759 = tpu.memref_slice %arg6[%dma_wait3A_1757, %dma_wait3A_1758] : memref<1024x16xf32, #tpu.memory_space<vmem>> -> memref<128x16xf32, #tpu.memory_space<vmem>>
    %dma_wait3A_1760 = arith.constant 12928 : i32
    %dma_wait3A_1761 = tpu.memref_slice %arg5[%dma_wait3A_1760] : memref<13312xi32, #tpu.memory_space<vmem>> -> memref<128xi32, #tpu.memory_space<vmem>>
    %dma_wait3A_1762 = arith.constant 0 : i32
    %dma_wait3A_1763 = arith.constant 0 : i32
    %dma_wait3A_1764 = tpu.memref_slice %arg3[%dma_wait3A_1762, %dma_wait3A_1763] : memref<2600000x16xf32, #tpu.memory_space<hbm>> -> memref<2600000x16xf32, #tpu.memory_space<hbm>>
    tpu.wait_indirect_dma semaphore(%arg8 : memref<!tpu.dma_semaphore, #tpu.memory_space<semaphore_mem>>) src(%dma_wait3A_1764 : memref<2600000x16xf32, #tpu.memory_space<hbm>>) dst(%dma_wait3A_1759 : memref<128x16xf32, #tpu.memory_space<vmem>>)
    %dma_wait3A_1765 = arith.constant 768 : i32
    %dma_wait3A_1766 = arith.constant 0 : i32
    %dma_wait3A_1767 = tpu.memref_slice %arg6[%dma_wait3A_1765, %dma_wait3A_1766] : memref<1024x16xf32, #tpu.memory_space<vmem>> -> memref<128x16xf32, #tpu.memory_space<vmem>>
    %dma_wait3A_1768 = arith.constant 13056 : i32
    %dma_wait3A_1769 = tpu.memref_slice %arg5[%dma_wait3A_1768] : memref<13312xi32, #tpu.memory_space<vmem>> -> memref<128xi32, #tpu.memory_space<vmem>>
    %dma_wait3A_1770 = arith.constant 0 : i32
    %dma_wait3A_1771 = arith.constant 0 : i32
    %dma_wait3A_1772 = tpu.memref_slice %arg3[%dma_wait3A_1770, %dma_wait3A_1771] : memref<2600000x16xf32, #tpu.memory_space<hbm>> -> memref<2600000x16xf32, #tpu.memory_space<hbm>>
    tpu.wait_indirect_dma semaphore(%arg8 : memref<!tpu.dma_semaphore, #tpu.memory_space<semaphore_mem>>) src(%dma_wait3A_1772 : memref<2600000x16xf32, #tpu.memory_space<hbm>>) dst(%dma_wait3A_1767 : memref<128x16xf32, #tpu.memory_space<vmem>>)
    %dma_wait3A_1773 = arith.constant 896 : i32
    %dma_wait3A_1774 = arith.constant 0 : i32
    %dma_wait3A_1775 = tpu.memref_slice %arg6[%dma_wait3A_1773, %dma_wait3A_1774] : memref<1024x16xf32, #tpu.memory_space<vmem>> -> memref<128x16xf32, #tpu.memory_space<vmem>>
    %dma_wait3A_1776 = arith.constant 13184 : i32
    %dma_wait3A_1777 = tpu.memref_slice %arg5[%dma_wait3A_1776] : memref<13312xi32, #tpu.memory_space<vmem>> -> memref<128xi32, #tpu.memory_space<vmem>>
    %dma_wait3A_1778 = arith.constant 0 : i32
    %dma_wait3A_1779 = arith.constant 0 : i32
    %dma_wait3A_1780 = tpu.memref_slice %arg3[%dma_wait3A_1778, %dma_wait3A_1779] : memref<2600000x16xf32, #tpu.memory_space<hbm>> -> memref<2600000x16xf32, #tpu.memory_space<hbm>>
    tpu.wait_indirect_dma semaphore(%arg8 : memref<!tpu.dma_semaphore, #tpu.memory_space<semaphore_mem>>) src(%dma_wait3A_1780 : memref<2600000x16xf32, #tpu.memory_space<hbm>>) dst(%dma_wait3A_1775 : memref<128x16xf32, #tpu.memory_space<vmem>>)
    %add3A_1781 = arith.constant 12288 : i32
    %add3A_1782 = arith.addi %mul3A_2, %add3A_1781 : i32
    %dma_start3A_1783 = arith.constant 0 : i32
    %dma_start3A_1784 = tpu.memref_slice %arg4[%add3A_1782, %dma_start3A_1783] : memref<425984x16xf32, #tpu.memory_space<hbm>> -> memref<1024x16xf32, #tpu.memory_space<hbm>>
    %dma_start3A_1785 = arith.constant 0 : i32
    %dma_start3A_1786 = tpu.memref_slice %arg4[%add3A_1782, %dma_start3A_1785] : memref<425984x16xf32, #tpu.memory_space<hbm>> -> memref<1024x16xf32, #tpu.memory_space<hbm>>
    tpu.enqueue_dma source(%arg6 : memref<1024x16xf32, #tpu.memory_space<vmem>>) target(%dma_start3A_1786 : memref<1024x16xf32, #tpu.memory_space<hbm>>) target_semaphore(%arg10 : memref<!tpu.dma_semaphore, #tpu.memory_space<semaphore_mem>>)
    %dma_wait3A_1787 = arith.constant 0 : i32
    %dma_wait3A_1788 = tpu.memref_slice %arg4[%add3A_1782, %dma_wait3A_1787] : memref<425984x16xf32, #tpu.memory_space<hbm>> -> memref<1024x16xf32, #tpu.memory_space<hbm>>
    %dma_wait3A_1789 = arith.constant 0 : i32
    %dma_wait3A_1790 = tpu.memref_slice %arg4[%add3A_1782, %dma_wait3A_1789] : memref<425984x16xf32, #tpu.memory_space<hbm>> -> memref<1024x16xf32, #tpu.memory_space<hbm>>
    tpu.wait_dma2 semaphore(%arg10 : memref<!tpu.dma_semaphore, #tpu.memory_space<semaphore_mem>>) src(%arg6 : memref<1024x16xf32, #tpu.memory_space<vmem>>) dst(%dma_wait3A_1790 : memref<1024x16xf32, #tpu.memory_space<hbm>>)
    %dma_wait3A_1791 = arith.constant 0 : i32
    %dma_wait3A_1792 = tpu.memref_slice %arg4[%add3A_1712, %dma_wait3A_1791] : memref<425984x16xf32, #tpu.memory_space<hbm>> -> memref<1024x16xf32, #tpu.memory_space<hbm>>
    %dma_wait3A_1793 = arith.constant 0 : i32
    %dma_wait3A_1794 = tpu.memref_slice %arg4[%add3A_1712, %dma_wait3A_1793] : memref<425984x16xf32, #tpu.memory_space<hbm>> -> memref<1024x16xf32, #tpu.memory_space<hbm>>
    tpu.wait_dma2 semaphore(%arg10 : memref<!tpu.dma_semaphore, #tpu.memory_space<semaphore_mem>>) src(%arg7 : memref<1024x16xf32, #tpu.memory_space<vmem>>) dst(%dma_wait3A_1794 : memref<1024x16xf32, #tpu.memory_space<hbm>>)
    return
  }
}

</mosaic_0001>

<sc_bundles>
// kernel: kernel.3.cloned.1.call-start
scs
__scs_entry_jumppad:
0x0: {  	(pc) =	sbr.rel $0x88, $3  }
0x1: {  	(tag) =	ssettag $0x0;
	lr =	simm.s32 $0x1  }
0x2: {  	[smem:$0x3F9F] =	sst lr;
	_ =	strace $0xD0000000  }
0x3: {  	_ = 	snop  }
0x4: {  	_ = 	snop  }
0x5: {  	_ = 	snop  }
0x6: {  	_ = 	snop  }
0x7: {  	_ = 	snop  }
__scs_overlays_trampoline_lowered:
0x8: {  	[smem:$0x3FAE] =	sst s0  }
0x9: {  	[smem:$0x3FAF] =	sst s1  }
0xa: {  	[smem:$0x3FB0] =	sst s2  }
0xb: {  	[smem:$0x3FB1] =	sst s3  }
0xc: {  	[smem:$0x3FB2] =	sst s4  }
0xd: {  	[smem:$0x3FB3] =	sst s5  }
0xe: {  	[smem:$0x3FB4] =	sst s6  }
0xf: {  	[smem:$0x3FB5] =	sst s7  }
0x10: {  	[smem:$0x3FB6] =	sst s8  }
0x11: {  	[smem:$0x3FB7] =	sst s9;
	s0 =	simm.s32 @!p0 $0x0  }
0x12: {  	s1 =	sld [smem:$0x3F9D];
	s0 =	simm.s32 @p0 $0x1  }
0x13: {  	[smem:$0x3FB8] =	sst s0;
	s0 =	simm.s32 @!p1 $0x0  }
0x14: {  	s2 =	sld [smem:$0x3F9C];
	s0 =	simm.s32 @p1 $0x1  }
0x15: {  	[smem:$0x3FB9] =	sst s0;
	s0 =	simm.s32 @!p2 $0x0  }
0x16: {  	s3 =	sld [smem:$0x3FDB];
	s0 =	simm.s32 @p2 $0x1  }
0x17: {  	s4 =	simm.s32 $0x1BF5;
	[smem:$0x3FBB] =	sst s0  }
0x18: {  	s0 =	sld [smem:$0x3F9E];
	_ =	swait.ge [sflag:s4], $0x0  }
0x19: {  	s7 =	sld [smem:$0x3F9F]  }
0x1a: {  	s8 =	sadd.s32 $0xFFFFE003, lr  }
0x1b: {  	s9 =	sadd.s32 $0xFFFFFEF7, lr;
	s5 =	simm.s32 $0xFFFFFFFF;
	p2 =	slt.u32 s8, $0xFFFFF086  }
0x1c: {  	p1 =	slt.u32 s9, $0xF7A;
	s5 =	simm.s32 @!p2 $0x0  }
0x1d: {  	s5 =	simm.s32 @p1 $0x1;
	p0 =	seq.s32 s7, s2  }
0x1e: {  	s7 =	smul.u32 @!p0 $0xF7A, s2;
	p2 =	seq.s32 @!p0 s5, $0x0  }
0x1f: {  	s9 =	smul.u32 $0xF7A, s1;
	s8 =	simm.s32 @!p0 $0x1BF5;
	p2 =	por !p2, p0  }
0x20: {  	[sflag:s8] =	ssyncset.s32 @!p0 $0xFFFFF086;
	s6 =	sadd.s32 @!p0 s3, s7;
	s7 =	simm.s32 @!p0 $0x108  }
0x21: {  	s3 =	sadd.s32 s3, s9;
	s6 =	sadd.s32 @!p0 $0x88, s6;
	s7 =	simm.s32 @p2 $0x1082  }
0x22: {  	[simem:s7], [sflag:s8] =	dma.local @!p0 [hbm:s6], $0xF7A  }
0x23: {  	s9 =	sor.u32 $0xD0000000, s2;
	s6 =	simm.s32 $0x108;
	_ =	swait.ge @!p0 [sflag:s8], $0x0  }
0x24: {  	s3 =	sadd.s32 $0x88, s3;
	s6 =	simm.s32 @!p1 $0x1082;
	[sflag:s4] =	ssyncset.s32 $0xFFFFF086  }
0x25: {  	[simem:s6], [sflag:s4] =	dma.local [hbm:s3], $0xF7A  }
0x26: {  	[smem:$0x3F9F] =	sst s1;
	(tag) =	ssettag s2;
	_ =	strace s9  }
0x27: {  	s1 =	sld [smem:$0x3FAF]  }
0x28: {  	s2 =	sld [smem:$0x3FB0]  }
0x29: {  	s4 =	sld [smem:$0x3FB2]  }
0x2a: {  	p0 =	seq.s32 s5, $0x0;
	s5 =	sld [smem:$0x3FB3]  }
0x2b: {  	s6 =	sld [smem:$0x3FB4]  }
0x2c: {  	s7 =	sld [smem:$0x3FB5]  }
0x2d: {  	s3 =	simm.s32 $0x108;
	s8 =	sld [smem:$0x3FB6]  }
0x2e: {  	s3 =	simm.s32 @!p0 $0x1082;
	s9 =	sld [smem:$0x3FB7]  }
0x2f: {  	lr =	sadd.s32 s0, s3;
	s0 =	sld [smem:$0x3FAE]  }
0x30: {  	s3 =	sld [smem:$0x3FB1]  }
0x31: {  	[smem:$0x3FBA] =	sst s10  }
0x32: {  	s10 =	sld [smem:$0x3FB8];
	_ =	sdelay $0x3  }
0x33: {  	p0 =	seq.s32 s10, $0x1;
	s10 =	sld [smem:$0x3FBA];
	_ =	sdelay $0x3  }
0x34: {  	[smem:$0x3FBA] =	sst s10  }
0x35: {  	s10 =	sld [smem:$0x3FB9];
	_ =	sdelay $0x3  }
0x36: {  	p1 =	seq.s32 s10, $0x1;
	s10 =	sld [smem:$0x3FBA];
	_ =	sdelay $0x3  }
0x37: {  	[smem:$0x3FBA] =	sst s10  }
0x38: {  	s10 =	sld [smem:$0x3FBB]  }
0x39: {  	_ = 	snop;
	(pc) =	sbr.ind lr, $3  }
0x3a: {  	_ = 	snop  }
0x3b: {  	_ = 	snop  }
0x3c: {  	p2 =	seq.s32 s10, $0x1;
	s10 =	sld [smem:$0x3FBA]  }
0x3d: {  	_ =	shalt  }
0x3e: {  	_ =	shalt  }
0x3f: {  	_ =	shalt  }
0x40: {  	_ =	shalt  }
0x41: {  	_ =	shalt  }
0x42: {  	_ =	shalt  }
0x43: {  	_ =	shalt  }
0x44: {  	_ =	shalt  }
0x45: {  	_ =	shalt  }
0x46: {  	_ =	shalt  }
0x47: {  	_ =	shalt  }
0x48: {  	_ =	shalt  }
0x49: {  	_ =	shalt  }
0x4a: {  	_ =	shalt  }
0x4b: {  	_ =	shalt  }
0x4c: {  	_ =	shalt  }
0x4d: {  	_ =	shalt  }
0x4e: {  	_ =	shalt  }
0x4f: {  	_ =	shalt  }
0x50: {  	_ =	shalt  }
0x51: {  	_ =	shalt  }
0x52: {  	_ =	shalt  }
0x53: {  	_ =	shalt  }
0x54: {  	_ =	shalt  }
0x55: {  	_ =	shalt  }
0x56: {  	_ =	shalt  }
0x57: {  	_ =	shalt  }
0x58: {  	_ =	shalt  }
0x59: {  	_ =	shalt  }
0x5a: {  	_ =	shalt  }
0x5b: {  	_ =	shalt  }
0x5c: {  	_ =	shalt  }
0x5d: {  	_ =	shalt  }
0x5e: {  	_ =	shalt  }
0x5f: {  	_ =	shalt  }
0x60: {  	_ =	shalt  }
0x61: {  	_ =	shalt  }
0x62: {  	_ =	shalt  }
0x63: {  	_ =	shalt  }
0x64: {  	_ =	shalt  }
0x65: {  	_ =	shalt  }
0x66: {  	_ =	shalt  }
0x67: {  	_ =	shalt  }
0x68: {  	_ =	shalt  }
0x69: {  	_ =	shalt  }
0x6a: {  	_ =	shalt  }
0x6b: {  	_ =	shalt  }
0x6c: {  	_ =	shalt  }
0x6d: {  	_ =	shalt  }
0x6e: {  	_ =	shalt  }
0x6f: {  	_ =	shalt  }
0x70: {  	_ =	shalt  }
0x71: {  	_ =	shalt  }
0x72: {  	_ =	shalt  }
0x73: {  	_ =	shalt  }
0x74: {  	_ =	shalt  }
0x75: {  	_ =	shalt  }
0x76: {  	_ =	shalt  }
0x77: {  	_ =	shalt  }
0x78: {  	_ =	shalt  }
0x79: {  	_ =	shalt  }
0x7a: {  	_ =	shalt  }
0x7b: {  	_ =	shalt  }
0x7c: {  	_ =	shalt  }
0x7d: {  	_ =	shalt  }
0x7e: {  	_ =	shalt  }
0x7f: {  	_ =	shalt  }
0x80: {  	_ =	shalt  }
0x81: {  	_ =	shalt  }
0x82: {  	_ =	shalt  }
0x83: {  	_ =	shalt  }
0x84: {  	_ =	shalt  }
0x85: {  	_ =	shalt  }
0x86: {  	_ =	shalt  }
0x87: {  	_ =	shalt  }
.Lfunc_end0:
.L_simem_size_0:
called_computation_lowered:
.L_overlay_start_0:
0x88: {  	s2 =	sld [smem:$0x3FD9]  }
0x89: {  	s3 =	sld [smem:$0x3FFE];
	_ =	sdelay $0x1  }
0x8a: {  	s1 =	srdreg.scid  }
0x8b: {  	s0 =	sand.u32 $0x1, s1  }
0x8c: {  	s17 =	sshll.u32 s0, $0xA;
	s2 =	sadd.s32 s3, s2  }
0x8d: {  	s2 =	sadd.s32 s2, s17  }
0x8e: {  	[smem:$0x3FC6] =	sst s2  }
0x8f: {  	_ = 	snop  }
0x90: {  	s2 =	sld [smem:$0x3FD0];
	(tm) =	ssettm $0x1  }
0x91: {  	s18 =	sld [smem:$0x3FFB];
	_ =	sdelay $0x3  }
0x92: {  	_ =	strace s18  }
0x93: {  	s3 =	sld [smem:$0x3FFC];
	_ =	sdelay $0x3  }
0x94: {  	_ =	strace s3  }
0x95: {  	s3 =	sld [smem:$0x3FFD];
	_ =	sdelay $0x3  }
0x96: {  	_ =	strace s3  }
0x97: {  	_ =	strace $0x8FFFFFFF  }
0x98: {  	s19 =	sld [smem:$0x3FDB];
	_ =	sdelay $0x1  }
0x99: {  	s4 =	simm.s32 $_scs_section_size  }
0x9a: {  	s5 =	simm.s32 $_size__tile_overlayer_lowered;
	s6 =	simm.s32 $_tile_overlayer_lowered  }
0x9b: {  	s22 =	simm.s32 $0x1BFF;
	s21 =	sshll.u32 s6, $0x1;
	s3 =	sadd.s32 s4, s19  }
0x9c: {  	s7 =	simm.s32 $0x0;
	s20 =	sshll.u32 s5, $0x1;
	s5 =	sadd.s32 s21, s3  }
0x9d: {  	[timem:s7], [sflag:s22] =	dma.local [hbm:s5], s20  }
0x9e: {  	_ =	swait.ge [sflag:s22], s20  }
0x9f: {  	s4 =	ssub.s32 $0x0, s20;
	[sflag:s22] =	ssyncset.done $0x0  }
0xa0: {  	[sflag:s22] =	ssyncadd.s32 s4;
	_ =	sdelay $0x1  }
0xa1: {  	s23 =	simm.s32 $0x1B8B  }
0xa2: {  	_ =	swait.ge [sflag:s23], $0x1  }
0xa3: {  	[sflag:s23] =	ssyncset.done $0x0  }
0xa4: {  	s25 =	simm.s32 $0x1B8E;
	s24 =	sld [smem:$0x3FFE];
	[sflag:s23] =	ssyncadd.s32 $0xFFFFFFFF  }
0xa5: {  	s26 =	simm.s32 $execute0_lowered;
	[smem:$0x3FD2] =	sst s25  }
0xa6: {  	s5 =	sshll.u32 s26, $0x1;
	_ =	strace $0x80000046;
	[dreg:$0x1] =	wrdreg $0xFFFFFFFF  }
0xa7: {  	s28 =	simm.s32 $_size_execute0_lowered;
	s3 =	sadd.s32 s3, s5;
	[dreg:$0x0] =	wrdreg $0x0  }
0xa8: {  	s5 =	sshll.u32 s28, $0x1;
	[dreg:$0x2] =	wrdreg s3  }
0xa9: {  	[dreg:$0x3] =	wrdreg s5  }
0xaa: {  	[dreg:$0x4] =	wrdreg $0xC0  }
0xab: {  	_ =	task [dreg:s7], $0x5FFFF  }
0xac: {  	[dreg:$0x1] =	wrdreg $0xFFFFFFFF  }
0xad: {  	[dreg:$0x0] =	wrdreg $0x60  }
0xae: {  	[dreg:$0x2] =	wrdreg s24  }
0xaf: {  	[dreg:$0x3] =	wrdreg s2  }
0xb0: {  	[dreg:$0x4] =	wrdreg $0x9  }
0xb1: {  	_ =	task.clear_ibuf [dreg:s7], $0x5FFFF;
	_ =	strace $0x90000046  }
0xb2: {  	s29 =	simm.s32 $0x9;
	_ =	strace $0x80000048  }
0xb3: {  	_ =	swait.ge [sflag:s29], $0x1  }
0xb4: {  	[sflag:s29] =	ssyncadd.s32 $0xFFFFFFFF  }
0xb5: {  	_ =	strace $0x90000048  }
0xb6: {  	_ =	sfence  }
0xb7: {  	s30 =	sld [smem:$0x0];
	_ =	sdelay $0x2  }
0xb8: {  	s31 =	sshll.u32 s1, $0xD;
	s1 =	sshrl.u32 s1, $0x2  }
0xb9: {  	s3 =	sand.u32 $0x4000, s31;
	s1 =	sadd.s32 s1, s30  }
0xba: {  	s0 =	sor.u32 s3, s0;
	s1 =	sshll.u32 s1, $0x11  }
0xbb: {  	s0 =	sor.u32 s1, s0  }
0xbc: {  	s0 =	sadd.s32 $0x8F2B, s0  }
0xbd: {  	[sflag:s0] =	ssyncadd.remote.s32 $0x1  }
0xbe: {  	_ =	sfence.sel $0xFFFF  }
0xbf: {  	[dreg:$0x0] =	wrdreg $0xFFFFFFFF;
	(pc) =	sbr.abs _section_cstart, $3  }
0xc0: {  	[dreg:$0x1] =	wrdreg $0xFFFFFFFF  }
0xc1: {  	_ =	task.clear_ibuf [dreg:s7], $0x2FFFF;
	_ =	strace $0x9FFFFFFF  }
0xc2: {  	(tm) =	ssettm $0x7FFFFFFF  }
0xc3: {  	_ =	shalt  }
tec
execute0_lowered:
.L_overlay_start_1:
0x0: {  	(tag) =	ssettag $0x1  }
0x1: {  	s3 =	rddreg [dreg:$0x0]  }
0x2: {  	s4 =	rddreg [dreg:$0x1];
	s2 =	simm.s32 $0x0  }
0x3: {  	s26 =	simm.s32 $0x100;
	[smem:$0x7FF] =	sst s2  }
0x4: {  	s7 =	simm.s32 $0x300;
	_ =	strace $0x80000047;
	[dreg:$0x11] =	wrdreg s26  }
0x5: {  	s0 =	srdreg.scid;
	s8 =	simm.s32 $0x380;
	[dreg:$0x15] =	wrdreg s7  }
0x6: {  	s17 =	stileid.u32;
	s9 =	simm.s32 $0x400;
	[dreg:$0x16] =	wrdreg s8  }
0x7: {  	s10 =	simm.s32 $0x480;
	s11 =	simm.s32 $0x500;
	[dreg:$0x17] =	wrdreg s9  }
0x8: {  	s1 =	sand.u32 $0x1, s0;
	s12 =	sshll.u32 s17, $0x1;
	[dreg:$0x18] =	wrdreg s10  }
0x9: {  	s0 =	sor.u32 s1, s12;
	[dreg:$0x19] =	wrdreg s11;
	s12 =	simm.s32 $0x580  }
0xa: {  	s26 =	simm.s32 $0xC00;
	[dreg:$0x1a] =	wrdreg s12  }
0xb: {  	s7 =	simm.s32 $0xE00;
	[smem:$0x7B4] =	sst s26  }
0xc: {  	s8 =	simm.s32 $0xE80;
	[smem:$0x7B8] =	sst s7  }
0xd: {  	s9 =	simm.s32 $0xF00;
	[smem:$0x7B9] =	sst s8  }
0xe: {  	s10 =	simm.s32 $0xF80;
	[smem:$0x7BA] =	sst s9  }
0xf: {  	s11 =	simm.s32 $0x1000;
	[smem:$0x7BB] =	sst s10  }
0x10: {  	[smem:$0x7BC] =	sst s11;
	s12 =	simm.s32 $0x1080  }
0x11: {  	s26 =	simm.s32 $0x1700;
	[smem:$0x7BD] =	sst s12  }
0x12: {  	s7 =	simm.s32 $0x1900;
	[smem:$0x7CA] =	sst s26  }
0x13: {  	s8 =	simm.s32 $0x1980;
	[smem:$0x7CE] =	sst s7  }
0x14: {  	s9 =	simm.s32 $0x1A00;
	[smem:$0x7CF] =	sst s8  }
0x15: {  	s10 =	simm.s32 $0x1A80;
	[smem:$0x7D0] =	sst s9  }
0x16: {  	s11 =	simm.s32 $0x1B00;
	[smem:$0x7D1] =	sst s10  }
0x17: {  	[smem:$0x7D2] =	sst s11;
	s12 =	simm.s32 $0x1B80  }
0x18: {  	s26 =	simm.s32 $0x2200;
	[smem:$0x7D3] =	sst s12  }
0x19: {  	s5 =	smul.u32 $0x680, s0;
	s7 =	simm.s32 $0x2400;
	[smem:$0x7E0] =	sst s26  }
0x1a: {  	s6 =	smul.u32 $0x34000, s0;
	s8 =	simm.s32 $0x2480;
	[smem:$0x7E4] =	sst s7  }
0x1b: {  	s0 =	smul.u32 $0x6800, s0;
	s9 =	simm.s32 $0x2500;
	[smem:$0x7E5] =	sst s8  }
0x1c: {  	s11 =	simm.s32 $0x2580;
	[smem:$0x7E6] =	sst s9  }
0x1d: {  	s0 =	sadd.s32 s4, s0;
	[smem:$0x7E7] =	sst s11  }
0x1e: {  	s12 =	simm.s32 $0x2600;
	[dreg:$0x4] =	wrdreg s0  }
0x1f: {  	s26 =	simm.s32 $0x2C80;
	[smem:$0x7E8] =	sst s12  }
0x20: {  	s5 =	sadd.s32 s5, s3;
	s7 =	simm.s32 $0x2D80;
	[smem:$0x7F5] =	sst s26  }
0x21: {  	s6 =	sshrl.u32 s6, $0x3;
	s5 =	sadd.s32 $0x800, s5;
	[smem:$0x7F7] =	sst s7  }
0x22: {  	s4 =	sadd.s32 s4, s6;
	s6 =	simm.s32 $0x280;
	[dreg:$0x3] =	wrdreg s5  }
0x23: {  	s13 =	sadd.s32 $0x800, s4;
	[dreg:$0x14] =	wrdreg s6  }
0x24: {  	s14 =	sadd.s32 $0x1000, s4;
	[dreg:$0x5] =	wrdreg s13  }
0x25: {  	s15 =	sadd.s32 $0x1800, s4;
	[dreg:$0x6] =	wrdreg s14  }
0x26: {  	s16 =	sadd.s32 $0x2000, s4;
	[dreg:$0x7] =	wrdreg s15  }
0x27: {  	s18 =	sadd.s32 $0x2800, s4;
	[dreg:$0x8] =	wrdreg s16  }
0x28: {  	s19 =	sadd.s32 $0x3000, s4;
	[dreg:$0x9] =	wrdreg s18  }
0x29: {  	s20 =	sadd.s32 $0x3800, s4;
	[dreg:$0xa] =	wrdreg s19  }
0x2a: {  	s21 =	sadd.s32 $0x4000, s4;
	[dreg:$0xb] =	wrdreg s20  }
0x2b: {  	s22 =	sadd.s32 $0x4800, s4;
	[dreg:$0xc] =	wrdreg s21  }
0x2c: {  	s23 =	sadd.s32 $0x5000, s4;
	[dreg:$0xd] =	wrdreg s22  }
0x2d: {  	s24 =	sadd.s32 $0x5800, s4;
	[dreg:$0xe] =	wrdreg s23  }
0x2e: {  	s25 =	sadd.s32 $0x6000, s4;
	[dreg:$0xf] =	wrdreg s24  }
0x2f: {  	s4 =	simm.s32 $0x180;
	[dreg:$0x10] =	wrdreg s25  }
0x30: {  	s5 =	simm.s32 $0x200;
	[dreg:$0x12] =	wrdreg s4  }
0x31: {  	s6 =	simm.s32 $0xD80;
	[dreg:$0x13] =	wrdreg s5  }
0x32: {  	[smem:$0x7B7] =	sst s6  }
0x33: {  	s13 =	simm.s32 $0x600;
	s0 =	rddreg [dreg:$0x3]  }
0x34: {  	s14 =	simm.s32 $0x680;
	[dreg:$0x1b] =	wrdreg s13  }
0x35: {  	s15 =	simm.s32 $0x700;
	[dreg:$0x1c] =	wrdreg s14  }
0x36: {  	s16 =	simm.s32 $0x780;
	[dreg:$0x1d] =	wrdreg s15  }
0x37: {  	s18 =	simm.s32 $0x800;
	[dreg:$0x1e] =	wrdreg s16  }
0x38: {  	s19 =	simm.s32 $0x880;
	[dreg:$0x1f] =	wrdreg s18  }
0x39: {  	s20 =	simm.s32 $0x900;
	[smem:$0x7AD] =	sst s19  }
0x3a: {  	s21 =	simm.s32 $0x980;
	[smem:$0x7AE] =	sst s20  }
0x3b: {  	s22 =	simm.s32 $0xA00;
	[smem:$0x7AF] =	sst s21  }
0x3c: {  	s23 =	simm.s32 $0xA80;
	[smem:$0x7B0] =	sst s22  }
0x3d: {  	s24 =	simm.s32 $0xB00;
	[smem:$0x7B1] =	sst s23  }
0x3e: {  	s25 =	simm.s32 $0xB80;
	[smem:$0x7B2] =	sst s24  }
0x3f: {  	s4 =	simm.s32 $0xC80;
	[smem:$0x7B3] =	sst s25  }
0x40: {  	s5 =	simm.s32 $0xD00;
	[smem:$0x7B5] =	sst s4  }
0x41: {  	s6 =	simm.s32 $0x1880;
	[smem:$0x7B6] =	sst s5  }
0x42: {  	s13 =	simm.s32 $0x1100;
	[smem:$0x7CD] =	sst s6  }
0x43: {  	s14 =	simm.s32 $0x1180;
	[smem:$0x7BE] =	sst s13  }
0x44: {  	s15 =	simm.s32 $0x1200;
	[smem:$0x7BF] =	sst s14  }
0x45: {  	s16 =	simm.s32 $0x1280;
	[smem:$0x7C0] =	sst s15  }
0x46: {  	s18 =	simm.s32 $0x1300;
	[smem:$0x7C1] =	sst s16  }
0x47: {  	s19 =	simm.s32 $0x1380;
	[smem:$0x7C2] =	sst s18  }
0x48: {  	s20 =	simm.s32 $0x1400;
	[smem:$0x7C3] =	sst s19  }
0x49: {  	s21 =	simm.s32 $0x1480;
	[smem:$0x7C4] =	sst s20  }
0x4a: {  	s22 =	simm.s32 $0x1500;
	[smem:$0x7C5] =	sst s21  }
0x4b: {  	s23 =	simm.s32 $0x1580;
	[smem:$0x7C6] =	sst s22  }
0x4c: {  	s24 =	simm.s32 $0x1600;
	[smem:$0x7C7] =	sst s23  }
0x4d: {  	s25 =	simm.s32 $0x1680;
	[smem:$0x7C8] =	sst s24  }
0x4e: {  	s4 =	simm.s32 $0x1780;
	[smem:$0x7C9] =	sst s25  }
0x4f: {  	s5 =	simm.s32 $0x1800;
	[smem:$0x7CB] =	sst s4  }
0x50: {  	s6 =	simm.s32 $0x2380;
	[smem:$0x7CC] =	sst s5  }
0x51: {  	s13 =	simm.s32 $0x1C00;
	[smem:$0x7E3] =	sst s6  }
0x52: {  	s14 =	simm.s32 $0x1C80;
	[smem:$0x7D4] =	sst s13  }
0x53: {  	s15 =	simm.s32 $0x1D00;
	[smem:$0x7D5] =	sst s14  }
0x54: {  	s16 =	simm.s32 $0x1D80;
	[smem:$0x7D6] =	sst s15  }
0x55: {  	s18 =	simm.s32 $0x1E00;
	[smem:$0x7D7] =	sst s16  }
0x56: {  	s19 =	simm.s32 $0x1E80;
	[smem:$0x7D8] =	sst s18  }
0x57: {  	s31 =	simm.s32 $0x4;
	s20 =	simm.s32 $0x1F00;
	[smem:$0x7D9] =	sst s19  }
0x58: {  	s28 =	simm.s32 $0x9C00;
	s21 =	simm.s32 $0x1F80;
	[smem:$0x7DA] =	sst s20  }
0x59: {  	s29 =	simm.s32 $0xA400;
	s22 =	simm.s32 $0x2000;
	[smem:$0x7DB] =	sst s21  }
0x5a: {  	s30 =	simm.s32 $0xAC00;
	s23 =	simm.s32 $0x2080;
	[smem:$0x7DC] =	sst s22  }
0x5b: {  	p0 =	por $0x0, $0x0;
	s24 =	simm.s32 $0x2100;
	[smem:$0x7DD] =	sst s23  }
0x5c: {  	s1 =	ssub.s32 $0x2, s1;
	s25 =	simm.s32 $0x2180;
	[smem:$0x7DE] =	sst s24  }
0x5d: {  	s10 =	sshrl.u32 s1, $0x1;
	s4 =	simm.s32 $0x2280;
	[smem:$0x7DF] =	sst s25  }
0x5e: {  	s1 =	ssub.s32 s1, s10;
	s5 =	simm.s32 $0x2300;
	[smem:$0x7E1] =	sst s4  }
0x5f: {  	s9 =	simm.s32 $0x3C00;
	[smem:$0x7E2] =	sst s5;
	s13 =	simm.s32 $0x2680  }
0x60: {  	s10 =	simm.s32 $0x4400;
	s14 =	simm.s32 $0x2700;
	[smem:$0x7E9] =	sst s13  }
0x61: {  	s11 =	simm.s32 $0x4C00;
	s15 =	simm.s32 $0x2780;
	[smem:$0x7EA] =	sst s14  }
0x62: {  	s8 =	simm.s32 $0x7400;
	s16 =	simm.s32 $0x2800;
	[smem:$0x7EB] =	sst s15  }
0x63: {  	s1 =	smax.u32 s1, $0x1;
	s18 =	simm.s32 $0x2880;
	[smem:$0x7EC] =	sst s16  }
0x64: {  	s12 =	simm.s32 $0x5400;
	s19 =	simm.s32 $0x2900;
	[smem:$0x7ED] =	sst s18  }
0x65: {  	s26 =	simm.s32 $0x9400;
	s20 =	simm.s32 $0x2980;
	[smem:$0x7EE] =	sst s19  }
0x66: {  	s7 =	simm.s32 $0x1;
	s21 =	simm.s32 $0x2A00;
	[smem:$0x7EF] =	sst s20  }
0x67: {  	p1 =	sne.s32 s1, $0x1;
	s22 =	simm.s32 $0x2A80;
	[smem:$0x7F0] =	sst s21  }
0x68: {  	s1 =	sadd.s32 $0xFFFFFFFF, s1;
	s23 =	simm.s32 $0x2B00;
	[smem:$0x7F1] =	sst s22  }
0x69: {  	s6 =	simm.s32 $0x80;
	s24 =	simm.s32 $0x2B80;
	[smem:$0x7F2] =	sst s23  }
0x6a: {  	s4 =	sadd.s32 $0x27ACC00, s3;
	s25 =	simm.s32 $0x2C00;
	[smem:$0x7F3] =	sst s24  }
0x6b: {  	s3 =	simm.s32 $0x3400;
	s5 =	simm.s32 $0x2D00;
	[smem:$0x7F4] =	sst s25  }
0x6c: {  	s13 =	simm.s32 $0x5C00;
	[smem:$0x7F6] =	sst s5;
	s16 =	simm.s32 $0x2E00  }
0x6d: {  	s14 =	simm.s32 $0x6400;
	s18 =	simm.s32 $0x2E80;
	[smem:$0x7F8] =	sst s16  }
0x6e: {  	s15 =	simm.s32 $0x6C00;
	s19 =	simm.s32 $0x2F00;
	[smem:$0x7F9] =	sst s18  }
0x6f: {  	s23 =	simm.s32 $0x7C00;
	s20 =	simm.s32 $0x2F80;
	[smem:$0x7FA] =	sst s19  }
.Ltmp0:
0x70: {  	s21 =	simm.s32 $0x3000;
	[smem:$0x7FB] =	sst s20;
	(pc) =	sbr.rel @!p1 .LBB2_1-.Ltmp0, $4  }
0x71: {  	s24 =	simm.s32 $0x8400;
	s22 =	simm.s32 $0x3080;
	[smem:$0x7FC] =	sst s21  }
0x72: {  	s25 =	simm.s32 $0x8C00;
	s5 =	simm.s32 $0x3;
	[smem:$0x7FD] =	sst s22  }
0x73: {  	s16 =	simm.s32 $0x2;
	s19 =	simm.s32 $0x3180;
	s20 =	simm.s32 $0x3200  }
0x74: {  	s21 =	simm.s32 $0x3280;
	s22 =	simm.s32 $0x3300;
	s18 =	simm.s32 $0x3380  }
0x75: {  	[tilespmem:s2], [sflag:$0x4] =	stream.linear.gather [hbm4b:s0+s2], $0x3400, $0x38;
	[tilespmem:$0xB400] =	vst v63  }
0x76: {  	_ =	swait.ge [sflag:s31], $0x3400  }
0x77: {  	[sflag:s31] =	ssyncset.done $0x0  }
0x78: {  	[sflag:s31] =	ssyncadd.s32 $0xFFFFCC00  }
0x79: {  	[tilespmem:s3], [sflag:$0x1] =	stream.indirect.gather [hbm4b:s4+s6], $0x10, s2, s6, $0xb8;
	[tilespmem:$0xB400] =	vst v63  }
0x7a: {  	_ = 	snop  }
0x7b: {  	[tilespmem:s9], [sflag:$0x1] =	stream.indirect.gather [hbm4b:s4+s6], $0x10, s6, s6, $0xb8;
	[tilespmem:$0xB400] =	vst v63  }
0x7c: {  	s0 =	rddreg [dreg:$0x11]  }
0x7d: {  	[tilespmem:s10], [sflag:$0x1] =	stream.indirect.gather [hbm4b:s4+s6], $0x10, s0, s6, $0xb8;
	[tilespmem:$0xB400] =	vst v63  }
0x7e: {  	s17 =	smov.u32 s1;
	s1 =	rddreg [dreg:$0x12]  }
0x7f: {  	[tilespmem:s11], [sflag:$0x1] =	stream.indirect.gather [hbm4b:s4+s6], $0x10, s1, s6, $0xb8;
	[tilespmem:$0xB400] =	vst v63  }
0x80: {  	s0 =	rddreg [dreg:$0x13]  }
0x81: {  	[tilespmem:s12], [sflag:$0x1] =	stream.indirect.gather [hbm4b:s4+s6], $0x10, s0, s6, $0xb8;
	[tilespmem:$0xB400] =	vst v63  }
0x82: {  	s1 =	rddreg [dreg:$0x14]  }
0x83: {  	[tilespmem:s13], [sflag:$0x1] =	stream.indirect.gather [hbm4b:s4+s6], $0x10, s1, s6, $0xb8;
	[tilespmem:$0xB400] =	vst v63  }
0x84: {  	s0 =	rddreg [dreg:$0x15]  }
0x85: {  	[tilespmem:s14], [sflag:$0x1] =	stream.indirect.gather [hbm4b:s4+s6], $0x10, s0, s6, $0xb8;
	[tilespmem:$0xB400] =	vst v63  }
0x86: {  	s1 =	rddreg [dreg:$0x16]  }
0x87: {  	[tilespmem:s15], [sflag:$0x1] =	stream.indirect.gather [hbm4b:s4+s6], $0x10, s1, s6, $0xb8;
	[tilespmem:$0xB400] =	vst v63  }
0x88: {  	s0 =	rddreg [dreg:$0x17]  }
0x89: {  	[tilespmem:s8], [sflag:$0x2] =	stream.indirect.gather [hbm4b:s4+s6], $0x10, s0, s6, $0xb8;
	[tilespmem:$0xB400] =	vst v63  }
0x8a: {  	s1 =	rddreg [dreg:$0x18]  }
0x8b: {  	[tilespmem:s23], [sflag:$0x2] =	stream.indirect.gather [hbm4b:s4+s6], $0x10, s1, s6, $0xb8;
	[tilespmem:$0xB400] =	vst v63  }
0x8c: {  	s0 =	rddreg [dreg:$0x19]  }
0x8d: {  	[tilespmem:s24], [sflag:$0x2] =	stream.indirect.gather [hbm4b:s4+s6], $0x10, s0, s6, $0xb8;
	[tilespmem:$0xB400] =	vst v63  }
0x8e: {  	s1 =	rddreg [dreg:$0x1a]  }
0x8f: {  	[tilespmem:s25], [sflag:$0x2] =	stream.indirect.gather [hbm4b:s4+s6], $0x10, s1, s6, $0xb8;
	[tilespmem:$0xB400] =	vst v63  }
0x90: {  	s0 =	rddreg [dreg:$0x1b]  }
0x91: {  	[tilespmem:s26], [sflag:$0x2] =	stream.indirect.gather [hbm4b:s4+s6], $0x10, s0, s6, $0xb8;
	[tilespmem:$0xB400] =	vst v63  }
0x92: {  	s1 =	rddreg [dreg:$0x1c]  }
0x93: {  	[tilespmem:s28], [sflag:$0x2] =	stream.indirect.gather [hbm4b:s4+s6], $0x10, s1, s6, $0xb8;
	[tilespmem:$0xB400] =	vst v63  }
0x94: {  	s0 =	rddreg [dreg:$0x1d]  }
0x95: {  	[tilespmem:s29], [sflag:$0x2] =	stream.indirect.gather [hbm4b:s4+s6], $0x10, s0, s6, $0xb8;
	[tilespmem:$0xB400] =	vst v63  }
0x96: {  	s1 =	rddreg [dreg:$0x1e]  }
0x97: {  	[tilespmem:s30], [sflag:$0x2] =	stream.indirect.gather [hbm4b:s4+s6], $0x10, s1, s6, $0xb8;
	[tilespmem:$0xB400] =	vst v63  }
0x98: {  	_ =	swait.ge [sflag:s7], $0x800  }
0x99: {  	[sflag:s7] =	ssyncset.done $0x0  }
0x9a: {  	[sflag:s7] =	ssyncadd.s32 $0xFFFFF800  }
0x9b: {  	_ =	swait.ge [sflag:s7], $0x800  }
0x9c: {  	[sflag:s7] =	ssyncset.done $0x0  }
0x9d: {  	[sflag:s7] =	ssyncadd.s32 $0xFFFFF800  }
0x9e: {  	_ =	swait.ge [sflag:s7], $0x800  }
0x9f: {  	[sflag:s7] =	ssyncset.done $0x0  }
0xa0: {  	[sflag:s7] =	ssyncadd.s32 $0xFFFFF800  }
0xa1: {  	_ =	swait.ge [sflag:s7], $0x800  }
0xa2: {  	[sflag:s7] =	ssyncset.done $0x0  }
0xa3: {  	[sflag:s7] =	ssyncadd.s32 $0xFFFFF800  }
0xa4: {  	_ =	swait.ge [sflag:s7], $0x800  }
0xa5: {  	[sflag:s7] =	ssyncset.done $0x0  }
0xa6: {  	[sflag:s7] =	ssyncadd.s32 $0xFFFFF800  }
0xa7: {  	_ =	swait.ge [sflag:s7], $0x800  }
0xa8: {  	[sflag:s7] =	ssyncset.done $0x0  }
0xa9: {  	[sflag:s7] =	ssyncadd.s32 $0xFFFFF800  }
0xaa: {  	_ =	swait.ge [sflag:s7], $0x800  }
0xab: {  	[sflag:s7] =	ssyncset.done $0x0  }
0xac: {  	[sflag:s7] =	ssyncadd.s32 $0xFFFFF800  }
0xad: {  	_ =	swait.ge [sflag:s7], $0x800  }
0xae: {  	[sflag:s7] =	ssyncset.done $0x0  }
0xaf: {  	s1 =	rddreg [dreg:$0x4];
	[sflag:s7] =	ssyncadd.s32 $0xFFFFF800  }
0xb0: {  	[hbm4b:s1+s2] =	stream.linear.scatter [tilespmem:s3], [sflag:$0x3], $0x4000, $0x38;
	[tilespmem:$0xB400] =	vst v63  }
0xb1: {  	_ =	swait.ge [sflag:s5], $0x4000  }
0xb2: {  	s0 =	rddreg [dreg:$0x1f];
	[sflag:s5] =	ssyncset.done $0x0  }
0xb3: {  	s1 =	sld [smem:$0x7AD];
	[sflag:s5] =	ssyncadd.s32 $0xFFFFC000  }
0xb4: {  	[tilespmem:s3], [sflag:$0x1] =	stream.indirect.gather [hbm4b:s4+s6], $0x10, s0, s6, $0xb8;
	[tilespmem:$0xB400] =	vst v63  }
0xb5: {  	s0 =	sld [smem:$0x7AE]  }
0xb6: {  	[tilespmem:s9], [sflag:$0x1] =	stream.indirect.gather [hbm4b:s4+s6], $0x10, s1, s6, $0xb8;
	[tilespmem:$0xB400] =	vst v63  }
0xb7: {  	s1 =	sld [smem:$0x7AF]  }
0xb8: {  	[tilespmem:s10], [sflag:$0x1] =	stream.indirect.gather [hbm4b:s4+s6], $0x10, s0, s6, $0xb8;
	[tilespmem:$0xB400] =	vst v63  }
0xb9: {  	s0 =	sld [smem:$0x7B0]  }
0xba: {  	[tilespmem:s11], [sflag:$0x1] =	stream.indirect.gather [hbm4b:s4+s6], $0x10, s1, s6, $0xb8;
	[tilespmem:$0xB400] =	vst v63  }
0xbb: {  	s1 =	sld [smem:$0x7B1]  }
0xbc: {  	[tilespmem:s12], [sflag:$0x1] =	stream.indirect.gather [hbm4b:s4+s6], $0x10, s0, s6, $0xb8;
	[tilespmem:$0xB400] =	vst v63  }
0xbd: {  	s0 =	sld [smem:$0x7B2]  }
0xbe: {  	[tilespmem:s13], [sflag:$0x1] =	stream.indirect.gather [hbm4b:s4+s6], $0x10, s1, s6, $0xb8;
	[tilespmem:$0xB400] =	vst v63  }
0xbf: {  	s1 =	sld [smem:$0x7B3]  }
0xc0: {  	[tilespmem:s14], [sflag:$0x1] =	stream.indirect.gather [hbm4b:s4+s6], $0x10, s0, s6, $0xb8;
	[tilespmem:$0xB400] =	vst v63  }
0xc1: {  	_ = 	snop  }
0xc2: {  	[tilespmem:s15], [sflag:$0x1] =	stream.indirect.gather [hbm4b:s4+s6], $0x10, s1, s6, $0xb8;
	[tilespmem:$0xB400] =	vst v63  }
0xc3: {  	_ =	swait.ge [sflag:s16], $0x800  }
0xc4: {  	[sflag:s16] =	ssyncset.done $0x0  }
0xc5: {  	[sflag:s16] =	ssyncadd.s32 $0xFFFFF800  }
0xc6: {  	_ =	swait.ge [sflag:s16], $0x800  }
0xc7: {  	[sflag:s16] =	ssyncset.done $0x0  }
0xc8: {  	[sflag:s16] =	ssyncadd.s32 $0xFFFFF800  }
0xc9: {  	_ =	swait.ge [sflag:s16], $0x800  }
0xca: {  	[sflag:s16] =	ssyncset.done $0x0  }
0xcb: {  	[sflag:s16] =	ssyncadd.s32 $0xFFFFF800  }
0xcc: {  	_ =	swait.ge [sflag:s16], $0x800  }
0xcd: {  	[sflag:s16] =	ssyncset.done $0x0  }
0xce: {  	[sflag:s16] =	ssyncadd.s32 $0xFFFFF800  }
0xcf: {  	_ =	swait.ge [sflag:s16], $0x800  }
0xd0: {  	[sflag:s16] =	ssyncset.done $0x0  }
0xd1: {  	[sflag:s16] =	ssyncadd.s32 $0xFFFFF800  }
0xd2: {  	_ =	swait.ge [sflag:s16], $0x800  }
0xd3: {  	[sflag:s16] =	ssyncset.done $0x0  }
0xd4: {  	[sflag:s16] =	ssyncadd.s32 $0xFFFFF800  }
0xd5: {  	_ =	swait.ge [sflag:s16], $0x800  }
0xd6: {  	[sflag:s16] =	ssyncset.done $0x0  }
0xd7: {  	[sflag:s16] =	ssyncadd.s32 $0xFFFFF800  }
0xd8: {  	_ =	swait.ge [sflag:s16], $0x800  }
0xd9: {  	[sflag:s16] =	ssyncset.done $0x0  }
0xda: {  	s1 =	rddreg [dreg:$0x5];
	[sflag:s16] =	ssyncadd.s32 $0xFFFFF800  }
0xdb: {  	[hbm4b:s1+s2] =	stream.linear.scatter [tilespmem:s8], [sflag:$0x3], $0x4000, $0x38;
	[tilespmem:$0xB400] =	vst v63  }
0xdc: {  	_ =	swait.ge [sflag:s5], $0x4000  }
0xdd: {  	s0 =	sld [smem:$0x7B4]  }
0xde: {  	[sflag:s5] =	ssyncset.done $0x0  }
0xdf: {  	s1 =	sld [smem:$0x7B5];
	[sflag:s5] =	ssyncadd.s32 $0xFFFFC000  }
0xe0: {  	[tilespmem:s8], [sflag:$0x2] =	stream.indirect.gather [hbm4b:s4+s6], $0x10, s0, s6, $0xb8;
	[tilespmem:$0xB400] =	vst v63  }
0xe1: {  	s0 =	sld [smem:$0x7B6]  }
0xe2: {  	[tilespmem:s23], [sflag:$0x2] =	stream.indirect.gather [hbm4b:s4+s6], $0x10, s1, s6, $0xb8;
	[tilespmem:$0xB400] =	vst v63  }
0xe3: {  	s1 =	sld [smem:$0x7B7]  }
0xe4: {  	[tilespmem:s24], [sflag:$0x2] =	stream.indirect.gather [hbm4b:s4+s6], $0x10, s0, s6, $0xb8;
	[tilespmem:$0xB400] =	vst v63  }
0xe5: {  	s0 =	sld [smem:$0x7B8]  }
0xe6: {  	[tilespmem:s25], [sflag:$0x2] =	stream.indirect.gather [hbm4b:s4+s6], $0x10, s1, s6, $0xb8;
	[tilespmem:$0xB400] =	vst v63  }
0xe7: {  	s1 =	sld [smem:$0x7B9]  }
0xe8: {  	[tilespmem:s26], [sflag:$0x2] =	stream.indirect.gather [hbm4b:s4+s6], $0x10, s0, s6, $0xb8;
	[tilespmem:$0xB400] =	vst v63  }
0xe9: {  	s0 =	sld [smem:$0x7BA]  }
0xea: {  	[tilespmem:s28], [sflag:$0x2] =	stream.indirect.gather [hbm4b:s4+s6], $0x10, s1, s6, $0xb8;
	[tilespmem:$0xB400] =	vst v63  }
0xeb: {  	s1 =	sld [smem:$0x7BB]  }
0xec: {  	[tilespmem:s29], [sflag:$0x2] =	stream.indirect.gather [hbm4b:s4+s6], $0x10, s0, s6, $0xb8;
	[tilespmem:$0xB400] =	vst v63  }
0xed: {  	_ = 	snop  }
0xee: {  	[tilespmem:s30], [sflag:$0x2] =	stream.indirect.gather [hbm4b:s4+s6], $0x10, s1, s6, $0xb8;
	[tilespmem:$0xB400] =	vst v63  }
0xef: {  	_ =	swait.ge [sflag:s7], $0x800  }
0xf0: {  	[sflag:s7] =	ssyncset.done $0x0  }
0xf1: {  	[sflag:s7] =	ssyncadd.s32 $0xFFFFF800  }
0xf2: {  	_ =	swait.ge [sflag:s7], $0x800  }
0xf3: {  	[sflag:s7] =	ssyncset.done $0x0  }
0xf4: {  	[sflag:s7] =	ssyncadd.s32 $0xFFFFF800  }
0xf5: {  	_ =	swait.ge [sflag:s7], $0x800  }
0xf6: {  	[sflag:s7] =	ssyncset.done $0x0  }
0xf7: {  	[sflag:s7] =	ssyncadd.s32 $0xFFFFF800  }
0xf8: {  	_ =	swait.ge [sflag:s7], $0x800  }
0xf9: {  	[sflag:s7] =	ssyncset.done $0x0  }
0xfa: {  	[sflag:s7] =	ssyncadd.s32 $0xFFFFF800  }
0xfb: {  	_ =	swait.ge [sflag:s7], $0x800  }
0xfc: {  	[sflag:s7] =	ssyncset.done $0x0  }
0xfd: {  	[sflag:s7] =	ssyncadd.s32 $0xFFFFF800  }
0xfe: {  	_ =	swait.ge [sflag:s7], $0x800  }
0xff: {  	[sflag:s7] =	ssyncset.done $0x0  }
0x100: {  	[sflag:s7] =	ssyncadd.s32 $0xFFFFF800  }
0x101: {  	_ =	swait.ge [sflag:s7], $0x800  }
0x102: {  	[sflag:s7] =	ssyncset.done $0x0  }
0x103: {  	[sflag:s7] =	ssyncadd.s32 $0xFFFFF800  }
0x104: {  	_ =	swait.ge [sflag:s7], $0x800  }
0x105: {  	[sflag:s7] =	ssyncset.done $0x0  }
0x106: {  	s1 =	rddreg [dreg:$0x6];
	[sflag:s7] =	ssyncadd.s32 $0xFFFFF800  }
0x107: {  	[hbm4b:s1+s2] =	stream.linear.scatter [tilespmem:s3], [sflag:$0x3], $0x4000, $0x38;
	[tilespmem:$0xB400] =	vst v63  }
0x108: {  	_ =	swait.ge [sflag:s5], $0x4000  }
0x109: {  	s0 =	sld [smem:$0x7BC]  }
0x10a: {  	[sflag:s5] =	ssyncset.done $0x0  }
0x10b: {  	s1 =	sld [smem:$0x7BD];
	[sflag:s5] =	ssyncadd.s32 $0xFFFFC000  }
0x10c: {  	[tilespmem:s3], [sflag:$0x1] =	stream.indirect.gather [hbm4b:s4+s6], $0x10, s0, s6, $0xb8;
	[tilespmem:$0xB400] =	vst v63  }
0x10d: {  	s0 =	sld [smem:$0x7BE]  }
0x10e: {  	[tilespmem:s9], [sflag:$0x1] =	stream.indirect.gather [hbm4b:s4+s6], $0x10, s1, s6, $0xb8;
	[tilespmem:$0xB400] =	vst v63  }
0x10f: {  	s1 =	sld [smem:$0x7BF]  }
0x110: {  	[tilespmem:s10], [sflag:$0x1] =	stream.indirect.gather [hbm4b:s4+s6], $0x10, s0, s6, $0xb8;
	[tilespmem:$0xB400] =	vst v63  }
0x111: {  	s0 =	sld [smem:$0x7C0]  }
0x112: {  	[tilespmem:s11], [sflag:$0x1] =	stream.indirect.gather [hbm4b:s4+s6], $0x10, s1, s6, $0xb8;
	[tilespmem:$0xB400] =	vst v63  }
0x113: {  	s1 =	sld [smem:$0x7C1]  }
0x114: {  	[tilespmem:s12], [sflag:$0x1] =	stream.indirect.gather [hbm4b:s4+s6], $0x10, s0, s6, $0xb8;
	[tilespmem:$0xB400] =	vst v63  }
0x115: {  	s0 =	sld [smem:$0x7C2]  }
0x116: {  	[tilespmem:s13], [sflag:$0x1] =	stream.indirect.gather [hbm4b:s4+s6], $0x10, s1, s6, $0xb8;
	[tilespmem:$0xB400] =	vst v63  }
0x117: {  	s1 =	sld [smem:$0x7C3]  }
0x118: {  	[tilespmem:s14], [sflag:$0x1] =	stream.indirect.gather [hbm4b:s4+s6], $0x10, s0, s6, $0xb8;
	[tilespmem:$0xB400] =	vst v63  }
0x119: {  	_ = 	snop  }
0x11a: {  	[tilespmem:s15], [sflag:$0x1] =	stream.indirect.gather [hbm4b:s4+s6], $0x10, s1, s6, $0xb8;
	[tilespmem:$0xB400] =	vst v63  }
0x11b: {  	_ =	swait.ge [sflag:s16], $0x800  }
0x11c: {  	[sflag:s16] =	ssyncset.done $0x0  }
0x11d: {  	[sflag:s16] =	ssyncadd.s32 $0xFFFFF800  }
0x11e: {  	_ =	swait.ge [sflag:s16], $0x800  }
0x11f: {  	[sflag:s16] =	ssyncset.done $0x0  }
0x120: {  	[sflag:s16] =	ssyncadd.s32 $0xFFFFF800  }
0x121: {  	_ =	swait.ge [sflag:s16], $0x800  }
0x122: {  	[sflag:s16] =	ssyncset.done $0x0  }
0x123: {  	[sflag:s16] =	ssyncadd.s32 $0xFFFFF800  }
0x124: {  	_ =	swait.ge [sflag:s16], $0x800  }
0x125: {  	[sflag:s16] =	ssyncset.done $0x0  }
0x126: {  	[sflag:s16] =	ssyncadd.s32 $0xFFFFF800  }
0x127: {  	_ =	swait.ge [sflag:s16], $0x800  }
0x128: {  	[sflag:s16] =	ssyncset.done $0x0  }
0x129: {  	[sflag:s16] =	ssyncadd.s32 $0xFFFFF800  }
0x12a: {  	_ =	swait.ge [sflag:s16], $0x800  }
0x12b: {  	[sflag:s16] =	ssyncset.done $0x0  }
0x12c: {  	[sflag:s16] =	ssyncadd.s32 $0xFFFFF800  }
0x12d: {  	_ =	swait.ge [sflag:s16], $0x800  }
0x12e: {  	[sflag:s16] =	ssyncset.done $0x0  }
0x12f: {  	[sflag:s16] =	ssyncadd.s32 $0xFFFFF800  }
0x130: {  	_ =	swait.ge [sflag:s16], $0x800  }
0x131: {  	[sflag:s16] =	ssyncset.done $0x0  }
0x132: {  	s1 =	rddreg [dreg:$0x7];
	[sflag:s16] =	ssyncadd.s32 $0xFFFFF800  }
0x133: {  	[hbm4b:s1+s2] =	stream.linear.scatter [tilespmem:s8], [sflag:$0x3], $0x4000, $0x38;
	[tilespmem:$0xB400] =	vst v63  }
0x134: {  	_ =	swait.ge [sflag:s5], $0x4000  }
0x135: {  	s0 =	sld [smem:$0x7C4]  }
0x136: {  	[sflag:s5] =	ssyncset.done $0x0  }
0x137: {  	s1 =	sld [smem:$0x7C5];
	[sflag:s5] =	ssyncadd.s32 $0xFFFFC000  }
0x138: {  	[tilespmem:s8], [sflag:$0x2] =	stream.indirect.gather [hbm4b:s4+s6], $0x10, s0, s6, $0xb8;
	[tilespmem:$0xB400] =	vst v63  }
0x139: {  	s0 =	sld [smem:$0x7C6]  }
0x13a: {  	[tilespmem:s23], [sflag:$0x2] =	stream.indirect.gather [hbm4b:s4+s6], $0x10, s1, s6, $0xb8;
	[tilespmem:$0xB400] =	vst v63  }
0x13b: {  	s1 =	sld [smem:$0x7C7]  }
0x13c: {  	[tilespmem:s24], [sflag:$0x2] =	stream.indirect.gather [hbm4b:s4+s6], $0x10, s0, s6, $0xb8;
	[tilespmem:$0xB400] =	vst v63  }
0x13d: {  	s0 =	sld [smem:$0x7C8]  }
0x13e: {  	[tilespmem:s25], [sflag:$0x2] =	stream.indirect.gather [hbm4b:s4+s6], $0x10, s1, s6, $0xb8;
	[tilespmem:$0xB400] =	vst v63  }
0x13f: {  	s1 =	sld [smem:$0x7C9]  }
0x140: {  	[tilespmem:s26], [sflag:$0x2] =	stream.indirect.gather [hbm4b:s4+s6], $0x10, s0, s6, $0xb8;
	[tilespmem:$0xB400] =	vst v63  }
0x141: {  	s0 =	sld [smem:$0x7CA]  }
0x142: {  	[tilespmem:s28], [sflag:$0x2] =	stream.indirect.gather [hbm4b:s4+s6], $0x10, s1, s6, $0xb8;
	[tilespmem:$0xB400] =	vst v63  }
0x143: {  	s1 =	sld [smem:$0x7CB]  }
0x144: {  	[tilespmem:s29], [sflag:$0x2] =	stream.indirect.gather [hbm4b:s4+s6], $0x10, s0, s6, $0xb8;
	[tilespmem:$0xB400] =	vst v63  }
0x145: {  	_ = 	snop  }
0x146: {  	[tilespmem:s30], [sflag:$0x2] =	stream.indirect.gather [hbm4b:s4+s6], $0x10, s1, s6, $0xb8;
	[tilespmem:$0xB400] =	vst v63  }
0x147: {  	_ =	swait.ge [sflag:s7], $0x800  }
0x148: {  	[sflag:s7] =	ssyncset.done $0x0  }
0x149: {  	[sflag:s7] =	ssyncadd.s32 $0xFFFFF800  }
0x14a: {  	_ =	swait.ge [sflag:s7], $0x800  }
0x14b: {  	[sflag:s7] =	ssyncset.done $0x0  }
0x14c: {  	[sflag:s7] =	ssyncadd.s32 $0xFFFFF800  }
0x14d: {  	_ =	swait.ge [sflag:s7], $0x800  }
0x14e: {  	[sflag:s7] =	ssyncset.done $0x0  }
0x14f: {  	[sflag:s7] =	ssyncadd.s32 $0xFFFFF800  }
0x150: {  	_ =	swait.ge [sflag:s7], $0x800  }
0x151: {  	[sflag:s7] =	ssyncset.done $0x0  }
0x152: {  	[sflag:s7] =	ssyncadd.s32 $0xFFFFF800  }
0x153: {  	_ =	swait.ge [sflag:s7], $0x800  }
0x154: {  	[sflag:s7] =	ssyncset.done $0x0  }
0x155: {  	[sflag:s7] =	ssyncadd.s32 $0xFFFFF800  }
0x156: {  	_ =	swait.ge [sflag:s7], $0x800  }
0x157: {  	[sflag:s7] =	ssyncset.done $0x0  }
0x158: {  	[sflag:s7] =	ssyncadd.s32 $0xFFFFF800  }
0x159: {  	_ =	swait.ge [sflag:s7], $0x800  }
0x15a: {  	[sflag:s7] =	ssyncset.done $0x0  }
0x15b: {  	[sflag:s7] =	ssyncadd.s32 $0xFFFFF800  }
0x15c: {  	_ =	swait.ge [sflag:s7], $0x800  }
0x15d: {  	[sflag:s7] =	ssyncset.done $0x0  }
0x15e: {  	s1 =	rddreg [dreg:$0x8];
	[sflag:s7] =	ssyncadd.s32 $0xFFFFF800  }
0x15f: {  	[hbm4b:s1+s2] =	stream.linear.scatter [tilespmem:s3], [sflag:$0x3], $0x4000, $0x38;
	[tilespmem:$0xB400] =	vst v63  }
0x160: {  	_ =	swait.ge [sflag:s5], $0x4000  }
0x161: {  	s0 =	sld [smem:$0x7CC]  }
0x162: {  	[sflag:s5] =	ssyncset.done $0x0  }
0x163: {  	s1 =	sld [smem:$0x7CD];
	[sflag:s5] =	ssyncadd.s32 $0xFFFFC000  }
0x164: {  	[tilespmem:s3], [sflag:$0x1] =	stream.indirect.gather [hbm4b:s4+s6], $0x10, s0, s6, $0xb8;
	[tilespmem:$0xB400] =	vst v63  }
0x165: {  	s0 =	sld [smem:$0x7CE]  }
0x166: {  	[tilespmem:s9], [sflag:$0x1] =	stream.indirect.gather [hbm4b:s4+s6], $0x10, s1, s6, $0xb8;
	[tilespmem:$0xB400] =	vst v63  }
0x167: {  	s1 =	sld [smem:$0x7CF]  }
0x168: {  	[tilespmem:s10], [sflag:$0x1] =	stream.indirect.gather [hbm4b:s4+s6], $0x10, s0, s6, $0xb8;
	[tilespmem:$0xB400] =	vst v63  }
0x169: {  	s0 =	sld [smem:$0x7D0]  }
0x16a: {  	[tilespmem:s11], [sflag:$0x1] =	stream.indirect.gather [hbm4b:s4+s6], $0x10, s1, s6, $0xb8;
	[tilespmem:$0xB400] =	vst v63  }
0x16b: {  	s1 =	sld [smem:$0x7D1]  }
0x16c: {  	[tilespmem:s12], [sflag:$0x1] =	stream.indirect.gather [hbm4b:s4+s6], $0x10, s0, s6, $0xb8;
	[tilespmem:$0xB400] =	vst v63  }
0x16d: {  	s0 =	sld [smem:$0x7D2]  }
0x16e: {  	[tilespmem:s13], [sflag:$0x1] =	stream.indirect.gather [hbm4b:s4+s6], $0x10, s1, s6, $0xb8;
	[tilespmem:$0xB400] =	vst v63  }
0x16f: {  	s1 =	sld [smem:$0x7D3]  }
0x170: {  	[tilespmem:s14], [sflag:$0x1] =	stream.indirect.gather [hbm4b:s4+s6], $0x10, s0, s6, $0xb8;
	[tilespmem:$0xB400] =	vst v63  }
0x171: {  	_ = 	snop  }
0x172: {  	[tilespmem:s15], [sflag:$0x1] =	stream.indirect.gather [hbm4b:s4+s6], $0x10, s1, s6, $0xb8;
	[tilespmem:$0xB400] =	vst v63  }
0x173: {  	_ =	swait.ge [sflag:s16], $0x800  }
0x174: {  	[sflag:s16] =	ssyncset.done $0x0  }
0x175: {  	[sflag:s16] =	ssyncadd.s32 $0xFFFFF800  }
0x176: {  	_ =	swait.ge [sflag:s16], $0x800  }
0x177: {  	[sflag:s16] =	ssyncset.done $0x0  }
0x178: {  	[sflag:s16] =	ssyncadd.s32 $0xFFFFF800  }
0x179: {  	_ =	swait.ge [sflag:s16], $0x800  }
0x17a: {  	[sflag:s16] =	ssyncset.done $0x0  }
0x17b: {  	[sflag:s16] =	ssyncadd.s32 $0xFFFFF800  }
0x17c: {  	_ =	swait.ge [sflag:s16], $0x800  }
0x17d: {  	[sflag:s16] =	ssyncset.done $0x0  }
0x17e: {  	[sflag:s16] =	ssyncadd.s32 $0xFFFFF800  }
0x17f: {  	_ =	swait.ge [sflag:s16], $0x800  }
0x180: {  	[sflag:s16] =	ssyncset.done $0x0  }
0x181: {  	[sflag:s16] =	ssyncadd.s32 $0xFFFFF800  }
0x182: {  	_ =	swait.ge [sflag:s16], $0x800  }
0x183: {  	[sflag:s16] =	ssyncset.done $0x0  }
0x184: {  	[sflag:s16] =	ssyncadd.s32 $0xFFFFF800  }
0x185: {  	_ =	swait.ge [sflag:s16], $0x800  }
0x186: {  	[sflag:s16] =	ssyncset.done $0x0  }
0x187: {  	[sflag:s16] =	ssyncadd.s32 $0xFFFFF800  }
0x188: {  	_ =	swait.ge [sflag:s16], $0x800  }
0x189: {  	[sflag:s16] =	ssyncset.done $0x0  }
0x18a: {  	s1 =	rddreg [dreg:$0x9];
	[sflag:s16] =	ssyncadd.s32 $0xFFFFF800  }
0x18b: {  	[hbm4b:s1+s2] =	stream.linear.scatter [tilespmem:s8], [sflag:$0x3], $0x4000, $0x38;
	[tilespmem:$0xB400] =	vst v63  }
0x18c: {  	_ =	swait.ge [sflag:s5], $0x4000  }
0x18d: {  	s0 =	sld [smem:$0x7D4]  }
0x18e: {  	[sflag:s5] =	ssyncset.done $0x0  }
0x18f: {  	s1 =	sld [smem:$0x7D5];
	[sflag:s5] =	ssyncadd.s32 $0xFFFFC000  }
0x190: {  	[tilespmem:s8], [sflag:$0x2] =	stream.indirect.gather [hbm4b:s4+s6], $0x10, s0, s6, $0xb8;
	[tilespmem:$0xB400] =	vst v63  }
0x191: {  	s0 =	sld [smem:$0x7D6]  }
0x192: {  	[tilespmem:s23], [sflag:$0x2] =	stream.indirect.gather [hbm4b:s4+s6], $0x10, s1, s6, $0xb8;
	[tilespmem:$0xB400] =	vst v63  }
0x193: {  	s1 =	sld [smem:$0x7D7]  }
0x194: {  	[tilespmem:s24], [sflag:$0x2] =	stream.indirect.gather [hbm4b:s4+s6], $0x10, s0, s6, $0xb8;
	[tilespmem:$0xB400] =	vst v63  }
0x195: {  	s0 =	sld [smem:$0x7D8]  }
0x196: {  	[tilespmem:s25], [sflag:$0x2] =	stream.indirect.gather [hbm4b:s4+s6], $0x10, s1, s6, $0xb8;
	[tilespmem:$0xB400] =	vst v63  }
0x197: {  	s1 =	sld [smem:$0x7D9]  }
0x198: {  	[tilespmem:s26], [sflag:$0x2] =	stream.indirect.gather [hbm4b:s4+s6], $0x10, s0, s6, $0xb8;
	[tilespmem:$0xB400] =	vst v63  }
0x199: {  	s0 =	sld [smem:$0x7DA]  }
0x19a: {  	[tilespmem:s28], [sflag:$0x2] =	stream.indirect.gather [hbm4b:s4+s6], $0x10, s1, s6, $0xb8;
	[tilespmem:$0xB400] =	vst v63  }
0x19b: {  	s1 =	sld [smem:$0x7DB]  }
0x19c: {  	[tilespmem:s29], [sflag:$0x2] =	stream.indirect.gather [hbm4b:s4+s6], $0x10, s0, s6, $0xb8;
	[tilespmem:$0xB400] =	vst v63  }
0x19d: {  	_ = 	snop  }
0x19e: {  	[tilespmem:s30], [sflag:$0x2] =	stream.indirect.gather [hbm4b:s4+s6], $0x10, s1, s6, $0xb8;
	[tilespmem:$0xB400] =	vst v63  }
0x19f: {  	_ =	swait.ge [sflag:s7], $0x800  }
0x1a0: {  	[sflag:s7] =	ssyncset.done $0x0  }
0x1a1: {  	[sflag:s7] =	ssyncadd.s32 $0xFFFFF800  }
0x1a2: {  	_ =	swait.ge [sflag:s7], $0x800  }
0x1a3: {  	[sflag:s7] =	ssyncset.done $0x0  }
0x1a4: {  	[sflag:s7] =	ssyncadd.s32 $0xFFFFF800  }
0x1a5: {  	_ =	swait.ge [sflag:s7], $0x800  }
0x1a6: {  	[sflag:s7] =	ssyncset.done $0x0  }
0x1a7: {  	[sflag:s7] =	ssyncadd.s32 $0xFFFFF800  }
0x1a8: {  	_ =	swait.ge [sflag:s7], $0x800  }
0x1a9: {  	[sflag:s7] =	ssyncset.done $0x0  }
0x1aa: {  	[sflag:s7] =	ssyncadd.s32 $0xFFFFF800  }
0x1ab: {  	_ =	swait.ge [sflag:s7], $0x800  }
0x1ac: {  	[sflag:s7] =	ssyncset.done $0x0  }
0x1ad: {  	[sflag:s7] =	ssyncadd.s32 $0xFFFFF800  }
0x1ae: {  	_ =	swait.ge [sflag:s7], $0x800  }
0x1af: {  	[sflag:s7] =	ssyncset.done $0x0  }
0x1b0: {  	[sflag:s7] =	ssyncadd.s32 $0xFFFFF800  }
0x1b1: {  	_ =	swait.ge [sflag:s7], $0x800  }
0x1b2: {  	[sflag:s7] =	ssyncset.done $0x0  }
0x1b3: {  	[sflag:s7] =	ssyncadd.s32 $0xFFFFF800  }
0x1b4: {  	_ =	swait.ge [sflag:s7], $0x800  }
0x1b5: {  	[sflag:s7] =	ssyncset.done $0x0  }
0x1b6: {  	s1 =	rddreg [dreg:$0xa];
	[sflag:s7] =	ssyncadd.s32 $0xFFFFF800  }
0x1b7: {  	[hbm4b:s1+s2] =	stream.linear.scatter [tilespmem:s3], [sflag:$0x3], $0x4000, $0x38;
	[tilespmem:$0xB400] =	vst v63  }
0x1b8: {  	_ =	swait.ge [sflag:s5], $0x4000  }
0x1b9: {  	s0 =	sld [smem:$0x7DC]  }
0x1ba: {  	[sflag:s5] =	ssyncset.done $0x0  }
0x1bb: {  	s1 =	sld [smem:$0x7DD];
	[sflag:s5] =	ssyncadd.s32 $0xFFFFC000  }
0x1bc: {  	[tilespmem:s3], [sflag:$0x1] =	stream.indirect.gather [hbm4b:s4+s6], $0x10, s0, s6, $0xb8;
	[tilespmem:$0xB400] =	vst v63  }
0x1bd: {  	s0 =	sld [smem:$0x7DE]  }
0x1be: {  	[tilespmem:s9], [sflag:$0x1] =	stream.indirect.gather [hbm4b:s4+s6], $0x10, s1, s6, $0xb8;
	[tilespmem:$0xB400] =	vst v63  }
0x1bf: {  	s1 =	sld [smem:$0x7DF]  }
0x1c0: {  	[tilespmem:s10], [sflag:$0x1] =	stream.indirect.gather [hbm4b:s4+s6], $0x10, s0, s6, $0xb8;
	[tilespmem:$0xB400] =	vst v63  }
0x1c1: {  	s0 =	sld [smem:$0x7E0]  }
0x1c2: {  	[tilespmem:s11], [sflag:$0x1] =	stream.indirect.gather [hbm4b:s4+s6], $0x10, s1, s6, $0xb8;
	[tilespmem:$0xB400] =	vst v63  }
0x1c3: {  	s1 =	sld [smem:$0x7E1]  }
0x1c4: {  	[tilespmem:s12], [sflag:$0x1] =	stream.indirect.gather [hbm4b:s4+s6], $0x10, s0, s6, $0xb8;
	[tilespmem:$0xB400] =	vst v63  }
0x1c5: {  	s0 =	sld [smem:$0x7E2]  }
0x1c6: {  	[tilespmem:s13], [sflag:$0x1] =	stream.indirect.gather [hbm4b:s4+s6], $0x10, s1, s6, $0xb8;
	[tilespmem:$0xB400] =	vst v63  }
0x1c7: {  	s1 =	sld [smem:$0x7E3]  }
0x1c8: {  	[tilespmem:s14], [sflag:$0x1] =	stream.indirect.gather [hbm4b:s4+s6], $0x10, s0, s6, $0xb8;
	[tilespmem:$0xB400] =	vst v63  }
0x1c9: {  	_ = 	snop  }
0x1ca: {  	[tilespmem:s15], [sflag:$0x1] =	stream.indirect.gather [hbm4b:s4+s6], $0x10, s1, s6, $0xb8;
	[tilespmem:$0xB400] =	vst v63  }
0x1cb: {  	_ =	swait.ge [sflag:s16], $0x800  }
0x1cc: {  	[sflag:s16] =	ssyncset.done $0x0  }
0x1cd: {  	[sflag:s16] =	ssyncadd.s32 $0xFFFFF800  }
0x1ce: {  	_ =	swait.ge [sflag:s16], $0x800  }
0x1cf: {  	[sflag:s16] =	ssyncset.done $0x0  }
0x1d0: {  	[sflag:s16] =	ssyncadd.s32 $0xFFFFF800  }
0x1d1: {  	_ =	swait.ge [sflag:s16], $0x800  }
0x1d2: {  	[sflag:s16] =	ssyncset.done $0x0  }
0x1d3: {  	[sflag:s16] =	ssyncadd.s32 $0xFFFFF800  }
0x1d4: {  	_ =	swait.ge [sflag:s16], $0x800  }
0x1d5: {  	[sflag:s16] =	ssyncset.done $0x0  }
0x1d6: {  	[sflag:s16] =	ssyncadd.s32 $0xFFFFF800  }
0x1d7: {  	_ =	swait.ge [sflag:s16], $0x800  }
0x1d8: {  	[sflag:s16] =	ssyncset.done $0x0  }
0x1d9: {  	[sflag:s16] =	ssyncadd.s32 $0xFFFFF800  }
0x1da: {  	_ =	swait.ge [sflag:s16], $0x800  }
0x1db: {  	[sflag:s16] =	ssyncset.done $0x0  }
0x1dc: {  	[sflag:s16] =	ssyncadd.s32 $0xFFFFF800  }
0x1dd: {  	_ =	swait.ge [sflag:s16], $0x800  }
0x1de: {  	[sflag:s16] =	ssyncset.done $0x0  }
0x1df: {  	[sflag:s16] =	ssyncadd.s32 $0xFFFFF800  }
0x1e0: {  	_ =	swait.ge [sflag:s16], $0x800  }
0x1e1: {  	[sflag:s16] =	ssyncset.done $0x0  }
0x1e2: {  	s1 =	rddreg [dreg:$0xb];
	[sflag:s16] =	ssyncadd.s32 $0xFFFFF800  }
0x1e3: {  	[hbm4b:s1+s2] =	stream.linear.scatter [tilespmem:s8], [sflag:$0x3], $0x4000, $0x38;
	[tilespmem:$0xB400] =	vst v63  }
0x1e4: {  	_ =	swait.ge [sflag:s5], $0x4000  }
0x1e5: {  	s0 =	sld [smem:$0x7E4]  }
0x1e6: {  	[sflag:s5] =	ssyncset.done $0x0  }
0x1e7: {  	s1 =	sld [smem:$0x7E5];
	[sflag:s5] =	ssyncadd.s32 $0xFFFFC000  }
0x1e8: {  	[tilespmem:s8], [sflag:$0x2] =	stream.indirect.gather [hbm4b:s4+s6], $0x10, s0, s6, $0xb8;
	[tilespmem:$0xB400] =	vst v63  }
0x1e9: {  	s0 =	sld [smem:$0x7E6]  }
0x1ea: {  	[tilespmem:s23], [sflag:$0x2] =	stream.indirect.gather [hbm4b:s4+s6], $0x10, s1, s6, $0xb8;
	[tilespmem:$0xB400] =	vst v63  }
0x1eb: {  	s1 =	sld [smem:$0x7E7]  }
0x1ec: {  	[tilespmem:s24], [sflag:$0x2] =	stream.indirect.gather [hbm4b:s4+s6], $0x10, s0, s6, $0xb8;
	[tilespmem:$0xB400] =	vst v63  }
0x1ed: {  	s0 =	sld [smem:$0x7E8]  }
0x1ee: {  	[tilespmem:s25], [sflag:$0x2] =	stream.indirect.gather [hbm4b:s4+s6], $0x10, s1, s6, $0xb8;
	[tilespmem:$0xB400] =	vst v63  }
0x1ef: {  	s1 =	sld [smem:$0x7E9]  }
0x1f0: {  	[tilespmem:s26], [sflag:$0x2] =	stream.indirect.gather [hbm4b:s4+s6], $0x10, s0, s6, $0xb8;
	[tilespmem:$0xB400] =	vst v63  }
0x1f1: {  	s0 =	sld [smem:$0x7EA]  }
0x1f2: {  	[tilespmem:s28], [sflag:$0x2] =	stream.indirect.gather [hbm4b:s4+s6], $0x10, s1, s6, $0xb8;
	[tilespmem:$0xB400] =	vst v63  }
0x1f3: {  	s1 =	sld [smem:$0x7EB]  }
0x1f4: {  	[tilespmem:s29], [sflag:$0x2] =	stream.indirect.gather [hbm4b:s4+s6], $0x10, s0, s6, $0xb8;
	[tilespmem:$0xB400] =	vst v63  }
0x1f5: {  	_ = 	snop  }
0x1f6: {  	[tilespmem:s30], [sflag:$0x2] =	stream.indirect.gather [hbm4b:s4+s6], $0x10, s1, s6, $0xb8;
	[tilespmem:$0xB400] =	vst v63  }
0x1f7: {  	_ =	swait.ge [sflag:s7], $0x800  }
0x1f8: {  	[sflag:s7] =	ssyncset.done $0x0  }
0x1f9: {  	[sflag:s7] =	ssyncadd.s32 $0xFFFFF800  }
0x1fa: {  	_ =	swait.ge [sflag:s7], $0x800  }
0x1fb: {  	[sflag:s7] =	ssyncset.done $0x0  }
0x1fc: {  	[sflag:s7] =	ssyncadd.s32 $0xFFFFF800  }
0x1fd: {  	_ =	swait.ge [sflag:s7], $0x800  }
0x1fe: {  	[sflag:s7] =	ssyncset.done $0x0  }
0x1ff: {  	[sflag:s7] =	ssyncadd.s32 $0xFFFFF800  }
0x200: {  	_ =	swait.ge [sflag:s7], $0x800  }
0x201: {  	[sflag:s7] =	ssyncset.done $0x0  }
0x202: {  	[sflag:s7] =	ssyncadd.s32 $0xFFFFF800  }
0x203: {  	_ =	swait.ge [sflag:s7], $0x800  }
0x204: {  	[sflag:s7] =	ssyncset.done $0x0  }
0x205: {  	[sflag:s7] =	ssyncadd.s32 $0xFFFFF800  }
0x206: {  	_ =	swait.ge [sflag:s7], $0x800  }
0x207: {  	[sflag:s7] =	ssyncset.done $0x0  }
0x208: {  	[sflag:s7] =	ssyncadd.s32 $0xFFFFF800  }
0x209: {  	_ =	swait.ge [sflag:s7], $0x800  }
0x20a: {  	[sflag:s7] =	ssyncset.done $0x0  }
0x20b: {  	[sflag:s7] =	ssyncadd.s32 $0xFFFFF800  }
0x20c: {  	_ =	swait.ge [sflag:s7], $0x800  }
0x20d: {  	[sflag:s7] =	ssyncset.done $0x0  }
0x20e: {  	s1 =	rddreg [dreg:$0xc];
	[sflag:s7] =	ssyncadd.s32 $0xFFFFF800  }
0x20f: {  	[hbm4b:s1+s2] =	stream.linear.scatter [tilespmem:s3], [sflag:$0x3], $0x4000, $0x38;
	[tilespmem:$0xB400] =	vst v63  }
0x210: {  	_ =	swait.ge [sflag:s5], $0x4000  }
0x211: {  	s0 =	sld [smem:$0x7EC]  }
0x212: {  	[sflag:s5] =	ssyncset.done $0x0  }
0x213: {  	s1 =	sld [smem:$0x7ED];
	[sflag:s5] =	ssyncadd.s32 $0xFFFFC000  }
0x214: {  	[tilespmem:s3], [sflag:$0x1] =	stream.indirect.gather [hbm4b:s4+s6], $0x10, s0, s6, $0xb8;
	[tilespmem:$0xB400] =	vst v63  }
0x215: {  	s0 =	sld [smem:$0x7EE]  }
0x216: {  	[tilespmem:s9], [sflag:$0x1] =	stream.indirect.gather [hbm4b:s4+s6], $0x10, s1, s6, $0xb8;
	[tilespmem:$0xB400] =	vst v63  }
0x217: {  	s1 =	sld [smem:$0x7EF]  }
0x218: {  	[tilespmem:s10], [sflag:$0x1] =	stream.indirect.gather [hbm4b:s4+s6], $0x10, s0, s6, $0xb8;
	[tilespmem:$0xB400] =	vst v63  }
0x219: {  	s0 =	sld [smem:$0x7F0]  }
0x21a: {  	[tilespmem:s11], [sflag:$0x1] =	stream.indirect.gather [hbm4b:s4+s6], $0x10, s1, s6, $0xb8;
	[tilespmem:$0xB400] =	vst v63  }
0x21b: {  	s1 =	sld [smem:$0x7F1]  }
0x21c: {  	[tilespmem:s12], [sflag:$0x1] =	stream.indirect.gather [hbm4b:s4+s6], $0x10, s0, s6, $0xb8;
	[tilespmem:$0xB400] =	vst v63  }
0x21d: {  	s0 =	sld [smem:$0x7F2]  }
0x21e: {  	[tilespmem:s13], [sflag:$0x1] =	stream.indirect.gather [hbm4b:s4+s6], $0x10, s1, s6, $0xb8;
	[tilespmem:$0xB400] =	vst v63  }
0x21f: {  	s1 =	sld [smem:$0x7F3]  }
0x220: {  	[tilespmem:s14], [sflag:$0x1] =	stream.indirect.gather [hbm4b:s4+s6], $0x10, s0, s6, $0xb8;
	[tilespmem:$0xB400] =	vst v63  }
0x221: {  	_ = 	snop  }
0x222: {  	[tilespmem:s15], [sflag:$0x1] =	stream.indirect.gather [hbm4b:s4+s6], $0x10, s1, s6, $0xb8;
	[tilespmem:$0xB400] =	vst v63  }
0x223: {  	_ =	swait.ge [sflag:s16], $0x800  }
0x224: {  	[sflag:s16] =	ssyncset.done $0x0  }
0x225: {  	[sflag:s16] =	ssyncadd.s32 $0xFFFFF800  }
0x226: {  	_ =	swait.ge [sflag:s16], $0x800  }
0x227: {  	[sflag:s16] =	ssyncset.done $0x0  }
0x228: {  	[sflag:s16] =	ssyncadd.s32 $0xFFFFF800  }
0x229: {  	_ =	swait.ge [sflag:s16], $0x800  }
0x22a: {  	[sflag:s16] =	ssyncset.done $0x0  }
0x22b: {  	[sflag:s16] =	ssyncadd.s32 $0xFFFFF800  }
0x22c: {  	_ =	swait.ge [sflag:s16], $0x800  }
0x22d: {  	[sflag:s16] =	ssyncset.done $0x0  }
0x22e: {  	[sflag:s16] =	ssyncadd.s32 $0xFFFFF800  }
0x22f: {  	_ =	swait.ge [sflag:s16], $0x800  }
0x230: {  	[sflag:s16] =	ssyncset.done $0x0  }
0x231: {  	[sflag:s16] =	ssyncadd.s32 $0xFFFFF800  }
0x232: {  	_ =	swait.ge [sflag:s16], $0x800  }
0x233: {  	[sflag:s16] =	ssyncset.done $0x0  }
0x234: {  	[sflag:s16] =	ssyncadd.s32 $0xFFFFF800  }
0x235: {  	_ =	swait.ge [sflag:s16], $0x800  }
0x236: {  	[sflag:s16] =	ssyncset.done $0x0  }
0x237: {  	[sflag:s16] =	ssyncadd.s32 $0xFFFFF800  }
0x238: {  	_ =	swait.ge [sflag:s16], $0x800  }
0x239: {  	[sflag:s16] =	ssyncset.done $0x0  }
0x23a: {  	s1 =	rddreg [dreg:$0xd];
	[sflag:s16] =	ssyncadd.s32 $0xFFFFF800  }
0x23b: {  	[hbm4b:s1+s2] =	stream.linear.scatter [tilespmem:s8], [sflag:$0x3], $0x4000, $0x38;
	[tilespmem:$0xB400] =	vst v63  }
0x23c: {  	_ =	swait.ge [sflag:s5], $0x4000  }
0x23d: {  	s0 =	sld [smem:$0x7F4]  }
0x23e: {  	[sflag:s5] =	ssyncset.done $0x0  }
0x23f: {  	s1 =	sld [smem:$0x7F5];
	[sflag:s5] =	ssyncadd.s32 $0xFFFFC000  }
0x240: {  	[tilespmem:s8], [sflag:$0x2] =	stream.indirect.gather [hbm4b:s4+s6], $0x10, s0, s6, $0xb8;
	[tilespmem:$0xB400] =	vst v63  }
0x241: {  	s0 =	sld [smem:$0x7F6]  }
0x242: {  	[tilespmem:s23], [sflag:$0x2] =	stream.indirect.gather [hbm4b:s4+s6], $0x10, s1, s6, $0xb8;
	[tilespmem:$0xB400] =	vst v63  }
0x243: {  	s1 =	sld [smem:$0x7F7]  }
0x244: {  	[tilespmem:s24], [sflag:$0x2] =	stream.indirect.gather [hbm4b:s4+s6], $0x10, s0, s6, $0xb8;
	[tilespmem:$0xB400] =	vst v63  }
0x245: {  	s0 =	sld [smem:$0x7F8]  }
0x246: {  	[tilespmem:s25], [sflag:$0x2] =	stream.indirect.gather [hbm4b:s4+s6], $0x10, s1, s6, $0xb8;
	[tilespmem:$0xB400] =	vst v63  }
0x247: {  	s1 =	sld [smem:$0x7F9]  }
0x248: {  	[tilespmem:s26], [sflag:$0x2] =	stream.indirect.gather [hbm4b:s4+s6], $0x10, s0, s6, $0xb8;
	[tilespmem:$0xB400] =	vst v63  }
0x249: {  	s0 =	sld [smem:$0x7FA]  }
0x24a: {  	[tilespmem:s28], [sflag:$0x2] =	stream.indirect.gather [hbm4b:s4+s6], $0x10, s1, s6, $0xb8;
	[tilespmem:$0xB400] =	vst v63  }
0x24b: {  	s1 =	sld [smem:$0x7FB]  }
0x24c: {  	[tilespmem:s29], [sflag:$0x2] =	stream.indirect.gather [hbm4b:s4+s6], $0x10, s0, s6, $0xb8;
	[tilespmem:$0xB400] =	vst v63  }
0x24d: {  	_ = 	snop  }
0x24e: {  	[tilespmem:s30], [sflag:$0x2] =	stream.indirect.gather [hbm4b:s4+s6], $0x10, s1, s6, $0xb8;
	[tilespmem:$0xB400] =	vst v63  }
0x24f: {  	_ =	swait.ge [sflag:s7], $0x800  }
0x250: {  	[sflag:s7] =	ssyncset.done $0x0  }
0x251: {  	[sflag:s7] =	ssyncadd.s32 $0xFFFFF800  }
0x252: {  	_ =	swait.ge [sflag:s7], $0x800  }
0x253: {  	[sflag:s7] =	ssyncset.done $0x0  }
0x254: {  	[sflag:s7] =	ssyncadd.s32 $0xFFFFF800  }
0x255: {  	_ =	swait.ge [sflag:s7], $0x800  }
0x256: {  	[sflag:s7] =	ssyncset.done $0x0  }
0x257: {  	[sflag:s7] =	ssyncadd.s32 $0xFFFFF800  }
0x258: {  	_ =	swait.ge [sflag:s7], $0x800  }
0x259: {  	[sflag:s7] =	ssyncset.done $0x0  }
0x25a: {  	[sflag:s7] =	ssyncadd.s32 $0xFFFFF800  }
0x25b: {  	_ =	swait.ge [sflag:s7], $0x800  }
0x25c: {  	[sflag:s7] =	ssyncset.done $0x0  }
0x25d: {  	[sflag:s7] =	ssyncadd.s32 $0xFFFFF800  }
0x25e: {  	_ =	swait.ge [sflag:s7], $0x800  }
0x25f: {  	[sflag:s7] =	ssyncset.done $0x0  }
0x260: {  	[sflag:s7] =	ssyncadd.s32 $0xFFFFF800  }
0x261: {  	_ =	swait.ge [sflag:s7], $0x800  }
0x262: {  	[sflag:s7] =	ssyncset.done $0x0  }
0x263: {  	[sflag:s7] =	ssyncadd.s32 $0xFFFFF800  }
0x264: {  	_ =	swait.ge [sflag:s7], $0x800  }
0x265: {  	[sflag:s7] =	ssyncset.done $0x0  }
0x266: {  	s1 =	rddreg [dreg:$0xe];
	[sflag:s7] =	ssyncadd.s32 $0xFFFFF800  }
0x267: {  	[hbm4b:s1+s2] =	stream.linear.scatter [tilespmem:s3], [sflag:$0x3], $0x4000, $0x38;
	[tilespmem:$0xB400] =	vst v63  }
0x268: {  	_ =	swait.ge [sflag:s5], $0x4000  }
0x269: {  	s0 =	sld [smem:$0x7FC]  }
0x26a: {  	[sflag:s5] =	ssyncset.done $0x0  }
0x26b: {  	s1 =	sld [smem:$0x7FD];
	[sflag:s5] =	ssyncadd.s32 $0xFFFFC000  }
0x26c: {  	[tilespmem:s3], [sflag:$0x1] =	stream.indirect.gather [hbm4b:s4+s6], $0x10, s0, s6, $0xb8;
	[tilespmem:$0xB400] =	vst v63  }
0x26d: {  	_ = 	snop  }
0x26e: {  	[tilespmem:s9], [sflag:$0x1] =	stream.indirect.gather [hbm4b:s4+s6], $0x10, s1, s6, $0xb8;
	[tilespmem:$0xB400] =	vst v63  }
0x26f: {  	s1 =	simm.s32 $0x3100  }
0x270: {  	[tilespmem:s10], [sflag:$0x1] =	stream.indirect.gather [hbm4b:s4+s6], $0x10, s1, s6, $0xb8;
	[tilespmem:$0xB400] =	vst v63  }
0x271: {  	_ = 	snop  }
0x272: {  	[tilespmem:s11], [sflag:$0x1] =	stream.indirect.gather [hbm4b:s4+s6], $0x10, s19, s6, $0xb8;
	[tilespmem:$0xB400] =	vst v63  }
0x273: {  	_ = 	snop  }
0x274: {  	[tilespmem:s12], [sflag:$0x1] =	stream.indirect.gather [hbm4b:s4+s6], $0x10, s20, s6, $0xb8;
	[tilespmem:$0xB400] =	vst v63  }
0x275: {  	_ = 	snop  }
0x276: {  	[tilespmem:s13], [sflag:$0x1] =	stream.indirect.gather [hbm4b:s4+s6], $0x10, s21, s6, $0xb8;
	[tilespmem:$0xB400] =	vst v63  }
0x277: {  	_ = 	snop  }
0x278: {  	[tilespmem:s14], [sflag:$0x1] =	stream.indirect.gather [hbm4b:s4+s6], $0x10, s22, s6, $0xb8;
	[tilespmem:$0xB400] =	vst v63  }
0x279: {  	_ = 	snop  }
0x27a: {  	[tilespmem:s15], [sflag:$0x1] =	stream.indirect.gather [hbm4b:s4+s6], $0x10, s18, s6, $0xb8;
	[tilespmem:$0xB400] =	vst v63  }
0x27b: {  	_ =	swait.ge [sflag:s16], $0x800  }
0x27c: {  	[sflag:s16] =	ssyncset.done $0x0  }
0x27d: {  	[sflag:s16] =	ssyncadd.s32 $0xFFFFF800  }
0x27e: {  	_ =	swait.ge [sflag:s16], $0x800  }
0x27f: {  	[sflag:s16] =	ssyncset.done $0x0  }
0x280: {  	[sflag:s16] =	ssyncadd.s32 $0xFFFFF800  }
0x281: {  	_ =	swait.ge [sflag:s16], $0x800  }
0x282: {  	[sflag:s16] =	ssyncset.done $0x0  }
0x283: {  	[sflag:s16] =	ssyncadd.s32 $0xFFFFF800  }
0x284: {  	_ =	swait.ge [sflag:s16], $0x800  }
0x285: {  	[sflag:s16] =	ssyncset.done $0x0  }
0x286: {  	[sflag:s16] =	ssyncadd.s32 $0xFFFFF800  }
0x287: {  	_ =	swait.ge [sflag:s16], $0x800  }
0x288: {  	[sflag:s16] =	ssyncset.done $0x0  }
0x289: {  	[sflag:s16] =	ssyncadd.s32 $0xFFFFF800  }
0x28a: {  	_ =	swait.ge [sflag:s16], $0x800  }
0x28b: {  	[sflag:s16] =	ssyncset.done $0x0  }
0x28c: {  	[sflag:s16] =	ssyncadd.s32 $0xFFFFF800  }
0x28d: {  	_ =	swait.ge [sflag:s16], $0x800  }
0x28e: {  	[sflag:s16] =	ssyncset.done $0x0  }
0x28f: {  	[sflag:s16] =	ssyncadd.s32 $0xFFFFF800  }
0x290: {  	_ =	swait.ge [sflag:s16], $0x800  }
0x291: {  	[sflag:s16] =	ssyncset.done $0x0  }
0x292: {  	s1 =	rddreg [dreg:$0xf];
	[sflag:s16] =	ssyncadd.s32 $0xFFFFF800  }
0x293: {  	[hbm4b:s1+s2] =	stream.linear.scatter [tilespmem:s8], [sflag:$0x3], $0x4000, $0x38;
	[tilespmem:$0xB400] =	vst v63  }
0x294: {  	_ =	swait.ge [sflag:s7], $0x800  }
0x295: {  	[sflag:s7] =	ssyncset.done $0x0  }
0x296: {  	[sflag:s7] =	ssyncadd.s32 $0xFFFFF800  }
0x297: {  	_ =	swait.ge [sflag:s7], $0x800  }
0x298: {  	[sflag:s7] =	ssyncset.done $0x0  }
0x299: {  	[sflag:s7] =	ssyncadd.s32 $0xFFFFF800  }
0x29a: {  	_ =	swait.ge [sflag:s7], $0x800  }
0x29b: {  	[sflag:s7] =	ssyncset.done $0x0  }
0x29c: {  	[sflag:s7] =	ssyncadd.s32 $0xFFFFF800  }
0x29d: {  	_ =	swait.ge [sflag:s7], $0x800  }
0x29e: {  	[sflag:s7] =	ssyncset.done $0x0  }
0x29f: {  	[sflag:s7] =	ssyncadd.s32 $0xFFFFF800  }
0x2a0: {  	_ =	swait.ge [sflag:s7], $0x800  }
0x2a1: {  	[sflag:s7] =	ssyncset.done $0x0  }
0x2a2: {  	[sflag:s7] =	ssyncadd.s32 $0xFFFFF800  }
0x2a3: {  	_ =	swait.ge [sflag:s7], $0x800  }
0x2a4: {  	[sflag:s7] =	ssyncset.done $0x0  }
0x2a5: {  	[sflag:s7] =	ssyncadd.s32 $0xFFFFF800  }
0x2a6: {  	_ =	swait.ge [sflag:s7], $0x800  }
0x2a7: {  	[sflag:s7] =	ssyncset.done $0x0  }
0x2a8: {  	[sflag:s7] =	ssyncadd.s32 $0xFFFFF800  }
0x2a9: {  	_ =	swait.ge [sflag:s7], $0x800  }
0x2aa: {  	[sflag:s7] =	ssyncset.done $0x0  }
0x2ab: {  	p1 =	sne.s32 s17, $0x1;
	s1 =	rddreg [dreg:$0x10];
	[sflag:s7] =	ssyncadd.s32 $0xFFFFF800  }
0x2ac: {  	[hbm4b:s1+s2] =	stream.linear.scatter [tilespmem:s3], [sflag:$0x3], $0x4000, $0x38;
	[tilespmem:$0xB400] =	vst v63  }
.Ltmp1:
0x2ad: {  	_ =	swait.ge [sflag:s5], $0x4000;
	(pc) =	sbr.rel @!p1 .LBB2_3-.Ltmp1, $4  }
0x2ae: {  	[sflag:s5] =	ssyncset.done $0x0  }
0x2af: {  	[sflag:s5] =	ssyncadd.s32 $0xFFFFC000  }
0x2b0: {  	p0 =	por $0x1, $0x1;
	_ =	swait.ge [sflag:s5], $0x4000  }
0x2b1: {  	s1 =	sadd.s32 $0xFFFFFFFF, s17;
	s0 =	rddreg [dreg:$0x3];
	[sflag:s5] =	ssyncset.done $0x0  }
.LBB2_4:
0x2b2: {  	[sflag:s5] =	ssyncadd.s32 $0xFFFFC000  }
0x2b3: {  	[tilespmem:s2], [sflag:$0x4] =	stream.linear.gather [hbm4b:s0+s2], $0x3400, $0x38;
	[tilespmem:$0xB400] =	vst v63  }
0x2b4: {  	_ =	swait.ge [sflag:s31], $0x3400  }
0x2b5: {  	[sflag:s31] =	ssyncset.done $0x0  }
0x2b6: {  	[sflag:s31] =	ssyncadd.s32 $0xFFFFCC00  }
0x2b7: {  	[tilespmem:s3], [sflag:$0x1] =	stream.indirect.gather [hbm4b:s4+s6], $0x10, s2, s6, $0xb8;
	[tilespmem:$0xB400] =	vst v63  }
0x2b8: {  	_ = 	snop  }
0x2b9: {  	[tilespmem:s9], [sflag:$0x1] =	stream.indirect.gather [hbm4b:s4+s6], $0x10, s6, s6, $0xb8;
	[tilespmem:$0xB400] =	vst v63  }
0x2ba: {  	s0 =	rddreg [dreg:$0x11]  }
0x2bb: {  	[tilespmem:s10], [sflag:$0x1] =	stream.indirect.gather [hbm4b:s4+s6], $0x10, s0, s6, $0xb8;
	[tilespmem:$0xB400] =	vst v63  }
0x2bc: {  	s17 =	rddreg [dreg:$0x12]  }
0x2bd: {  	[tilespmem:s11], [sflag:$0x1] =	stream.indirect.gather [hbm4b:s4+s6], $0x10, s17, s6, $0xb8;
	[tilespmem:$0xB400] =	vst v63  }
0x2be: {  	s0 =	rddreg [dreg:$0x13]  }
0x2bf: {  	[tilespmem:s12], [sflag:$0x1] =	stream.indirect.gather [hbm4b:s4+s6], $0x10, s0, s6, $0xb8;
	[tilespmem:$0xB400] =	vst v63  }
0x2c0: {  	s17 =	rddreg [dreg:$0x14]  }
0x2c1: {  	[tilespmem:s13], [sflag:$0x1] =	stream.indirect.gather [hbm4b:s4+s6], $0x10, s17, s6, $0xb8;
	[tilespmem:$0xB400] =	vst v63  }
0x2c2: {  	s0 =	rddreg [dreg:$0x15]  }
0x2c3: {  	[tilespmem:s14], [sflag:$0x1] =	stream.indirect.gather [hbm4b:s4+s6], $0x10, s0, s6, $0xb8;
	[tilespmem:$0xB400] =	vst v63  }
0x2c4: {  	s17 =	rddreg [dreg:$0x16]  }
0x2c5: {  	[tilespmem:s15], [sflag:$0x1] =	stream.indirect.gather [hbm4b:s4+s6], $0x10, s17, s6, $0xb8;
	[tilespmem:$0xB400] =	vst v63  }
0x2c6: {  	s0 =	rddreg [dreg:$0x17]  }
0x2c7: {  	[tilespmem:s8], [sflag:$0x2] =	stream.indirect.gather [hbm4b:s4+s6], $0x10, s0, s6, $0xb8;
	[tilespmem:$0xB400] =	vst v63  }
0x2c8: {  	s17 =	rddreg [dreg:$0x18]  }
0x2c9: {  	[tilespmem:s23], [sflag:$0x2] =	stream.indirect.gather [hbm4b:s4+s6], $0x10, s17, s6, $0xb8;
	[tilespmem:$0xB400] =	vst v63  }
0x2ca: {  	s0 =	rddreg [dreg:$0x19]  }
0x2cb: {  	[tilespmem:s24], [sflag:$0x2] =	stream.indirect.gather [hbm4b:s4+s6], $0x10, s0, s6, $0xb8;
	[tilespmem:$0xB400] =	vst v63  }
0x2cc: {  	s17 =	rddreg [dreg:$0x1a]  }
0x2cd: {  	[tilespmem:s25], [sflag:$0x2] =	stream.indirect.gather [hbm4b:s4+s6], $0x10, s17, s6, $0xb8;
	[tilespmem:$0xB400] =	vst v63  }
0x2ce: {  	s0 =	rddreg [dreg:$0x1b]  }
0x2cf: {  	[tilespmem:s26], [sflag:$0x2] =	stream.indirect.gather [hbm4b:s4+s6], $0x10, s0, s6, $0xb8;
	[tilespmem:$0xB400] =	vst v63  }
0x2d0: {  	s17 =	rddreg [dreg:$0x1c]  }
0x2d1: {  	[tilespmem:s28], [sflag:$0x2] =	stream.indirect.gather [hbm4b:s4+s6], $0x10, s17, s6, $0xb8;
	[tilespmem:$0xB400] =	vst v63  }
0x2d2: {  	s0 =	rddreg [dreg:$0x1d]  }
0x2d3: {  	[tilespmem:s29], [sflag:$0x2] =	stream.indirect.gather [hbm4b:s4+s6], $0x10, s0, s6, $0xb8;
	[tilespmem:$0xB400] =	vst v63  }
0x2d4: {  	s17 =	rddreg [dreg:$0x1e]  }
0x2d5: {  	[tilespmem:s30], [sflag:$0x2] =	stream.indirect.gather [hbm4b:s4+s6], $0x10, s17, s6, $0xb8;
	[tilespmem:$0xB400] =	vst v63  }
0x2d6: {  	_ =	swait.ge [sflag:s7], $0x800  }
0x2d7: {  	[sflag:s7] =	ssyncset.done $0x0  }
0x2d8: {  	[sflag:s7] =	ssyncadd.s32 $0xFFFFF800  }
0x2d9: {  	_ =	swait.ge [sflag:s7], $0x800  }
0x2da: {  	[sflag:s7] =	ssyncset.done $0x0  }
0x2db: {  	[sflag:s7] =	ssyncadd.s32 $0xFFFFF800  }
0x2dc: {  	_ =	swait.ge [sflag:s7], $0x800  }
0x2dd: {  	[sflag:s7] =	ssyncset.done $0x0  }
0x2de: {  	[sflag:s7] =	ssyncadd.s32 $0xFFFFF800  }
0x2df: {  	_ =	swait.ge [sflag:s7], $0x800  }
0x2e0: {  	[sflag:s7] =	ssyncset.done $0x0  }
0x2e1: {  	[sflag:s7] =	ssyncadd.s32 $0xFFFFF800  }
0x2e2: {  	_ =	swait.ge [sflag:s7], $0x800  }
0x2e3: {  	[sflag:s7] =	ssyncset.done $0x0  }
0x2e4: {  	[sflag:s7] =	ssyncadd.s32 $0xFFFFF800  }
0x2e5: {  	_ =	swait.ge [sflag:s7], $0x800  }
0x2e6: {  	[sflag:s7] =	ssyncset.done $0x0  }
0x2e7: {  	[sflag:s7] =	ssyncadd.s32 $0xFFFFF800  }
0x2e8: {  	_ =	swait.ge [sflag:s7], $0x800  }
0x2e9: {  	[sflag:s7] =	ssyncset.done $0x0  }
0x2ea: {  	[sflag:s7] =	ssyncadd.s32 $0xFFFFF800  }
0x2eb: {  	_ =	swait.ge [sflag:s7], $0x800  }
0x2ec: {  	[sflag:s7] =	ssyncset.done $0x0  }
0x2ed: {  	s17 =	rddreg [dreg:$0x4];
	[sflag:s7] =	ssyncadd.s32 $0xFFFFF800  }
0x2ee: {  	[hbm4b:s17+s2] =	stream.linear.scatter [tilespmem:s3], [sflag:$0x3], $0x4000, $0x38;
	[tilespmem:$0xB400] =	vst v63  }
0x2ef: {  	_ =	swait.ge [sflag:s5], $0x4000  }
0x2f0: {  	s0 =	rddreg [dreg:$0x1f];
	[sflag:s5] =	ssyncset.done $0x0  }
0x2f1: {  	s17 =	sld [smem:$0x7AD];
	[sflag:s5] =	ssyncadd.s32 $0xFFFFC000  }
0x2f2: {  	[tilespmem:s3], [sflag:$0x1] =	stream.indirect.gather [hbm4b:s4+s6], $0x10, s0, s6, $0xb8;
	[tilespmem:$0xB400] =	vst v63  }
0x2f3: {  	s0 =	sld [smem:$0x7AE]  }
0x2f4: {  	[tilespmem:s9], [sflag:$0x1] =	stream.indirect.gather [hbm4b:s4+s6], $0x10, s17, s6, $0xb8;
	[tilespmem:$0xB400] =	vst v63  }
0x2f5: {  	s17 =	sld [smem:$0x7AF]  }
0x2f6: {  	[tilespmem:s10], [sflag:$0x1] =	stream.indirect.gather [hbm4b:s4+s6], $0x10, s0, s6, $0xb8;
	[tilespmem:$0xB400] =	vst v63  }
0x2f7: {  	s0 =	sld [smem:$0x7B0]  }
0x2f8: {  	[tilespmem:s11], [sflag:$0x1] =	stream.indirect.gather [hbm4b:s4+s6], $0x10, s17, s6, $0xb8;
	[tilespmem:$0xB400] =	vst v63  }
0x2f9: {  	s17 =	sld [smem:$0x7B1]  }
0x2fa: {  	[tilespmem:s12], [sflag:$0x1] =	stream.indirect.gather [hbm4b:s4+s6], $0x10, s0, s6, $0xb8;
	[tilespmem:$0xB400] =	vst v63  }
0x2fb: {  	s0 =	sld [smem:$0x7B2]  }
0x2fc: {  	[tilespmem:s13], [sflag:$0x1] =	stream.indirect.gather [hbm4b:s4+s6], $0x10, s17, s6, $0xb8;
	[tilespmem:$0xB400] =	vst v63  }
0x2fd: {  	s17 =	sld [smem:$0x7B3]  }
0x2fe: {  	[tilespmem:s14], [sflag:$0x1] =	stream.indirect.gather [hbm4b:s4+s6], $0x10, s0, s6, $0xb8;
	[tilespmem:$0xB400] =	vst v63  }
0x2ff: {  	_ = 	snop  }
0x300: {  	[tilespmem:s15], [sflag:$0x1] =	stream.indirect.gather [hbm4b:s4+s6], $0x10, s17, s6, $0xb8;
	[tilespmem:$0xB400] =	vst v63  }
0x301: {  	_ =	swait.ge [sflag:s16], $0x800  }
0x302: {  	[sflag:s16] =	ssyncset.done $0x0  }
0x303: {  	[sflag:s16] =	ssyncadd.s32 $0xFFFFF800  }
0x304: {  	_ =	swait.ge [sflag:s16], $0x800  }
0x305: {  	[sflag:s16] =	ssyncset.done $0x0  }
0x306: {  	[sflag:s16] =	ssyncadd.s32 $0xFFFFF800  }
0x307: {  	_ =	swait.ge [sflag:s16], $0x800  }
0x308: {  	[sflag:s16] =	ssyncset.done $0x0  }
0x309: {  	[sflag:s16] =	ssyncadd.s32 $0xFFFFF800  }
0x30a: {  	_ =	swait.ge [sflag:s16], $0x800  }
0x30b: {  	[sflag:s16] =	ssyncset.done $0x0  }
0x30c: {  	[sflag:s16] =	ssyncadd.s32 $0xFFFFF800  }
0x30d: {  	_ =	swait.ge [sflag:s16], $0x800  }
0x30e: {  	[sflag:s16] =	ssyncset.done $0x0  }
0x30f: {  	[sflag:s16] =	ssyncadd.s32 $0xFFFFF800  }
0x310: {  	_ =	swait.ge [sflag:s16], $0x800  }
0x311: {  	[sflag:s16] =	ssyncset.done $0x0  }
0x312: {  	[sflag:s16] =	ssyncadd.s32 $0xFFFFF800  }
0x313: {  	_ =	swait.ge [sflag:s16], $0x800  }
0x314: {  	[sflag:s16] =	ssyncset.done $0x0  }
0x315: {  	[sflag:s16] =	ssyncadd.s32 $0xFFFFF800  }
0x316: {  	_ =	swait.ge [sflag:s16], $0x800  }
0x317: {  	[sflag:s16] =	ssyncset.done $0x0  }
0x318: {  	s17 =	rddreg [dreg:$0x5];
	[sflag:s16] =	ssyncadd.s32 $0xFFFFF800  }
0x319: {  	[hbm4b:s17+s2] =	stream.linear.scatter [tilespmem:s8], [sflag:$0x3], $0x4000, $0x38;
	[tilespmem:$0xB400] =	vst v63  }
0x31a: {  	_ =	swait.ge [sflag:s5], $0x4000  }
0x31b: {  	s0 =	sld [smem:$0x7B4]  }
0x31c: {  	[sflag:s5] =	ssyncset.done $0x0  }
0x31d: {  	s17 =	sld [smem:$0x7B5];
	[sflag:s5] =	ssyncadd.s32 $0xFFFFC000  }
0x31e: {  	[tilespmem:s8], [sflag:$0x2] =	stream.indirect.gather [hbm4b:s4+s6], $0x10, s0, s6, $0xb8;
	[tilespmem:$0xB400] =	vst v63  }
0x31f: {  	s0 =	sld [smem:$0x7B6]  }
0x320: {  	[tilespmem:s23], [sflag:$0x2] =	stream.indirect.gather [hbm4b:s4+s6], $0x10, s17, s6, $0xb8;
	[tilespmem:$0xB400] =	vst v63  }
0x321: {  	s17 =	sld [smem:$0x7B7]  }
0x322: {  	[tilespmem:s24], [sflag:$0x2] =	stream.indirect.gather [hbm4b:s4+s6], $0x10, s0, s6, $0xb8;
	[tilespmem:$0xB400] =	vst v63  }
0x323: {  	s0 =	sld [smem:$0x7B8]  }
0x324: {  	[tilespmem:s25], [sflag:$0x2] =	stream.indirect.gather [hbm4b:s4+s6], $0x10, s17, s6, $0xb8;
	[tilespmem:$0xB400] =	vst v63  }
0x325: {  	s17 =	sld [smem:$0x7B9]  }
0x326: {  	[tilespmem:s26], [sflag:$0x2] =	stream.indirect.gather [hbm4b:s4+s6], $0x10, s0, s6, $0xb8;
	[tilespmem:$0xB400] =	vst v63  }
0x327: {  	s0 =	sld [smem:$0x7BA]  }
0x328: {  	[tilespmem:s28], [sflag:$0x2] =	stream.indirect.gather [hbm4b:s4+s6], $0x10, s17, s6, $0xb8;
	[tilespmem:$0xB400] =	vst v63  }
0x329: {  	s17 =	sld [smem:$0x7BB]  }
0x32a: {  	[tilespmem:s29], [sflag:$0x2] =	stream.indirect.gather [hbm4b:s4+s6], $0x10, s0, s6, $0xb8;
	[tilespmem:$0xB400] =	vst v63  }
0x32b: {  	_ = 	snop  }
0x32c: {  	[tilespmem:s30], [sflag:$0x2] =	stream.indirect.gather [hbm4b:s4+s6], $0x10, s17, s6, $0xb8;
	[tilespmem:$0xB400] =	vst v63  }
0x32d: {  	_ =	swait.ge [sflag:s7], $0x800  }
0x32e: {  	[sflag:s7] =	ssyncset.done $0x0  }
0x32f: {  	[sflag:s7] =	ssyncadd.s32 $0xFFFFF800  }
0x330: {  	_ =	swait.ge [sflag:s7], $0x800  }
0x331: {  	[sflag:s7] =	ssyncset.done $0x0  }
0x332: {  	[sflag:s7] =	ssyncadd.s32 $0xFFFFF800  }
0x333: {  	_ =	swait.ge [sflag:s7], $0x800  }
0x334: {  	[sflag:s7] =	ssyncset.done $0x0  }
0x335: {  	[sflag:s7] =	ssyncadd.s32 $0xFFFFF800  }
0x336: {  	_ =	swait.ge [sflag:s7], $0x800  }
0x337: {  	[sflag:s7] =	ssyncset.done $0x0  }
0x338: {  	[sflag:s7] =	ssyncadd.s32 $0xFFFFF800  }
0x339: {  	_ =	swait.ge [sflag:s7], $0x800  }
0x33a: {  	[sflag:s7] =	ssyncset.done $0x0  }
0x33b: {  	[sflag:s7] =	ssyncadd.s32 $0xFFFFF800  }
0x33c: {  	_ =	swait.ge [sflag:s7], $0x800  }
0x33d: {  	[sflag:s7] =	ssyncset.done $0x0  }
0x33e: {  	[sflag:s7] =	ssyncadd.s32 $0xFFFFF800  }
0x33f: {  	_ =	swait.ge [sflag:s7], $0x800  }
0x340: {  	[sflag:s7] =	ssyncset.done $0x0  }
0x341: {  	[sflag:s7] =	ssyncadd.s32 $0xFFFFF800  }
0x342: {  	_ =	swait.ge [sflag:s7], $0x800  }
0x343: {  	[sflag:s7] =	ssyncset.done $0x0  }
0x344: {  	s17 =	rddreg [dreg:$0x6];
	[sflag:s7] =	ssyncadd.s32 $0xFFFFF800  }
0x345: {  	[hbm4b:s17+s2] =	stream.linear.scatter [tilespmem:s3], [sflag:$0x3], $0x4000, $0x38;
	[tilespmem:$0xB400] =	vst v63  }
0x346: {  	_ =	swait.ge [sflag:s5], $0x4000  }
0x347: {  	s0 =	sld [smem:$0x7BC]  }
0x348: {  	[sflag:s5] =	ssyncset.done $0x0  }
0x349: {  	s17 =	sld [smem:$0x7BD];
	[sflag:s5] =	ssyncadd.s32 $0xFFFFC000  }
0x34a: {  	[tilespmem:s3], [sflag:$0x1] =	stream.indirect.gather [hbm4b:s4+s6], $0x10, s0, s6, $0xb8;
	[tilespmem:$0xB400] =	vst v63  }
0x34b: {  	s0 =	sld [smem:$0x7BE]  }
0x34c: {  	[tilespmem:s9], [sflag:$0x1] =	stream.indirect.gather [hbm4b:s4+s6], $0x10, s17, s6, $0xb8;
	[tilespmem:$0xB400] =	vst v63  }
0x34d: {  	s17 =	sld [smem:$0x7BF]  }
0x34e: {  	[tilespmem:s10], [sflag:$0x1] =	stream.indirect.gather [hbm4b:s4+s6], $0x10, s0, s6, $0xb8;
	[tilespmem:$0xB400] =	vst v63  }
0x34f: {  	s0 =	sld [smem:$0x7C0]  }
0x350: {  	[tilespmem:s11], [sflag:$0x1] =	stream.indirect.gather [hbm4b:s4+s6], $0x10, s17, s6, $0xb8;
	[tilespmem:$0xB400] =	vst v63  }
0x351: {  	s17 =	sld [smem:$0x7C1]  }
0x352: {  	[tilespmem:s12], [sflag:$0x1] =	stream.indirect.gather [hbm4b:s4+s6], $0x10, s0, s6, $0xb8;
	[tilespmem:$0xB400] =	vst v63  }
0x353: {  	s0 =	sld [smem:$0x7C2]  }
0x354: {  	[tilespmem:s13], [sflag:$0x1] =	stream.indirect.gather [hbm4b:s4+s6], $0x10, s17, s6, $0xb8;
	[tilespmem:$0xB400] =	vst v63  }
0x355: {  	s17 =	sld [smem:$0x7C3]  }
0x356: {  	[tilespmem:s14], [sflag:$0x1] =	stream.indirect.gather [hbm4b:s4+s6], $0x10, s0, s6, $0xb8;
	[tilespmem:$0xB400] =	vst v63  }
0x357: {  	_ = 	snop  }
0x358: {  	[tilespmem:s15], [sflag:$0x1] =	stream.indirect.gather [hbm4b:s4+s6], $0x10, s17, s6, $0xb8;
	[tilespmem:$0xB400] =	vst v63  }
0x359: {  	_ =	swait.ge [sflag:s16], $0x800  }
0x35a: {  	[sflag:s16] =	ssyncset.done $0x0  }
0x35b: {  	[sflag:s16] =	ssyncadd.s32 $0xFFFFF800  }
0x35c: {  	_ =	swait.ge [sflag:s16], $0x800  }
0x35d: {  	[sflag:s16] =	ssyncset.done $0x0  }
0x35e: {  	[sflag:s16] =	ssyncadd.s32 $0xFFFFF800  }
0x35f: {  	_ =	swait.ge [sflag:s16], $0x800  }
0x360: {  	[sflag:s16] =	ssyncset.done $0x0  }
0x361: {  	[sflag:s16] =	ssyncadd.s32 $0xFFFFF800  }
0x362: {  	_ =	swait.ge [sflag:s16], $0x800  }
0x363: {  	[sflag:s16] =	ssyncset.done $0x0  }
0x364: {  	[sflag:s16] =	ssyncadd.s32 $0xFFFFF800  }
0x365: {  	_ =	swait.ge [sflag:s16], $0x800  }
0x366: {  	[sflag:s16] =	ssyncset.done $0x0  }
0x367: {  	[sflag:s16] =	ssyncadd.s32 $0xFFFFF800  }
0x368: {  	_ =	swait.ge [sflag:s16], $0x800  }
0x369: {  	[sflag:s16] =	ssyncset.done $0x0  }
0x36a: {  	[sflag:s16] =	ssyncadd.s32 $0xFFFFF800  }
0x36b: {  	_ =	swait.ge [sflag:s16], $0x800  }
0x36c: {  	[sflag:s16] =	ssyncset.done $0x0  }
0x36d: {  	[sflag:s16] =	ssyncadd.s32 $0xFFFFF800  }
0x36e: {  	_ =	swait.ge [sflag:s16], $0x800  }
0x36f: {  	[sflag:s16] =	ssyncset.done $0x0  }
0x370: {  	s17 =	rddreg [dreg:$0x7];
	[sflag:s16] =	ssyncadd.s32 $0xFFFFF800  }
0x371: {  	[hbm4b:s17+s2] =	stream.linear.scatter [tilespmem:s8], [sflag:$0x3], $0x4000, $0x38;
	[tilespmem:$0xB400] =	vst v63  }
0x372: {  	_ =	swait.ge [sflag:s5], $0x4000  }
0x373: {  	s0 =	sld [smem:$0x7C4]  }
0x374: {  	[sflag:s5] =	ssyncset.done $0x0  }
0x375: {  	s17 =	sld [smem:$0x7C5];
	[sflag:s5] =	ssyncadd.s32 $0xFFFFC000  }
0x376: {  	[tilespmem:s8], [sflag:$0x2] =	stream.indirect.gather [hbm4b:s4+s6], $0x10, s0, s6, $0xb8;
	[tilespmem:$0xB400] =	vst v63  }
0x377: {  	s0 =	sld [smem:$0x7C6]  }
0x378: {  	[tilespmem:s23], [sflag:$0x2] =	stream.indirect.gather [hbm4b:s4+s6], $0x10, s17, s6, $0xb8;
	[tilespmem:$0xB400] =	vst v63  }
0x379: {  	s17 =	sld [smem:$0x7C7]  }
0x37a: {  	[tilespmem:s24], [sflag:$0x2] =	stream.indirect.gather [hbm4b:s4+s6], $0x10, s0, s6, $0xb8;
	[tilespmem:$0xB400] =	vst v63  }
0x37b: {  	s0 =	sld [smem:$0x7C8]  }
0x37c: {  	[tilespmem:s25], [sflag:$0x2] =	stream.indirect.gather [hbm4b:s4+s6], $0x10, s17, s6, $0xb8;
	[tilespmem:$0xB400] =	vst v63  }
0x37d: {  	s17 =	sld [smem:$0x7C9]  }
0x37e: {  	[tilespmem:s26], [sflag:$0x2] =	stream.indirect.gather [hbm4b:s4+s6], $0x10, s0, s6, $0xb8;
	[tilespmem:$0xB400] =	vst v63  }
0x37f: {  	s0 =	sld [smem:$0x7CA]  }
0x380: {  	[tilespmem:s28], [sflag:$0x2] =	stream.indirect.gather [hbm4b:s4+s6], $0x10, s17, s6, $0xb8;
	[tilespmem:$0xB400] =	vst v63  }
0x381: {  	s17 =	sld [smem:$0x7CB]  }
0x382: {  	[tilespmem:s29], [sflag:$0x2] =	stream.indirect.gather [hbm4b:s4+s6], $0x10, s0, s6, $0xb8;
	[tilespmem:$0xB400] =	vst v63  }
0x383: {  	_ = 	snop  }
0x384: {  	[tilespmem:s30], [sflag:$0x2] =	stream.indirect.gather [hbm4b:s4+s6], $0x10, s17, s6, $0xb8;
	[tilespmem:$0xB400] =	vst v63  }
0x385: {  	_ =	swait.ge [sflag:s7], $0x800  }
0x386: {  	[sflag:s7] =	ssyncset.done $0x0  }
0x387: {  	[sflag:s7] =	ssyncadd.s32 $0xFFFFF800  }
0x388: {  	_ =	swait.ge [sflag:s7], $0x800  }
0x389: {  	[sflag:s7] =	ssyncset.done $0x0  }
0x38a: {  	[sflag:s7] =	ssyncadd.s32 $0xFFFFF800  }
0x38b: {  	_ =	swait.ge [sflag:s7], $0x800  }
0x38c: {  	[sflag:s7] =	ssyncset.done $0x0  }
0x38d: {  	[sflag:s7] =	ssyncadd.s32 $0xFFFFF800  }
0x38e: {  	_ =	swait.ge [sflag:s7], $0x800  }
0x38f: {  	[sflag:s7] =	ssyncset.done $0x0  }
0x390: {  	[sflag:s7] =	ssyncadd.s32 $0xFFFFF800  }
0x391: {  	_ =	swait.ge [sflag:s7], $0x800  }
0x392: {  	[sflag:s7] =	ssyncset.done $0x0  }
0x393: {  	[sflag:s7] =	ssyncadd.s32 $0xFFFFF800  }
0x394: {  	_ =	swait.ge [sflag:s7], $0x800  }
0x395: {  	[sflag:s7] =	ssyncset.done $0x0  }
0x396: {  	[sflag:s7] =	ssyncadd.s32 $0xFFFFF800  }
0x397: {  	_ =	swait.ge [sflag:s7], $0x800  }
0x398: {  	[sflag:s7] =	ssyncset.done $0x0  }
0x399: {  	[sflag:s7] =	ssyncadd.s32 $0xFFFFF800  }
0x39a: {  	_ =	swait.ge [sflag:s7], $0x800  }
0x39b: {  	[sflag:s7] =	ssyncset.done $0x0  }
0x39c: {  	s17 =	rddreg [dreg:$0x8];
	[sflag:s7] =	ssyncadd.s32 $0xFFFFF800  }
0x39d: {  	[hbm4b:s17+s2] =	stream.linear.scatter [tilespmem:s3], [sflag:$0x3], $0x4000, $0x38;
	[tilespmem:$0xB400] =	vst v63  }
0x39e: {  	_ =	swait.ge [sflag:s5], $0x4000  }
0x39f: {  	s0 =	sld [smem:$0x7CC]  }
0x3a0: {  	[sflag:s5] =	ssyncset.done $0x0  }
0x3a1: {  	s17 =	sld [smem:$0x7CD];
	[sflag:s5] =	ssyncadd.s32 $0xFFFFC000  }
0x3a2: {  	[tilespmem:s3], [sflag:$0x1] =	stream.indirect.gather [hbm4b:s4+s6], $0x10, s0, s6, $0xb8;
	[tilespmem:$0xB400] =	vst v63  }
0x3a3: {  	s0 =	sld [smem:$0x7CE]  }
0x3a4: {  	[tilespmem:s9], [sflag:$0x1] =	stream.indirect.gather [hbm4b:s4+s6], $0x10, s17, s6, $0xb8;
	[tilespmem:$0xB400] =	vst v63  }
0x3a5: {  	s17 =	sld [smem:$0x7CF]  }
0x3a6: {  	[tilespmem:s10], [sflag:$0x1] =	stream.indirect.gather [hbm4b:s4+s6], $0x10, s0, s6, $0xb8;
	[tilespmem:$0xB400] =	vst v63  }
0x3a7: {  	s0 =	sld [smem:$0x7D0]  }
0x3a8: {  	[tilespmem:s11], [sflag:$0x1] =	stream.indirect.gather [hbm4b:s4+s6], $0x10, s17, s6, $0xb8;
	[tilespmem:$0xB400] =	vst v63  }
0x3a9: {  	s17 =	sld [smem:$0x7D1]  }
0x3aa: {  	[tilespmem:s12], [sflag:$0x1] =	stream.indirect.gather [hbm4b:s4+s6], $0x10, s0, s6, $0xb8;
	[tilespmem:$0xB400] =	vst v63  }
0x3ab: {  	s0 =	sld [smem:$0x7D2]  }
0x3ac: {  	[tilespmem:s13], [sflag:$0x1] =	stream.indirect.gather [hbm4b:s4+s6], $0x10, s17, s6, $0xb8;
	[tilespmem:$0xB400] =	vst v63  }
0x3ad: {  	s17 =	sld [smem:$0x7D3]  }
0x3ae: {  	[tilespmem:s14], [sflag:$0x1] =	stream.indirect.gather [hbm4b:s4+s6], $0x10, s0, s6, $0xb8;
	[tilespmem:$0xB400] =	vst v63  }
0x3af: {  	_ = 	snop  }
0x3b0: {  	[tilespmem:s15], [sflag:$0x1] =	stream.indirect.gather [hbm4b:s4+s6], $0x10, s17, s6, $0xb8;
	[tilespmem:$0xB400] =	vst v63  }
0x3b1: {  	_ =	swait.ge [sflag:s16], $0x800  }
0x3b2: {  	[sflag:s16] =	ssyncset.done $0x0  }
0x3b3: {  	[sflag:s16] =	ssyncadd.s32 $0xFFFFF800  }
0x3b4: {  	_ =	swait.ge [sflag:s16], $0x800  }
0x3b5: {  	[sflag:s16] =	ssyncset.done $0x0  }
0x3b6: {  	[sflag:s16] =	ssyncadd.s32 $0xFFFFF800  }
0x3b7: {  	_ =	swait.ge [sflag:s16], $0x800  }
0x3b8: {  	[sflag:s16] =	ssyncset.done $0x0  }
0x3b9: {  	[sflag:s16] =	ssyncadd.s32 $0xFFFFF800  }
0x3ba: {  	_ =	swait.ge [sflag:s16], $0x800  }
0x3bb: {  	[sflag:s16] =	ssyncset.done $0x0  }
0x3bc: {  	[sflag:s16] =	ssyncadd.s32 $0xFFFFF800  }
0x3bd: {  	_ =	swait.ge [sflag:s16], $0x800  }
0x3be: {  	[sflag:s16] =	ssyncset.done $0x0  }
0x3bf: {  	[sflag:s16] =	ssyncadd.s32 $0xFFFFF800  }
0x3c0: {  	_ =	swait.ge [sflag:s16], $0x800  }
0x3c1: {  	[sflag:s16] =	ssyncset.done $0x0  }
0x3c2: {  	[sflag:s16] =	ssyncadd.s32 $0xFFFFF800  }
0x3c3: {  	_ =	swait.ge [sflag:s16], $0x800  }
0x3c4: {  	[sflag:s16] =	ssyncset.done $0x0  }
0x3c5: {  	[sflag:s16] =	ssyncadd.s32 $0xFFFFF800  }
0x3c6: {  	_ =	swait.ge [sflag:s16], $0x800  }
0x3c7: {  	[sflag:s16] =	ssyncset.done $0x0  }
0x3c8: {  	s17 =	rddreg [dreg:$0x9];
	[sflag:s16] =	ssyncadd.s32 $0xFFFFF800  }
0x3c9: {  	[hbm4b:s17+s2] =	stream.linear.scatter [tilespmem:s8], [sflag:$0x3], $0x4000, $0x38;
	[tilespmem:$0xB400] =	vst v63  }
0x3ca: {  	_ =	swait.ge [sflag:s5], $0x4000  }
0x3cb: {  	s0 =	sld [smem:$0x7D4]  }
0x3cc: {  	[sflag:s5] =	ssyncset.done $0x0  }
0x3cd: {  	s17 =	sld [smem:$0x7D5];
	[sflag:s5] =	ssyncadd.s32 $0xFFFFC000  }
0x3ce: {  	[tilespmem:s8], [sflag:$0x2] =	stream.indirect.gather [hbm4b:s4+s6], $0x10, s0, s6, $0xb8;
	[tilespmem:$0xB400] =	vst v63  }
0x3cf: {  	s0 =	sld [smem:$0x7D6]  }
0x3d0: {  	[tilespmem:s23], [sflag:$0x2] =	stream.indirect.gather [hbm4b:s4+s6], $0x10, s17, s6, $0xb8;
	[tilespmem:$0xB400] =	vst v63  }
0x3d1: {  	s17 =	sld [smem:$0x7D7]  }
0x3d2: {  	[tilespmem:s24], [sflag:$0x2] =	stream.indirect.gather [hbm4b:s4+s6], $0x10, s0, s6, $0xb8;
	[tilespmem:$0xB400] =	vst v63  }
0x3d3: {  	s0 =	sld [smem:$0x7D8]  }
0x3d4: {  	[tilespmem:s25], [sflag:$0x2] =	stream.indirect.gather [hbm4b:s4+s6], $0x10, s17, s6, $0xb8;
	[tilespmem:$0xB400] =	vst v63  }
0x3d5: {  	s17 =	sld [smem:$0x7D9]  }
0x3d6: {  	[tilespmem:s26], [sflag:$0x2] =	stream.indirect.gather [hbm4b:s4+s6], $0x10, s0, s6, $0xb8;
	[tilespmem:$0xB400] =	vst v63  }
0x3d7: {  	s0 =	sld [smem:$0x7DA]  }
0x3d8: {  	[tilespmem:s28], [sflag:$0x2] =	stream.indirect.gather [hbm4b:s4+s6], $0x10, s17, s6, $0xb8;
	[tilespmem:$0xB400] =	vst v63  }
0x3d9: {  	s17 =	sld [smem:$0x7DB]  }
0x3da: {  	[tilespmem:s29], [sflag:$0x2] =	stream.indirect.gather [hbm4b:s4+s6], $0x10, s0, s6, $0xb8;
	[tilespmem:$0xB400] =	vst v63  }
0x3db: {  	_ = 	snop  }
0x3dc: {  	[tilespmem:s30], [sflag:$0x2] =	stream.indirect.gather [hbm4b:s4+s6], $0x10, s17, s6, $0xb8;
	[tilespmem:$0xB400] =	vst v63  }
0x3dd: {  	_ =	swait.ge [sflag:s7], $0x800  }
0x3de: {  	[sflag:s7] =	ssyncset.done $0x0  }
0x3df: {  	[sflag:s7] =	ssyncadd.s32 $0xFFFFF800  }
0x3e0: {  	_ =	swait.ge [sflag:s7], $0x800  }
0x3e1: {  	[sflag:s7] =	ssyncset.done $0x0  }
0x3e2: {  	[sflag:s7] =	ssyncadd.s32 $0xFFFFF800  }
0x3e3: {  	_ =	swait.ge [sflag:s7], $0x800  }
0x3e4: {  	[sflag:s7] =	ssyncset.done $0x0  }
0x3e5: {  	[sflag:s7] =	ssyncadd.s32 $0xFFFFF800  }
0x3e6: {  	_ =	swait.ge [sflag:s7], $0x800  }
0x3e7: {  	[sflag:s7] =	ssyncset.done $0x0  }
0x3e8: {  	[sflag:s7] =	ssyncadd.s32 $0xFFFFF800  }
0x3e9: {  	_ =	swait.ge [sflag:s7], $0x800  }
0x3ea: {  	[sflag:s7] =	ssyncset.done $0x0  }
0x3eb: {  	[sflag:s7] =	ssyncadd.s32 $0xFFFFF800  }
0x3ec: {  	_ =	swait.ge [sflag:s7], $0x800  }
0x3ed: {  	[sflag:s7] =	ssyncset.done $0x0  }
0x3ee: {  	[sflag:s7] =	ssyncadd.s32 $0xFFFFF800  }
0x3ef: {  	_ =	swait.ge [sflag:s7], $0x800  }
0x3f0: {  	[sflag:s7] =	ssyncset.done $0x0  }
0x3f1: {  	[sflag:s7] =	ssyncadd.s32 $0xFFFFF800  }
0x3f2: {  	_ =	swait.ge [sflag:s7], $0x800  }
0x3f3: {  	[sflag:s7] =	ssyncset.done $0x0  }
0x3f4: {  	s17 =	rddreg [dreg:$0xa];
	[sflag:s7] =	ssyncadd.s32 $0xFFFFF800  }
0x3f5: {  	[hbm4b:s17+s2] =	stream.linear.scatter [tilespmem:s3], [sflag:$0x3], $0x4000, $0x38;
	[tilespmem:$0xB400] =	vst v63  }
0x3f6: {  	_ =	swait.ge [sflag:s5], $0x4000  }
0x3f7: {  	s0 =	sld [smem:$0x7DC]  }
0x3f8: {  	[sflag:s5] =	ssyncset.done $0x0  }
0x3f9: {  	s17 =	sld [smem:$0x7DD];
	[sflag:s5] =	ssyncadd.s32 $0xFFFFC000  }
0x3fa: {  	[tilespmem:s3], [sflag:$0x1] =	stream.indirect.gather [hbm4b:s4+s6], $0x10, s0, s6, $0xb8;
	[tilespmem:$0xB400] =	vst v63  }
0x3fb: {  	s0 =	sld [smem:$0x7DE]  }
0x3fc: {  	[tilespmem:s9], [sflag:$0x1] =	stream.indirect.gather [hbm4b:s4+s6], $0x10, s17, s6, $0xb8;
	[tilespmem:$0xB400] =	vst v63  }
0x3fd: {  	s17 =	sld [smem:$0x7DF]  }
0x3fe: {  	[tilespmem:s10], [sflag:$0x1] =	stream.indirect.gather [hbm4b:s4+s6], $0x10, s0, s6, $0xb8;
	[tilespmem:$0xB400] =	vst v63  }
0x3ff: {  	s0 =	sld [smem:$0x7E0]  }
0x400: {  	[tilespmem:s11], [sflag:$0x1] =	stream.indirect.gather [hbm4b:s4+s6], $0x10, s17, s6, $0xb8;
	[tilespmem:$0xB400] =	vst v63  }
0x401: {  	s17 =	sld [smem:$0x7E1]  }
0x402: {  	[tilespmem:s12], [sflag:$0x1] =	stream.indirect.gather [hbm4b:s4+s6], $0x10, s0, s6, $0xb8;
	[tilespmem:$0xB400] =	vst v63  }
0x403: {  	s0 =	sld [smem:$0x7E2]  }
0x404: {  	[tilespmem:s13], [sflag:$0x1] =	stream.indirect.gather [hbm4b:s4+s6], $0x10, s17, s6, $0xb8;
	[tilespmem:$0xB400] =	vst v63  }
0x405: {  	s17 =	sld [smem:$0x7E3]  }
0x406: {  	[tilespmem:s14], [sflag:$0x1] =	stream.indirect.gather [hbm4b:s4+s6], $0x10, s0, s6, $0xb8;
	[tilespmem:$0xB400] =	vst v63  }
0x407: {  	_ = 	snop  }
0x408: {  	[tilespmem:s15], [sflag:$0x1] =	stream.indirect.gather [hbm4b:s4+s6], $0x10, s17, s6, $0xb8;
	[tilespmem:$0xB400] =	vst v63  }
0x409: {  	_ =	swait.ge [sflag:s16], $0x800  }
0x40a: {  	[sflag:s16] =	ssyncset.done $0x0  }
0x40b: {  	[sflag:s16] =	ssyncadd.s32 $0xFFFFF800  }
0x40c: {  	_ =	swait.ge [sflag:s16], $0x800  }
0x40d: {  	[sflag:s16] =	ssyncset.done $0x0  }
0x40e: {  	[sflag:s16] =	ssyncadd.s32 $0xFFFFF800  }
0x40f: {  	_ =	swait.ge [sflag:s16], $0x800  }
0x410: {  	[sflag:s16] =	ssyncset.done $0x0  }
0x411: {  	[sflag:s16] =	ssyncadd.s32 $0xFFFFF800  }
0x412: {  	_ =	swait.ge [sflag:s16], $0x800  }
0x413: {  	[sflag:s16] =	ssyncset.done $0x0  }
0x414: {  	[sflag:s16] =	ssyncadd.s32 $0xFFFFF800  }
0x415: {  	_ =	swait.ge [sflag:s16], $0x800  }
0x416: {  	[sflag:s16] =	ssyncset.done $0x0  }
0x417: {  	[sflag:s16] =	ssyncadd.s32 $0xFFFFF800  }
0x418: {  	_ =	swait.ge [sflag:s16], $0x800  }
0x419: {  	[sflag:s16] =	ssyncset.done $0x0  }
0x41a: {  	[sflag:s16] =	ssyncadd.s32 $0xFFFFF800  }
0x41b: {  	_ =	swait.ge [sflag:s16], $0x800  }
0x41c: {  	[sflag:s16] =	ssyncset.done $0x0  }
0x41d: {  	[sflag:s16] =	ssyncadd.s32 $0xFFFFF800  }
0x41e: {  	_ =	swait.ge [sflag:s16], $0x800  }
0x41f: {  	[sflag:s16] =	ssyncset.done $0x0  }
0x420: {  	s17 =	rddreg [dreg:$0xb];
	[sflag:s16] =	ssyncadd.s32 $0xFFFFF800  }
0x421: {  	[hbm4b:s17+s2] =	stream.linear.scatter [tilespmem:s8], [sflag:$0x3], $0x4000, $0x38;
	[tilespmem:$0xB400] =	vst v63  }
0x422: {  	_ =	swait.ge [sflag:s5], $0x4000  }
0x423: {  	s0 =	sld [smem:$0x7E4]  }
0x424: {  	[sflag:s5] =	ssyncset.done $0x0  }
0x425: {  	s17 =	sld [smem:$0x7E5];
	[sflag:s5] =	ssyncadd.s32 $0xFFFFC000  }
0x426: {  	[tilespmem:s8], [sflag:$0x2] =	stream.indirect.gather [hbm4b:s4+s6], $0x10, s0, s6, $0xb8;
	[tilespmem:$0xB400] =	vst v63  }
0x427: {  	s0 =	sld [smem:$0x7E6]  }
0x428: {  	[tilespmem:s23], [sflag:$0x2] =	stream.indirect.gather [hbm4b:s4+s6], $0x10, s17, s6, $0xb8;
	[tilespmem:$0xB400] =	vst v63  }
0x429: {  	s17 =	sld [smem:$0x7E7]  }
0x42a: {  	[tilespmem:s24], [sflag:$0x2] =	stream.indirect.gather [hbm4b:s4+s6], $0x10, s0, s6, $0xb8;
	[tilespmem:$0xB400] =	vst v63  }
0x42b: {  	s0 =	sld [smem:$0x7E8]  }
0x42c: {  	[tilespmem:s25], [sflag:$0x2] =	stream.indirect.gather [hbm4b:s4+s6], $0x10, s17, s6, $0xb8;
	[tilespmem:$0xB400] =	vst v63  }
0x42d: {  	s17 =	sld [smem:$0x7E9]  }
0x42e: {  	[tilespmem:s26], [sflag:$0x2] =	stream.indirect.gather [hbm4b:s4+s6], $0x10, s0, s6, $0xb8;
	[tilespmem:$0xB400] =	vst v63  }
0x42f: {  	s0 =	sld [smem:$0x7EA]  }
0x430: {  	[tilespmem:s28], [sflag:$0x2] =	stream.indirect.gather [hbm4b:s4+s6], $0x10, s17, s6, $0xb8;
	[tilespmem:$0xB400] =	vst v63  }
0x431: {  	s17 =	sld [smem:$0x7EB]  }
0x432: {  	[tilespmem:s29], [sflag:$0x2] =	stream.indirect.gather [hbm4b:s4+s6], $0x10, s0, s6, $0xb8;
	[tilespmem:$0xB400] =	vst v63  }
0x433: {  	_ = 	snop  }
0x434: {  	[tilespmem:s30], [sflag:$0x2] =	stream.indirect.gather [hbm4b:s4+s6], $0x10, s17, s6, $0xb8;
	[tilespmem:$0xB400] =	vst v63  }
0x435: {  	_ =	swait.ge [sflag:s7], $0x800  }
0x436: {  	[sflag:s7] =	ssyncset.done $0x0  }
0x437: {  	[sflag:s7] =	ssyncadd.s32 $0xFFFFF800  }
0x438: {  	_ =	swait.ge [sflag:s7], $0x800  }
0x439: {  	[sflag:s7] =	ssyncset.done $0x0  }
0x43a: {  	[sflag:s7] =	ssyncadd.s32 $0xFFFFF800  }
0x43b: {  	_ =	swait.ge [sflag:s7], $0x800  }
0x43c: {  	[sflag:s7] =	ssyncset.done $0x0  }
0x43d: {  	[sflag:s7] =	ssyncadd.s32 $0xFFFFF800  }
0x43e: {  	_ =	swait.ge [sflag:s7], $0x800  }
0x43f: {  	[sflag:s7] =	ssyncset.done $0x0  }
0x440: {  	[sflag:s7] =	ssyncadd.s32 $0xFFFFF800  }
0x441: {  	_ =	swait.ge [sflag:s7], $0x800  }
0x442: {  	[sflag:s7] =	ssyncset.done $0x0  }
0x443: {  	[sflag:s7] =	ssyncadd.s32 $0xFFFFF800  }
0x444: {  	_ =	swait.ge [sflag:s7], $0x800  }
0x445: {  	[sflag:s7] =	ssyncset.done $0x0  }
0x446: {  	[sflag:s7] =	ssyncadd.s32 $0xFFFFF800  }
0x447: {  	_ =	swait.ge [sflag:s7], $0x800  }
0x448: {  	[sflag:s7] =	ssyncset.done $0x0  }
0x449: {  	[sflag:s7] =	ssyncadd.s32 $0xFFFFF800  }
0x44a: {  	_ =	swait.ge [sflag:s7], $0x800  }
0x44b: {  	[sflag:s7] =	ssyncset.done $0x0  }
0x44c: {  	s17 =	rddreg [dreg:$0xc];
	[sflag:s7] =	ssyncadd.s32 $0xFFFFF800  }
0x44d: {  	[hbm4b:s17+s2] =	stream.linear.scatter [tilespmem:s3], [sflag:$0x3], $0x4000, $0x38;
	[tilespmem:$0xB400] =	vst v63  }
0x44e: {  	_ =	swait.ge [sflag:s5], $0x4000  }
0x44f: {  	s0 =	sld [smem:$0x7EC]  }
0x450: {  	[sflag:s5] =	ssyncset.done $0x0  }
0x451: {  	s17 =	sld [smem:$0x7ED];
	[sflag:s5] =	ssyncadd.s32 $0xFFFFC000  }
0x452: {  	[tilespmem:s3], [sflag:$0x1] =	stream.indirect.gather [hbm4b:s4+s6], $0x10, s0, s6, $0xb8;
	[tilespmem:$0xB400] =	vst v63  }
0x453: {  	s0 =	sld [smem:$0x7EE]  }
0x454: {  	[tilespmem:s9], [sflag:$0x1] =	stream.indirect.gather [hbm4b:s4+s6], $0x10, s17, s6, $0xb8;
	[tilespmem:$0xB400] =	vst v63  }
0x455: {  	s17 =	sld [smem:$0x7EF]  }
0x456: {  	[tilespmem:s10], [sflag:$0x1] =	stream.indirect.gather [hbm4b:s4+s6], $0x10, s0, s6, $0xb8;
	[tilespmem:$0xB400] =	vst v63  }
0x457: {  	s0 =	sld [smem:$0x7F0]  }
0x458: {  	[tilespmem:s11], [sflag:$0x1] =	stream.indirect.gather [hbm4b:s4+s6], $0x10, s17, s6, $0xb8;
	[tilespmem:$0xB400] =	vst v63  }
0x459: {  	s17 =	sld [smem:$0x7F1]  }
0x45a: {  	[tilespmem:s12], [sflag:$0x1] =	stream.indirect.gather [hbm4b:s4+s6], $0x10, s0, s6, $0xb8;
	[tilespmem:$0xB400] =	vst v63  }
0x45b: {  	s0 =	sld [smem:$0x7F2]  }
0x45c: {  	[tilespmem:s13], [sflag:$0x1] =	stream.indirect.gather [hbm4b:s4+s6], $0x10, s17, s6, $0xb8;
	[tilespmem:$0xB400] =	vst v63  }
0x45d: {  	s17 =	sld [smem:$0x7F3]  }
0x45e: {  	[tilespmem:s14], [sflag:$0x1] =	stream.indirect.gather [hbm4b:s4+s6], $0x10, s0, s6, $0xb8;
	[tilespmem:$0xB400] =	vst v63  }
0x45f: {  	_ = 	snop  }
0x460: {  	[tilespmem:s15], [sflag:$0x1] =	stream.indirect.gather [hbm4b:s4+s6], $0x10, s17, s6, $0xb8;
	[tilespmem:$0xB400] =	vst v63  }
0x461: {  	_ =	swait.ge [sflag:s16], $0x800  }
0x462: {  	[sflag:s16] =	ssyncset.done $0x0  }
0x463: {  	[sflag:s16] =	ssyncadd.s32 $0xFFFFF800  }
0x464: {  	_ =	swait.ge [sflag:s16], $0x800  }
0x465: {  	[sflag:s16] =	ssyncset.done $0x0  }
0x466: {  	[sflag:s16] =	ssyncadd.s32 $0xFFFFF800  }
0x467: {  	_ =	swait.ge [sflag:s16], $0x800  }
0x468: {  	[sflag:s16] =	ssyncset.done $0x0  }
0x469: {  	[sflag:s16] =	ssyncadd.s32 $0xFFFFF800  }
0x46a: {  	_ =	swait.ge [sflag:s16], $0x800  }
0x46b: {  	[sflag:s16] =	ssyncset.done $0x0  }
0x46c: {  	[sflag:s16] =	ssyncadd.s32 $0xFFFFF800  }
0x46d: {  	_ =	swait.ge [sflag:s16], $0x800  }
0x46e: {  	[sflag:s16] =	ssyncset.done $0x0  }
0x46f: {  	[sflag:s16] =	ssyncadd.s32 $0xFFFFF800  }
0x470: {  	_ =	swait.ge [sflag:s16], $0x800  }
0x471: {  	[sflag:s16] =	ssyncset.done $0x0  }
0x472: {  	[sflag:s16] =	ssyncadd.s32 $0xFFFFF800  }
0x473: {  	_ =	swait.ge [sflag:s16], $0x800  }
0x474: {  	[sflag:s16] =	ssyncset.done $0x0  }
0x475: {  	[sflag:s16] =	ssyncadd.s32 $0xFFFFF800  }
0x476: {  	_ =	swait.ge [sflag:s16], $0x800  }
0x477: {  	[sflag:s16] =	ssyncset.done $0x0  }
0x478: {  	s17 =	rddreg [dreg:$0xd];
	[sflag:s16] =	ssyncadd.s32 $0xFFFFF800  }
0x479: {  	[hbm4b:s17+s2] =	stream.linear.scatter [tilespmem:s8], [sflag:$0x3], $0x4000, $0x38;
	[tilespmem:$0xB400] =	vst v63  }
0x47a: {  	_ =	swait.ge [sflag:s5], $0x4000  }
0x47b: {  	s0 =	sld [smem:$0x7F4]  }
0x47c: {  	[sflag:s5] =	ssyncset.done $0x0  }
0x47d: {  	s17 =	sld [smem:$0x7F5];
	[sflag:s5] =	ssyncadd.s32 $0xFFFFC000  }
0x47e: {  	[tilespmem:s8], [sflag:$0x2] =	stream.indirect.gather [hbm4b:s4+s6], $0x10, s0, s6, $0xb8;
	[tilespmem:$0xB400] =	vst v63  }
0x47f: {  	s0 =	sld [smem:$0x7F6]  }
0x480: {  	[tilespmem:s23], [sflag:$0x2] =	stream.indirect.gather [hbm4b:s4+s6], $0x10, s17, s6, $0xb8;
	[tilespmem:$0xB400] =	vst v63  }
0x481: {  	s17 =	sld [smem:$0x7F7]  }
0x482: {  	[tilespmem:s24], [sflag:$0x2] =	stream.indirect.gather [hbm4b:s4+s6], $0x10, s0, s6, $0xb8;
	[tilespmem:$0xB400] =	vst v63  }
0x483: {  	s0 =	sld [smem:$0x7F8]  }
0x484: {  	[tilespmem:s25], [sflag:$0x2] =	stream.indirect.gather [hbm4b:s4+s6], $0x10, s17, s6, $0xb8;
	[tilespmem:$0xB400] =	vst v63  }
0x485: {  	s17 =	sld [smem:$0x7F9]  }
0x486: {  	[tilespmem:s26], [sflag:$0x2] =	stream.indirect.gather [hbm4b:s4+s6], $0x10, s0, s6, $0xb8;
	[tilespmem:$0xB400] =	vst v63  }
0x487: {  	s0 =	sld [smem:$0x7FA]  }
0x488: {  	[tilespmem:s28], [sflag:$0x2] =	stream.indirect.gather [hbm4b:s4+s6], $0x10, s17, s6, $0xb8;
	[tilespmem:$0xB400] =	vst v63  }
0x489: {  	s17 =	sld [smem:$0x7FB]  }
0x48a: {  	[tilespmem:s29], [sflag:$0x2] =	stream.indirect.gather [hbm4b:s4+s6], $0x10, s0, s6, $0xb8;
	[tilespmem:$0xB400] =	vst v63  }
0x48b: {  	_ = 	snop  }
0x48c: {  	[tilespmem:s30], [sflag:$0x2] =	stream.indirect.gather [hbm4b:s4+s6], $0x10, s17, s6, $0xb8;
	[tilespmem:$0xB400] =	vst v63  }
0x48d: {  	_ =	swait.ge [sflag:s7], $0x800  }
0x48e: {  	[sflag:s7] =	ssyncset.done $0x0  }
0x48f: {  	[sflag:s7] =	ssyncadd.s32 $0xFFFFF800  }
0x490: {  	_ =	swait.ge [sflag:s7], $0x800  }
0x491: {  	[sflag:s7] =	ssyncset.done $0x0  }
0x492: {  	[sflag:s7] =	ssyncadd.s32 $0xFFFFF800  }
0x493: {  	_ =	swait.ge [sflag:s7], $0x800  }
0x494: {  	[sflag:s7] =	ssyncset.done $0x0  }
0x495: {  	[sflag:s7] =	ssyncadd.s32 $0xFFFFF800  }
0x496: {  	_ =	swait.ge [sflag:s7], $0x800  }
0x497: {  	[sflag:s7] =	ssyncset.done $0x0  }
0x498: {  	[sflag:s7] =	ssyncadd.s32 $0xFFFFF800  }
0x499: {  	_ =	swait.ge [sflag:s7], $0x800  }
0x49a: {  	[sflag:s7] =	ssyncset.done $0x0  }
0x49b: {  	[sflag:s7] =	ssyncadd.s32 $0xFFFFF800  }
0x49c: {  	_ =	swait.ge [sflag:s7], $0x800  }
0x49d: {  	[sflag:s7] =	ssyncset.done $0x0  }
0x49e: {  	[sflag:s7] =	ssyncadd.s32 $0xFFFFF800  }
0x49f: {  	_ =	swait.ge [sflag:s7], $0x800  }
0x4a0: {  	[sflag:s7] =	ssyncset.done $0x0  }
0x4a1: {  	[sflag:s7] =	ssyncadd.s32 $0xFFFFF800  }
0x4a2: {  	_ =	swait.ge [sflag:s7], $0x800  }
0x4a3: {  	[sflag:s7] =	ssyncset.done $0x0  }
0x4a4: {  	s17 =	rddreg [dreg:$0xe];
	[sflag:s7] =	ssyncadd.s32 $0xFFFFF800  }
0x4a5: {  	[hbm4b:s17+s2] =	stream.linear.scatter [tilespmem:s3], [sflag:$0x3], $0x4000, $0x38;
	[tilespmem:$0xB400] =	vst v63  }
0x4a6: {  	_ =	swait.ge [sflag:s5], $0x4000  }
0x4a7: {  	s0 =	sld [smem:$0x7FC]  }
0x4a8: {  	[sflag:s5] =	ssyncset.done $0x0  }
0x4a9: {  	s17 =	sld [smem:$0x7FD];
	[sflag:s5] =	ssyncadd.s32 $0xFFFFC000  }
0x4aa: {  	[tilespmem:s3], [sflag:$0x1] =	stream.indirect.gather [hbm4b:s4+s6], $0x10, s0, s6, $0xb8;
	[tilespmem:$0xB400] =	vst v63  }
0x4ab: {  	_ = 	snop  }
0x4ac: {  	[tilespmem:s9], [sflag:$0x1] =	stream.indirect.gather [hbm4b:s4+s6], $0x10, s17, s6, $0xb8;
	[tilespmem:$0xB400] =	vst v63  }
0x4ad: {  	s17 =	simm.s32 $0x3100  }
0x4ae: {  	[tilespmem:s10], [sflag:$0x1] =	stream.indirect.gather [hbm4b:s4+s6], $0x10, s17, s6, $0xb8;
	[tilespmem:$0xB400] =	vst v63  }
0x4af: {  	_ = 	snop  }
0x4b0: {  	[tilespmem:s11], [sflag:$0x1] =	stream.indirect.gather [hbm4b:s4+s6], $0x10, s19, s6, $0xb8;
	[tilespmem:$0xB400] =	vst v63  }
0x4b1: {  	_ = 	snop  }
0x4b2: {  	[tilespmem:s12], [sflag:$0x1] =	stream.indirect.gather [hbm4b:s4+s6], $0x10, s20, s6, $0xb8;
	[tilespmem:$0xB400] =	vst v63  }
0x4b3: {  	_ = 	snop  }
0x4b4: {  	[tilespmem:s13], [sflag:$0x1] =	stream.indirect.gather [hbm4b:s4+s6], $0x10, s21, s6, $0xb8;
	[tilespmem:$0xB400] =	vst v63  }
0x4b5: {  	_ = 	snop  }
0x4b6: {  	[tilespmem:s14], [sflag:$0x1] =	stream.indirect.gather [hbm4b:s4+s6], $0x10, s22, s6, $0xb8;
	[tilespmem:$0xB400] =	vst v63  }
0x4b7: {  	_ = 	snop  }
0x4b8: {  	[tilespmem:s15], [sflag:$0x1] =	stream.indirect.gather [hbm4b:s4+s6], $0x10, s18, s6, $0xb8;
	[tilespmem:$0xB400] =	vst v63  }
0x4b9: {  	_ =	swait.ge [sflag:s16], $0x800  }
0x4ba: {  	[sflag:s16] =	ssyncset.done $0x0  }
0x4bb: {  	[sflag:s16] =	ssyncadd.s32 $0xFFFFF800  }
0x4bc: {  	_ =	swait.ge [sflag:s16], $0x800  }
0x4bd: {  	[sflag:s16] =	ssyncset.done $0x0  }
0x4be: {  	[sflag:s16] =	ssyncadd.s32 $0xFFFFF800  }
0x4bf: {  	_ =	swait.ge [sflag:s16], $0x800  }
0x4c0: {  	[sflag:s16] =	ssyncset.done $0x0  }
0x4c1: {  	[sflag:s16] =	ssyncadd.s32 $0xFFFFF800  }
0x4c2: {  	_ =	swait.ge [sflag:s16], $0x800  }
0x4c3: {  	[sflag:s16] =	ssyncset.done $0x0  }
0x4c4: {  	[sflag:s16] =	ssyncadd.s32 $0xFFFFF800  }
0x4c5: {  	_ =	swait.ge [sflag:s16], $0x800  }
0x4c6: {  	[sflag:s16] =	ssyncset.done $0x0  }
0x4c7: {  	[sflag:s16] =	ssyncadd.s32 $0xFFFFF800  }
0x4c8: {  	_ =	swait.ge [sflag:s16], $0x800  }
0x4c9: {  	[sflag:s16] =	ssyncset.done $0x0  }
0x4ca: {  	[sflag:s16] =	ssyncadd.s32 $0xFFFFF800  }
0x4cb: {  	_ =	swait.ge [sflag:s16], $0x800  }
0x4cc: {  	[sflag:s16] =	ssyncset.done $0x0  }
0x4cd: {  	[sflag:s16] =	ssyncadd.s32 $0xFFFFF800  }
0x4ce: {  	_ =	swait.ge [sflag:s16], $0x800  }
0x4cf: {  	[sflag:s16] =	ssyncset.done $0x0  }
0x4d0: {  	s17 =	rddreg [dreg:$0xf];
	[sflag:s16] =	ssyncadd.s32 $0xFFFFF800  }
0x4d1: {  	[hbm4b:s17+s2] =	stream.linear.scatter [tilespmem:s8], [sflag:$0x3], $0x4000, $0x38;
	[tilespmem:$0xB400] =	vst v63  }
0x4d2: {  	_ =	swait.ge [sflag:s7], $0x800  }
0x4d3: {  	[sflag:s7] =	ssyncset.done $0x0  }
0x4d4: {  	[sflag:s7] =	ssyncadd.s32 $0xFFFFF800  }
0x4d5: {  	_ =	swait.ge [sflag:s7], $0x800  }
0x4d6: {  	[sflag:s7] =	ssyncset.done $0x0  }
0x4d7: {  	[sflag:s7] =	ssyncadd.s32 $0xFFFFF800  }
0x4d8: {  	_ =	swait.ge [sflag:s7], $0x800  }
0x4d9: {  	[sflag:s7] =	ssyncset.done $0x0  }
0x4da: {  	[sflag:s7] =	ssyncadd.s32 $0xFFFFF800  }
0x4db: {  	_ =	swait.ge [sflag:s7], $0x800  }
0x4dc: {  	[sflag:s7] =	ssyncset.done $0x0  }
0x4dd: {  	[sflag:s7] =	ssyncadd.s32 $0xFFFFF800  }
0x4de: {  	_ =	swait.ge [sflag:s7], $0x800  }
0x4df: {  	[sflag:s7] =	ssyncset.done $0x0  }
0x4e0: {  	[sflag:s7] =	ssyncadd.s32 $0xFFFFF800  }
0x4e1: {  	_ =	swait.ge [sflag:s7], $0x800  }
0x4e2: {  	[sflag:s7] =	ssyncset.done $0x0  }
0x4e3: {  	[sflag:s7] =	ssyncadd.s32 $0xFFFFF800  }
0x4e4: {  	_ =	swait.ge [sflag:s7], $0x800  }
0x4e5: {  	[sflag:s7] =	ssyncset.done $0x0  }
0x4e6: {  	[sflag:s7] =	ssyncadd.s32 $0xFFFFF800  }
0x4e7: {  	_ =	swait.ge [sflag:s7], $0x800  }
0x4e8: {  	[sflag:s7] =	ssyncset.done $0x0  }
0x4e9: {  	p1 =	sne.s32 s1, $0x1;
	s17 =	rddreg [dreg:$0x10];
	[sflag:s7] =	ssyncadd.s32 $0xFFFFF800  }
0x4ea: {  	[hbm4b:s17+s2] =	stream.linear.scatter [tilespmem:s3], [sflag:$0x3], $0x4000, $0x38;
	[tilespmem:$0xB400] =	vst v63  }
.Ltmp2:
0x4eb: {  	_ =	swait.ge [sflag:s5], $0x4000;
	(pc) =	sbr.rel @p1 .LBB2_4-.Ltmp2, $4  }
0x4ec: {  	[sflag:s5] =	ssyncset.done $0x0  }
0x4ed: {  	[sflag:s5] =	ssyncadd.s32 $0xFFFFC000  }
0x4ee: {  	_ =	swait.ge [sflag:s5], $0x4000  }
0x4ef: {  	s1 =	sadd.s32 $0xFFFFFFFF, s1;
	s0 =	rddreg [dreg:$0x3];
	[sflag:s5] =	ssyncset.done $0x0  }
0x4f0: {  	s22 =	simm.s32 $0x3300;
	s21 =	simm.s32 $0x3280;
	s20 =	simm.s32 $0x3200  }
0x4f1: {  	s19 =	simm.s32 $0x3180;
	s18 =	simm.s32 $0x3100;
	s17 =	stileid.u32  }
.LBB2_6:
0x4f2: {  	[sflag:s5] =	ssyncadd.s32 @p0 $0xFFFFC000  }
0x4f3: {  	[tilespmem:s2], [sflag:$0x4] =	stream.linear.gather [hbm4b:s0+s2], $0x3400, $0x38;
	[tilespmem:$0xB400] =	vst v63  }
0x4f4: {  	_ =	swait.ge [sflag:s31], $0x3400  }
0x4f5: {  	[sflag:s31] =	ssyncset.done $0x0  }
0x4f6: {  	[sflag:s31] =	ssyncadd.s32 $0xFFFFCC00  }
0x4f7: {  	[tilespmem:s3], [sflag:$0x1] =	stream.indirect.gather [hbm4b:s4+s6], $0x10, s2, s6, $0xb8;
	[tilespmem:$0xB400] =	vst v63  }
0x4f8: {  	_ = 	snop  }
0x4f9: {  	[tilespmem:s9], [sflag:$0x1] =	stream.indirect.gather [hbm4b:s4+s6], $0x10, s6, s6, $0xb8;
	[tilespmem:$0xB400] =	vst v63  }
0x4fa: {  	s31 =	rddreg [dreg:$0x11]  }
0x4fb: {  	[tilespmem:s10], [sflag:$0x1] =	stream.indirect.gather [hbm4b:s4+s6], $0x10, s31, s6, $0xb8;
	[tilespmem:$0xB400] =	vst v63  }
0x4fc: {  	s1 =	rddreg [dreg:$0x12]  }
0x4fd: {  	[tilespmem:s11], [sflag:$0x1] =	stream.indirect.gather [hbm4b:s4+s6], $0x10, s1, s6, $0xb8;
	[tilespmem:$0xB400] =	vst v63  }
0x4fe: {  	s0 =	rddreg [dreg:$0x13]  }
0x4ff: {  	[tilespmem:s12], [sflag:$0x1] =	stream.indirect.gather [hbm4b:s4+s6], $0x10, s0, s6, $0xb8;
	[tilespmem:$0xB400] =	vst v63  }
0x500: {  	s31 =	rddreg [dreg:$0x14]  }
0x501: {  	[tilespmem:s13], [sflag:$0x1] =	stream.indirect.gather [hbm4b:s4+s6], $0x10, s31, s6, $0xb8;
	[tilespmem:$0xB400] =	vst v63  }
0x502: {  	s0 =	rddreg [dreg:$0x15]  }
0x503: {  	[tilespmem:s14], [sflag:$0x1] =	stream.indirect.gather [hbm4b:s4+s6], $0x10, s0, s6, $0xb8;
	[tilespmem:$0xB400] =	vst v63  }
0x504: {  	s31 =	rddreg [dreg:$0x16]  }
0x505: {  	[tilespmem:s15], [sflag:$0x1] =	stream.indirect.gather [hbm4b:s4+s6], $0x10, s31, s6, $0xb8;
	[tilespmem:$0xB400] =	vst v63  }
0x506: {  	s0 =	rddreg [dreg:$0x17]  }
0x507: {  	[tilespmem:s8], [sflag:$0x2] =	stream.indirect.gather [hbm4b:s4+s6], $0x10, s0, s6, $0xb8;
	[tilespmem:$0xB400] =	vst v63  }
0x508: {  	s31 =	rddreg [dreg:$0x18]  }
0x509: {  	[tilespmem:s23], [sflag:$0x2] =	stream.indirect.gather [hbm4b:s4+s6], $0x10, s31, s6, $0xb8;
	[tilespmem:$0xB400] =	vst v63  }
0x50a: {  	s0 =	rddreg [dreg:$0x19]  }
0x50b: {  	[tilespmem:s24], [sflag:$0x2] =	stream.indirect.gather [hbm4b:s4+s6], $0x10, s0, s6, $0xb8;
	[tilespmem:$0xB400] =	vst v63  }
0x50c: {  	s31 =	rddreg [dreg:$0x1a]  }
0x50d: {  	[tilespmem:s25], [sflag:$0x2] =	stream.indirect.gather [hbm4b:s4+s6], $0x10, s31, s6, $0xb8;
	[tilespmem:$0xB400] =	vst v63  }
0x50e: {  	s0 =	rddreg [dreg:$0x1b]  }
0x50f: {  	[tilespmem:s26], [sflag:$0x2] =	stream.indirect.gather [hbm4b:s4+s6], $0x10, s0, s6, $0xb8;
	[tilespmem:$0xB400] =	vst v63  }
0x510: {  	s31 =	rddreg [dreg:$0x1c]  }
0x511: {  	[tilespmem:s28], [sflag:$0x2] =	stream.indirect.gather [hbm4b:s4+s6], $0x10, s31, s6, $0xb8;
	[tilespmem:$0xB400] =	vst v63  }
0x512: {  	s0 =	rddreg [dreg:$0x1d]  }
0x513: {  	[tilespmem:s29], [sflag:$0x2] =	stream.indirect.gather [hbm4b:s4+s6], $0x10, s0, s6, $0xb8;
	[tilespmem:$0xB400] =	vst v63  }
0x514: {  	s31 =	rddreg [dreg:$0x1e]  }
0x515: {  	[tilespmem:s30], [sflag:$0x2] =	stream.indirect.gather [hbm4b:s4+s6], $0x10, s31, s6, $0xb8;
	[tilespmem:$0xB400] =	vst v63  }
0x516: {  	_ =	swait.ge [sflag:s7], $0x800  }
0x517: {  	[sflag:s7] =	ssyncset.done $0x0  }
0x518: {  	[sflag:s7] =	ssyncadd.s32 $0xFFFFF800  }
0x519: {  	_ =	swait.ge [sflag:s7], $0x800  }
0x51a: {  	[sflag:s7] =	ssyncset.done $0x0  }
0x51b: {  	[sflag:s7] =	ssyncadd.s32 $0xFFFFF800  }
0x51c: {  	_ =	swait.ge [sflag:s7], $0x800  }
0x51d: {  	[sflag:s7] =	ssyncset.done $0x0  }
0x51e: {  	[sflag:s7] =	ssyncadd.s32 $0xFFFFF800  }
0x51f: {  	_ =	swait.ge [sflag:s7], $0x800  }
0x520: {  	[sflag:s7] =	ssyncset.done $0x0  }
0x521: {  	[sflag:s7] =	ssyncadd.s32 $0xFFFFF800  }
0x522: {  	_ =	swait.ge [sflag:s7], $0x800  }
0x523: {  	[sflag:s7] =	ssyncset.done $0x0  }
0x524: {  	[sflag:s7] =	ssyncadd.s32 $0xFFFFF800  }
0x525: {  	_ =	swait.ge [sflag:s7], $0x800  }
0x526: {  	[sflag:s7] =	ssyncset.done $0x0  }
0x527: {  	[sflag:s7] =	ssyncadd.s32 $0xFFFFF800  }
0x528: {  	_ =	swait.ge [sflag:s7], $0x800  }
0x529: {  	[sflag:s7] =	ssyncset.done $0x0  }
0x52a: {  	[sflag:s7] =	ssyncadd.s32 $0xFFFFF800  }
0x52b: {  	_ =	swait.ge [sflag:s7], $0x800  }
0x52c: {  	[sflag:s7] =	ssyncset.done $0x0  }
0x52d: {  	s31 =	rddreg [dreg:$0x4];
	[sflag:s7] =	ssyncadd.s32 $0xFFFFF800  }
0x52e: {  	[hbm4b:s31+s2] =	stream.linear.scatter [tilespmem:s3], [sflag:$0x3], $0x4000, $0x38;
	[tilespmem:$0xB400] =	vst v63  }
0x52f: {  	_ =	swait.ge [sflag:s5], $0x4000  }
0x530: {  	s1 =	rddreg [dreg:$0x1f];
	[sflag:s5] =	ssyncset.done $0x0  }
0x531: {  	s31 =	sld [smem:$0x7AD];
	[sflag:s5] =	ssyncadd.s32 $0xFFFFC000  }
0x532: {  	[tilespmem:s3], [sflag:$0x1] =	stream.indirect.gather [hbm4b:s4+s6], $0x10, s1, s6, $0xb8;
	[tilespmem:$0xB400] =	vst v63  }
0x533: {  	s0 =	sld [smem:$0x7AE]  }
0x534: {  	[tilespmem:s9], [sflag:$0x1] =	stream.indirect.gather [hbm4b:s4+s6], $0x10, s31, s6, $0xb8;
	[tilespmem:$0xB400] =	vst v63  }
0x535: {  	s31 =	sld [smem:$0x7AF]  }
0x536: {  	[tilespmem:s10], [sflag:$0x1] =	stream.indirect.gather [hbm4b:s4+s6], $0x10, s0, s6, $0xb8;
	[tilespmem:$0xB400] =	vst v63  }
0x537: {  	s0 =	sld [smem:$0x7B0]  }
0x538: {  	[tilespmem:s11], [sflag:$0x1] =	stream.indirect.gather [hbm4b:s4+s6], $0x10, s31, s6, $0xb8;
	[tilespmem:$0xB400] =	vst v63  }
0x539: {  	s31 =	sld [smem:$0x7B1]  }
0x53a: {  	[tilespmem:s12], [sflag:$0x1] =	stream.indirect.gather [hbm4b:s4+s6], $0x10, s0, s6, $0xb8;
	[tilespmem:$0xB400] =	vst v63  }
0x53b: {  	s0 =	sld [smem:$0x7B2]  }
0x53c: {  	[tilespmem:s13], [sflag:$0x1] =	stream.indirect.gather [hbm4b:s4+s6], $0x10, s31, s6, $0xb8;
	[tilespmem:$0xB400] =	vst v63  }
0x53d: {  	s31 =	sld [smem:$0x7B3]  }
0x53e: {  	[tilespmem:s14], [sflag:$0x1] =	stream.indirect.gather [hbm4b:s4+s6], $0x10, s0, s6, $0xb8;
	[tilespmem:$0xB400] =	vst v63  }
0x53f: {  	_ = 	snop  }
0x540: {  	[tilespmem:s15], [sflag:$0x1] =	stream.indirect.gather [hbm4b:s4+s6], $0x10, s31, s6, $0xb8;
	[tilespmem:$0xB400] =	vst v63  }
0x541: {  	_ =	swait.ge [sflag:s16], $0x800  }
0x542: {  	[sflag:s16] =	ssyncset.done $0x0  }
0x543: {  	[sflag:s16] =	ssyncadd.s32 $0xFFFFF800  }
0x544: {  	_ =	swait.ge [sflag:s16], $0x800  }
0x545: {  	[sflag:s16] =	ssyncset.done $0x0  }
0x546: {  	[sflag:s16] =	ssyncadd.s32 $0xFFFFF800  }
0x547: {  	_ =	swait.ge [sflag:s16], $0x800  }
0x548: {  	[sflag:s16] =	ssyncset.done $0x0  }
0x549: {  	[sflag:s16] =	ssyncadd.s32 $0xFFFFF800  }
0x54a: {  	_ =	swait.ge [sflag:s16], $0x800  }
0x54b: {  	[sflag:s16] =	ssyncset.done $0x0  }
0x54c: {  	[sflag:s16] =	ssyncadd.s32 $0xFFFFF800  }
0x54d: {  	_ =	swait.ge [sflag:s16], $0x800  }
0x54e: {  	[sflag:s16] =	ssyncset.done $0x0  }
0x54f: {  	[sflag:s16] =	ssyncadd.s32 $0xFFFFF800  }
0x550: {  	_ =	swait.ge [sflag:s16], $0x800  }
0x551: {  	[sflag:s16] =	ssyncset.done $0x0  }
0x552: {  	[sflag:s16] =	ssyncadd.s32 $0xFFFFF800  }
0x553: {  	_ =	swait.ge [sflag:s16], $0x800  }
0x554: {  	[sflag:s16] =	ssyncset.done $0x0  }
0x555: {  	[sflag:s16] =	ssyncadd.s32 $0xFFFFF800  }
0x556: {  	_ =	swait.ge [sflag:s16], $0x800  }
0x557: {  	[sflag:s16] =	ssyncset.done $0x0  }
0x558: {  	s31 =	rddreg [dreg:$0x5];
	[sflag:s16] =	ssyncadd.s32 $0xFFFFF800  }
0x559: {  	[hbm4b:s31+s2] =	stream.linear.scatter [tilespmem:s8], [sflag:$0x3], $0x4000, $0x38;
	[tilespmem:$0xB400] =	vst v63  }
0x55a: {  	_ =	swait.ge [sflag:s5], $0x4000  }
0x55b: {  	s1 =	sld [smem:$0x7B4]  }
0x55c: {  	[sflag:s5] =	ssyncset.done $0x0  }
0x55d: {  	s31 =	sld [smem:$0x7B5];
	[sflag:s5] =	ssyncadd.s32 $0xFFFFC000  }
0x55e: {  	[tilespmem:s8], [sflag:$0x2] =	stream.indirect.gather [hbm4b:s4+s6], $0x10, s1, s6, $0xb8;
	[tilespmem:$0xB400] =	vst v63  }
0x55f: {  	s0 =	sld [smem:$0x7B6]  }
0x560: {  	[tilespmem:s23], [sflag:$0x2] =	stream.indirect.gather [hbm4b:s4+s6], $0x10, s31, s6, $0xb8;
	[tilespmem:$0xB400] =	vst v63  }
0x561: {  	s31 =	sld [smem:$0x7B7]  }
0x562: {  	[tilespmem:s24], [sflag:$0x2] =	stream.indirect.gather [hbm4b:s4+s6], $0x10, s0, s6, $0xb8;
	[tilespmem:$0xB400] =	vst v63  }
0x563: {  	s0 =	sld [smem:$0x7B8]  }
0x564: {  	[tilespmem:s25], [sflag:$0x2] =	stream.indirect.gather [hbm4b:s4+s6], $0x10, s31, s6, $0xb8;
	[tilespmem:$0xB400] =	vst v63  }
0x565: {  	s31 =	sld [smem:$0x7B9]  }
0x566: {  	[tilespmem:s26], [sflag:$0x2] =	stream.indirect.gather [hbm4b:s4+s6], $0x10, s0, s6, $0xb8;
	[tilespmem:$0xB400] =	vst v63  }
0x567: {  	s0 =	sld [smem:$0x7BA]  }
0x568: {  	[tilespmem:s28], [sflag:$0x2] =	stream.indirect.gather [hbm4b:s4+s6], $0x10, s31, s6, $0xb8;
	[tilespmem:$0xB400] =	vst v63  }
0x569: {  	s31 =	sld [smem:$0x7BB]  }
0x56a: {  	[tilespmem:s29], [sflag:$0x2] =	stream.indirect.gather [hbm4b:s4+s6], $0x10, s0, s6, $0xb8;
	[tilespmem:$0xB400] =	vst v63  }
0x56b: {  	_ = 	snop  }
0x56c: {  	[tilespmem:s30], [sflag:$0x2] =	stream.indirect.gather [hbm4b:s4+s6], $0x10, s31, s6, $0xb8;
	[tilespmem:$0xB400] =	vst v63  }
0x56d: {  	_ =	swait.ge [sflag:s7], $0x800  }
0x56e: {  	[sflag:s7] =	ssyncset.done $0x0  }
0x56f: {  	[sflag:s7] =	ssyncadd.s32 $0xFFFFF800  }
0x570: {  	_ =	swait.ge [sflag:s7], $0x800  }
0x571: {  	[sflag:s7] =	ssyncset.done $0x0  }
0x572: {  	[sflag:s7] =	ssyncadd.s32 $0xFFFFF800  }
0x573: {  	_ =	swait.ge [sflag:s7], $0x800  }
0x574: {  	[sflag:s7] =	ssyncset.done $0x0  }
0x575: {  	[sflag:s7] =	ssyncadd.s32 $0xFFFFF800  }
0x576: {  	_ =	swait.ge [sflag:s7], $0x800  }
0x577: {  	[sflag:s7] =	ssyncset.done $0x0  }
0x578: {  	[sflag:s7] =	ssyncadd.s32 $0xFFFFF800  }
0x579: {  	_ =	swait.ge [sflag:s7], $0x800  }
0x57a: {  	[sflag:s7] =	ssyncset.done $0x0  }
0x57b: {  	[sflag:s7] =	ssyncadd.s32 $0xFFFFF800  }
0x57c: {  	_ =	swait.ge [sflag:s7], $0x800  }
0x57d: {  	[sflag:s7] =	ssyncset.done $0x0  }
0x57e: {  	[sflag:s7] =	ssyncadd.s32 $0xFFFFF800  }
0x57f: {  	_ =	swait.ge [sflag:s7], $0x800  }
0x580: {  	[sflag:s7] =	ssyncset.done $0x0  }
0x581: {  	[sflag:s7] =	ssyncadd.s32 $0xFFFFF800  }
0x582: {  	_ =	swait.ge [sflag:s7], $0x800  }
0x583: {  	[sflag:s7] =	ssyncset.done $0x0  }
0x584: {  	s31 =	rddreg [dreg:$0x6];
	[sflag:s7] =	ssyncadd.s32 $0xFFFFF800  }
0x585: {  	[hbm4b:s31+s2] =	stream.linear.scatter [tilespmem:s3], [sflag:$0x3], $0x4000, $0x38;
	[tilespmem:$0xB400] =	vst v63  }
0x586: {  	_ =	swait.ge [sflag:s5], $0x4000  }
0x587: {  	s1 =	sld [smem:$0x7BC]  }
0x588: {  	[sflag:s5] =	ssyncset.done $0x0  }
0x589: {  	s31 =	sld [smem:$0x7BD];
	[sflag:s5] =	ssyncadd.s32 $0xFFFFC000  }
0x58a: {  	[tilespmem:s3], [sflag:$0x1] =	stream.indirect.gather [hbm4b:s4+s6], $0x10, s1, s6, $0xb8;
	[tilespmem:$0xB400] =	vst v63  }
0x58b: {  	s0 =	sld [smem:$0x7BE]  }
0x58c: {  	[tilespmem:s9], [sflag:$0x1] =	stream.indirect.gather [hbm4b:s4+s6], $0x10, s31, s6, $0xb8;
	[tilespmem:$0xB400] =	vst v63  }
0x58d: {  	s31 =	sld [smem:$0x7BF]  }
0x58e: {  	[tilespmem:s10], [sflag:$0x1] =	stream.indirect.gather [hbm4b:s4+s6], $0x10, s0, s6, $0xb8;
	[tilespmem:$0xB400] =	vst v63  }
0x58f: {  	s0 =	sld [smem:$0x7C0]  }
0x590: {  	[tilespmem:s11], [sflag:$0x1] =	stream.indirect.gather [hbm4b:s4+s6], $0x10, s31, s6, $0xb8;
	[tilespmem:$0xB400] =	vst v63  }
0x591: {  	s31 =	sld [smem:$0x7C1]  }
0x592: {  	[tilespmem:s12], [sflag:$0x1] =	stream.indirect.gather [hbm4b:s4+s6], $0x10, s0, s6, $0xb8;
	[tilespmem:$0xB400] =	vst v63  }
0x593: {  	s0 =	sld [smem:$0x7C2]  }
0x594: {  	[tilespmem:s13], [sflag:$0x1] =	stream.indirect.gather [hbm4b:s4+s6], $0x10, s31, s6, $0xb8;
	[tilespmem:$0xB400] =	vst v63  }
0x595: {  	s31 =	sld [smem:$0x7C3]  }
0x596: {  	[tilespmem:s14], [sflag:$0x1] =	stream.indirect.gather [hbm4b:s4+s6], $0x10, s0, s6, $0xb8;
	[tilespmem:$0xB400] =	vst v63  }
0x597: {  	_ = 	snop  }
0x598: {  	[tilespmem:s15], [sflag:$0x1] =	stream.indirect.gather [hbm4b:s4+s6], $0x10, s31, s6, $0xb8;
	[tilespmem:$0xB400] =	vst v63  }
0x599: {  	_ =	swait.ge [sflag:s16], $0x800  }
0x59a: {  	[sflag:s16] =	ssyncset.done $0x0  }
0x59b: {  	[sflag:s16] =	ssyncadd.s32 $0xFFFFF800  }
0x59c: {  	_ =	swait.ge [sflag:s16], $0x800  }
0x59d: {  	[sflag:s16] =	ssyncset.done $0x0  }
0x59e: {  	[sflag:s16] =	ssyncadd.s32 $0xFFFFF800  }
0x59f: {  	_ =	swait.ge [sflag:s16], $0x800  }
0x5a0: {  	[sflag:s16] =	ssyncset.done $0x0  }
0x5a1: {  	[sflag:s16] =	ssyncadd.s32 $0xFFFFF800  }
0x5a2: {  	_ =	swait.ge [sflag:s16], $0x800  }
0x5a3: {  	[sflag:s16] =	ssyncset.done $0x0  }
0x5a4: {  	[sflag:s16] =	ssyncadd.s32 $0xFFFFF800  }
0x5a5: {  	_ =	swait.ge [sflag:s16], $0x800  }
0x5a6: {  	[sflag:s16] =	ssyncset.done $0x0  }
0x5a7: {  	[sflag:s16] =	ssyncadd.s32 $0xFFFFF800  }
0x5a8: {  	_ =	swait.ge [sflag:s16], $0x800  }
0x5a9: {  	[sflag:s16] =	ssyncset.done $0x0  }
0x5aa: {  	[sflag:s16] =	ssyncadd.s32 $0xFFFFF800  }
0x5ab: {  	_ =	swait.ge [sflag:s16], $0x800  }
0x5ac: {  	[sflag:s16] =	ssyncset.done $0x0  }
0x5ad: {  	[sflag:s16] =	ssyncadd.s32 $0xFFFFF800  }
0x5ae: {  	_ =	swait.ge [sflag:s16], $0x800  }
0x5af: {  	[sflag:s16] =	ssyncset.done $0x0  }
0x5b0: {  	s31 =	rddreg [dreg:$0x7];
	[sflag:s16] =	ssyncadd.s32 $0xFFFFF800  }
0x5b1: {  	[hbm4b:s31+s2] =	stream.linear.scatter [tilespmem:s8], [sflag:$0x3], $0x4000, $0x38;
	[tilespmem:$0xB400] =	vst v63  }
0x5b2: {  	_ =	swait.ge [sflag:s5], $0x4000  }
0x5b3: {  	s1 =	sld [smem:$0x7C4]  }
0x5b4: {  	[sflag:s5] =	ssyncset.done $0x0  }
0x5b5: {  	s31 =	sld [smem:$0x7C5];
	[sflag:s5] =	ssyncadd.s32 $0xFFFFC000  }
0x5b6: {  	[tilespmem:s8], [sflag:$0x2] =	stream.indirect.gather [hbm4b:s4+s6], $0x10, s1, s6, $0xb8;
	[tilespmem:$0xB400] =	vst v63  }
0x5b7: {  	s0 =	sld [smem:$0x7C6]  }
0x5b8: {  	[tilespmem:s23], [sflag:$0x2] =	stream.indirect.gather [hbm4b:s4+s6], $0x10, s31, s6, $0xb8;
	[tilespmem:$0xB400] =	vst v63  }
0x5b9: {  	s31 =	sld [smem:$0x7C7]  }
0x5ba: {  	[tilespmem:s24], [sflag:$0x2] =	stream.indirect.gather [hbm4b:s4+s6], $0x10, s0, s6, $0xb8;
	[tilespmem:$0xB400] =	vst v63  }
0x5bb: {  	s0 =	sld [smem:$0x7C8]  }
0x5bc: {  	[tilespmem:s25], [sflag:$0x2] =	stream.indirect.gather [hbm4b:s4+s6], $0x10, s31, s6, $0xb8;
	[tilespmem:$0xB400] =	vst v63  }
0x5bd: {  	s31 =	sld [smem:$0x7C9]  }
0x5be: {  	[tilespmem:s26], [sflag:$0x2] =	stream.indirect.gather [hbm4b:s4+s6], $0x10, s0, s6, $0xb8;
	[tilespmem:$0xB400] =	vst v63  }
0x5bf: {  	s0 =	sld [smem:$0x7CA]  }
0x5c0: {  	[tilespmem:s28], [sflag:$0x2] =	stream.indirect.gather [hbm4b:s4+s6], $0x10, s31, s6, $0xb8;
	[tilespmem:$0xB400] =	vst v63  }
0x5c1: {  	s31 =	sld [smem:$0x7CB]  }
0x5c2: {  	[tilespmem:s29], [sflag:$0x2] =	stream.indirect.gather [hbm4b:s4+s6], $0x10, s0, s6, $0xb8;
	[tilespmem:$0xB400] =	vst v63  }
0x5c3: {  	_ = 	snop  }
0x5c4: {  	[tilespmem:s30], [sflag:$0x2] =	stream.indirect.gather [hbm4b:s4+s6], $0x10, s31, s6, $0xb8;
	[tilespmem:$0xB400] =	vst v63  }
0x5c5: {  	_ =	swait.ge [sflag:s7], $0x800  }
0x5c6: {  	[sflag:s7] =	ssyncset.done $0x0  }
0x5c7: {  	[sflag:s7] =	ssyncadd.s32 $0xFFFFF800  }
0x5c8: {  	_ =	swait.ge [sflag:s7], $0x800  }
0x5c9: {  	[sflag:s7] =	ssyncset.done $0x0  }
0x5ca: {  	[sflag:s7] =	ssyncadd.s32 $0xFFFFF800  }
0x5cb: {  	_ =	swait.ge [sflag:s7], $0x800  }
0x5cc: {  	[sflag:s7] =	ssyncset.done $0x0  }
0x5cd: {  	[sflag:s7] =	ssyncadd.s32 $0xFFFFF800  }
0x5ce: {  	_ =	swait.ge [sflag:s7], $0x800  }
0x5cf: {  	[sflag:s7] =	ssyncset.done $0x0  }
0x5d0: {  	[sflag:s7] =	ssyncadd.s32 $0xFFFFF800  }
0x5d1: {  	_ =	swait.ge [sflag:s7], $0x800  }
0x5d2: {  	[sflag:s7] =	ssyncset.done $0x0  }
0x5d3: {  	[sflag:s7] =	ssyncadd.s32 $0xFFFFF800  }
0x5d4: {  	_ =	swait.ge [sflag:s7], $0x800  }
0x5d5: {  	[sflag:s7] =	ssyncset.done $0x0  }
0x5d6: {  	[sflag:s7] =	ssyncadd.s32 $0xFFFFF800  }
0x5d7: {  	_ =	swait.ge [sflag:s7], $0x800  }
0x5d8: {  	[sflag:s7] =	ssyncset.done $0x0  }
0x5d9: {  	[sflag:s7] =	ssyncadd.s32 $0xFFFFF800  }
0x5da: {  	_ =	swait.ge [sflag:s7], $0x800  }
0x5db: {  	[sflag:s7] =	ssyncset.done $0x0  }
0x5dc: {  	s31 =	rddreg [dreg:$0x8];
	[sflag:s7] =	ssyncadd.s32 $0xFFFFF800  }
0x5dd: {  	[hbm4b:s31+s2] =	stream.linear.scatter [tilespmem:s3], [sflag:$0x3], $0x4000, $0x38;
	[tilespmem:$0xB400] =	vst v63  }
0x5de: {  	_ =	swait.ge [sflag:s5], $0x4000  }
0x5df: {  	s1 =	sld [smem:$0x7CC]  }
0x5e0: {  	[sflag:s5] =	ssyncset.done $0x0  }
0x5e1: {  	s31 =	sld [smem:$0x7CD];
	[sflag:s5] =	ssyncadd.s32 $0xFFFFC000  }
0x5e2: {  	[tilespmem:s3], [sflag:$0x1] =	stream.indirect.gather [hbm4b:s4+s6], $0x10, s1, s6, $0xb8;
	[tilespmem:$0xB400] =	vst v63  }
0x5e3: {  	s0 =	sld [smem:$0x7CE]  }
0x5e4: {  	[tilespmem:s9], [sflag:$0x1] =	stream.indirect.gather [hbm4b:s4+s6], $0x10, s31, s6, $0xb8;
	[tilespmem:$0xB400] =	vst v63  }
0x5e5: {  	s31 =	sld [smem:$0x7CF]  }
0x5e6: {  	[tilespmem:s10], [sflag:$0x1] =	stream.indirect.gather [hbm4b:s4+s6], $0x10, s0, s6, $0xb8;
	[tilespmem:$0xB400] =	vst v63  }
0x5e7: {  	s0 =	sld [smem:$0x7D0]  }
0x5e8: {  	[tilespmem:s11], [sflag:$0x1] =	stream.indirect.gather [hbm4b:s4+s6], $0x10, s31, s6, $0xb8;
	[tilespmem:$0xB400] =	vst v63  }
0x5e9: {  	s31 =	sld [smem:$0x7D1]  }
0x5ea: {  	[tilespmem:s12], [sflag:$0x1] =	stream.indirect.gather [hbm4b:s4+s6], $0x10, s0, s6, $0xb8;
	[tilespmem:$0xB400] =	vst v63  }
0x5eb: {  	s0 =	sld [smem:$0x7D2]  }
0x5ec: {  	[tilespmem:s13], [sflag:$0x1] =	stream.indirect.gather [hbm4b:s4+s6], $0x10, s31, s6, $0xb8;
	[tilespmem:$0xB400] =	vst v63  }
0x5ed: {  	s31 =	sld [smem:$0x7D3]  }
0x5ee: {  	[tilespmem:s14], [sflag:$0x1] =	stream.indirect.gather [hbm4b:s4+s6], $0x10, s0, s6, $0xb8;
	[tilespmem:$0xB400] =	vst v63  }
0x5ef: {  	_ = 	snop  }
0x5f0: {  	[tilespmem:s15], [sflag:$0x1] =	stream.indirect.gather [hbm4b:s4+s6], $0x10, s31, s6, $0xb8;
	[tilespmem:$0xB400] =	vst v63  }
0x5f1: {  	_ =	swait.ge [sflag:s16], $0x800  }
0x5f2: {  	[sflag:s16] =	ssyncset.done $0x0  }
0x5f3: {  	[sflag:s16] =	ssyncadd.s32 $0xFFFFF800  }
0x5f4: {  	_ =	swait.ge [sflag:s16], $0x800  }
0x5f5: {  	[sflag:s16] =	ssyncset.done $0x0  }
0x5f6: {  	[sflag:s16] =	ssyncadd.s32 $0xFFFFF800  }
0x5f7: {  	_ =	swait.ge [sflag:s16], $0x800  }
0x5f8: {  	[sflag:s16] =	ssyncset.done $0x0  }
0x5f9: {  	[sflag:s16] =	ssyncadd.s32 $0xFFFFF800  }
0x5fa: {  	_ =	swait.ge [sflag:s16], $0x800  }
0x5fb: {  	[sflag:s16] =	ssyncset.done $0x0  }
0x5fc: {  	[sflag:s16] =	ssyncadd.s32 $0xFFFFF800  }
0x5fd: {  	_ =	swait.ge [sflag:s16], $0x800  }
0x5fe: {  	[sflag:s16] =	ssyncset.done $0x0  }
0x5ff: {  	[sflag:s16] =	ssyncadd.s32 $0xFFFFF800  }
0x600: {  	_ =	swait.ge [sflag:s16], $0x800  }
0x601: {  	[sflag:s16] =	ssyncset.done $0x0  }
0x602: {  	[sflag:s16] =	ssyncadd.s32 $0xFFFFF800  }
0x603: {  	_ =	swait.ge [sflag:s16], $0x800  }
0x604: {  	[sflag:s16] =	ssyncset.done $0x0  }
0x605: {  	[sflag:s16] =	ssyncadd.s32 $0xFFFFF800  }
0x606: {  	_ =	swait.ge [sflag:s16], $0x800  }
0x607: {  	[sflag:s16] =	ssyncset.done $0x0  }
0x608: {  	s31 =	rddreg [dreg:$0x9];
	[sflag:s16] =	ssyncadd.s32 $0xFFFFF800  }
0x609: {  	[hbm4b:s31+s2] =	stream.linear.scatter [tilespmem:s8], [sflag:$0x3], $0x4000, $0x38;
	[tilespmem:$0xB400] =	vst v63  }
0x60a: {  	_ =	swait.ge [sflag:s5], $0x4000  }
0x60b: {  	s1 =	sld [smem:$0x7D4]  }
0x60c: {  	[sflag:s5] =	ssyncset.done $0x0  }
0x60d: {  	s31 =	sld [smem:$0x7D5];
	[sflag:s5] =	ssyncadd.s32 $0xFFFFC000  }
0x60e: {  	[tilespmem:s8], [sflag:$0x2] =	stream.indirect.gather [hbm4b:s4+s6], $0x10, s1, s6, $0xb8;
	[tilespmem:$0xB400] =	vst v63  }
0x60f: {  	s0 =	sld [smem:$0x7D6]  }
0x610: {  	[tilespmem:s23], [sflag:$0x2] =	stream.indirect.gather [hbm4b:s4+s6], $0x10, s31, s6, $0xb8;
	[tilespmem:$0xB400] =	vst v63  }
0x611: {  	s31 =	sld [smem:$0x7D7]  }
0x612: {  	[tilespmem:s24], [sflag:$0x2] =	stream.indirect.gather [hbm4b:s4+s6], $0x10, s0, s6, $0xb8;
	[tilespmem:$0xB400] =	vst v63  }
0x613: {  	s0 =	sld [smem:$0x7D8]  }
0x614: {  	[tilespmem:s25], [sflag:$0x2] =	stream.indirect.gather [hbm4b:s4+s6], $0x10, s31, s6, $0xb8;
	[tilespmem:$0xB400] =	vst v63  }
0x615: {  	s31 =	sld [smem:$0x7D9]  }
0x616: {  	[tilespmem:s26], [sflag:$0x2] =	stream.indirect.gather [hbm4b:s4+s6], $0x10, s0, s6, $0xb8;
	[tilespmem:$0xB400] =	vst v63  }
0x617: {  	s0 =	sld [smem:$0x7DA]  }
0x618: {  	[tilespmem:s28], [sflag:$0x2] =	stream.indirect.gather [hbm4b:s4+s6], $0x10, s31, s6, $0xb8;
	[tilespmem:$0xB400] =	vst v63  }
0x619: {  	s31 =	sld [smem:$0x7DB]  }
0x61a: {  	[tilespmem:s29], [sflag:$0x2] =	stream.indirect.gather [hbm4b:s4+s6], $0x10, s0, s6, $0xb8;
	[tilespmem:$0xB400] =	vst v63  }
0x61b: {  	_ = 	snop  }
0x61c: {  	[tilespmem:s30], [sflag:$0x2] =	stream.indirect.gather [hbm4b:s4+s6], $0x10, s31, s6, $0xb8;
	[tilespmem:$0xB400] =	vst v63  }
0x61d: {  	_ =	swait.ge [sflag:s7], $0x800  }
0x61e: {  	[sflag:s7] =	ssyncset.done $0x0  }
0x61f: {  	[sflag:s7] =	ssyncadd.s32 $0xFFFFF800  }
0x620: {  	_ =	swait.ge [sflag:s7], $0x800  }
0x621: {  	[sflag:s7] =	ssyncset.done $0x0  }
0x622: {  	[sflag:s7] =	ssyncadd.s32 $0xFFFFF800  }
0x623: {  	_ =	swait.ge [sflag:s7], $0x800  }
0x624: {  	[sflag:s7] =	ssyncset.done $0x0  }
0x625: {  	[sflag:s7] =	ssyncadd.s32 $0xFFFFF800  }
0x626: {  	_ =	swait.ge [sflag:s7], $0x800  }
0x627: {  	[sflag:s7] =	ssyncset.done $0x0  }
0x628: {  	[sflag:s7] =	ssyncadd.s32 $0xFFFFF800  }
0x629: {  	_ =	swait.ge [sflag:s7], $0x800  }
0x62a: {  	[sflag:s7] =	ssyncset.done $0x0  }
0x62b: {  	[sflag:s7] =	ssyncadd.s32 $0xFFFFF800  }
0x62c: {  	_ =	swait.ge [sflag:s7], $0x800  }
0x62d: {  	[sflag:s7] =	ssyncset.done $0x0  }
0x62e: {  	[sflag:s7] =	ssyncadd.s32 $0xFFFFF800  }
0x62f: {  	_ =	swait.ge [sflag:s7], $0x800  }
0x630: {  	[sflag:s7] =	ssyncset.done $0x0  }
0x631: {  	[sflag:s7] =	ssyncadd.s32 $0xFFFFF800  }
0x632: {  	_ =	swait.ge [sflag:s7], $0x800  }
0x633: {  	[sflag:s7] =	ssyncset.done $0x0  }
0x634: {  	s31 =	rddreg [dreg:$0xa];
	[sflag:s7] =	ssyncadd.s32 $0xFFFFF800  }
0x635: {  	[hbm4b:s31+s2] =	stream.linear.scatter [tilespmem:s3], [sflag:$0x3], $0x4000, $0x38;
	[tilespmem:$0xB400] =	vst v63  }
0x636: {  	_ =	swait.ge [sflag:s5], $0x4000  }
0x637: {  	s1 =	sld [smem:$0x7DC]  }
0x638: {  	[sflag:s5] =	ssyncset.done $0x0  }
0x639: {  	s31 =	sld [smem:$0x7DD];
	[sflag:s5] =	ssyncadd.s32 $0xFFFFC000  }
0x63a: {  	[tilespmem:s3], [sflag:$0x1] =	stream.indirect.gather [hbm4b:s4+s6], $0x10, s1, s6, $0xb8;
	[tilespmem:$0xB400] =	vst v63  }
0x63b: {  	s0 =	sld [smem:$0x7DE]  }
0x63c: {  	[tilespmem:s9], [sflag:$0x1] =	stream.indirect.gather [hbm4b:s4+s6], $0x10, s31, s6, $0xb8;
	[tilespmem:$0xB400] =	vst v63  }
0x63d: {  	s31 =	sld [smem:$0x7DF]  }
0x63e: {  	[tilespmem:s10], [sflag:$0x1] =	stream.indirect.gather [hbm4b:s4+s6], $0x10, s0, s6, $0xb8;
	[tilespmem:$0xB400] =	vst v63  }
0x63f: {  	s0 =	sld [smem:$0x7E0]  }
0x640: {  	[tilespmem:s11], [sflag:$0x1] =	stream.indirect.gather [hbm4b:s4+s6], $0x10, s31, s6, $0xb8;
	[tilespmem:$0xB400] =	vst v63  }
0x641: {  	s31 =	sld [smem:$0x7E1]  }
0x642: {  	[tilespmem:s12], [sflag:$0x1] =	stream.indirect.gather [hbm4b:s4+s6], $0x10, s0, s6, $0xb8;
	[tilespmem:$0xB400] =	vst v63  }
0x643: {  	s0 =	sld [smem:$0x7E2]  }
0x644: {  	[tilespmem:s13], [sflag:$0x1] =	stream.indirect.gather [hbm4b:s4+s6], $0x10, s31, s6, $0xb8;
	[tilespmem:$0xB400] =	vst v63  }
0x645: {  	s31 =	sld [smem:$0x7E3]  }
0x646: {  	[tilespmem:s14], [sflag:$0x1] =	stream.indirect.gather [hbm4b:s4+s6], $0x10, s0, s6, $0xb8;
	[tilespmem:$0xB400] =	vst v63  }
0x647: {  	_ = 	snop  }
0x648: {  	[tilespmem:s15], [sflag:$0x1] =	stream.indirect.gather [hbm4b:s4+s6], $0x10, s31, s6, $0xb8;
	[tilespmem:$0xB400] =	vst v63  }
0x649: {  	_ =	swait.ge [sflag:s16], $0x800  }
0x64a: {  	[sflag:s16] =	ssyncset.done $0x0  }
0x64b: {  	[sflag:s16] =	ssyncadd.s32 $0xFFFFF800  }
0x64c: {  	_ =	swait.ge [sflag:s16], $0x800  }
0x64d: {  	[sflag:s16] =	ssyncset.done $0x0  }
0x64e: {  	[sflag:s16] =	ssyncadd.s32 $0xFFFFF800  }
0x64f: {  	_ =	swait.ge [sflag:s16], $0x800  }
0x650: {  	[sflag:s16] =	ssyncset.done $0x0  }
0x651: {  	[sflag:s16] =	ssyncadd.s32 $0xFFFFF800  }
0x652: {  	_ =	swait.ge [sflag:s16], $0x800  }
0x653: {  	[sflag:s16] =	ssyncset.done $0x0  }
0x654: {  	[sflag:s16] =	ssyncadd.s32 $0xFFFFF800  }
0x655: {  	_ =	swait.ge [sflag:s16], $0x800  }
0x656: {  	[sflag:s16] =	ssyncset.done $0x0  }
0x657: {  	[sflag:s16] =	ssyncadd.s32 $0xFFFFF800  }
0x658: {  	_ =	swait.ge [sflag:s16], $0x800  }
0x659: {  	[sflag:s16] =	ssyncset.done $0x0  }
0x65a: {  	[sflag:s16] =	ssyncadd.s32 $0xFFFFF800  }
0x65b: {  	_ =	swait.ge [sflag:s16], $0x800  }
0x65c: {  	[sflag:s16] =	ssyncset.done $0x0  }
0x65d: {  	[sflag:s16] =	ssyncadd.s32 $0xFFFFF800  }
0x65e: {  	_ =	swait.ge [sflag:s16], $0x800  }
0x65f: {  	[sflag:s16] =	ssyncset.done $0x0  }
0x660: {  	s31 =	rddreg [dreg:$0xb];
	[sflag:s16] =	ssyncadd.s32 $0xFFFFF800  }
0x661: {  	[hbm4b:s31+s2] =	stream.linear.scatter [tilespmem:s8], [sflag:$0x3], $0x4000, $0x38;
	[tilespmem:$0xB400] =	vst v63  }
0x662: {  	_ =	swait.ge [sflag:s5], $0x4000  }
0x663: {  	s1 =	sld [smem:$0x7E4]  }
0x664: {  	[sflag:s5] =	ssyncset.done $0x0  }
0x665: {  	s31 =	sld [smem:$0x7E5];
	[sflag:s5] =	ssyncadd.s32 $0xFFFFC000  }
0x666: {  	[tilespmem:s8], [sflag:$0x2] =	stream.indirect.gather [hbm4b:s4+s6], $0x10, s1, s6, $0xb8;
	[tilespmem:$0xB400] =	vst v63  }
0x667: {  	s0 =	sld [smem:$0x7E6]  }
0x668: {  	[tilespmem:s23], [sflag:$0x2] =	stream.indirect.gather [hbm4b:s4+s6], $0x10, s31, s6, $0xb8;
	[tilespmem:$0xB400] =	vst v63  }
0x669: {  	s31 =	sld [smem:$0x7E7]  }
0x66a: {  	[tilespmem:s24], [sflag:$0x2] =	stream.indirect.gather [hbm4b:s4+s6], $0x10, s0, s6, $0xb8;
	[tilespmem:$0xB400] =	vst v63  }
0x66b: {  	s0 =	sld [smem:$0x7E8]  }
0x66c: {  	[tilespmem:s25], [sflag:$0x2] =	stream.indirect.gather [hbm4b:s4+s6], $0x10, s31, s6, $0xb8;
	[tilespmem:$0xB400] =	vst v63  }
0x66d: {  	s31 =	sld [smem:$0x7E9]  }
0x66e: {  	[tilespmem:s26], [sflag:$0x2] =	stream.indirect.gather [hbm4b:s4+s6], $0x10, s0, s6, $0xb8;
	[tilespmem:$0xB400] =	vst v63  }
0x66f: {  	s0 =	sld [smem:$0x7EA]  }
0x670: {  	[tilespmem:s28], [sflag:$0x2] =	stream.indirect.gather [hbm4b:s4+s6], $0x10, s31, s6, $0xb8;
	[tilespmem:$0xB400] =	vst v63  }
0x671: {  	s31 =	sld [smem:$0x7EB]  }
0x672: {  	[tilespmem:s29], [sflag:$0x2] =	stream.indirect.gather [hbm4b:s4+s6], $0x10, s0, s6, $0xb8;
	[tilespmem:$0xB400] =	vst v63  }
0x673: {  	_ = 	snop  }
0x674: {  	[tilespmem:s30], [sflag:$0x2] =	stream.indirect.gather [hbm4b:s4+s6], $0x10, s31, s6, $0xb8;
	[tilespmem:$0xB400] =	vst v63  }
0x675: {  	_ =	swait.ge [sflag:s7], $0x800  }
0x676: {  	[sflag:s7] =	ssyncset.done $0x0  }
0x677: {  	[sflag:s7] =	ssyncadd.s32 $0xFFFFF800  }
0x678: {  	_ =	swait.ge [sflag:s7], $0x800  }
0x679: {  	[sflag:s7] =	ssyncset.done $0x0  }
0x67a: {  	[sflag:s7] =	ssyncadd.s32 $0xFFFFF800  }
0x67b: {  	_ =	swait.ge [sflag:s7], $0x800  }
0x67c: {  	[sflag:s7] =	ssyncset.done $0x0  }
0x67d: {  	[sflag:s7] =	ssyncadd.s32 $0xFFFFF800  }
0x67e: {  	_ =	swait.ge [sflag:s7], $0x800  }
0x67f: {  	[sflag:s7] =	ssyncset.done $0x0  }
0x680: {  	[sflag:s7] =	ssyncadd.s32 $0xFFFFF800  }
0x681: {  	_ =	swait.ge [sflag:s7], $0x800  }
0x682: {  	[sflag:s7] =	ssyncset.done $0x0  }
0x683: {  	[sflag:s7] =	ssyncadd.s32 $0xFFFFF800  }
0x684: {  	_ =	swait.ge [sflag:s7], $0x800  }
0x685: {  	[sflag:s7] =	ssyncset.done $0x0  }
0x686: {  	[sflag:s7] =	ssyncadd.s32 $0xFFFFF800  }
0x687: {  	_ =	swait.ge [sflag:s7], $0x800  }
0x688: {  	[sflag:s7] =	ssyncset.done $0x0  }
0x689: {  	[sflag:s7] =	ssyncadd.s32 $0xFFFFF800  }
0x68a: {  	_ =	swait.ge [sflag:s7], $0x800  }
0x68b: {  	[sflag:s7] =	ssyncset.done $0x0  }
0x68c: {  	s31 =	rddreg [dreg:$0xc];
	[sflag:s7] =	ssyncadd.s32 $0xFFFFF800  }
0x68d: {  	[hbm4b:s31+s2] =	stream.linear.scatter [tilespmem:s3], [sflag:$0x3], $0x4000, $0x38;
	[tilespmem:$0xB400] =	vst v63  }
0x68e: {  	_ =	swait.ge [sflag:s5], $0x4000  }
0x68f: {  	s1 =	sld [smem:$0x7EC]  }
0x690: {  	[sflag:s5] =	ssyncset.done $0x0  }
0x691: {  	s31 =	sld [smem:$0x7ED];
	[sflag:s5] =	ssyncadd.s32 $0xFFFFC000  }
0x692: {  	[tilespmem:s3], [sflag:$0x1] =	stream.indirect.gather [hbm4b:s4+s6], $0x10, s1, s6, $0xb8;
	[tilespmem:$0xB400] =	vst v63  }
0x693: {  	s0 =	sld [smem:$0x7EE]  }
0x694: {  	[tilespmem:s9], [sflag:$0x1] =	stream.indirect.gather [hbm4b:s4+s6], $0x10, s31, s6, $0xb8;
	[tilespmem:$0xB400] =	vst v63  }
0x695: {  	s31 =	sld [smem:$0x7EF]  }
0x696: {  	[tilespmem:s10], [sflag:$0x1] =	stream.indirect.gather [hbm4b:s4+s6], $0x10, s0, s6, $0xb8;
	[tilespmem:$0xB400] =	vst v63  }
0x697: {  	s0 =	sld [smem:$0x7F0]  }
0x698: {  	[tilespmem:s11], [sflag:$0x1] =	stream.indirect.gather [hbm4b:s4+s6], $0x10, s31, s6, $0xb8;
	[tilespmem:$0xB400] =	vst v63  }
0x699: {  	s31 =	sld [smem:$0x7F1]  }
0x69a: {  	[tilespmem:s12], [sflag:$0x1] =	stream.indirect.gather [hbm4b:s4+s6], $0x10, s0, s6, $0xb8;
	[tilespmem:$0xB400] =	vst v63  }
0x69b: {  	s0 =	sld [smem:$0x7F2]  }
0x69c: {  	[tilespmem:s13], [sflag:$0x1] =	stream.indirect.gather [hbm4b:s4+s6], $0x10, s31, s6, $0xb8;
	[tilespmem:$0xB400] =	vst v63  }
0x69d: {  	s31 =	sld [smem:$0x7F3]  }
0x69e: {  	[tilespmem:s14], [sflag:$0x1] =	stream.indirect.gather [hbm4b:s4+s6], $0x10, s0, s6, $0xb8;
	[tilespmem:$0xB400] =	vst v63  }
0x69f: {  	_ = 	snop  }
0x6a0: {  	[tilespmem:s15], [sflag:$0x1] =	stream.indirect.gather [hbm4b:s4+s6], $0x10, s31, s6, $0xb8;
	[tilespmem:$0xB400] =	vst v63  }
0x6a1: {  	_ =	swait.ge [sflag:s16], $0x800  }
0x6a2: {  	[sflag:s16] =	ssyncset.done $0x0  }
0x6a3: {  	[sflag:s16] =	ssyncadd.s32 $0xFFFFF800  }
0x6a4: {  	_ =	swait.ge [sflag:s16], $0x800  }
0x6a5: {  	[sflag:s16] =	ssyncset.done $0x0  }
0x6a6: {  	[sflag:s16] =	ssyncadd.s32 $0xFFFFF800  }
0x6a7: {  	_ =	swait.ge [sflag:s16], $0x800  }
0x6a8: {  	[sflag:s16] =	ssyncset.done $0x0  }
0x6a9: {  	[sflag:s16] =	ssyncadd.s32 $0xFFFFF800  }
0x6aa: {  	_ =	swait.ge [sflag:s16], $0x800  }
0x6ab: {  	[sflag:s16] =	ssyncset.done $0x0  }
0x6ac: {  	[sflag:s16] =	ssyncadd.s32 $0xFFFFF800  }
0x6ad: {  	_ =	swait.ge [sflag:s16], $0x800  }
0x6ae: {  	[sflag:s16] =	ssyncset.done $0x0  }
0x6af: {  	[sflag:s16] =	ssyncadd.s32 $0xFFFFF800  }
0x6b0: {  	_ =	swait.ge [sflag:s16], $0x800  }
0x6b1: {  	[sflag:s16] =	ssyncset.done $0x0  }
0x6b2: {  	[sflag:s16] =	ssyncadd.s32 $0xFFFFF800  }
0x6b3: {  	_ =	swait.ge [sflag:s16], $0x800  }
0x6b4: {  	[sflag:s16] =	ssyncset.done $0x0  }
0x6b5: {  	[sflag:s16] =	ssyncadd.s32 $0xFFFFF800  }
0x6b6: {  	_ =	swait.ge [sflag:s16], $0x800  }
0x6b7: {  	[sflag:s16] =	ssyncset.done $0x0  }
0x6b8: {  	s1 =	rddreg [dreg:$0xd];
	[sflag:s16] =	ssyncadd.s32 $0xFFFFF800  }
0x6b9: {  	[hbm4b:s1+s2] =	stream.linear.scatter [tilespmem:s8], [sflag:$0x3], $0x4000, $0x38;
	[tilespmem:$0xB400] =	vst v63  }
0x6ba: {  	_ =	swait.ge [sflag:s5], $0x4000  }
0x6bb: {  	s31 =	sld [smem:$0x7F4]  }
0x6bc: {  	[sflag:s5] =	ssyncset.done $0x0  }
0x6bd: {  	s1 =	sld [smem:$0x7F5];
	[sflag:s5] =	ssyncadd.s32 $0xFFFFC000  }
0x6be: {  	[tilespmem:s8], [sflag:$0x2] =	stream.indirect.gather [hbm4b:s4+s6], $0x10, s31, s6, $0xb8;
	[tilespmem:$0xB400] =	vst v63  }
0x6bf: {  	s31 =	sld [smem:$0x7F6]  }
0x6c0: {  	[tilespmem:s23], [sflag:$0x2] =	stream.indirect.gather [hbm4b:s4+s6], $0x10, s1, s6, $0xb8;
	[tilespmem:$0xB400] =	vst v63  }
0x6c1: {  	s23 =	sld [smem:$0x7F7]  }
0x6c2: {  	[tilespmem:s24], [sflag:$0x2] =	stream.indirect.gather [hbm4b:s4+s6], $0x10, s31, s6, $0xb8;
	[tilespmem:$0xB400] =	vst v63  }
0x6c3: {  	s24 =	sld [smem:$0x7F8]  }
0x6c4: {  	[tilespmem:s25], [sflag:$0x2] =	stream.indirect.gather [hbm4b:s4+s6], $0x10, s23, s6, $0xb8;
	[tilespmem:$0xB400] =	vst v63  }
0x6c5: {  	s31 =	sld [smem:$0x7F9]  }
0x6c6: {  	[tilespmem:s26], [sflag:$0x2] =	stream.indirect.gather [hbm4b:s4+s6], $0x10, s24, s6, $0xb8;
	[tilespmem:$0xB400] =	vst v63  }
0x6c7: {  	s23 =	sld [smem:$0x7FA]  }
0x6c8: {  	[tilespmem:s28], [sflag:$0x2] =	stream.indirect.gather [hbm4b:s4+s6], $0x10, s31, s6, $0xb8;
	[tilespmem:$0xB400] =	vst v63  }
0x6c9: {  	s24 =	sld [smem:$0x7FB]  }
0x6ca: {  	[tilespmem:s29], [sflag:$0x2] =	stream.indirect.gather [hbm4b:s4+s6], $0x10, s23, s6, $0xb8;
	[tilespmem:$0xB400] =	vst v63  }
0x6cb: {  	_ = 	snop  }
0x6cc: {  	[tilespmem:s30], [sflag:$0x2] =	stream.indirect.gather [hbm4b:s4+s6], $0x10, s24, s6, $0xb8;
	[tilespmem:$0xB400] =	vst v63  }
0x6cd: {  	_ =	swait.ge [sflag:s7], $0x800  }
0x6ce: {  	[sflag:s7] =	ssyncset.done $0x0  }
0x6cf: {  	[sflag:s7] =	ssyncadd.s32 $0xFFFFF800  }
0x6d0: {  	_ =	swait.ge [sflag:s7], $0x800  }
0x6d1: {  	[sflag:s7] =	ssyncset.done $0x0  }
0x6d2: {  	[sflag:s7] =	ssyncadd.s32 $0xFFFFF800  }
0x6d3: {  	_ =	swait.ge [sflag:s7], $0x800  }
0x6d4: {  	[sflag:s7] =	ssyncset.done $0x0  }
0x6d5: {  	[sflag:s7] =	ssyncadd.s32 $0xFFFFF800  }
0x6d6: {  	_ =	swait.ge [sflag:s7], $0x800  }
0x6d7: {  	[sflag:s7] =	ssyncset.done $0x0  }
0x6d8: {  	[sflag:s7] =	ssyncadd.s32 $0xFFFFF800  }
0x6d9: {  	_ =	swait.ge [sflag:s7], $0x800  }
0x6da: {  	[sflag:s7] =	ssyncset.done $0x0  }
0x6db: {  	[sflag:s7] =	ssyncadd.s32 $0xFFFFF800  }
0x6dc: {  	_ =	swait.ge [sflag:s7], $0x800  }
0x6dd: {  	[sflag:s7] =	ssyncset.done $0x0  }
0x6de: {  	[sflag:s7] =	ssyncadd.s32 $0xFFFFF800  }
0x6df: {  	_ =	swait.ge [sflag:s7], $0x800  }
0x6e0: {  	[sflag:s7] =	ssyncset.done $0x0  }
0x6e1: {  	[sflag:s7] =	ssyncadd.s32 $0xFFFFF800  }
0x6e2: {  	_ =	swait.ge [sflag:s7], $0x800  }
0x6e3: {  	[sflag:s7] =	ssyncset.done $0x0  }
0x6e4: {  	s25 =	rddreg [dreg:$0xe];
	[sflag:s7] =	ssyncadd.s32 $0xFFFFF800  }
0x6e5: {  	[hbm4b:s25+s2] =	stream.linear.scatter [tilespmem:s3], [sflag:$0x3], $0x4000, $0x38;
	[tilespmem:$0xB400] =	vst v63  }
0x6e6: {  	_ =	swait.ge [sflag:s5], $0x4000  }
0x6e7: {  	s26 =	sld [smem:$0x7FC]  }
0x6e8: {  	[sflag:s5] =	ssyncset.done $0x0  }
0x6e9: {  	s28 =	sld [smem:$0x7FD];
	[sflag:s5] =	ssyncadd.s32 $0xFFFFC000  }
0x6ea: {  	[tilespmem:s3], [sflag:$0x1] =	stream.indirect.gather [hbm4b:s4+s6], $0x10, s26, s6, $0xb8;
	[tilespmem:$0xB400] =	vst v63  }
0x6eb: {  	_ = 	snop  }
0x6ec: {  	[tilespmem:s9], [sflag:$0x1] =	stream.indirect.gather [hbm4b:s4+s6], $0x10, s28, s6, $0xb8;
	[tilespmem:$0xB400] =	vst v63  }
0x6ed: {  	_ = 	snop  }
0x6ee: {  	[tilespmem:s10], [sflag:$0x1] =	stream.indirect.gather [hbm4b:s4+s6], $0x10, s18, s6, $0xb8;
	[tilespmem:$0xB400] =	vst v63  }
0x6ef: {  	_ = 	snop  }
0x6f0: {  	[tilespmem:s11], [sflag:$0x1] =	stream.indirect.gather [hbm4b:s4+s6], $0x10, s19, s6, $0xb8;
	[tilespmem:$0xB400] =	vst v63  }
0x6f1: {  	_ = 	snop  }
0x6f2: {  	[tilespmem:s12], [sflag:$0x1] =	stream.indirect.gather [hbm4b:s4+s6], $0x10, s20, s6, $0xb8;
	[tilespmem:$0xB400] =	vst v63  }
0x6f3: {  	_ = 	snop  }
0x6f4: {  	[tilespmem:s13], [sflag:$0x1] =	stream.indirect.gather [hbm4b:s4+s6], $0x10, s21, s6, $0xb8;
	[tilespmem:$0xB400] =	vst v63  }
0x6f5: {  	_ = 	snop  }
0x6f6: {  	[tilespmem:s14], [sflag:$0x1] =	stream.indirect.gather [hbm4b:s4+s6], $0x10, s22, s6, $0xb8;
	[tilespmem:$0xB400] =	vst v63  }
0x6f7: {  	s29 =	simm.s32 $0x3380  }
0x6f8: {  	[tilespmem:s15], [sflag:$0x1] =	stream.indirect.gather [hbm4b:s4+s6], $0x10, s29, s6, $0xb8;
	[tilespmem:$0xB400] =	vst v63  }
0x6f9: {  	_ =	swait.ge [sflag:s16], $0x800  }
0x6fa: {  	[sflag:s16] =	ssyncset.done $0x0  }
0x6fb: {  	[sflag:s16] =	ssyncadd.s32 $0xFFFFF800  }
0x6fc: {  	_ =	swait.ge [sflag:s16], $0x800  }
0x6fd: {  	[sflag:s16] =	ssyncset.done $0x0  }
0x6fe: {  	[sflag:s16] =	ssyncadd.s32 $0xFFFFF800  }
0x6ff: {  	_ =	swait.ge [sflag:s16], $0x800  }
0x700: {  	[sflag:s16] =	ssyncset.done $0x0  }
0x701: {  	[sflag:s16] =	ssyncadd.s32 $0xFFFFF800  }
0x702: {  	_ =	swait.ge [sflag:s16], $0x800  }
0x703: {  	[sflag:s16] =	ssyncset.done $0x0  }
0x704: {  	[sflag:s16] =	ssyncadd.s32 $0xFFFFF800  }
0x705: {  	_ =	swait.ge [sflag:s16], $0x800  }
0x706: {  	[sflag:s16] =	ssyncset.done $0x0  }
0x707: {  	[sflag:s16] =	ssyncadd.s32 $0xFFFFF800  }
0x708: {  	_ =	swait.ge [sflag:s16], $0x800  }
0x709: {  	[sflag:s16] =	ssyncset.done $0x0  }
0x70a: {  	[sflag:s16] =	ssyncadd.s32 $0xFFFFF800  }
0x70b: {  	_ =	swait.ge [sflag:s16], $0x800  }
0x70c: {  	[sflag:s16] =	ssyncset.done $0x0  }
0x70d: {  	[sflag:s16] =	ssyncadd.s32 $0xFFFFF800  }
0x70e: {  	_ =	swait.ge [sflag:s16], $0x800  }
0x70f: {  	[sflag:s16] =	ssyncset.done $0x0  }
0x710: {  	s30 =	rddreg [dreg:$0xf];
	[sflag:s16] =	ssyncadd.s32 $0xFFFFF800  }
0x711: {  	[hbm4b:s30+s2] =	stream.linear.scatter [tilespmem:s8], [sflag:$0x3], $0x4000, $0x38;
	[tilespmem:$0xB400] =	vst v63  }
0x712: {  	_ =	swait.ge [sflag:s7], $0x800  }
0x713: {  	[sflag:s7] =	ssyncset.done $0x0  }
0x714: {  	[sflag:s7] =	ssyncadd.s32 $0xFFFFF800  }
0x715: {  	_ =	swait.ge [sflag:s7], $0x800  }
0x716: {  	[sflag:s7] =	ssyncset.done $0x0  }
0x717: {  	[sflag:s7] =	ssyncadd.s32 $0xFFFFF800  }
0x718: {  	_ =	swait.ge [sflag:s7], $0x800  }
0x719: {  	[sflag:s7] =	ssyncset.done $0x0  }
0x71a: {  	[sflag:s7] =	ssyncadd.s32 $0xFFFFF800  }
0x71b: {  	_ =	swait.ge [sflag:s7], $0x800  }
0x71c: {  	[sflag:s7] =	ssyncset.done $0x0  }
0x71d: {  	[sflag:s7] =	ssyncadd.s32 $0xFFFFF800  }
0x71e: {  	_ =	swait.ge [sflag:s7], $0x800  }
0x71f: {  	[sflag:s7] =	ssyncset.done $0x0  }
0x720: {  	[sflag:s7] =	ssyncadd.s32 $0xFFFFF800  }
0x721: {  	_ =	swait.ge [sflag:s7], $0x800  }
0x722: {  	[sflag:s7] =	ssyncset.done $0x0  }
0x723: {  	[sflag:s7] =	ssyncadd.s32 $0xFFFFF800  }
0x724: {  	_ =	swait.ge [sflag:s7], $0x800  }
0x725: {  	[sflag:s7] =	ssyncset.done $0x0  }
0x726: {  	[sflag:s7] =	ssyncadd.s32 $0xFFFFF800  }
0x727: {  	_ =	swait.ge [sflag:s7], $0x800  }
0x728: {  	[sflag:s7] =	ssyncset.done $0x0  }
0x729: {  	s31 =	rddreg [dreg:$0x10];
	[sflag:s7] =	ssyncadd.s32 $0xFFFFF800  }
0x72a: {  	[hbm4b:s31+s2] =	stream.linear.scatter [tilespmem:s3], [sflag:$0x3], $0x4000, $0x38;
	[tilespmem:$0xB400] =	vst v63  }
0x72b: {  	_ =	swait.ge [sflag:s5], $0x4000  }
0x72c: {  	[sflag:s5] =	ssyncset.done $0x0  }
0x72d: {  	[sflag:s5] =	ssyncadd.s32 $0xFFFFC000  }
0x72e: {  	_ =	swait.ge [sflag:s5], $0x4000  }
0x72f: {  	[sflag:s5] =	ssyncset.done $0x0  }
0x730: {  	[sflag:s5] =	ssyncadd.s32 $0xFFFFC000  }
0x731: {  	_ =	sfence.sel $0x180000  }
0x732: {  	[bflag:$0x0] =	sbarrier.arrive $0xFFFF  }
0x733: {  	_ =	strace $0x90000047  }
0x734: {  	[bflag:$0x2] =	sbarrier.arrive $0xFFFF  }
0x735: {  	p0 =	sne.s32 s17, $0x0;
	s0 =	rddreg [dreg:$0x2]  }
0x736: {  	s0 =	sadd.s32 @!p0 $0x100000, s0  }
0x737: {  	[sflag:s0] =	ssyncadd.tile.s32 @!p0 $0x1;
	_ =	shalt  }
.LBB2_1:
.Ltmp3:
0x738: {  	(pc) =	sbr.rel .LBB2_6-.Ltmp3, $3  }
0x739: {  	_ =	sdelay $0x1  }
0x73a: {  	s22 =	simm.s32 $0x3300;
	s21 =	simm.s32 $0x3280  }
0x73b: {  	s20 =	simm.s32 $0x3200;
	s19 =	simm.s32 $0x3180;
	s18 =	simm.s32 $0x3100  }
.LBB2_3:
.Ltmp4:
0x73c: {  	(pc) =	sbr.rel .LBB2_6-.Ltmp4, $3  }
0x73d: {  	_ =	sdelay $0x1  }
0x73e: {  	s22 =	simm.s32 $0x3300;
	s21 =	simm.s32 $0x3280;
	s20 =	simm.s32 $0x3200  }
0x73f: {  	s19 =	simm.s32 $0x3180;
	s18 =	simm.s32 $0x3100;
	s17 =	stileid.u32  }
.Lfunc_end2:
_tile_overlayer_lowered:
.L_overlay_start_2:
0x740: {  	(tag) =	ssettag $0x2  }
0x741: {  	s0 =	rddreg [dreg:$0x0];
	s2 =	stileid.u32  }
0x742: {  	s1 =	rddreg [dreg:$0x1];
	p0 =	sne.s32 s2, $0x0  }
0x743: {  	s3 =	rddreg [dreg:$0x2];
	[bflag:$0x3] =	sbarrier.arrive $0xFFFF;
	s2 =	simm.s32 @!p0 $0x1C04  }
0x744: {  	[timem:s3], [sflag:s2] =	dma.local @!p0 [hbm:s0], s1  }
0x745: {  	s0 =	simm.s32 @!p0 $0x4  }
0x746: {  	_ =	swait.ge @!p0 [sflag:s0], s1  }
0x747: {  	s1 =	ssub.s32 @!p0 $0x0, s1;
	[sflag:s0] =	ssyncset.done @!p0 $0x0  }
0x748: {  	[sflag:s0] =	ssyncadd.s32 @!p0 s1  }
0x749: {  	[bflag:$0x3] =	sbarrier.arrive $0xFFFF  }
0x74a: {  	_ =	shalt  }

</sc_bundles>
